<compile_context>
chip_gen: v7x
topology: tpu7x:2x2x1
jax: 0.10.2.dev20260603
libtpu: 0.0.44.dev20260713+nightly
codegen_flags: <defaults>
</compile_context>

<pallas_src>
import dataclasses
import functools

import jax
import jax.numpy as jnp
from jax import lax
from jax.experimental import pallas as pl
from jax.experimental.pallas import tpu as pltpu
from jax.experimental.pallas import tpu_sc as plsc

N_NODES = 10000
N_EDGES = 320000
D_FEAT = 128
HIDDEN = 8
HEADS = 8
NUM_CLASSES = 16

NC = 2
NS = 16
NW = NC * NS
EPT = N_EDGES // NW
B = 80
NCHUNK = EPT // B
NBUF = 5
NGROUP = NCHUNK // NBUF
NPAD = 10240
RPW = NPAD // NS

ROW1 = 80
ROW2 = 32

_f32 = jnp.float32


def _sc_compiler_params():
    cp = pltpu.CompilerParams()
    if "needs_layout_passes" in pltpu.CompilerParams.__dataclass_fields__:
        cp = dataclasses.replace(cp, needs_layout_passes=False)
    cp = dataclasses.replace(cp, use_tc_tiling_on_sc=False)
    return cp



def _tc1_body(x_ref, w1_ref, as_ref, ad_ref, eis_ref, eid_ref,
              hext_ref, adp_ref, srcr_ref, dstr_ref):
    h = jnp.dot(x_ref[...], w1_ref[...], preferred_element_type=_f32)
    asrc = jnp.dot(h, as_ref[...], preferred_element_type=_f32)
    adst = jnp.dot(h, ad_ref[...], preferred_element_type=_f32)
    hext_ref[...] = jnp.concatenate([h, asrc, adst], axis=1)
    adp_ref[...] = jnp.concatenate([adst, jnp.zeros_like(adst)], axis=1)
    srcr_ref[...] = eis_ref[0]
    dstr_ref[...] = eid_ref[0]


def _tc1(x, W1, As, Ad, ei):
    R = 1000
    ER = NW * NCHUNK // (N_NODES // R)
    return pl.pallas_call(
        _tc1_body,
        grid=(N_NODES // R,),
        in_specs=[
            pl.BlockSpec((R, D_FEAT), lambda i: (i, 0)),
            pl.BlockSpec((D_FEAT, HEADS * HIDDEN), lambda i: (0, 0)),
            pl.BlockSpec((HEADS * HIDDEN, HEADS), lambda i: (0, 0)),
            pl.BlockSpec((HEADS * HIDDEN, HEADS), lambda i: (0, 0)),
            pl.BlockSpec((1, ER, B), lambda i: (0, i, 0)),
            pl.BlockSpec((1, ER, B), lambda i: (1, i, 0)),
        ],
        out_specs=[
            pl.BlockSpec((R, ROW1), lambda i: (i, 0)),
            pl.BlockSpec((R, 16), lambda i: (i, 0)),
            pl.BlockSpec((ER, B), lambda i: (i, 0)),
            pl.BlockSpec((ER, B), lambda i: (i, 0)),
        ],
        out_shape=[
            jax.ShapeDtypeStruct((N_NODES, ROW1), _f32),
            jax.ShapeDtypeStruct((N_NODES, 16), _f32),
            jax.ShapeDtypeStruct((NW * NCHUNK, B), jnp.int32),
            jax.ShapeDtypeStruct((NW * NCHUNK, B), jnp.int32),
        ],
    )(x, W1, As, Ad, ei, ei)


def _tc3_body(p_ref, b1_ref, e8_ref, w2_ref, as2_ref, ad2_ref,
              h2p_ref, a2_ref):
    acc = p_ref[0] + p_ref[1]
    numer = acc[:, 0:HEADS * HIDDEN]
    denom = acc[:, HEADS * HIDDEN:HEADS * HIDDEN + HEADS]
    den_e = jnp.dot(denom, e8_ref[...], preferred_element_type=_f32)
    out1 = numer / (den_e + 1e-16) + b1_ref[...]
    helu = jnp.where(out1 > 0, out1, jnp.exp(out1) - 1.0)
    h2 = jnp.dot(helu, w2_ref[...], preferred_element_type=_f32)
    h2p_ref[...] = h2
    a2s = jnp.sum(h2 * as2_ref[...], axis=1)
    a2d = jnp.sum(h2 * ad2_ref[...], axis=1)
    a2_ref[...] = jnp.concatenate([a2s[None, None, :], a2d[None, None, :]],
                                  axis=1)


def _tc3(part1, b1, E8, W2, as2, ad2):
    R = 1000
    return pl.pallas_call(
        _tc3_body,
        grid=(N_NODES // R,),
        in_specs=[
            pl.BlockSpec((NC, R, ROW1), lambda i: (0, i, 0)),
            pl.BlockSpec((1, HEADS * HIDDEN), lambda i: (0, 0)),
            pl.BlockSpec((HEADS, HEADS * HIDDEN), lambda i: (0, 0)),
            pl.BlockSpec((HEADS * HIDDEN, NUM_CLASSES), lambda i: (0, 0)),
            pl.BlockSpec((1, NUM_CLASSES), lambda i: (0, 0)),
            pl.BlockSpec((1, NUM_CLASSES), lambda i: (0, 0)),
        ],
        out_specs=[
            pl.BlockSpec((R, NUM_CLASSES), lambda i: (i, 0)),
            pl.BlockSpec((1, 2, R), lambda i: (i, 0, 0)),
        ],
        out_shape=[
            jax.ShapeDtypeStruct((N_NODES, NUM_CLASSES), _f32),
            jax.ShapeDtypeStruct((N_NODES // R, 2, R), _f32),
        ],
    )(part1, b1, E8, W2, as2, ad2)


def _tc5_body(p_ref, b2_ref, o_ref):
    acc = p_ref[0] + p_ref[1]
    numer = acc[:, 0:NUM_CLASSES]
    denom = acc[:, NUM_CLASSES:NUM_CLASSES + 1]
    o_ref[...] = numer / (denom + 1e-16) + b2_ref[...]


def _tc5(part2, b2):
    R = 1000
    return pl.pallas_call(
        _tc5_body,
        grid=(N_NODES // R,),
        in_specs=[
            pl.BlockSpec((NC, R, ROW2), lambda i: (0, i, 0)),
            pl.BlockSpec((1, NUM_CLASSES), lambda i: (0, 0)),
        ],
        out_specs=pl.BlockSpec((R, NUM_CLASSES), lambda i: (i, 0)),
        out_shape=jax.ShapeDtypeStruct((N_NODES, NUM_CLASSES), _f32),
    )(part2, b2)



def _edge1(h1ext, adstp, srcr, dstr, zeros1):
    mesh = plsc.VectorSubcoreMesh(core_axis_name="c", subcore_axis_name="s")

    scratch = [
        pltpu.VMEM((NCHUNK, B), jnp.int32),
        pltpu.VMEM((NCHUNK, B), jnp.int32),
    ]
    scratch += [pltpu.VMEM((B, ROW1), _f32) for _ in range(NBUF)]
    scratch += [pltpu.VMEM((B, 16), _f32) for _ in range(NBUF)]
    scratch += [pltpu.VMEM((B * 16,), _f32), pltpu.VMEM_SHARED((NPAD, ROW1), _f32)]
    scratch += [pltpu.SemaphoreType.DMA for _ in range(3 * NBUF)]

    @functools.partial(
        pl.kernel,
        out_type=jax.ShapeDtypeStruct((NC, NPAD, ROW1), _f32),
        mesh=mesh,
        compiler_params=_sc_compiler_params(),
        scratch_types=scratch,
    )
    def k(hext_hbm, adp_hbm, srcr_hbm, dstr_hbm, z_hbm, out_hbm,
          sidx2, didx2, *bufs):
        rbufs = bufs[0:NBUF]
        abufs = bufs[NBUF:2 * NBUF]
        wbuf = bufs[2 * NBUF]
        acc = bufs[2 * NBUF + 1]
        gsems = bufs[2 * NBUF + 2:2 * NBUF + 2 + NBUF]
        asems = bufs[2 * NBUF + 2 + NBUF:2 * NBUF + 2 + 2 * NBUF]
        ssems = bufs[2 * NBUF + 2 + 2 * NBUF:]
        c = lax.axis_index("c")
        s = lax.axis_index("s")
        wid = s * NC + c
        pltpu.sync_copy(z_hbm, acc.at[pl.ds(s * RPW, RPW)])
        pltpu.sync_copy(srcr_hbm.at[pl.ds(wid * NCHUNK, NCHUNK)], sidx2)
        pltpu.sync_copy(dstr_hbm.at[pl.ds(wid * NCHUNK, NCHUNK)], didx2)
        plsc.subcore_barrier()
        iota = lax.iota(jnp.int32, 16)
        pat = lax.shift_right_logical(iota, 3)

        def fire1(ci, q):
            pltpu.async_copy(hext_hbm.at[sidx2.at[ci]], rbufs[q], gsems[q])
            pltpu.async_copy(adp_hbm.at[didx2.at[ci]], abufs[q], asems[q])

        for q in range(3):
            fire1(q, q)

        @pl.loop(0, NGROUP)
        def _(i):
            for q in range(NBUF):
                ci = i * NBUF + q

                @pl.when(ci + 3 < NCHUNK)
                def _():
                    @pl.when(ci >= 2)
                    def _():
                        qn = (q + 3) % NBUF
                        pltpu.make_async_copy(rbufs[qn], acc.at[didx2.at[0]],
                                              ssems[qn]).wait()

                    fire1(ci + 3, (q + 3) % NBUF)

                pltpu.make_async_copy(hext_hbm.at[sidx2.at[ci]], rbufs[q],
                                      gsems[q]).wait()
                pltpu.make_async_copy(adp_hbm.at[didx2.at[ci]], abufs[q],
                                      asems[q]).wait()
                rows = rbufs[q]
                adrows = abufs[q]

                @plsc.parallel_loop(0, B, unroll=4)
                def _(b):
                    va = rows[b, pl.ds(64, 16)]
                    vd = adrows[b, pl.ds(0, 16)]
                    e = va + vd
                    w = jnp.exp(jnp.maximum(e, 0.2 * e))
                    rows[b, pl.ds(64, 16)] = w
                    wbuf[pl.ds(b * 16, 16)] = w
                    for j in range(4):
                        wj = plsc.load_gather(wbuf, [b * 16 + pat + (2 * j)])
                        rows[b, pl.ds(16 * j, 16)] = (
                            rows[b, pl.ds(16 * j, 16)] * wj)

                pltpu.async_copy(rows, acc.at[didx2.at[ci]], ssems[q],
                                 add=True)

        for q in range(NBUF):
            pltpu.make_async_copy(rbufs[q], acc.at[didx2.at[0]],
                                  ssems[q]).wait()
        plsc.subcore_barrier()
        pltpu.sync_copy(acc.at[pl.ds(s * RPW, RPW)],
                        out_hbm.at[c, pl.ds(s * RPW, RPW)])

    return k(h1ext, adstp, srcr, dstr, zeros1)


def _edge2(h2p, a2, srcr, dstr, zeros2):
    mesh = plsc.VectorSubcoreMesh(core_axis_name="c", subcore_axis_name="s")

    scratch = [
        pltpu.VMEM((NCHUNK, B), jnp.int32),
        pltpu.VMEM((NCHUNK, B), jnp.int32),
    ]
    scratch += [pltpu.VMEM((B, NUM_CLASSES), _f32) for _ in range(NBUF)]
    scratch += [pltpu.VMEM((B, ROW2), _f32) for _ in range(NBUF)]
    scratch += [
        pltpu.VMEM((B,), _f32),
        pltpu.VMEM((N_NODES,), _f32),
        pltpu.VMEM((N_NODES,), _f32),
        pltpu.VMEM_SHARED((NPAD, ROW2), _f32),
    ]
    scratch += [pltpu.SemaphoreType.DMA for _ in range(2 * NBUF)]

    @functools.partial(
        pl.kernel,
        out_type=jax.ShapeDtypeStruct((NC, NPAD, ROW2), _f32),
        mesh=mesh,
        compiler_params=_sc_compiler_params(),
        scratch_types=scratch,
    )
    def k(h2p_hbm, a2_hbm, srcr_hbm, dstr_hbm, z_hbm, out_hbm,
          sidx2, didx2, *bufs):
        rbufs = bufs[0:NBUF]
        obufs = bufs[NBUF:2 * NBUF]
        wb = bufs[2 * NBUF]
        asv = bufs[2 * NBUF + 1]
        adv = bufs[2 * NBUF + 2]
        acc = bufs[2 * NBUF + 3]
        gsems = bufs[2 * NBUF + 4:2 * NBUF + 4 + NBUF]
        ssems = bufs[2 * NBUF + 4 + NBUF:]
        c = lax.axis_index("c")
        s = lax.axis_index("s")
        wid = s * NC + c
        pltpu.sync_copy(z_hbm, acc.at[pl.ds(s * RPW, RPW)])
        pltpu.sync_copy(srcr_hbm.at[pl.ds(wid * NCHUNK, NCHUNK)], sidx2)
        pltpu.sync_copy(dstr_hbm.at[pl.ds(wid * NCHUNK, NCHUNK)], didx2)
        for g in range(10):
            pltpu.sync_copy(a2_hbm.at[g, 0], asv.at[pl.ds(g * 1000, 1000)])
            pltpu.sync_copy(a2_hbm.at[g, 1], adv.at[pl.ds(g * 1000, 1000)])
        plsc.subcore_barrier()

        def fire2(ci, q):
            pltpu.async_copy(h2p_hbm.at[sidx2.at[ci]], rbufs[q], gsems[q])

        for q in range(3):
            fire2(q, q)

        @pl.loop(0, NGROUP)
        def _(i):
            for q in range(NBUF):
                ci = i * NBUF + q

                @pl.when(ci + 3 < NCHUNK)
                def _():
                    @pl.when(ci >= 2)
                    def _():
                        qn = (q + 3) % NBUF
                        pltpu.make_async_copy(obufs[qn], acc.at[didx2.at[0]],
                                              ssems[qn]).wait()

                    fire2(ci + 3, (q + 3) % NBUF)

                rows2 = rbufs[q]
                obuf = obufs[q]

                for g in range(B // 16):
                    sv16 = sidx2[ci, pl.ds(g * 16, 16)]
                    dv16 = didx2[ci, pl.ds(g * 16, 16)]
                    av = plsc.load_gather(asv, [sv16])
                    bv = plsc.load_gather(adv, [dv16])
                    e = av + bv
                    wb[pl.ds(g * 16, 16)] = jnp.exp(jnp.maximum(e, 0.2 * e))

                pltpu.make_async_copy(h2p_hbm.at[sidx2.at[ci]], rbufs[q],
                                      gsems[q]).wait()

                @plsc.parallel_loop(0, B, unroll=4)
                def _(b):
                    widx = b + jnp.zeros((16,), jnp.int32)
                    wsp = plsc.load_gather(wb, [widx])
                    obuf[b, pl.ds(0, 16)] = rows2[b, pl.ds(0, 16)] * wsp
                    obuf[b, pl.ds(16, 16)] = wsp

                pltpu.async_copy(obuf, acc.at[didx2.at[ci]], ssems[q],
                                 add=True)

        for q in range(NBUF):
            pltpu.make_async_copy(obufs[q], acc.at[didx2.at[0]],
                                  ssems[q]).wait()
        plsc.subcore_barrier()
        pltpu.sync_copy(acc.at[pl.ds(s * RPW, RPW)],
                        out_hbm.at[c, pl.ds(s * RPW, RPW)])

    return k(h2p, a2, srcr, dstr, zeros2)



def kernel(x, edge_index, W1, att_src1, att_dst1, b1, W2, att_src2, att_dst2, b2):
    ei = edge_index.astype(jnp.int32).reshape(2, NW * NCHUNK, B)

    eye = jnp.eye(HEADS, dtype=_f32)
    As = (att_src1[:, None, :] * eye[:, :, None]).reshape(HEADS, HEADS * HIDDEN).T
    Ad = (att_dst1[:, None, :] * eye[:, :, None]).reshape(HEADS, HEADS * HIDDEN).T
    E8 = jnp.repeat(jnp.eye(HEADS, dtype=_f32), HIDDEN, axis=1)

    zeros1 = jnp.zeros((RPW, ROW1), _f32)
    zeros2 = jnp.zeros((RPW, ROW2), _f32)

    h1ext, adstp, srcr, dstr = _tc1(x, W1, As, Ad, ei)
    part1 = _edge1(h1ext, adstp, srcr, dstr, zeros1)
    h2p, a2 = _tc3(part1, b1.reshape(1, HEADS * HIDDEN), E8, W2,
                   att_src2, att_dst2)
    part2 = _edge2(h2p, a2, srcr, dstr, zeros2)
    return _tc5(part2, b2.reshape(1, NUM_CLASSES))

# --- scband reference (transcript-rebuilt; emitter-appended) ---
"""Pipeline reference for scband-gat-59416577573241 (READ-ONLY COPY).

The authoritative reference and input builder live on the scoring server;
editing this copy changes nothing except your own understanding.
"""

import jax, jax.numpy as jnp
import numpy as np

N_NODES = 10000
N_EDGES = 320000
D_FEAT = 128
HIDDEN = 8
HEADS = 8
NUM_CLASSES = 16


def setup_inputs(seed: int = 0) -> dict:
    key = jax.random.key(seed)
    ks = jax.random.split(key, 12)
    x = jax.random.normal(ks[0], (N_NODES, D_FEAT), dtype=jnp.float32)
    edge_index = jax.random.randint(ks[1], (2, N_EDGES), 0, N_NODES, dtype=jnp.int64)
    s1 = 1.0 / np.sqrt(D_FEAT)
    s2 = 1.0 / np.sqrt(HIDDEN * HEADS)
    W1 = jax.random.normal(ks[2], (D_FEAT, HEADS * HIDDEN), dtype=jnp.float32) * s1
    att_src1 = jax.random.normal(ks[3], (HEADS, HIDDEN), dtype=jnp.float32) * 0.1
    att_dst1 = jax.random.normal(ks[4], (HEADS, HIDDEN), dtype=jnp.float32) * 0.1
    b1 = jnp.zeros((HEADS * HIDDEN,), dtype=jnp.float32)
    W2 = jax.random.normal(ks[5], (HEADS * HIDDEN, NUM_CLASSES), dtype=jnp.float32) * s2
    att_src2 = jax.random.normal(ks[6], (1, NUM_CLASSES), dtype=jnp.float32) * 0.1
    att_dst2 = jax.random.normal(ks[7], (1, NUM_CLASSES), dtype=jnp.float32) * 0.1
    b2 = jnp.zeros((NUM_CLASSES,), dtype=jnp.float32)
    return {"x": x, "edge_index": edge_index, "W1": W1, "att_src1": att_src1,
            "att_dst1": att_dst1, "b1": b1, "W2": W2, "att_src2": att_src2,
            "att_dst2": att_dst2, "b2": b2}


def _gat_conv(x, W, a_src, a_dst, bias, edge_index, heads, out_ch):
    N = x.shape[0]
    h = (x @ W).reshape(N, heads, out_ch)
    src = edge_index[0]
    dst = edge_index[1]
    alpha_src = jnp.sum(h * a_src[None, :, :], axis=-1)  # [N, heads]
    alpha_dst = jnp.sum(h * a_dst[None, :, :], axis=-1)  # [N, heads]
    e = alpha_src[src] + alpha_dst[dst]                  # [E, heads]
    e = jax.nn.leaky_relu(e, negative_slope=0.2)
    # softmax over incoming edges per dst node (numerically stable)
    e_max = jax.ops.segment_max(e, dst, num_segments=N)
    e_max = jnp.where(jnp.isfinite(e_max), e_max, 0.0)
    e_exp = jnp.exp(e - e_max[dst])
    denom = jax.ops.segment_sum(e_exp, dst, num_segments=N)
    alpha = e_exp / (denom[dst] + 1e-16)                 # [E, heads]
    msg = h[src] * alpha[:, :, None]                     # [E, heads, out_ch]
    out = jax.ops.segment_sum(msg, dst, num_segments=N)  # [N, heads, out_ch]
    out = out.reshape(N, heads * out_ch) + bias
    return out


def reference(x, edge_index, W1, att_src1, att_dst1, b1, W2, att_src2, att_dst2, b2):
    # dropout is identity in eval mode
    h = _gat_conv(x, W1, att_src1, att_dst1, b1, edge_index, HEADS, HIDDEN)
    h = jax.nn.elu(h)
    out = _gat_conv(h, W2, att_src2, att_dst2, b2, edge_index, 1, NUM_CLASSES)
    return out

if __name__ == "__main__":
    import jax
    _d = setup_inputs()
    print(jax.jit(kernel)(*tuple(_d.values())))

</pallas_src>

<mosaic_0001>
#map = affine_map<(d0, d1) -> (0, 0)>
#map1 = affine_map<(d0, d1) -> (0, 0, 0)>
module attributes {stable_mosaic.version = 14 : i64} {
  func.func @k(%arg0: i32, %arg1: i32, %arg2: memref<10000x16xf32, #tpu.memory_space<hbm>>, %arg3: memref<10x2x1000xf32, #tpu.memory_space<hbm>>, %arg4: memref<4000x80xi32, #tpu.memory_space<hbm>>, %arg5: memref<4000x80xi32, #tpu.memory_space<hbm>>, %arg6: memref<640x32xf32, #tpu.memory_space<hbm>>, %arg7: memref<2x10240x32xf32, #tpu.memory_space<hbm>>, %arg8: memref<125x80xi32, #tpu.memory_space<vmem>>, %arg9: memref<125x80xi32, #tpu.memory_space<vmem>>, %arg10: memref<80x16xf32, #tpu.memory_space<vmem>>, %arg11: memref<80x16xf32, #tpu.memory_space<vmem>>, %arg12: memref<80x16xf32, #tpu.memory_space<vmem>>, %arg13: memref<80x16xf32, #tpu.memory_space<vmem>>, %arg14: memref<80x16xf32, #tpu.memory_space<vmem>>, %arg15: memref<80x32xf32, #tpu.memory_space<vmem>>, %arg16: memref<80x32xf32, #tpu.memory_space<vmem>>, %arg17: memref<80x32xf32, #tpu.memory_space<vmem>>, %arg18: memref<80x32xf32, #tpu.memory_space<vmem>>, %arg19: memref<80x32xf32, #tpu.memory_space<vmem>>, %arg20: memref<80xf32, #tpu.memory_space<vmem>>, %arg21: memref<10000xf32, #tpu.memory_space<vmem>>, %arg22: memref<10000xf32, #tpu.memory_space<vmem>>, %arg23: memref<10240x32xf32, #tpu.memory_space<vmem_shared>>, %arg24: memref<!tpu.dma_semaphore, #tpu.memory_space<semaphore_mem>>, %arg25: memref<!tpu.dma_semaphore, #tpu.memory_space<semaphore_mem>>, %arg26: memref<!tpu.dma_semaphore, #tpu.memory_space<semaphore_mem>>, %arg27: memref<!tpu.dma_semaphore, #tpu.memory_space<semaphore_mem>>, %arg28: memref<!tpu.dma_semaphore, #tpu.memory_space<semaphore_mem>>, %arg29: memref<!tpu.dma_semaphore, #tpu.memory_space<semaphore_mem>>, %arg30: memref<!tpu.dma_semaphore, #tpu.memory_space<semaphore_mem>>, %arg31: memref<!tpu.dma_semaphore, #tpu.memory_space<semaphore_mem>>, %arg32: memref<!tpu.dma_semaphore, #tpu.memory_space<semaphore_mem>>, %arg33: memref<!tpu.dma_semaphore, #tpu.memory_space<semaphore_mem>>) attributes {dimension_semantics = [#tpu.dimension_semantics<core_parallel>, #tpu.dimension_semantics<subcore_parallel>], iteration_bounds = array<i64: 2, 16>, scalar_prefetch = 0 : i64, scratch_operands = 26 : i64, tpu.core_type = #tpu.core_type<sc_vector_subcore>, window_params = [{transform_indices = #map}, {transform_indices = #map1}, {transform_indices = #map}, {transform_indices = #map}, {transform_indices = #map}, {transform_indices = #map1}]} {
    %mul3A = arith.constant 2 : i32
    %mul3A_0 = arith.muli %arg1, %mul3A : i32
    %add3A = arith.addi %mul3A_0, %arg0 : i32
    %mul3A_1 = arith.constant 640 : i32
    %mul3A_2 = arith.muli %arg1, %mul3A_1 : i32
    "tpu.region"() ({
      %run_scoped3A_109 = tpu.sem_alloc : memref<!tpu.dma_semaphore, #tpu.memory_space<semaphore_mem>>
      %dma_start3A_110 = arith.constant 0 : i32
      %dma_start3A_111 = tpu.memref_slice %arg23[%mul3A_2, %dma_start3A_110] : memref<10240x32xf32, #tpu.memory_space<vmem_shared>> -> memref<640x32xf32, #tpu.memory_space<vmem_shared>>
      tpu.enqueue_dma source(%arg6 : memref<640x32xf32, #tpu.memory_space<hbm>>) target(%dma_start3A_111 : memref<640x32xf32, #tpu.memory_space<vmem_shared>>) target_semaphore(%run_scoped3A_109 : memref<!tpu.dma_semaphore, #tpu.memory_space<semaphore_mem>>)
      %dma_wait3A_112 = arith.constant 0 : i32
      %dma_wait3A_113 = tpu.memref_slice %arg23[%mul3A_2, %dma_wait3A_112] : memref<10240x32xf32, #tpu.memory_space<vmem_shared>> -> memref<640x32xf32, #tpu.memory_space<vmem_shared>>
      tpu.wait_dma2 semaphore(%run_scoped3A_109 : memref<!tpu.dma_semaphore, #tpu.memory_space<semaphore_mem>>) src(%arg6 : memref<640x32xf32, #tpu.memory_space<hbm>>) dst(%dma_wait3A_113 : memref<640x32xf32, #tpu.memory_space<vmem_shared>>)
      tpu.yield
    }) : () -> ()
    %mul3A_3 = arith.constant 125 : i32
    %mul3A_4 = arith.muli %add3A, %mul3A_3 : i32
    "tpu.region"() ({
      %run_scoped3A_109 = tpu.sem_alloc : memref<!tpu.dma_semaphore, #tpu.memory_space<semaphore_mem>>
      %dma_start3A_110 = arith.constant 0 : i32
      %dma_start3A_111 = tpu.memref_slice %arg4[%mul3A_4, %dma_start3A_110] : memref<4000x80xi32, #tpu.memory_space<hbm>> -> memref<125x80xi32, #tpu.memory_space<hbm>>
      %dma_start3A_112 = arith.constant 0 : i32
      %dma_start3A_113 = tpu.memref_slice %arg4[%mul3A_4, %dma_start3A_112] : memref<4000x80xi32, #tpu.memory_space<hbm>> -> memref<125x80xi32, #tpu.memory_space<hbm>>
      tpu.enqueue_dma source(%dma_start3A_113 : memref<125x80xi32, #tpu.memory_space<hbm>>) target(%arg8 : memref<125x80xi32, #tpu.memory_space<vmem>>) target_semaphore(%run_scoped3A_109 : memref<!tpu.dma_semaphore, #tpu.memory_space<semaphore_mem>>)
      %dma_wait3A_114 = arith.constant 0 : i32
      %dma_wait3A_115 = tpu.memref_slice %arg4[%mul3A_4, %dma_wait3A_114] : memref<4000x80xi32, #tpu.memory_space<hbm>> -> memref<125x80xi32, #tpu.memory_space<hbm>>
      %dma_wait3A_116 = arith.constant 0 : i32
      %dma_wait3A_117 = tpu.memref_slice %arg4[%mul3A_4, %dma_wait3A_116] : memref<4000x80xi32, #tpu.memory_space<hbm>> -> memref<125x80xi32, #tpu.memory_space<hbm>>
      tpu.wait_dma2 semaphore(%run_scoped3A_109 : memref<!tpu.dma_semaphore, #tpu.memory_space<semaphore_mem>>) src(%dma_wait3A_117 : memref<125x80xi32, #tpu.memory_space<hbm>>) dst(%arg8 : memref<125x80xi32, #tpu.memory_space<vmem>>)
      tpu.yield
    }) : () -> ()
    %mul3A_5 = arith.constant 125 : i32
    %mul3A_6 = arith.muli %add3A, %mul3A_5 : i32
    "tpu.region"() ({
      %run_scoped3A_109 = tpu.sem_alloc : memref<!tpu.dma_semaphore, #tpu.memory_space<semaphore_mem>>
      %dma_start3A_110 = arith.constant 0 : i32
      %dma_start3A_111 = tpu.memref_slice %arg5[%mul3A_6, %dma_start3A_110] : memref<4000x80xi32, #tpu.memory_space<hbm>> -> memref<125x80xi32, #tpu.memory_space<hbm>>
      %dma_start3A_112 = arith.constant 0 : i32
      %dma_start3A_113 = tpu.memref_slice %arg5[%mul3A_6, %dma_start3A_112] : memref<4000x80xi32, #tpu.memory_space<hbm>> -> memref<125x80xi32, #tpu.memory_space<hbm>>
      tpu.enqueue_dma source(%dma_start3A_113 : memref<125x80xi32, #tpu.memory_space<hbm>>) target(%arg9 : memref<125x80xi32, #tpu.memory_space<vmem>>) target_semaphore(%run_scoped3A_109 : memref<!tpu.dma_semaphore, #tpu.memory_space<semaphore_mem>>)
      %dma_wait3A_114 = arith.constant 0 : i32
      %dma_wait3A_115 = tpu.memref_slice %arg5[%mul3A_6, %dma_wait3A_114] : memref<4000x80xi32, #tpu.memory_space<hbm>> -> memref<125x80xi32, #tpu.memory_space<hbm>>
      %dma_wait3A_116 = arith.constant 0 : i32
      %dma_wait3A_117 = tpu.memref_slice %arg5[%mul3A_6, %dma_wait3A_116] : memref<4000x80xi32, #tpu.memory_space<hbm>> -> memref<125x80xi32, #tpu.memory_space<hbm>>
      tpu.wait_dma2 semaphore(%run_scoped3A_109 : memref<!tpu.dma_semaphore, #tpu.memory_space<semaphore_mem>>) src(%dma_wait3A_117 : memref<125x80xi32, #tpu.memory_space<hbm>>) dst(%arg9 : memref<125x80xi32, #tpu.memory_space<vmem>>)
      tpu.yield
    }) : () -> ()
    %run_scoped3A = arith.constant 0 : i32
    %run_scoped3A_7 = arith.constant 0 : i32
    "tpu.region"() ({
      %run_scoped3A_109 = tpu.sem_alloc : memref<!tpu.dma_semaphore, #tpu.memory_space<semaphore_mem>>
      %dma_start3A_110 = arith.constant 0 : i32
      %dma_start3A_111 = tpu.memref_slice %arg21[%dma_start3A_110] : memref<10000xf32, #tpu.memory_space<vmem>> -> memref<1000xf32, #tpu.memory_space<vmem>>
      %dma_start3A_112 = arith.constant 0 : i32
      %dma_start3A_113 = tpu.memref_slice %arg3[%run_scoped3A, %run_scoped3A_7, %dma_start3A_112] : memref<10x2x1000xf32, #tpu.memory_space<hbm>> -> memref<1x1x1000xf32, #tpu.memory_space<hbm>>
      %dma_start3A_114 = tpu.memref_squeeze %dma_start3A_113 : memref<1x1x1000xf32, #tpu.memory_space<hbm>> -> memref<1000xf32, #tpu.memory_space<hbm>>
      %dma_start3A_115 = arith.constant 0 : i32
      %dma_start3A_116 = tpu.memref_slice %arg21[%dma_start3A_115] : memref<10000xf32, #tpu.memory_space<vmem>> -> memref<1000xf32, #tpu.memory_space<vmem>>
      %dma_start3A_117 = arith.constant 0 : i32
      %dma_start3A_118 = tpu.memref_slice %arg3[%run_scoped3A, %run_scoped3A_7, %dma_start3A_117] : memref<10x2x1000xf32, #tpu.memory_space<hbm>> -> memref<1x1x1000xf32, #tpu.memory_space<hbm>>
      %dma_start3A_119 = tpu.memref_squeeze %dma_start3A_118 : memref<1x1x1000xf32, #tpu.memory_space<hbm>> -> memref<1000xf32, #tpu.memory_space<hbm>>
      tpu.enqueue_dma source(%dma_start3A_119 : memref<1000xf32, #tpu.memory_space<hbm>>) target(%dma_start3A_116 : memref<1000xf32, #tpu.memory_space<vmem>>) target_semaphore(%run_scoped3A_109 : memref<!tpu.dma_semaphore, #tpu.memory_space<semaphore_mem>>)
      %dma_wait3A_120 = arith.constant 0 : i32
      %dma_wait3A_121 = tpu.memref_slice %arg21[%dma_wait3A_120] : memref<10000xf32, #tpu.memory_space<vmem>> -> memref<1000xf32, #tpu.memory_space<vmem>>
      %dma_wait3A_122 = arith.constant 0 : i32
      %dma_wait3A_123 = tpu.memref_slice %arg3[%run_scoped3A, %run_scoped3A_7, %dma_wait3A_122] : memref<10x2x1000xf32, #tpu.memory_space<hbm>> -> memref<1x1x1000xf32, #tpu.memory_space<hbm>>
      %dma_wait3A_124 = tpu.memref_squeeze %dma_wait3A_123 : memref<1x1x1000xf32, #tpu.memory_space<hbm>> -> memref<1000xf32, #tpu.memory_space<hbm>>
      %dma_wait3A_125 = arith.constant 0 : i32
      %dma_wait3A_126 = tpu.memref_slice %arg21[%dma_wait3A_125] : memref<10000xf32, #tpu.memory_space<vmem>> -> memref<1000xf32, #tpu.memory_space<vmem>>
      %dma_wait3A_127 = arith.constant 0 : i32
      %dma_wait3A_128 = tpu.memref_slice %arg3[%run_scoped3A, %run_scoped3A_7, %dma_wait3A_127] : memref<10x2x1000xf32, #tpu.memory_space<hbm>> -> memref<1x1x1000xf32, #tpu.memory_space<hbm>>
      %dma_wait3A_129 = tpu.memref_squeeze %dma_wait3A_128 : memref<1x1x1000xf32, #tpu.memory_space<hbm>> -> memref<1000xf32, #tpu.memory_space<hbm>>
      tpu.wait_dma2 semaphore(%run_scoped3A_109 : memref<!tpu.dma_semaphore, #tpu.memory_space<semaphore_mem>>) src(%dma_wait3A_129 : memref<1000xf32, #tpu.memory_space<hbm>>) dst(%dma_wait3A_126 : memref<1000xf32, #tpu.memory_space<vmem>>)
      tpu.yield
    }) : () -> ()
    %run_scoped3A_8 = arith.constant 0 : i32
    %run_scoped3A_9 = arith.constant 1 : i32
    "tpu.region"() ({
      %run_scoped3A_109 = tpu.sem_alloc : memref<!tpu.dma_semaphore, #tpu.memory_space<semaphore_mem>>
      %dma_start3A_110 = arith.constant 0 : i32
      %dma_start3A_111 = tpu.memref_slice %arg22[%dma_start3A_110] : memref<10000xf32, #tpu.memory_space<vmem>> -> memref<1000xf32, #tpu.memory_space<vmem>>
      %dma_start3A_112 = arith.constant 0 : i32
      %dma_start3A_113 = tpu.memref_slice %arg3[%run_scoped3A_8, %run_scoped3A_9, %dma_start3A_112] : memref<10x2x1000xf32, #tpu.memory_space<hbm>> -> memref<1x1x1000xf32, #tpu.memory_space<hbm>>
      %dma_start3A_114 = tpu.memref_squeeze %dma_start3A_113 : memref<1x1x1000xf32, #tpu.memory_space<hbm>> -> memref<1000xf32, #tpu.memory_space<hbm>>
      %dma_start3A_115 = arith.constant 0 : i32
      %dma_start3A_116 = tpu.memref_slice %arg22[%dma_start3A_115] : memref<10000xf32, #tpu.memory_space<vmem>> -> memref<1000xf32, #tpu.memory_space<vmem>>
      %dma_start3A_117 = arith.constant 0 : i32
      %dma_start3A_118 = tpu.memref_slice %arg3[%run_scoped3A_8, %run_scoped3A_9, %dma_start3A_117] : memref<10x2x1000xf32, #tpu.memory_space<hbm>> -> memref<1x1x1000xf32, #tpu.memory_space<hbm>>
      %dma_start3A_119 = tpu.memref_squeeze %dma_start3A_118 : memref<1x1x1000xf32, #tpu.memory_space<hbm>> -> memref<1000xf32, #tpu.memory_space<hbm>>
      tpu.enqueue_dma source(%dma_start3A_119 : memref<1000xf32, #tpu.memory_space<hbm>>) target(%dma_start3A_116 : memref<1000xf32, #tpu.memory_space<vmem>>) target_semaphore(%run_scoped3A_109 : memref<!tpu.dma_semaphore, #tpu.memory_space<semaphore_mem>>)
      %dma_wait3A_120 = arith.constant 0 : i32
      %dma_wait3A_121 = tpu.memref_slice %arg22[%dma_wait3A_120] : memref<10000xf32, #tpu.memory_space<vmem>> -> memref<1000xf32, #tpu.memory_space<vmem>>
      %dma_wait3A_122 = arith.constant 0 : i32
      %dma_wait3A_123 = tpu.memref_slice %arg3[%run_scoped3A_8, %run_scoped3A_9, %dma_wait3A_122] : memref<10x2x1000xf32, #tpu.memory_space<hbm>> -> memref<1x1x1000xf32, #tpu.memory_space<hbm>>
      %dma_wait3A_124 = tpu.memref_squeeze %dma_wait3A_123 : memref<1x1x1000xf32, #tpu.memory_space<hbm>> -> memref<1000xf32, #tpu.memory_space<hbm>>
      %dma_wait3A_125 = arith.constant 0 : i32
      %dma_wait3A_126 = tpu.memref_slice %arg22[%dma_wait3A_125] : memref<10000xf32, #tpu.memory_space<vmem>> -> memref<1000xf32, #tpu.memory_space<vmem>>
      %dma_wait3A_127 = arith.constant 0 : i32
      %dma_wait3A_128 = tpu.memref_slice %arg3[%run_scoped3A_8, %run_scoped3A_9, %dma_wait3A_127] : memref<10x2x1000xf32, #tpu.memory_space<hbm>> -> memref<1x1x1000xf32, #tpu.memory_space<hbm>>
      %dma_wait3A_129 = tpu.memref_squeeze %dma_wait3A_128 : memref<1x1x1000xf32, #tpu.memory_space<hbm>> -> memref<1000xf32, #tpu.memory_space<hbm>>
      tpu.wait_dma2 semaphore(%run_scoped3A_109 : memref<!tpu.dma_semaphore, #tpu.memory_space<semaphore_mem>>) src(%dma_wait3A_129 : memref<1000xf32, #tpu.memory_space<hbm>>) dst(%dma_wait3A_126 : memref<1000xf32, #tpu.memory_space<vmem>>)
      tpu.yield
    }) : () -> ()
    %run_scoped3A_10 = arith.constant 1 : i32
    %run_scoped3A_11 = arith.constant 0 : i32
    "tpu.region"() ({
      %run_scoped3A_109 = tpu.sem_alloc : memref<!tpu.dma_semaphore, #tpu.memory_space<semaphore_mem>>
      %dma_start3A_110 = arith.constant 1000 : i32
      %dma_start3A_111 = tpu.memref_slice %arg21[%dma_start3A_110] : memref<10000xf32, #tpu.memory_space<vmem>> -> memref<1000xf32, #tpu.memory_space<vmem>>
      %dma_start3A_112 = arith.constant 0 : i32
      %dma_start3A_113 = tpu.memref_slice %arg3[%run_scoped3A_10, %run_scoped3A_11, %dma_start3A_112] : memref<10x2x1000xf32, #tpu.memory_space<hbm>> -> memref<1x1x1000xf32, #tpu.memory_space<hbm>>
      %dma_start3A_114 = tpu.memref_squeeze %dma_start3A_113 : memref<1x1x1000xf32, #tpu.memory_space<hbm>> -> memref<1000xf32, #tpu.memory_space<hbm>>
      %dma_start3A_115 = arith.constant 1000 : i32
      %dma_start3A_116 = tpu.memref_slice %arg21[%dma_start3A_115] : memref<10000xf32, #tpu.memory_space<vmem>> -> memref<1000xf32, #tpu.memory_space<vmem>>
      %dma_start3A_117 = arith.constant 0 : i32
      %dma_start3A_118 = tpu.memref_slice %arg3[%run_scoped3A_10, %run_scoped3A_11, %dma_start3A_117] : memref<10x2x1000xf32, #tpu.memory_space<hbm>> -> memref<1x1x1000xf32, #tpu.memory_space<hbm>>
      %dma_start3A_119 = tpu.memref_squeeze %dma_start3A_118 : memref<1x1x1000xf32, #tpu.memory_space<hbm>> -> memref<1000xf32, #tpu.memory_space<hbm>>
      tpu.enqueue_dma source(%dma_start3A_119 : memref<1000xf32, #tpu.memory_space<hbm>>) target(%dma_start3A_116 : memref<1000xf32, #tpu.memory_space<vmem>>) target_semaphore(%run_scoped3A_109 : memref<!tpu.dma_semaphore, #tpu.memory_space<semaphore_mem>>)
      %dma_wait3A_120 = arith.constant 1000 : i32
      %dma_wait3A_121 = tpu.memref_slice %arg21[%dma_wait3A_120] : memref<10000xf32, #tpu.memory_space<vmem>> -> memref<1000xf32, #tpu.memory_space<vmem>>
      %dma_wait3A_122 = arith.constant 0 : i32
      %dma_wait3A_123 = tpu.memref_slice %arg3[%run_scoped3A_10, %run_scoped3A_11, %dma_wait3A_122] : memref<10x2x1000xf32, #tpu.memory_space<hbm>> -> memref<1x1x1000xf32, #tpu.memory_space<hbm>>
      %dma_wait3A_124 = tpu.memref_squeeze %dma_wait3A_123 : memref<1x1x1000xf32, #tpu.memory_space<hbm>> -> memref<1000xf32, #tpu.memory_space<hbm>>
      %dma_wait3A_125 = arith.constant 1000 : i32
      %dma_wait3A_126 = tpu.memref_slice %arg21[%dma_wait3A_125] : memref<10000xf32, #tpu.memory_space<vmem>> -> memref<1000xf32, #tpu.memory_space<vmem>>
      %dma_wait3A_127 = arith.constant 0 : i32
      %dma_wait3A_128 = tpu.memref_slice %arg3[%run_scoped3A_10, %run_scoped3A_11, %dma_wait3A_127] : memref<10x2x1000xf32, #tpu.memory_space<hbm>> -> memref<1x1x1000xf32, #tpu.memory_space<hbm>>
      %dma_wait3A_129 = tpu.memref_squeeze %dma_wait3A_128 : memref<1x1x1000xf32, #tpu.memory_space<hbm>> -> memref<1000xf32, #tpu.memory_space<hbm>>
      tpu.wait_dma2 semaphore(%run_scoped3A_109 : memref<!tpu.dma_semaphore, #tpu.memory_space<semaphore_mem>>) src(%dma_wait3A_129 : memref<1000xf32, #tpu.memory_space<hbm>>) dst(%dma_wait3A_126 : memref<1000xf32, #tpu.memory_space<vmem>>)
      tpu.yield
    }) : () -> ()
    %run_scoped3A_12 = arith.constant 1 : i32
    %run_scoped3A_13 = arith.constant 1 : i32
    "tpu.region"() ({
      %run_scoped3A_109 = tpu.sem_alloc : memref<!tpu.dma_semaphore, #tpu.memory_space<semaphore_mem>>
      %dma_start3A_110 = arith.constant 1000 : i32
      %dma_start3A_111 = tpu.memref_slice %arg22[%dma_start3A_110] : memref<10000xf32, #tpu.memory_space<vmem>> -> memref<1000xf32, #tpu.memory_space<vmem>>
      %dma_start3A_112 = arith.constant 0 : i32
      %dma_start3A_113 = tpu.memref_slice %arg3[%run_scoped3A_12, %run_scoped3A_13, %dma_start3A_112] : memref<10x2x1000xf32, #tpu.memory_space<hbm>> -> memref<1x1x1000xf32, #tpu.memory_space<hbm>>
      %dma_start3A_114 = tpu.memref_squeeze %dma_start3A_113 : memref<1x1x1000xf32, #tpu.memory_space<hbm>> -> memref<1000xf32, #tpu.memory_space<hbm>>
      %dma_start3A_115 = arith.constant 1000 : i32
      %dma_start3A_116 = tpu.memref_slice %arg22[%dma_start3A_115] : memref<10000xf32, #tpu.memory_space<vmem>> -> memref<1000xf32, #tpu.memory_space<vmem>>
      %dma_start3A_117 = arith.constant 0 : i32
      %dma_start3A_118 = tpu.memref_slice %arg3[%run_scoped3A_12, %run_scoped3A_13, %dma_start3A_117] : memref<10x2x1000xf32, #tpu.memory_space<hbm>> -> memref<1x1x1000xf32, #tpu.memory_space<hbm>>
      %dma_start3A_119 = tpu.memref_squeeze %dma_start3A_118 : memref<1x1x1000xf32, #tpu.memory_space<hbm>> -> memref<1000xf32, #tpu.memory_space<hbm>>
      tpu.enqueue_dma source(%dma_start3A_119 : memref<1000xf32, #tpu.memory_space<hbm>>) target(%dma_start3A_116 : memref<1000xf32, #tpu.memory_space<vmem>>) target_semaphore(%run_scoped3A_109 : memref<!tpu.dma_semaphore, #tpu.memory_space<semaphore_mem>>)
      %dma_wait3A_120 = arith.constant 1000 : i32
      %dma_wait3A_121 = tpu.memref_slice %arg22[%dma_wait3A_120] : memref<10000xf32, #tpu.memory_space<vmem>> -> memref<1000xf32, #tpu.memory_space<vmem>>
      %dma_wait3A_122 = arith.constant 0 : i32
      %dma_wait3A_123 = tpu.memref_slice %arg3[%run_scoped3A_12, %run_scoped3A_13, %dma_wait3A_122] : memref<10x2x1000xf32, #tpu.memory_space<hbm>> -> memref<1x1x1000xf32, #tpu.memory_space<hbm>>
      %dma_wait3A_124 = tpu.memref_squeeze %dma_wait3A_123 : memref<1x1x1000xf32, #tpu.memory_space<hbm>> -> memref<1000xf32, #tpu.memory_space<hbm>>
      %dma_wait3A_125 = arith.constant 1000 : i32
      %dma_wait3A_126 = tpu.memref_slice %arg22[%dma_wait3A_125] : memref<10000xf32, #tpu.memory_space<vmem>> -> memref<1000xf32, #tpu.memory_space<vmem>>
      %dma_wait3A_127 = arith.constant 0 : i32
      %dma_wait3A_128 = tpu.memref_slice %arg3[%run_scoped3A_12, %run_scoped3A_13, %dma_wait3A_127] : memref<10x2x1000xf32, #tpu.memory_space<hbm>> -> memref<1x1x1000xf32, #tpu.memory_space<hbm>>
      %dma_wait3A_129 = tpu.memref_squeeze %dma_wait3A_128 : memref<1x1x1000xf32, #tpu.memory_space<hbm>> -> memref<1000xf32, #tpu.memory_space<hbm>>
      tpu.wait_dma2 semaphore(%run_scoped3A_109 : memref<!tpu.dma_semaphore, #tpu.memory_space<semaphore_mem>>) src(%dma_wait3A_129 : memref<1000xf32, #tpu.memory_space<hbm>>) dst(%dma_wait3A_126 : memref<1000xf32, #tpu.memory_space<vmem>>)
      tpu.yield
    }) : () -> ()
    %run_scoped3A_14 = arith.constant 2 : i32
    %run_scoped3A_15 = arith.constant 0 : i32
    "tpu.region"() ({
      %run_scoped3A_109 = tpu.sem_alloc : memref<!tpu.dma_semaphore, #tpu.memory_space<semaphore_mem>>
      %dma_start3A_110 = arith.constant 2000 : i32
      %dma_start3A_111 = tpu.memref_slice %arg21[%dma_start3A_110] : memref<10000xf32, #tpu.memory_space<vmem>> -> memref<1000xf32, #tpu.memory_space<vmem>>
      %dma_start3A_112 = arith.constant 0 : i32
      %dma_start3A_113 = tpu.memref_slice %arg3[%run_scoped3A_14, %run_scoped3A_15, %dma_start3A_112] : memref<10x2x1000xf32, #tpu.memory_space<hbm>> -> memref<1x1x1000xf32, #tpu.memory_space<hbm>>
      %dma_start3A_114 = tpu.memref_squeeze %dma_start3A_113 : memref<1x1x1000xf32, #tpu.memory_space<hbm>> -> memref<1000xf32, #tpu.memory_space<hbm>>
      %dma_start3A_115 = arith.constant 2000 : i32
      %dma_start3A_116 = tpu.memref_slice %arg21[%dma_start3A_115] : memref<10000xf32, #tpu.memory_space<vmem>> -> memref<1000xf32, #tpu.memory_space<vmem>>
      %dma_start3A_117 = arith.constant 0 : i32
      %dma_start3A_118 = tpu.memref_slice %arg3[%run_scoped3A_14, %run_scoped3A_15, %dma_start3A_117] : memref<10x2x1000xf32, #tpu.memory_space<hbm>> -> memref<1x1x1000xf32, #tpu.memory_space<hbm>>
      %dma_start3A_119 = tpu.memref_squeeze %dma_start3A_118 : memref<1x1x1000xf32, #tpu.memory_space<hbm>> -> memref<1000xf32, #tpu.memory_space<hbm>>
      tpu.enqueue_dma source(%dma_start3A_119 : memref<1000xf32, #tpu.memory_space<hbm>>) target(%dma_start3A_116 : memref<1000xf32, #tpu.memory_space<vmem>>) target_semaphore(%run_scoped3A_109 : memref<!tpu.dma_semaphore, #tpu.memory_space<semaphore_mem>>)
      %dma_wait3A_120 = arith.constant 2000 : i32
      %dma_wait3A_121 = tpu.memref_slice %arg21[%dma_wait3A_120] : memref<10000xf32, #tpu.memory_space<vmem>> -> memref<1000xf32, #tpu.memory_space<vmem>>
      %dma_wait3A_122 = arith.constant 0 : i32
      %dma_wait3A_123 = tpu.memref_slice %arg3[%run_scoped3A_14, %run_scoped3A_15, %dma_wait3A_122] : memref<10x2x1000xf32, #tpu.memory_space<hbm>> -> memref<1x1x1000xf32, #tpu.memory_space<hbm>>
      %dma_wait3A_124 = tpu.memref_squeeze %dma_wait3A_123 : memref<1x1x1000xf32, #tpu.memory_space<hbm>> -> memref<1000xf32, #tpu.memory_space<hbm>>
      %dma_wait3A_125 = arith.constant 2000 : i32
      %dma_wait3A_126 = tpu.memref_slice %arg21[%dma_wait3A_125] : memref<10000xf32, #tpu.memory_space<vmem>> -> memref<1000xf32, #tpu.memory_space<vmem>>
      %dma_wait3A_127 = arith.constant 0 : i32
      %dma_wait3A_128 = tpu.memref_slice %arg3[%run_scoped3A_14, %run_scoped3A_15, %dma_wait3A_127] : memref<10x2x1000xf32, #tpu.memory_space<hbm>> -> memref<1x1x1000xf32, #tpu.memory_space<hbm>>
      %dma_wait3A_129 = tpu.memref_squeeze %dma_wait3A_128 : memref<1x1x1000xf32, #tpu.memory_space<hbm>> -> memref<1000xf32, #tpu.memory_space<hbm>>
      tpu.wait_dma2 semaphore(%run_scoped3A_109 : memref<!tpu.dma_semaphore, #tpu.memory_space<semaphore_mem>>) src(%dma_wait3A_129 : memref<1000xf32, #tpu.memory_space<hbm>>) dst(%dma_wait3A_126 : memref<1000xf32, #tpu.memory_space<vmem>>)
      tpu.yield
    }) : () -> ()
    %run_scoped3A_16 = arith.constant 2 : i32
    %run_scoped3A_17 = arith.constant 1 : i32
    "tpu.region"() ({
      %run_scoped3A_109 = tpu.sem_alloc : memref<!tpu.dma_semaphore, #tpu.memory_space<semaphore_mem>>
      %dma_start3A_110 = arith.constant 2000 : i32
      %dma_start3A_111 = tpu.memref_slice %arg22[%dma_start3A_110] : memref<10000xf32, #tpu.memory_space<vmem>> -> memref<1000xf32, #tpu.memory_space<vmem>>
      %dma_start3A_112 = arith.constant 0 : i32
      %dma_start3A_113 = tpu.memref_slice %arg3[%run_scoped3A_16, %run_scoped3A_17, %dma_start3A_112] : memref<10x2x1000xf32, #tpu.memory_space<hbm>> -> memref<1x1x1000xf32, #tpu.memory_space<hbm>>
      %dma_start3A_114 = tpu.memref_squeeze %dma_start3A_113 : memref<1x1x1000xf32, #tpu.memory_space<hbm>> -> memref<1000xf32, #tpu.memory_space<hbm>>
      %dma_start3A_115 = arith.constant 2000 : i32
      %dma_start3A_116 = tpu.memref_slice %arg22[%dma_start3A_115] : memref<10000xf32, #tpu.memory_space<vmem>> -> memref<1000xf32, #tpu.memory_space<vmem>>
      %dma_start3A_117 = arith.constant 0 : i32
      %dma_start3A_118 = tpu.memref_slice %arg3[%run_scoped3A_16, %run_scoped3A_17, %dma_start3A_117] : memref<10x2x1000xf32, #tpu.memory_space<hbm>> -> memref<1x1x1000xf32, #tpu.memory_space<hbm>>
      %dma_start3A_119 = tpu.memref_squeeze %dma_start3A_118 : memref<1x1x1000xf32, #tpu.memory_space<hbm>> -> memref<1000xf32, #tpu.memory_space<hbm>>
      tpu.enqueue_dma source(%dma_start3A_119 : memref<1000xf32, #tpu.memory_space<hbm>>) target(%dma_start3A_116 : memref<1000xf32, #tpu.memory_space<vmem>>) target_semaphore(%run_scoped3A_109 : memref<!tpu.dma_semaphore, #tpu.memory_space<semaphore_mem>>)
      %dma_wait3A_120 = arith.constant 2000 : i32
      %dma_wait3A_121 = tpu.memref_slice %arg22[%dma_wait3A_120] : memref<10000xf32, #tpu.memory_space<vmem>> -> memref<1000xf32, #tpu.memory_space<vmem>>
      %dma_wait3A_122 = arith.constant 0 : i32
      %dma_wait3A_123 = tpu.memref_slice %arg3[%run_scoped3A_16, %run_scoped3A_17, %dma_wait3A_122] : memref<10x2x1000xf32, #tpu.memory_space<hbm>> -> memref<1x1x1000xf32, #tpu.memory_space<hbm>>
      %dma_wait3A_124 = tpu.memref_squeeze %dma_wait3A_123 : memref<1x1x1000xf32, #tpu.memory_space<hbm>> -> memref<1000xf32, #tpu.memory_space<hbm>>
      %dma_wait3A_125 = arith.constant 2000 : i32
      %dma_wait3A_126 = tpu.memref_slice %arg22[%dma_wait3A_125] : memref<10000xf32, #tpu.memory_space<vmem>> -> memref<1000xf32, #tpu.memory_space<vmem>>
      %dma_wait3A_127 = arith.constant 0 : i32
      %dma_wait3A_128 = tpu.memref_slice %arg3[%run_scoped3A_16, %run_scoped3A_17, %dma_wait3A_127] : memref<10x2x1000xf32, #tpu.memory_space<hbm>> -> memref<1x1x1000xf32, #tpu.memory_space<hbm>>
      %dma_wait3A_129 = tpu.memref_squeeze %dma_wait3A_128 : memref<1x1x1000xf32, #tpu.memory_space<hbm>> -> memref<1000xf32, #tpu.memory_space<hbm>>
      tpu.wait_dma2 semaphore(%run_scoped3A_109 : memref<!tpu.dma_semaphore, #tpu.memory_space<semaphore_mem>>) src(%dma_wait3A_129 : memref<1000xf32, #tpu.memory_space<hbm>>) dst(%dma_wait3A_126 : memref<1000xf32, #tpu.memory_space<vmem>>)
      tpu.yield
    }) : () -> ()
    %run_scoped3A_18 = arith.constant 3 : i32
    %run_scoped3A_19 = arith.constant 0 : i32
    "tpu.region"() ({
      %run_scoped3A_109 = tpu.sem_alloc : memref<!tpu.dma_semaphore, #tpu.memory_space<semaphore_mem>>
      %dma_start3A_110 = arith.constant 3000 : i32
      %dma_start3A_111 = tpu.memref_slice %arg21[%dma_start3A_110] : memref<10000xf32, #tpu.memory_space<vmem>> -> memref<1000xf32, #tpu.memory_space<vmem>>
      %dma_start3A_112 = arith.constant 0 : i32
      %dma_start3A_113 = tpu.memref_slice %arg3[%run_scoped3A_18, %run_scoped3A_19, %dma_start3A_112] : memref<10x2x1000xf32, #tpu.memory_space<hbm>> -> memref<1x1x1000xf32, #tpu.memory_space<hbm>>
      %dma_start3A_114 = tpu.memref_squeeze %dma_start3A_113 : memref<1x1x1000xf32, #tpu.memory_space<hbm>> -> memref<1000xf32, #tpu.memory_space<hbm>>
      %dma_start3A_115 = arith.constant 3000 : i32
      %dma_start3A_116 = tpu.memref_slice %arg21[%dma_start3A_115] : memref<10000xf32, #tpu.memory_space<vmem>> -> memref<1000xf32, #tpu.memory_space<vmem>>
      %dma_start3A_117 = arith.constant 0 : i32
      %dma_start3A_118 = tpu.memref_slice %arg3[%run_scoped3A_18, %run_scoped3A_19, %dma_start3A_117] : memref<10x2x1000xf32, #tpu.memory_space<hbm>> -> memref<1x1x1000xf32, #tpu.memory_space<hbm>>
      %dma_start3A_119 = tpu.memref_squeeze %dma_start3A_118 : memref<1x1x1000xf32, #tpu.memory_space<hbm>> -> memref<1000xf32, #tpu.memory_space<hbm>>
      tpu.enqueue_dma source(%dma_start3A_119 : memref<1000xf32, #tpu.memory_space<hbm>>) target(%dma_start3A_116 : memref<1000xf32, #tpu.memory_space<vmem>>) target_semaphore(%run_scoped3A_109 : memref<!tpu.dma_semaphore, #tpu.memory_space<semaphore_mem>>)
      %dma_wait3A_120 = arith.constant 3000 : i32
      %dma_wait3A_121 = tpu.memref_slice %arg21[%dma_wait3A_120] : memref<10000xf32, #tpu.memory_space<vmem>> -> memref<1000xf32, #tpu.memory_space<vmem>>
      %dma_wait3A_122 = arith.constant 0 : i32
      %dma_wait3A_123 = tpu.memref_slice %arg3[%run_scoped3A_18, %run_scoped3A_19, %dma_wait3A_122] : memref<10x2x1000xf32, #tpu.memory_space<hbm>> -> memref<1x1x1000xf32, #tpu.memory_space<hbm>>
      %dma_wait3A_124 = tpu.memref_squeeze %dma_wait3A_123 : memref<1x1x1000xf32, #tpu.memory_space<hbm>> -> memref<1000xf32, #tpu.memory_space<hbm>>
      %dma_wait3A_125 = arith.constant 3000 : i32
      %dma_wait3A_126 = tpu.memref_slice %arg21[%dma_wait3A_125] : memref<10000xf32, #tpu.memory_space<vmem>> -> memref<1000xf32, #tpu.memory_space<vmem>>
      %dma_wait3A_127 = arith.constant 0 : i32
      %dma_wait3A_128 = tpu.memref_slice %arg3[%run_scoped3A_18, %run_scoped3A_19, %dma_wait3A_127] : memref<10x2x1000xf32, #tpu.memory_space<hbm>> -> memref<1x1x1000xf32, #tpu.memory_space<hbm>>
      %dma_wait3A_129 = tpu.memref_squeeze %dma_wait3A_128 : memref<1x1x1000xf32, #tpu.memory_space<hbm>> -> memref<1000xf32, #tpu.memory_space<hbm>>
      tpu.wait_dma2 semaphore(%run_scoped3A_109 : memref<!tpu.dma_semaphore, #tpu.memory_space<semaphore_mem>>) src(%dma_wait3A_129 : memref<1000xf32, #tpu.memory_space<hbm>>) dst(%dma_wait3A_126 : memref<1000xf32, #tpu.memory_space<vmem>>)
      tpu.yield
    }) : () -> ()
    %run_scoped3A_20 = arith.constant 3 : i32
    %run_scoped3A_21 = arith.constant 1 : i32
    "tpu.region"() ({
      %run_scoped3A_109 = tpu.sem_alloc : memref<!tpu.dma_semaphore, #tpu.memory_space<semaphore_mem>>
      %dma_start3A_110 = arith.constant 3000 : i32
      %dma_start3A_111 = tpu.memref_slice %arg22[%dma_start3A_110] : memref<10000xf32, #tpu.memory_space<vmem>> -> memref<1000xf32, #tpu.memory_space<vmem>>
      %dma_start3A_112 = arith.constant 0 : i32
      %dma_start3A_113 = tpu.memref_slice %arg3[%run_scoped3A_20, %run_scoped3A_21, %dma_start3A_112] : memref<10x2x1000xf32, #tpu.memory_space<hbm>> -> memref<1x1x1000xf32, #tpu.memory_space<hbm>>
      %dma_start3A_114 = tpu.memref_squeeze %dma_start3A_113 : memref<1x1x1000xf32, #tpu.memory_space<hbm>> -> memref<1000xf32, #tpu.memory_space<hbm>>
      %dma_start3A_115 = arith.constant 3000 : i32
      %dma_start3A_116 = tpu.memref_slice %arg22[%dma_start3A_115] : memref<10000xf32, #tpu.memory_space<vmem>> -> memref<1000xf32, #tpu.memory_space<vmem>>
      %dma_start3A_117 = arith.constant 0 : i32
      %dma_start3A_118 = tpu.memref_slice %arg3[%run_scoped3A_20, %run_scoped3A_21, %dma_start3A_117] : memref<10x2x1000xf32, #tpu.memory_space<hbm>> -> memref<1x1x1000xf32, #tpu.memory_space<hbm>>
      %dma_start3A_119 = tpu.memref_squeeze %dma_start3A_118 : memref<1x1x1000xf32, #tpu.memory_space<hbm>> -> memref<1000xf32, #tpu.memory_space<hbm>>
      tpu.enqueue_dma source(%dma_start3A_119 : memref<1000xf32, #tpu.memory_space<hbm>>) target(%dma_start3A_116 : memref<1000xf32, #tpu.memory_space<vmem>>) target_semaphore(%run_scoped3A_109 : memref<!tpu.dma_semaphore, #tpu.memory_space<semaphore_mem>>)
      %dma_wait3A_120 = arith.constant 3000 : i32
      %dma_wait3A_121 = tpu.memref_slice %arg22[%dma_wait3A_120] : memref<10000xf32, #tpu.memory_space<vmem>> -> memref<1000xf32, #tpu.memory_space<vmem>>
      %dma_wait3A_122 = arith.constant 0 : i32
      %dma_wait3A_123 = tpu.memref_slice %arg3[%run_scoped3A_20, %run_scoped3A_21, %dma_wait3A_122] : memref<10x2x1000xf32, #tpu.memory_space<hbm>> -> memref<1x1x1000xf32, #tpu.memory_space<hbm>>
      %dma_wait3A_124 = tpu.memref_squeeze %dma_wait3A_123 : memref<1x1x1000xf32, #tpu.memory_space<hbm>> -> memref<1000xf32, #tpu.memory_space<hbm>>
      %dma_wait3A_125 = arith.constant 3000 : i32
      %dma_wait3A_126 = tpu.memref_slice %arg22[%dma_wait3A_125] : memref<10000xf32, #tpu.memory_space<vmem>> -> memref<1000xf32, #tpu.memory_space<vmem>>
      %dma_wait3A_127 = arith.constant 0 : i32
      %dma_wait3A_128 = tpu.memref_slice %arg3[%run_scoped3A_20, %run_scoped3A_21, %dma_wait3A_127] : memref<10x2x1000xf32, #tpu.memory_space<hbm>> -> memref<1x1x1000xf32, #tpu.memory_space<hbm>>
      %dma_wait3A_129 = tpu.memref_squeeze %dma_wait3A_128 : memref<1x1x1000xf32, #tpu.memory_space<hbm>> -> memref<1000xf32, #tpu.memory_space<hbm>>
      tpu.wait_dma2 semaphore(%run_scoped3A_109 : memref<!tpu.dma_semaphore, #tpu.memory_space<semaphore_mem>>) src(%dma_wait3A_129 : memref<1000xf32, #tpu.memory_space<hbm>>) dst(%dma_wait3A_126 : memref<1000xf32, #tpu.memory_space<vmem>>)
      tpu.yield
    }) : () -> ()
    %run_scoped3A_22 = arith.constant 4 : i32
    %run_scoped3A_23 = arith.constant 0 : i32
    "tpu.region"() ({
      %run_scoped3A_109 = tpu.sem_alloc : memref<!tpu.dma_semaphore, #tpu.memory_space<semaphore_mem>>
      %dma_start3A_110 = arith.constant 4000 : i32
      %dma_start3A_111 = tpu.memref_slice %arg21[%dma_start3A_110] : memref<10000xf32, #tpu.memory_space<vmem>> -> memref<1000xf32, #tpu.memory_space<vmem>>
      %dma_start3A_112 = arith.constant 0 : i32
      %dma_start3A_113 = tpu.memref_slice %arg3[%run_scoped3A_22, %run_scoped3A_23, %dma_start3A_112] : memref<10x2x1000xf32, #tpu.memory_space<hbm>> -> memref<1x1x1000xf32, #tpu.memory_space<hbm>>
      %dma_start3A_114 = tpu.memref_squeeze %dma_start3A_113 : memref<1x1x1000xf32, #tpu.memory_space<hbm>> -> memref<1000xf32, #tpu.memory_space<hbm>>
      %dma_start3A_115 = arith.constant 4000 : i32
      %dma_start3A_116 = tpu.memref_slice %arg21[%dma_start3A_115] : memref<10000xf32, #tpu.memory_space<vmem>> -> memref<1000xf32, #tpu.memory_space<vmem>>
      %dma_start3A_117 = arith.constant 0 : i32
      %dma_start3A_118 = tpu.memref_slice %arg3[%run_scoped3A_22, %run_scoped3A_23, %dma_start3A_117] : memref<10x2x1000xf32, #tpu.memory_space<hbm>> -> memref<1x1x1000xf32, #tpu.memory_space<hbm>>
      %dma_start3A_119 = tpu.memref_squeeze %dma_start3A_118 : memref<1x1x1000xf32, #tpu.memory_space<hbm>> -> memref<1000xf32, #tpu.memory_space<hbm>>
      tpu.enqueue_dma source(%dma_start3A_119 : memref<1000xf32, #tpu.memory_space<hbm>>) target(%dma_start3A_116 : memref<1000xf32, #tpu.memory_space<vmem>>) target_semaphore(%run_scoped3A_109 : memref<!tpu.dma_semaphore, #tpu.memory_space<semaphore_mem>>)
      %dma_wait3A_120 = arith.constant 4000 : i32
      %dma_wait3A_121 = tpu.memref_slice %arg21[%dma_wait3A_120] : memref<10000xf32, #tpu.memory_space<vmem>> -> memref<1000xf32, #tpu.memory_space<vmem>>
      %dma_wait3A_122 = arith.constant 0 : i32
      %dma_wait3A_123 = tpu.memref_slice %arg3[%run_scoped3A_22, %run_scoped3A_23, %dma_wait3A_122] : memref<10x2x1000xf32, #tpu.memory_space<hbm>> -> memref<1x1x1000xf32, #tpu.memory_space<hbm>>
      %dma_wait3A_124 = tpu.memref_squeeze %dma_wait3A_123 : memref<1x1x1000xf32, #tpu.memory_space<hbm>> -> memref<1000xf32, #tpu.memory_space<hbm>>
      %dma_wait3A_125 = arith.constant 4000 : i32
      %dma_wait3A_126 = tpu.memref_slice %arg21[%dma_wait3A_125] : memref<10000xf32, #tpu.memory_space<vmem>> -> memref<1000xf32, #tpu.memory_space<vmem>>
      %dma_wait3A_127 = arith.constant 0 : i32
      %dma_wait3A_128 = tpu.memref_slice %arg3[%run_scoped3A_22, %run_scoped3A_23, %dma_wait3A_127] : memref<10x2x1000xf32, #tpu.memory_space<hbm>> -> memref<1x1x1000xf32, #tpu.memory_space<hbm>>
      %dma_wait3A_129 = tpu.memref_squeeze %dma_wait3A_128 : memref<1x1x1000xf32, #tpu.memory_space<hbm>> -> memref<1000xf32, #tpu.memory_space<hbm>>
      tpu.wait_dma2 semaphore(%run_scoped3A_109 : memref<!tpu.dma_semaphore, #tpu.memory_space<semaphore_mem>>) src(%dma_wait3A_129 : memref<1000xf32, #tpu.memory_space<hbm>>) dst(%dma_wait3A_126 : memref<1000xf32, #tpu.memory_space<vmem>>)
      tpu.yield
    }) : () -> ()
    %run_scoped3A_24 = arith.constant 4 : i32
    %run_scoped3A_25 = arith.constant 1 : i32
    "tpu.region"() ({
      %run_scoped3A_109 = tpu.sem_alloc : memref<!tpu.dma_semaphore, #tpu.memory_space<semaphore_mem>>
      %dma_start3A_110 = arith.constant 4000 : i32
      %dma_start3A_111 = tpu.memref_slice %arg22[%dma_start3A_110] : memref<10000xf32, #tpu.memory_space<vmem>> -> memref<1000xf32, #tpu.memory_space<vmem>>
      %dma_start3A_112 = arith.constant 0 : i32
      %dma_start3A_113 = tpu.memref_slice %arg3[%run_scoped3A_24, %run_scoped3A_25, %dma_start3A_112] : memref<10x2x1000xf32, #tpu.memory_space<hbm>> -> memref<1x1x1000xf32, #tpu.memory_space<hbm>>
      %dma_start3A_114 = tpu.memref_squeeze %dma_start3A_113 : memref<1x1x1000xf32, #tpu.memory_space<hbm>> -> memref<1000xf32, #tpu.memory_space<hbm>>
      %dma_start3A_115 = arith.constant 4000 : i32
      %dma_start3A_116 = tpu.memref_slice %arg22[%dma_start3A_115] : memref<10000xf32, #tpu.memory_space<vmem>> -> memref<1000xf32, #tpu.memory_space<vmem>>
      %dma_start3A_117 = arith.constant 0 : i32
      %dma_start3A_118 = tpu.memref_slice %arg3[%run_scoped3A_24, %run_scoped3A_25, %dma_start3A_117] : memref<10x2x1000xf32, #tpu.memory_space<hbm>> -> memref<1x1x1000xf32, #tpu.memory_space<hbm>>
      %dma_start3A_119 = tpu.memref_squeeze %dma_start3A_118 : memref<1x1x1000xf32, #tpu.memory_space<hbm>> -> memref<1000xf32, #tpu.memory_space<hbm>>
      tpu.enqueue_dma source(%dma_start3A_119 : memref<1000xf32, #tpu.memory_space<hbm>>) target(%dma_start3A_116 : memref<1000xf32, #tpu.memory_space<vmem>>) target_semaphore(%run_scoped3A_109 : memref<!tpu.dma_semaphore, #tpu.memory_space<semaphore_mem>>)
      %dma_wait3A_120 = arith.constant 4000 : i32
      %dma_wait3A_121 = tpu.memref_slice %arg22[%dma_wait3A_120] : memref<10000xf32, #tpu.memory_space<vmem>> -> memref<1000xf32, #tpu.memory_space<vmem>>
      %dma_wait3A_122 = arith.constant 0 : i32
      %dma_wait3A_123 = tpu.memref_slice %arg3[%run_scoped3A_24, %run_scoped3A_25, %dma_wait3A_122] : memref<10x2x1000xf32, #tpu.memory_space<hbm>> -> memref<1x1x1000xf32, #tpu.memory_space<hbm>>
      %dma_wait3A_124 = tpu.memref_squeeze %dma_wait3A_123 : memref<1x1x1000xf32, #tpu.memory_space<hbm>> -> memref<1000xf32, #tpu.memory_space<hbm>>
      %dma_wait3A_125 = arith.constant 4000 : i32
      %dma_wait3A_126 = tpu.memref_slice %arg22[%dma_wait3A_125] : memref<10000xf32, #tpu.memory_space<vmem>> -> memref<1000xf32, #tpu.memory_space<vmem>>
      %dma_wait3A_127 = arith.constant 0 : i32
      %dma_wait3A_128 = tpu.memref_slice %arg3[%run_scoped3A_24, %run_scoped3A_25, %dma_wait3A_127] : memref<10x2x1000xf32, #tpu.memory_space<hbm>> -> memref<1x1x1000xf32, #tpu.memory_space<hbm>>
      %dma_wait3A_129 = tpu.memref_squeeze %dma_wait3A_128 : memref<1x1x1000xf32, #tpu.memory_space<hbm>> -> memref<1000xf32, #tpu.memory_space<hbm>>
      tpu.wait_dma2 semaphore(%run_scoped3A_109 : memref<!tpu.dma_semaphore, #tpu.memory_space<semaphore_mem>>) src(%dma_wait3A_129 : memref<1000xf32, #tpu.memory_space<hbm>>) dst(%dma_wait3A_126 : memref<1000xf32, #tpu.memory_space<vmem>>)
      tpu.yield
    }) : () -> ()
    %run_scoped3A_26 = arith.constant 5 : i32
    %run_scoped3A_27 = arith.constant 0 : i32
    "tpu.region"() ({
      %run_scoped3A_109 = tpu.sem_alloc : memref<!tpu.dma_semaphore, #tpu.memory_space<semaphore_mem>>
      %dma_start3A_110 = arith.constant 5000 : i32
      %dma_start3A_111 = tpu.memref_slice %arg21[%dma_start3A_110] : memref<10000xf32, #tpu.memory_space<vmem>> -> memref<1000xf32, #tpu.memory_space<vmem>>
      %dma_start3A_112 = arith.constant 0 : i32
      %dma_start3A_113 = tpu.memref_slice %arg3[%run_scoped3A_26, %run_scoped3A_27, %dma_start3A_112] : memref<10x2x1000xf32, #tpu.memory_space<hbm>> -> memref<1x1x1000xf32, #tpu.memory_space<hbm>>
      %dma_start3A_114 = tpu.memref_squeeze %dma_start3A_113 : memref<1x1x1000xf32, #tpu.memory_space<hbm>> -> memref<1000xf32, #tpu.memory_space<hbm>>
      %dma_start3A_115 = arith.constant 5000 : i32
      %dma_start3A_116 = tpu.memref_slice %arg21[%dma_start3A_115] : memref<10000xf32, #tpu.memory_space<vmem>> -> memref<1000xf32, #tpu.memory_space<vmem>>
      %dma_start3A_117 = arith.constant 0 : i32
      %dma_start3A_118 = tpu.memref_slice %arg3[%run_scoped3A_26, %run_scoped3A_27, %dma_start3A_117] : memref<10x2x1000xf32, #tpu.memory_space<hbm>> -> memref<1x1x1000xf32, #tpu.memory_space<hbm>>
      %dma_start3A_119 = tpu.memref_squeeze %dma_start3A_118 : memref<1x1x1000xf32, #tpu.memory_space<hbm>> -> memref<1000xf32, #tpu.memory_space<hbm>>
      tpu.enqueue_dma source(%dma_start3A_119 : memref<1000xf32, #tpu.memory_space<hbm>>) target(%dma_start3A_116 : memref<1000xf32, #tpu.memory_space<vmem>>) target_semaphore(%run_scoped3A_109 : memref<!tpu.dma_semaphore, #tpu.memory_space<semaphore_mem>>)
      %dma_wait3A_120 = arith.constant 5000 : i32
      %dma_wait3A_121 = tpu.memref_slice %arg21[%dma_wait3A_120] : memref<10000xf32, #tpu.memory_space<vmem>> -> memref<1000xf32, #tpu.memory_space<vmem>>
      %dma_wait3A_122 = arith.constant 0 : i32
      %dma_wait3A_123 = tpu.memref_slice %arg3[%run_scoped3A_26, %run_scoped3A_27, %dma_wait3A_122] : memref<10x2x1000xf32, #tpu.memory_space<hbm>> -> memref<1x1x1000xf32, #tpu.memory_space<hbm>>
      %dma_wait3A_124 = tpu.memref_squeeze %dma_wait3A_123 : memref<1x1x1000xf32, #tpu.memory_space<hbm>> -> memref<1000xf32, #tpu.memory_space<hbm>>
      %dma_wait3A_125 = arith.constant 5000 : i32
      %dma_wait3A_126 = tpu.memref_slice %arg21[%dma_wait3A_125] : memref<10000xf32, #tpu.memory_space<vmem>> -> memref<1000xf32, #tpu.memory_space<vmem>>
      %dma_wait3A_127 = arith.constant 0 : i32
      %dma_wait3A_128 = tpu.memref_slice %arg3[%run_scoped3A_26, %run_scoped3A_27, %dma_wait3A_127] : memref<10x2x1000xf32, #tpu.memory_space<hbm>> -> memref<1x1x1000xf32, #tpu.memory_space<hbm>>
      %dma_wait3A_129 = tpu.memref_squeeze %dma_wait3A_128 : memref<1x1x1000xf32, #tpu.memory_space<hbm>> -> memref<1000xf32, #tpu.memory_space<hbm>>
      tpu.wait_dma2 semaphore(%run_scoped3A_109 : memref<!tpu.dma_semaphore, #tpu.memory_space<semaphore_mem>>) src(%dma_wait3A_129 : memref<1000xf32, #tpu.memory_space<hbm>>) dst(%dma_wait3A_126 : memref<1000xf32, #tpu.memory_space<vmem>>)
      tpu.yield
    }) : () -> ()
    %run_scoped3A_28 = arith.constant 5 : i32
    %run_scoped3A_29 = arith.constant 1 : i32
    "tpu.region"() ({
      %run_scoped3A_109 = tpu.sem_alloc : memref<!tpu.dma_semaphore, #tpu.memory_space<semaphore_mem>>
      %dma_start3A_110 = arith.constant 5000 : i32
      %dma_start3A_111 = tpu.memref_slice %arg22[%dma_start3A_110] : memref<10000xf32, #tpu.memory_space<vmem>> -> memref<1000xf32, #tpu.memory_space<vmem>>
      %dma_start3A_112 = arith.constant 0 : i32
      %dma_start3A_113 = tpu.memref_slice %arg3[%run_scoped3A_28, %run_scoped3A_29, %dma_start3A_112] : memref<10x2x1000xf32, #tpu.memory_space<hbm>> -> memref<1x1x1000xf32, #tpu.memory_space<hbm>>
      %dma_start3A_114 = tpu.memref_squeeze %dma_start3A_113 : memref<1x1x1000xf32, #tpu.memory_space<hbm>> -> memref<1000xf32, #tpu.memory_space<hbm>>
      %dma_start3A_115 = arith.constant 5000 : i32
      %dma_start3A_116 = tpu.memref_slice %arg22[%dma_start3A_115] : memref<10000xf32, #tpu.memory_space<vmem>> -> memref<1000xf32, #tpu.memory_space<vmem>>
      %dma_start3A_117 = arith.constant 0 : i32
      %dma_start3A_118 = tpu.memref_slice %arg3[%run_scoped3A_28, %run_scoped3A_29, %dma_start3A_117] : memref<10x2x1000xf32, #tpu.memory_space<hbm>> -> memref<1x1x1000xf32, #tpu.memory_space<hbm>>
      %dma_start3A_119 = tpu.memref_squeeze %dma_start3A_118 : memref<1x1x1000xf32, #tpu.memory_space<hbm>> -> memref<1000xf32, #tpu.memory_space<hbm>>
      tpu.enqueue_dma source(%dma_start3A_119 : memref<1000xf32, #tpu.memory_space<hbm>>) target(%dma_start3A_116 : memref<1000xf32, #tpu.memory_space<vmem>>) target_semaphore(%run_scoped3A_109 : memref<!tpu.dma_semaphore, #tpu.memory_space<semaphore_mem>>)
      %dma_wait3A_120 = arith.constant 5000 : i32
      %dma_wait3A_121 = tpu.memref_slice %arg22[%dma_wait3A_120] : memref<10000xf32, #tpu.memory_space<vmem>> -> memref<1000xf32, #tpu.memory_space<vmem>>
      %dma_wait3A_122 = arith.constant 0 : i32
      %dma_wait3A_123 = tpu.memref_slice %arg3[%run_scoped3A_28, %run_scoped3A_29, %dma_wait3A_122] : memref<10x2x1000xf32, #tpu.memory_space<hbm>> -> memref<1x1x1000xf32, #tpu.memory_space<hbm>>
      %dma_wait3A_124 = tpu.memref_squeeze %dma_wait3A_123 : memref<1x1x1000xf32, #tpu.memory_space<hbm>> -> memref<1000xf32, #tpu.memory_space<hbm>>
      %dma_wait3A_125 = arith.constant 5000 : i32
      %dma_wait3A_126 = tpu.memref_slice %arg22[%dma_wait3A_125] : memref<10000xf32, #tpu.memory_space<vmem>> -> memref<1000xf32, #tpu.memory_space<vmem>>
      %dma_wait3A_127 = arith.constant 0 : i32
      %dma_wait3A_128 = tpu.memref_slice %arg3[%run_scoped3A_28, %run_scoped3A_29, %dma_wait3A_127] : memref<10x2x1000xf32, #tpu.memory_space<hbm>> -> memref<1x1x1000xf32, #tpu.memory_space<hbm>>
      %dma_wait3A_129 = tpu.memref_squeeze %dma_wait3A_128 : memref<1x1x1000xf32, #tpu.memory_space<hbm>> -> memref<1000xf32, #tpu.memory_space<hbm>>
      tpu.wait_dma2 semaphore(%run_scoped3A_109 : memref<!tpu.dma_semaphore, #tpu.memory_space<semaphore_mem>>) src(%dma_wait3A_129 : memref<1000xf32, #tpu.memory_space<hbm>>) dst(%dma_wait3A_126 : memref<1000xf32, #tpu.memory_space<vmem>>)
      tpu.yield
    }) : () -> ()
    %run_scoped3A_30 = arith.constant 6 : i32
    %run_scoped3A_31 = arith.constant 0 : i32
    "tpu.region"() ({
      %run_scoped3A_109 = tpu.sem_alloc : memref<!tpu.dma_semaphore, #tpu.memory_space<semaphore_mem>>
      %dma_start3A_110 = arith.constant 6000 : i32
      %dma_start3A_111 = tpu.memref_slice %arg21[%dma_start3A_110] : memref<10000xf32, #tpu.memory_space<vmem>> -> memref<1000xf32, #tpu.memory_space<vmem>>
      %dma_start3A_112 = arith.constant 0 : i32
      %dma_start3A_113 = tpu.memref_slice %arg3[%run_scoped3A_30, %run_scoped3A_31, %dma_start3A_112] : memref<10x2x1000xf32, #tpu.memory_space<hbm>> -> memref<1x1x1000xf32, #tpu.memory_space<hbm>>
      %dma_start3A_114 = tpu.memref_squeeze %dma_start3A_113 : memref<1x1x1000xf32, #tpu.memory_space<hbm>> -> memref<1000xf32, #tpu.memory_space<hbm>>
      %dma_start3A_115 = arith.constant 6000 : i32
      %dma_start3A_116 = tpu.memref_slice %arg21[%dma_start3A_115] : memref<10000xf32, #tpu.memory_space<vmem>> -> memref<1000xf32, #tpu.memory_space<vmem>>
      %dma_start3A_117 = arith.constant 0 : i32
      %dma_start3A_118 = tpu.memref_slice %arg3[%run_scoped3A_30, %run_scoped3A_31, %dma_start3A_117] : memref<10x2x1000xf32, #tpu.memory_space<hbm>> -> memref<1x1x1000xf32, #tpu.memory_space<hbm>>
      %dma_start3A_119 = tpu.memref_squeeze %dma_start3A_118 : memref<1x1x1000xf32, #tpu.memory_space<hbm>> -> memref<1000xf32, #tpu.memory_space<hbm>>
      tpu.enqueue_dma source(%dma_start3A_119 : memref<1000xf32, #tpu.memory_space<hbm>>) target(%dma_start3A_116 : memref<1000xf32, #tpu.memory_space<vmem>>) target_semaphore(%run_scoped3A_109 : memref<!tpu.dma_semaphore, #tpu.memory_space<semaphore_mem>>)
      %dma_wait3A_120 = arith.constant 6000 : i32
      %dma_wait3A_121 = tpu.memref_slice %arg21[%dma_wait3A_120] : memref<10000xf32, #tpu.memory_space<vmem>> -> memref<1000xf32, #tpu.memory_space<vmem>>
      %dma_wait3A_122 = arith.constant 0 : i32
      %dma_wait3A_123 = tpu.memref_slice %arg3[%run_scoped3A_30, %run_scoped3A_31, %dma_wait3A_122] : memref<10x2x1000xf32, #tpu.memory_space<hbm>> -> memref<1x1x1000xf32, #tpu.memory_space<hbm>>
      %dma_wait3A_124 = tpu.memref_squeeze %dma_wait3A_123 : memref<1x1x1000xf32, #tpu.memory_space<hbm>> -> memref<1000xf32, #tpu.memory_space<hbm>>
      %dma_wait3A_125 = arith.constant 6000 : i32
      %dma_wait3A_126 = tpu.memref_slice %arg21[%dma_wait3A_125] : memref<10000xf32, #tpu.memory_space<vmem>> -> memref<1000xf32, #tpu.memory_space<vmem>>
      %dma_wait3A_127 = arith.constant 0 : i32
      %dma_wait3A_128 = tpu.memref_slice %arg3[%run_scoped3A_30, %run_scoped3A_31, %dma_wait3A_127] : memref<10x2x1000xf32, #tpu.memory_space<hbm>> -> memref<1x1x1000xf32, #tpu.memory_space<hbm>>
      %dma_wait3A_129 = tpu.memref_squeeze %dma_wait3A_128 : memref<1x1x1000xf32, #tpu.memory_space<hbm>> -> memref<1000xf32, #tpu.memory_space<hbm>>
      tpu.wait_dma2 semaphore(%run_scoped3A_109 : memref<!tpu.dma_semaphore, #tpu.memory_space<semaphore_mem>>) src(%dma_wait3A_129 : memref<1000xf32, #tpu.memory_space<hbm>>) dst(%dma_wait3A_126 : memref<1000xf32, #tpu.memory_space<vmem>>)
      tpu.yield
    }) : () -> ()
    %run_scoped3A_32 = arith.constant 6 : i32
    %run_scoped3A_33 = arith.constant 1 : i32
    "tpu.region"() ({
      %run_scoped3A_109 = tpu.sem_alloc : memref<!tpu.dma_semaphore, #tpu.memory_space<semaphore_mem>>
      %dma_start3A_110 = arith.constant 6000 : i32
      %dma_start3A_111 = tpu.memref_slice %arg22[%dma_start3A_110] : memref<10000xf32, #tpu.memory_space<vmem>> -> memref<1000xf32, #tpu.memory_space<vmem>>
      %dma_start3A_112 = arith.constant 0 : i32
      %dma_start3A_113 = tpu.memref_slice %arg3[%run_scoped3A_32, %run_scoped3A_33, %dma_start3A_112] : memref<10x2x1000xf32, #tpu.memory_space<hbm>> -> memref<1x1x1000xf32, #tpu.memory_space<hbm>>
      %dma_start3A_114 = tpu.memref_squeeze %dma_start3A_113 : memref<1x1x1000xf32, #tpu.memory_space<hbm>> -> memref<1000xf32, #tpu.memory_space<hbm>>
      %dma_start3A_115 = arith.constant 6000 : i32
      %dma_start3A_116 = tpu.memref_slice %arg22[%dma_start3A_115] : memref<10000xf32, #tpu.memory_space<vmem>> -> memref<1000xf32, #tpu.memory_space<vmem>>
      %dma_start3A_117 = arith.constant 0 : i32
      %dma_start3A_118 = tpu.memref_slice %arg3[%run_scoped3A_32, %run_scoped3A_33, %dma_start3A_117] : memref<10x2x1000xf32, #tpu.memory_space<hbm>> -> memref<1x1x1000xf32, #tpu.memory_space<hbm>>
      %dma_start3A_119 = tpu.memref_squeeze %dma_start3A_118 : memref<1x1x1000xf32, #tpu.memory_space<hbm>> -> memref<1000xf32, #tpu.memory_space<hbm>>
      tpu.enqueue_dma source(%dma_start3A_119 : memref<1000xf32, #tpu.memory_space<hbm>>) target(%dma_start3A_116 : memref<1000xf32, #tpu.memory_space<vmem>>) target_semaphore(%run_scoped3A_109 : memref<!tpu.dma_semaphore, #tpu.memory_space<semaphore_mem>>)
      %dma_wait3A_120 = arith.constant 6000 : i32
      %dma_wait3A_121 = tpu.memref_slice %arg22[%dma_wait3A_120] : memref<10000xf32, #tpu.memory_space<vmem>> -> memref<1000xf32, #tpu.memory_space<vmem>>
      %dma_wait3A_122 = arith.constant 0 : i32
      %dma_wait3A_123 = tpu.memref_slice %arg3[%run_scoped3A_32, %run_scoped3A_33, %dma_wait3A_122] : memref<10x2x1000xf32, #tpu.memory_space<hbm>> -> memref<1x1x1000xf32, #tpu.memory_space<hbm>>
      %dma_wait3A_124 = tpu.memref_squeeze %dma_wait3A_123 : memref<1x1x1000xf32, #tpu.memory_space<hbm>> -> memref<1000xf32, #tpu.memory_space<hbm>>
      %dma_wait3A_125 = arith.constant 6000 : i32
      %dma_wait3A_126 = tpu.memref_slice %arg22[%dma_wait3A_125] : memref<10000xf32, #tpu.memory_space<vmem>> -> memref<1000xf32, #tpu.memory_space<vmem>>
      %dma_wait3A_127 = arith.constant 0 : i32
      %dma_wait3A_128 = tpu.memref_slice %arg3[%run_scoped3A_32, %run_scoped3A_33, %dma_wait3A_127] : memref<10x2x1000xf32, #tpu.memory_space<hbm>> -> memref<1x1x1000xf32, #tpu.memory_space<hbm>>
      %dma_wait3A_129 = tpu.memref_squeeze %dma_wait3A_128 : memref<1x1x1000xf32, #tpu.memory_space<hbm>> -> memref<1000xf32, #tpu.memory_space<hbm>>
      tpu.wait_dma2 semaphore(%run_scoped3A_109 : memref<!tpu.dma_semaphore, #tpu.memory_space<semaphore_mem>>) src(%dma_wait3A_129 : memref<1000xf32, #tpu.memory_space<hbm>>) dst(%dma_wait3A_126 : memref<1000xf32, #tpu.memory_space<vmem>>)
      tpu.yield
    }) : () -> ()
    %run_scoped3A_34 = arith.constant 7 : i32
    %run_scoped3A_35 = arith.constant 0 : i32
    "tpu.region"() ({
      %run_scoped3A_109 = tpu.sem_alloc : memref<!tpu.dma_semaphore, #tpu.memory_space<semaphore_mem>>
      %dma_start3A_110 = arith.constant 7000 : i32
      %dma_start3A_111 = tpu.memref_slice %arg21[%dma_start3A_110] : memref<10000xf32, #tpu.memory_space<vmem>> -> memref<1000xf32, #tpu.memory_space<vmem>>
      %dma_start3A_112 = arith.constant 0 : i32
      %dma_start3A_113 = tpu.memref_slice %arg3[%run_scoped3A_34, %run_scoped3A_35, %dma_start3A_112] : memref<10x2x1000xf32, #tpu.memory_space<hbm>> -> memref<1x1x1000xf32, #tpu.memory_space<hbm>>
      %dma_start3A_114 = tpu.memref_squeeze %dma_start3A_113 : memref<1x1x1000xf32, #tpu.memory_space<hbm>> -> memref<1000xf32, #tpu.memory_space<hbm>>
      %dma_start3A_115 = arith.constant 7000 : i32
      %dma_start3A_116 = tpu.memref_slice %arg21[%dma_start3A_115] : memref<10000xf32, #tpu.memory_space<vmem>> -> memref<1000xf32, #tpu.memory_space<vmem>>
      %dma_start3A_117 = arith.constant 0 : i32
      %dma_start3A_118 = tpu.memref_slice %arg3[%run_scoped3A_34, %run_scoped3A_35, %dma_start3A_117] : memref<10x2x1000xf32, #tpu.memory_space<hbm>> -> memref<1x1x1000xf32, #tpu.memory_space<hbm>>
      %dma_start3A_119 = tpu.memref_squeeze %dma_start3A_118 : memref<1x1x1000xf32, #tpu.memory_space<hbm>> -> memref<1000xf32, #tpu.memory_space<hbm>>
      tpu.enqueue_dma source(%dma_start3A_119 : memref<1000xf32, #tpu.memory_space<hbm>>) target(%dma_start3A_116 : memref<1000xf32, #tpu.memory_space<vmem>>) target_semaphore(%run_scoped3A_109 : memref<!tpu.dma_semaphore, #tpu.memory_space<semaphore_mem>>)
      %dma_wait3A_120 = arith.constant 7000 : i32
      %dma_wait3A_121 = tpu.memref_slice %arg21[%dma_wait3A_120] : memref<10000xf32, #tpu.memory_space<vmem>> -> memref<1000xf32, #tpu.memory_space<vmem>>
      %dma_wait3A_122 = arith.constant 0 : i32
      %dma_wait3A_123 = tpu.memref_slice %arg3[%run_scoped3A_34, %run_scoped3A_35, %dma_wait3A_122] : memref<10x2x1000xf32, #tpu.memory_space<hbm>> -> memref<1x1x1000xf32, #tpu.memory_space<hbm>>
      %dma_wait3A_124 = tpu.memref_squeeze %dma_wait3A_123 : memref<1x1x1000xf32, #tpu.memory_space<hbm>> -> memref<1000xf32, #tpu.memory_space<hbm>>
      %dma_wait3A_125 = arith.constant 7000 : i32
      %dma_wait3A_126 = tpu.memref_slice %arg21[%dma_wait3A_125] : memref<10000xf32, #tpu.memory_space<vmem>> -> memref<1000xf32, #tpu.memory_space<vmem>>
      %dma_wait3A_127 = arith.constant 0 : i32
      %dma_wait3A_128 = tpu.memref_slice %arg3[%run_scoped3A_34, %run_scoped3A_35, %dma_wait3A_127] : memref<10x2x1000xf32, #tpu.memory_space<hbm>> -> memref<1x1x1000xf32, #tpu.memory_space<hbm>>
      %dma_wait3A_129 = tpu.memref_squeeze %dma_wait3A_128 : memref<1x1x1000xf32, #tpu.memory_space<hbm>> -> memref<1000xf32, #tpu.memory_space<hbm>>
      tpu.wait_dma2 semaphore(%run_scoped3A_109 : memref<!tpu.dma_semaphore, #tpu.memory_space<semaphore_mem>>) src(%dma_wait3A_129 : memref<1000xf32, #tpu.memory_space<hbm>>) dst(%dma_wait3A_126 : memref<1000xf32, #tpu.memory_space<vmem>>)
      tpu.yield
    }) : () -> ()
    %run_scoped3A_36 = arith.constant 7 : i32
    %run_scoped3A_37 = arith.constant 1 : i32
    "tpu.region"() ({
      %run_scoped3A_109 = tpu.sem_alloc : memref<!tpu.dma_semaphore, #tpu.memory_space<semaphore_mem>>
      %dma_start3A_110 = arith.constant 7000 : i32
      %dma_start3A_111 = tpu.memref_slice %arg22[%dma_start3A_110] : memref<10000xf32, #tpu.memory_space<vmem>> -> memref<1000xf32, #tpu.memory_space<vmem>>
      %dma_start3A_112 = arith.constant 0 : i32
      %dma_start3A_113 = tpu.memref_slice %arg3[%run_scoped3A_36, %run_scoped3A_37, %dma_start3A_112] : memref<10x2x1000xf32, #tpu.memory_space<hbm>> -> memref<1x1x1000xf32, #tpu.memory_space<hbm>>
      %dma_start3A_114 = tpu.memref_squeeze %dma_start3A_113 : memref<1x1x1000xf32, #tpu.memory_space<hbm>> -> memref<1000xf32, #tpu.memory_space<hbm>>
      %dma_start3A_115 = arith.constant 7000 : i32
      %dma_start3A_116 = tpu.memref_slice %arg22[%dma_start3A_115] : memref<10000xf32, #tpu.memory_space<vmem>> -> memref<1000xf32, #tpu.memory_space<vmem>>
      %dma_start3A_117 = arith.constant 0 : i32
      %dma_start3A_118 = tpu.memref_slice %arg3[%run_scoped3A_36, %run_scoped3A_37, %dma_start3A_117] : memref<10x2x1000xf32, #tpu.memory_space<hbm>> -> memref<1x1x1000xf32, #tpu.memory_space<hbm>>
      %dma_start3A_119 = tpu.memref_squeeze %dma_start3A_118 : memref<1x1x1000xf32, #tpu.memory_space<hbm>> -> memref<1000xf32, #tpu.memory_space<hbm>>
      tpu.enqueue_dma source(%dma_start3A_119 : memref<1000xf32, #tpu.memory_space<hbm>>) target(%dma_start3A_116 : memref<1000xf32, #tpu.memory_space<vmem>>) target_semaphore(%run_scoped3A_109 : memref<!tpu.dma_semaphore, #tpu.memory_space<semaphore_mem>>)
      %dma_wait3A_120 = arith.constant 7000 : i32
      %dma_wait3A_121 = tpu.memref_slice %arg22[%dma_wait3A_120] : memref<10000xf32, #tpu.memory_space<vmem>> -> memref<1000xf32, #tpu.memory_space<vmem>>
      %dma_wait3A_122 = arith.constant 0 : i32
      %dma_wait3A_123 = tpu.memref_slice %arg3[%run_scoped3A_36, %run_scoped3A_37, %dma_wait3A_122] : memref<10x2x1000xf32, #tpu.memory_space<hbm>> -> memref<1x1x1000xf32, #tpu.memory_space<hbm>>
      %dma_wait3A_124 = tpu.memref_squeeze %dma_wait3A_123 : memref<1x1x1000xf32, #tpu.memory_space<hbm>> -> memref<1000xf32, #tpu.memory_space<hbm>>
      %dma_wait3A_125 = arith.constant 7000 : i32
      %dma_wait3A_126 = tpu.memref_slice %arg22[%dma_wait3A_125] : memref<10000xf32, #tpu.memory_space<vmem>> -> memref<1000xf32, #tpu.memory_space<vmem>>
      %dma_wait3A_127 = arith.constant 0 : i32
      %dma_wait3A_128 = tpu.memref_slice %arg3[%run_scoped3A_36, %run_scoped3A_37, %dma_wait3A_127] : memref<10x2x1000xf32, #tpu.memory_space<hbm>> -> memref<1x1x1000xf32, #tpu.memory_space<hbm>>
      %dma_wait3A_129 = tpu.memref_squeeze %dma_wait3A_128 : memref<1x1x1000xf32, #tpu.memory_space<hbm>> -> memref<1000xf32, #tpu.memory_space<hbm>>
      tpu.wait_dma2 semaphore(%run_scoped3A_109 : memref<!tpu.dma_semaphore, #tpu.memory_space<semaphore_mem>>) src(%dma_wait3A_129 : memref<1000xf32, #tpu.memory_space<hbm>>) dst(%dma_wait3A_126 : memref<1000xf32, #tpu.memory_space<vmem>>)
      tpu.yield
    }) : () -> ()
    %run_scoped3A_38 = arith.constant 8 : i32
    %run_scoped3A_39 = arith.constant 0 : i32
    "tpu.region"() ({
      %run_scoped3A_109 = tpu.sem_alloc : memref<!tpu.dma_semaphore, #tpu.memory_space<semaphore_mem>>
      %dma_start3A_110 = arith.constant 8000 : i32
      %dma_start3A_111 = tpu.memref_slice %arg21[%dma_start3A_110] : memref<10000xf32, #tpu.memory_space<vmem>> -> memref<1000xf32, #tpu.memory_space<vmem>>
      %dma_start3A_112 = arith.constant 0 : i32
      %dma_start3A_113 = tpu.memref_slice %arg3[%run_scoped3A_38, %run_scoped3A_39, %dma_start3A_112] : memref<10x2x1000xf32, #tpu.memory_space<hbm>> -> memref<1x1x1000xf32, #tpu.memory_space<hbm>>
      %dma_start3A_114 = tpu.memref_squeeze %dma_start3A_113 : memref<1x1x1000xf32, #tpu.memory_space<hbm>> -> memref<1000xf32, #tpu.memory_space<hbm>>
      %dma_start3A_115 = arith.constant 8000 : i32
      %dma_start3A_116 = tpu.memref_slice %arg21[%dma_start3A_115] : memref<10000xf32, #tpu.memory_space<vmem>> -> memref<1000xf32, #tpu.memory_space<vmem>>
      %dma_start3A_117 = arith.constant 0 : i32
      %dma_start3A_118 = tpu.memref_slice %arg3[%run_scoped3A_38, %run_scoped3A_39, %dma_start3A_117] : memref<10x2x1000xf32, #tpu.memory_space<hbm>> -> memref<1x1x1000xf32, #tpu.memory_space<hbm>>
      %dma_start3A_119 = tpu.memref_squeeze %dma_start3A_118 : memref<1x1x1000xf32, #tpu.memory_space<hbm>> -> memref<1000xf32, #tpu.memory_space<hbm>>
      tpu.enqueue_dma source(%dma_start3A_119 : memref<1000xf32, #tpu.memory_space<hbm>>) target(%dma_start3A_116 : memref<1000xf32, #tpu.memory_space<vmem>>) target_semaphore(%run_scoped3A_109 : memref<!tpu.dma_semaphore, #tpu.memory_space<semaphore_mem>>)
      %dma_wait3A_120 = arith.constant 8000 : i32
      %dma_wait3A_121 = tpu.memref_slice %arg21[%dma_wait3A_120] : memref<10000xf32, #tpu.memory_space<vmem>> -> memref<1000xf32, #tpu.memory_space<vmem>>
      %dma_wait3A_122 = arith.constant 0 : i32
      %dma_wait3A_123 = tpu.memref_slice %arg3[%run_scoped3A_38, %run_scoped3A_39, %dma_wait3A_122] : memref<10x2x1000xf32, #tpu.memory_space<hbm>> -> memref<1x1x1000xf32, #tpu.memory_space<hbm>>
      %dma_wait3A_124 = tpu.memref_squeeze %dma_wait3A_123 : memref<1x1x1000xf32, #tpu.memory_space<hbm>> -> memref<1000xf32, #tpu.memory_space<hbm>>
      %dma_wait3A_125 = arith.constant 8000 : i32
      %dma_wait3A_126 = tpu.memref_slice %arg21[%dma_wait3A_125] : memref<10000xf32, #tpu.memory_space<vmem>> -> memref<1000xf32, #tpu.memory_space<vmem>>
      %dma_wait3A_127 = arith.constant 0 : i32
      %dma_wait3A_128 = tpu.memref_slice %arg3[%run_scoped3A_38, %run_scoped3A_39, %dma_wait3A_127] : memref<10x2x1000xf32, #tpu.memory_space<hbm>> -> memref<1x1x1000xf32, #tpu.memory_space<hbm>>
      %dma_wait3A_129 = tpu.memref_squeeze %dma_wait3A_128 : memref<1x1x1000xf32, #tpu.memory_space<hbm>> -> memref<1000xf32, #tpu.memory_space<hbm>>
      tpu.wait_dma2 semaphore(%run_scoped3A_109 : memref<!tpu.dma_semaphore, #tpu.memory_space<semaphore_mem>>) src(%dma_wait3A_129 : memref<1000xf32, #tpu.memory_space<hbm>>) dst(%dma_wait3A_126 : memref<1000xf32, #tpu.memory_space<vmem>>)
      tpu.yield
    }) : () -> ()
    %run_scoped3A_40 = arith.constant 8 : i32
    %run_scoped3A_41 = arith.constant 1 : i32
    "tpu.region"() ({
      %run_scoped3A_109 = tpu.sem_alloc : memref<!tpu.dma_semaphore, #tpu.memory_space<semaphore_mem>>
      %dma_start3A_110 = arith.constant 8000 : i32
      %dma_start3A_111 = tpu.memref_slice %arg22[%dma_start3A_110] : memref<10000xf32, #tpu.memory_space<vmem>> -> memref<1000xf32, #tpu.memory_space<vmem>>
      %dma_start3A_112 = arith.constant 0 : i32
      %dma_start3A_113 = tpu.memref_slice %arg3[%run_scoped3A_40, %run_scoped3A_41, %dma_start3A_112] : memref<10x2x1000xf32, #tpu.memory_space<hbm>> -> memref<1x1x1000xf32, #tpu.memory_space<hbm>>
      %dma_start3A_114 = tpu.memref_squeeze %dma_start3A_113 : memref<1x1x1000xf32, #tpu.memory_space<hbm>> -> memref<1000xf32, #tpu.memory_space<hbm>>
      %dma_start3A_115 = arith.constant 8000 : i32
      %dma_start3A_116 = tpu.memref_slice %arg22[%dma_start3A_115] : memref<10000xf32, #tpu.memory_space<vmem>> -> memref<1000xf32, #tpu.memory_space<vmem>>
      %dma_start3A_117 = arith.constant 0 : i32
      %dma_start3A_118 = tpu.memref_slice %arg3[%run_scoped3A_40, %run_scoped3A_41, %dma_start3A_117] : memref<10x2x1000xf32, #tpu.memory_space<hbm>> -> memref<1x1x1000xf32, #tpu.memory_space<hbm>>
      %dma_start3A_119 = tpu.memref_squeeze %dma_start3A_118 : memref<1x1x1000xf32, #tpu.memory_space<hbm>> -> memref<1000xf32, #tpu.memory_space<hbm>>
      tpu.enqueue_dma source(%dma_start3A_119 : memref<1000xf32, #tpu.memory_space<hbm>>) target(%dma_start3A_116 : memref<1000xf32, #tpu.memory_space<vmem>>) target_semaphore(%run_scoped3A_109 : memref<!tpu.dma_semaphore, #tpu.memory_space<semaphore_mem>>)
      %dma_wait3A_120 = arith.constant 8000 : i32
      %dma_wait3A_121 = tpu.memref_slice %arg22[%dma_wait3A_120] : memref<10000xf32, #tpu.memory_space<vmem>> -> memref<1000xf32, #tpu.memory_space<vmem>>
      %dma_wait3A_122 = arith.constant 0 : i32
      %dma_wait3A_123 = tpu.memref_slice %arg3[%run_scoped3A_40, %run_scoped3A_41, %dma_wait3A_122] : memref<10x2x1000xf32, #tpu.memory_space<hbm>> -> memref<1x1x1000xf32, #tpu.memory_space<hbm>>
      %dma_wait3A_124 = tpu.memref_squeeze %dma_wait3A_123 : memref<1x1x1000xf32, #tpu.memory_space<hbm>> -> memref<1000xf32, #tpu.memory_space<hbm>>
      %dma_wait3A_125 = arith.constant 8000 : i32
      %dma_wait3A_126 = tpu.memref_slice %arg22[%dma_wait3A_125] : memref<10000xf32, #tpu.memory_space<vmem>> -> memref<1000xf32, #tpu.memory_space<vmem>>
      %dma_wait3A_127 = arith.constant 0 : i32
      %dma_wait3A_128 = tpu.memref_slice %arg3[%run_scoped3A_40, %run_scoped3A_41, %dma_wait3A_127] : memref<10x2x1000xf32, #tpu.memory_space<hbm>> -> memref<1x1x1000xf32, #tpu.memory_space<hbm>>
      %dma_wait3A_129 = tpu.memref_squeeze %dma_wait3A_128 : memref<1x1x1000xf32, #tpu.memory_space<hbm>> -> memref<1000xf32, #tpu.memory_space<hbm>>
      tpu.wait_dma2 semaphore(%run_scoped3A_109 : memref<!tpu.dma_semaphore, #tpu.memory_space<semaphore_mem>>) src(%dma_wait3A_129 : memref<1000xf32, #tpu.memory_space<hbm>>) dst(%dma_wait3A_126 : memref<1000xf32, #tpu.memory_space<vmem>>)
      tpu.yield
    }) : () -> ()
    %run_scoped3A_42 = arith.constant 9 : i32
    %run_scoped3A_43 = arith.constant 0 : i32
    "tpu.region"() ({
      %run_scoped3A_109 = tpu.sem_alloc : memref<!tpu.dma_semaphore, #tpu.memory_space<semaphore_mem>>
      %dma_start3A_110 = arith.constant 9000 : i32
      %dma_start3A_111 = tpu.memref_slice %arg21[%dma_start3A_110] : memref<10000xf32, #tpu.memory_space<vmem>> -> memref<1000xf32, #tpu.memory_space<vmem>>
      %dma_start3A_112 = arith.constant 0 : i32
      %dma_start3A_113 = tpu.memref_slice %arg3[%run_scoped3A_42, %run_scoped3A_43, %dma_start3A_112] : memref<10x2x1000xf32, #tpu.memory_space<hbm>> -> memref<1x1x1000xf32, #tpu.memory_space<hbm>>
      %dma_start3A_114 = tpu.memref_squeeze %dma_start3A_113 : memref<1x1x1000xf32, #tpu.memory_space<hbm>> -> memref<1000xf32, #tpu.memory_space<hbm>>
      %dma_start3A_115 = arith.constant 9000 : i32
      %dma_start3A_116 = tpu.memref_slice %arg21[%dma_start3A_115] : memref<10000xf32, #tpu.memory_space<vmem>> -> memref<1000xf32, #tpu.memory_space<vmem>>
      %dma_start3A_117 = arith.constant 0 : i32
      %dma_start3A_118 = tpu.memref_slice %arg3[%run_scoped3A_42, %run_scoped3A_43, %dma_start3A_117] : memref<10x2x1000xf32, #tpu.memory_space<hbm>> -> memref<1x1x1000xf32, #tpu.memory_space<hbm>>
      %dma_start3A_119 = tpu.memref_squeeze %dma_start3A_118 : memref<1x1x1000xf32, #tpu.memory_space<hbm>> -> memref<1000xf32, #tpu.memory_space<hbm>>
      tpu.enqueue_dma source(%dma_start3A_119 : memref<1000xf32, #tpu.memory_space<hbm>>) target(%dma_start3A_116 : memref<1000xf32, #tpu.memory_space<vmem>>) target_semaphore(%run_scoped3A_109 : memref<!tpu.dma_semaphore, #tpu.memory_space<semaphore_mem>>)
      %dma_wait3A_120 = arith.constant 9000 : i32
      %dma_wait3A_121 = tpu.memref_slice %arg21[%dma_wait3A_120] : memref<10000xf32, #tpu.memory_space<vmem>> -> memref<1000xf32, #tpu.memory_space<vmem>>
      %dma_wait3A_122 = arith.constant 0 : i32
      %dma_wait3A_123 = tpu.memref_slice %arg3[%run_scoped3A_42, %run_scoped3A_43, %dma_wait3A_122] : memref<10x2x1000xf32, #tpu.memory_space<hbm>> -> memref<1x1x1000xf32, #tpu.memory_space<hbm>>
      %dma_wait3A_124 = tpu.memref_squeeze %dma_wait3A_123 : memref<1x1x1000xf32, #tpu.memory_space<hbm>> -> memref<1000xf32, #tpu.memory_space<hbm>>
      %dma_wait3A_125 = arith.constant 9000 : i32
      %dma_wait3A_126 = tpu.memref_slice %arg21[%dma_wait3A_125] : memref<10000xf32, #tpu.memory_space<vmem>> -> memref<1000xf32, #tpu.memory_space<vmem>>
      %dma_wait3A_127 = arith.constant 0 : i32
      %dma_wait3A_128 = tpu.memref_slice %arg3[%run_scoped3A_42, %run_scoped3A_43, %dma_wait3A_127] : memref<10x2x1000xf32, #tpu.memory_space<hbm>> -> memref<1x1x1000xf32, #tpu.memory_space<hbm>>
      %dma_wait3A_129 = tpu.memref_squeeze %dma_wait3A_128 : memref<1x1x1000xf32, #tpu.memory_space<hbm>> -> memref<1000xf32, #tpu.memory_space<hbm>>
      tpu.wait_dma2 semaphore(%run_scoped3A_109 : memref<!tpu.dma_semaphore, #tpu.memory_space<semaphore_mem>>) src(%dma_wait3A_129 : memref<1000xf32, #tpu.memory_space<hbm>>) dst(%dma_wait3A_126 : memref<1000xf32, #tpu.memory_space<vmem>>)
      tpu.yield
    }) : () -> ()
    %run_scoped3A_44 = arith.constant 9 : i32
    %run_scoped3A_45 = arith.constant 1 : i32
    "tpu.region"() ({
      %run_scoped3A_109 = tpu.sem_alloc : memref<!tpu.dma_semaphore, #tpu.memory_space<semaphore_mem>>
      %dma_start3A_110 = arith.constant 9000 : i32
      %dma_start3A_111 = tpu.memref_slice %arg22[%dma_start3A_110] : memref<10000xf32, #tpu.memory_space<vmem>> -> memref<1000xf32, #tpu.memory_space<vmem>>
      %dma_start3A_112 = arith.constant 0 : i32
      %dma_start3A_113 = tpu.memref_slice %arg3[%run_scoped3A_44, %run_scoped3A_45, %dma_start3A_112] : memref<10x2x1000xf32, #tpu.memory_space<hbm>> -> memref<1x1x1000xf32, #tpu.memory_space<hbm>>
      %dma_start3A_114 = tpu.memref_squeeze %dma_start3A_113 : memref<1x1x1000xf32, #tpu.memory_space<hbm>> -> memref<1000xf32, #tpu.memory_space<hbm>>
      %dma_start3A_115 = arith.constant 9000 : i32
      %dma_start3A_116 = tpu.memref_slice %arg22[%dma_start3A_115] : memref<10000xf32, #tpu.memory_space<vmem>> -> memref<1000xf32, #tpu.memory_space<vmem>>
      %dma_start3A_117 = arith.constant 0 : i32
      %dma_start3A_118 = tpu.memref_slice %arg3[%run_scoped3A_44, %run_scoped3A_45, %dma_start3A_117] : memref<10x2x1000xf32, #tpu.memory_space<hbm>> -> memref<1x1x1000xf32, #tpu.memory_space<hbm>>
      %dma_start3A_119 = tpu.memref_squeeze %dma_start3A_118 : memref<1x1x1000xf32, #tpu.memory_space<hbm>> -> memref<1000xf32, #tpu.memory_space<hbm>>
      tpu.enqueue_dma source(%dma_start3A_119 : memref<1000xf32, #tpu.memory_space<hbm>>) target(%dma_start3A_116 : memref<1000xf32, #tpu.memory_space<vmem>>) target_semaphore(%run_scoped3A_109 : memref<!tpu.dma_semaphore, #tpu.memory_space<semaphore_mem>>)
      %dma_wait3A_120 = arith.constant 9000 : i32
      %dma_wait3A_121 = tpu.memref_slice %arg22[%dma_wait3A_120] : memref<10000xf32, #tpu.memory_space<vmem>> -> memref<1000xf32, #tpu.memory_space<vmem>>
      %dma_wait3A_122 = arith.constant 0 : i32
      %dma_wait3A_123 = tpu.memref_slice %arg3[%run_scoped3A_44, %run_scoped3A_45, %dma_wait3A_122] : memref<10x2x1000xf32, #tpu.memory_space<hbm>> -> memref<1x1x1000xf32, #tpu.memory_space<hbm>>
      %dma_wait3A_124 = tpu.memref_squeeze %dma_wait3A_123 : memref<1x1x1000xf32, #tpu.memory_space<hbm>> -> memref<1000xf32, #tpu.memory_space<hbm>>
      %dma_wait3A_125 = arith.constant 9000 : i32
      %dma_wait3A_126 = tpu.memref_slice %arg22[%dma_wait3A_125] : memref<10000xf32, #tpu.memory_space<vmem>> -> memref<1000xf32, #tpu.memory_space<vmem>>
      %dma_wait3A_127 = arith.constant 0 : i32
      %dma_wait3A_128 = tpu.memref_slice %arg3[%run_scoped3A_44, %run_scoped3A_45, %dma_wait3A_127] : memref<10x2x1000xf32, #tpu.memory_space<hbm>> -> memref<1x1x1000xf32, #tpu.memory_space<hbm>>
      %dma_wait3A_129 = tpu.memref_squeeze %dma_wait3A_128 : memref<1x1x1000xf32, #tpu.memory_space<hbm>> -> memref<1000xf32, #tpu.memory_space<hbm>>
      tpu.wait_dma2 semaphore(%run_scoped3A_109 : memref<!tpu.dma_semaphore, #tpu.memory_space<semaphore_mem>>) src(%dma_wait3A_129 : memref<1000xf32, #tpu.memory_space<hbm>>) dst(%dma_wait3A_126 : memref<1000xf32, #tpu.memory_space<vmem>>)
      tpu.yield
    }) : () -> ()
    %barrier3A = arith.constant 0 : index
    tpu.barrier barrier_id(%barrier3A)
    %dma_start3A = arith.constant 0 : i32
    %dma_start3A_46 = arith.constant 0 : i32
    %dma_start3A_47 = tpu.memref_slice %arg8[%dma_start3A, %dma_start3A_46] : memref<125x80xi32, #tpu.memory_space<vmem>> -> memref<1x80xi32, #tpu.memory_space<vmem>>
    %dma_start3A_48 = tpu.memref_squeeze %dma_start3A_47 : memref<1x80xi32, #tpu.memory_space<vmem>> -> memref<80xi32, #tpu.memory_space<vmem>>
    %dma_start3A_49 = arith.constant 0 : i32
    %dma_start3A_50 = arith.constant 0 : i32
    %dma_start3A_51 = tpu.memref_slice %arg2[%dma_start3A_49, %dma_start3A_50] : memref<10000x16xf32, #tpu.memory_space<hbm>> -> memref<10000x16xf32, #tpu.memory_space<hbm>>
    tpu.enqueue_indirect_dma source(%dma_start3A_51 : memref<10000x16xf32, #tpu.memory_space<hbm>>) target(%arg10 : memref<80x16xf32, #tpu.memory_space<vmem>>) offsets(%dma_start3A_48 : memref<80xi32, #tpu.memory_space<vmem>>) semaphore(%arg24 : memref<!tpu.dma_semaphore, #tpu.memory_space<semaphore_mem>>)
    %dma_start3A_52 = arith.constant 1 : i32
    %dma_start3A_53 = arith.constant 0 : i32
    %dma_start3A_54 = tpu.memref_slice %arg8[%dma_start3A_52, %dma_start3A_53] : memref<125x80xi32, #tpu.memory_space<vmem>> -> memref<1x80xi32, #tpu.memory_space<vmem>>
    %dma_start3A_55 = tpu.memref_squeeze %dma_start3A_54 : memref<1x80xi32, #tpu.memory_space<vmem>> -> memref<80xi32, #tpu.memory_space<vmem>>
    %dma_start3A_56 = arith.constant 0 : i32
    %dma_start3A_57 = arith.constant 0 : i32
    %dma_start3A_58 = tpu.memref_slice %arg2[%dma_start3A_56, %dma_start3A_57] : memref<10000x16xf32, #tpu.memory_space<hbm>> -> memref<10000x16xf32, #tpu.memory_space<hbm>>
    tpu.enqueue_indirect_dma source(%dma_start3A_58 : memref<10000x16xf32, #tpu.memory_space<hbm>>) target(%arg11 : memref<80x16xf32, #tpu.memory_space<vmem>>) offsets(%dma_start3A_55 : memref<80xi32, #tpu.memory_space<vmem>>) semaphore(%arg25 : memref<!tpu.dma_semaphore, #tpu.memory_space<semaphore_mem>>)
    %dma_start3A_59 = arith.constant 2 : i32
    %dma_start3A_60 = arith.constant 0 : i32
    %dma_start3A_61 = tpu.memref_slice %arg8[%dma_start3A_59, %dma_start3A_60] : memref<125x80xi32, #tpu.memory_space<vmem>> -> memref<1x80xi32, #tpu.memory_space<vmem>>
    %dma_start3A_62 = tpu.memref_squeeze %dma_start3A_61 : memref<1x80xi32, #tpu.memory_space<vmem>> -> memref<80xi32, #tpu.memory_space<vmem>>
    %dma_start3A_63 = arith.constant 0 : i32
    %dma_start3A_64 = arith.constant 0 : i32
    %dma_start3A_65 = tpu.memref_slice %arg2[%dma_start3A_63, %dma_start3A_64] : memref<10000x16xf32, #tpu.memory_space<hbm>> -> memref<10000x16xf32, #tpu.memory_space<hbm>>
    tpu.enqueue_indirect_dma source(%dma_start3A_65 : memref<10000x16xf32, #tpu.memory_space<hbm>>) target(%arg12 : memref<80x16xf32, #tpu.memory_space<vmem>>) offsets(%dma_start3A_62 : memref<80xi32, #tpu.memory_space<vmem>>) semaphore(%arg26 : memref<!tpu.dma_semaphore, #tpu.memory_space<semaphore_mem>>)
    %scan3A = arith.constant 0 : i32
    %scan3A_66 = arith.constant 25 : i32
    %scan3A_67 = arith.addi %scan3A, %scan3A_66 : i32
    %scan3A_68 = arith.constant 1 : i32
    scf.for %scan3A_109 = %scan3A to %scan3A_67 step %scan3A_68  : i32 {
      %mul3A_110 = arith.constant 1 : i32
      %mul3A_111 = arith.muli %scan3A_109, %mul3A_110 : i32
      %add3A_112 = arith.constant 0 : i32
      %add3A_113 = arith.addi %add3A_112, %mul3A_111 : i32
      %mul3A_114 = arith.constant 5 : i32
      %mul3A_115 = arith.muli %add3A_113, %mul3A_114 : i32
      %add3A_116 = arith.constant 0 : i32
      %add3A_117 = arith.addi %mul3A_115, %add3A_116 : i32
      %add3A_118 = arith.constant 3 : i32
      %add3A_119 = arith.addi %add3A_117, %add3A_118 : i32
      %lt3A = arith.constant 125 : i32
      %lt3A_120 = arith.cmpi slt, %add3A_119, %lt3A : i32
      %convert_element_type3A = arith.extui %lt3A_120 : i1 to i32
      %cond3A = arith.constant 0 : i32
      %cond3A_121 = arith.cmpi ne, %convert_element_type3A, %cond3A : i32
      scf.if %cond3A_121 {
        %ge3A = arith.constant 2 : i32
        %ge3A_635 = arith.cmpi sge, %add3A_117, %ge3A : i32
        %convert_element_type3A_636 = arith.extui %ge3A_635 : i1 to i32
        %cond3A_637 = arith.constant 0 : i32
        %cond3A_638 = arith.cmpi ne, %convert_element_type3A_636, %cond3A_637 : i32
        scf.if %cond3A_638 {
          %dma_wait3A_647 = arith.constant 0 : i32
          %dma_wait3A_648 = arith.constant 0 : i32
          %dma_wait3A_649 = tpu.memref_slice %arg9[%dma_wait3A_647, %dma_wait3A_648] : memref<125x80xi32, #tpu.memory_space<vmem>> -> memref<1x80xi32, #tpu.memory_space<vmem>>
          %dma_wait3A_650 = tpu.memref_squeeze %dma_wait3A_649 : memref<1x80xi32, #tpu.memory_space<vmem>> -> memref<80xi32, #tpu.memory_space<vmem>>
          %dma_wait3A_651 = arith.constant 0 : i32
          %dma_wait3A_652 = arith.constant 0 : i32
          %dma_wait3A_653 = tpu.memref_slice %arg23[%dma_wait3A_651, %dma_wait3A_652] : memref<10240x32xf32, #tpu.memory_space<vmem_shared>> -> memref<10240x32xf32, #tpu.memory_space<vmem_shared>>
          tpu.wait_indirect_dma semaphore(%arg32 : memref<!tpu.dma_semaphore, #tpu.memory_space<semaphore_mem>>) src(%arg18 : memref<80x32xf32, #tpu.memory_space<vmem>>) dst(%dma_wait3A_653 : memref<10240x32xf32, #tpu.memory_space<vmem_shared>>)
        } else {
        }
        %add3A_639 = arith.constant 3 : i32
        %add3A_640 = arith.addi %add3A_117, %add3A_639 : i32
        %dma_start3A_641 = arith.constant 0 : i32
        %dma_start3A_642 = tpu.memref_slice %arg8[%add3A_640, %dma_start3A_641] : memref<125x80xi32, #tpu.memory_space<vmem>> -> memref<1x80xi32, #tpu.memory_space<vmem>>
        %dma_start3A_643 = tpu.memref_squeeze %dma_start3A_642 : memref<1x80xi32, #tpu.memory_space<vmem>> -> memref<80xi32, #tpu.memory_space<vmem>>
        %dma_start3A_644 = arith.constant 0 : i32
        %dma_start3A_645 = arith.constant 0 : i32
        %dma_start3A_646 = tpu.memref_slice %arg2[%dma_start3A_644, %dma_start3A_645] : memref<10000x16xf32, #tpu.memory_space<hbm>> -> memref<10000x16xf32, #tpu.memory_space<hbm>>
        tpu.enqueue_indirect_dma source(%dma_start3A_646 : memref<10000x16xf32, #tpu.memory_space<hbm>>) target(%arg13 : memref<80x16xf32, #tpu.memory_space<vmem>>) offsets(%dma_start3A_643 : memref<80xi32, #tpu.memory_space<vmem>>) semaphore(%arg27 : memref<!tpu.dma_semaphore, #tpu.memory_space<semaphore_mem>>)
      } else {
      }
      %get3A = arith.index_cast %add3A_117 : i32 to index
      %get3A_122 = arith.constant 0 : index
      %get3A_123 = tpu.vector_load %arg8[%get3A, %get3A_122] {strides = array<i32>} : memref<125x80xi32, #tpu.memory_space<vmem>>, vector<16xi32>,
      %get3A_124 = arith.index_cast %add3A_117 : i32 to index
      %get3A_125 = arith.constant 0 : index
      %get3A_126 = tpu.vector_load %arg9[%get3A_124, %get3A_125] {strides = array<i32>} : memref<125x80xi32, #tpu.memory_space<vmem>>, vector<16xi32>,
      %gather3A = tpu.vector_load_idx %arg21[%get3A_123] : memref<10000xf32, #tpu.memory_space<vmem>>[vector<16xi32>], vector<16xf32>,
      %gather3A_127 = tpu.vector_load_idx %arg22[%get3A_126] : memref<10000xf32, #tpu.memory_space<vmem>>[vector<16xi32>], vector<16xf32>,
      %add3A_128 = arith.addf %gather3A, %gather3A_127 : vector<16xf32>
      %mul3A_129 = arith.constant 2.000000e-01 : f32
      %mul3A_130 = vector.broadcast %mul3A_129 : f32 to vector<16xf32>
      %mul3A_131 = arith.mulf %mul3A_130, %add3A_128 : vector<16xf32>
      %max3A = arith.maximumf %add3A_128, %mul3A_131 : vector<16xf32>
      %exp3A = math.exp %max3A : vector<16xf32>
      %swap3A = arith.constant 0 : index
      %swap3A_132 = tpu.vector_load %arg20[%swap3A] {strides = array<i32>} : memref<80xf32, #tpu.memory_space<vmem>>, vector<16xf32>,
      tpu.vector_store %arg20[%swap3A], %exp3A {strides = array<i32>} : memref<80xf32, #tpu.memory_space<vmem>>, vector<16xf32>,
      %get3A_133 = arith.index_cast %add3A_117 : i32 to index
      %get3A_134 = arith.constant 16 : index
      %get3A_135 = tpu.vector_load %arg8[%get3A_133, %get3A_134] {strides = array<i32>} : memref<125x80xi32, #tpu.memory_space<vmem>>, vector<16xi32>,
      %get3A_136 = arith.index_cast %add3A_117 : i32 to index
      %get3A_137 = arith.constant 16 : index
      %get3A_138 = tpu.vector_load %arg9[%get3A_136, %get3A_137] {strides = array<i32>} : memref<125x80xi32, #tpu.memory_space<vmem>>, vector<16xi32>,
      %gather3A_139 = tpu.vector_load_idx %arg21[%get3A_135] : memref<10000xf32, #tpu.memory_space<vmem>>[vector<16xi32>], vector<16xf32>,
      %gather3A_140 = tpu.vector_load_idx %arg22[%get3A_138] : memref<10000xf32, #tpu.memory_space<vmem>>[vector<16xi32>], vector<16xf32>,
      %add3A_141 = arith.addf %gather3A_139, %gather3A_140 : vector<16xf32>
      %mul3A_142 = arith.constant 2.000000e-01 : f32
      %mul3A_143 = vector.broadcast %mul3A_142 : f32 to vector<16xf32>
      %mul3A_144 = arith.mulf %mul3A_143, %add3A_141 : vector<16xf32>
      %max3A_145 = arith.maximumf %add3A_141, %mul3A_144 : vector<16xf32>
      %exp3A_146 = math.exp %max3A_145 : vector<16xf32>
      %swap3A_147 = arith.constant 16 : index
      %swap3A_148 = tpu.vector_load %arg20[%swap3A_147] {strides = array<i32>} : memref<80xf32, #tpu.memory_space<vmem>>, vector<16xf32>,
      tpu.vector_store %arg20[%swap3A_147], %exp3A_146 {strides = array<i32>} : memref<80xf32, #tpu.memory_space<vmem>>, vector<16xf32>,
      %get3A_149 = arith.index_cast %add3A_117 : i32 to index
      %get3A_150 = arith.constant 32 : index
      %get3A_151 = tpu.vector_load %arg8[%get3A_149, %get3A_150] {strides = array<i32>} : memref<125x80xi32, #tpu.memory_space<vmem>>, vector<16xi32>,
      %get3A_152 = arith.index_cast %add3A_117 : i32 to index
      %get3A_153 = arith.constant 32 : index
      %get3A_154 = tpu.vector_load %arg9[%get3A_152, %get3A_153] {strides = array<i32>} : memref<125x80xi32, #tpu.memory_space<vmem>>, vector<16xi32>,
      %gather3A_155 = tpu.vector_load_idx %arg21[%get3A_151] : memref<10000xf32, #tpu.memory_space<vmem>>[vector<16xi32>], vector<16xf32>,
      %gather3A_156 = tpu.vector_load_idx %arg22[%get3A_154] : memref<10000xf32, #tpu.memory_space<vmem>>[vector<16xi32>], vector<16xf32>,
      %add3A_157 = arith.addf %gather3A_155, %gather3A_156 : vector<16xf32>
      %mul3A_158 = arith.constant 2.000000e-01 : f32
      %mul3A_159 = vector.broadcast %mul3A_158 : f32 to vector<16xf32>
      %mul3A_160 = arith.mulf %mul3A_159, %add3A_157 : vector<16xf32>
      %max3A_161 = arith.maximumf %add3A_157, %mul3A_160 : vector<16xf32>
      %exp3A_162 = math.exp %max3A_161 : vector<16xf32>
      %swap3A_163 = arith.constant 32 : index
      %swap3A_164 = tpu.vector_load %arg20[%swap3A_163] {strides = array<i32>} : memref<80xf32, #tpu.memory_space<vmem>>, vector<16xf32>,
      tpu.vector_store %arg20[%swap3A_163], %exp3A_162 {strides = array<i32>} : memref<80xf32, #tpu.memory_space<vmem>>, vector<16xf32>,
      %get3A_165 = arith.index_cast %add3A_117 : i32 to index
      %get3A_166 = arith.constant 48 : index
      %get3A_167 = tpu.vector_load %arg8[%get3A_165, %get3A_166] {strides = array<i32>} : memref<125x80xi32, #tpu.memory_space<vmem>>, vector<16xi32>,
      %get3A_168 = arith.index_cast %add3A_117 : i32 to index
      %get3A_169 = arith.constant 48 : index
      %get3A_170 = tpu.vector_load %arg9[%get3A_168, %get3A_169] {strides = array<i32>} : memref<125x80xi32, #tpu.memory_space<vmem>>, vector<16xi32>,
      %gather3A_171 = tpu.vector_load_idx %arg21[%get3A_167] : memref<10000xf32, #tpu.memory_space<vmem>>[vector<16xi32>], vector<16xf32>,
      %gather3A_172 = tpu.vector_load_idx %arg22[%get3A_170] : memref<10000xf32, #tpu.memory_space<vmem>>[vector<16xi32>], vector<16xf32>,
      %add3A_173 = arith.addf %gather3A_171, %gather3A_172 : vector<16xf32>
      %mul3A_174 = arith.constant 2.000000e-01 : f32
      %mul3A_175 = vector.broadcast %mul3A_174 : f32 to vector<16xf32>
      %mul3A_176 = arith.mulf %mul3A_175, %add3A_173 : vector<16xf32>
      %max3A_177 = arith.maximumf %add3A_173, %mul3A_176 : vector<16xf32>
      %exp3A_178 = math.exp %max3A_177 : vector<16xf32>
      %swap3A_179 = arith.constant 48 : index
      %swap3A_180 = tpu.vector_load %arg20[%swap3A_179] {strides = array<i32>} : memref<80xf32, #tpu.memory_space<vmem>>, vector<16xf32>,
      tpu.vector_store %arg20[%swap3A_179], %exp3A_178 {strides = array<i32>} : memref<80xf32, #tpu.memory_space<vmem>>, vector<16xf32>,
      %get3A_181 = arith.index_cast %add3A_117 : i32 to index
      %get3A_182 = arith.constant 64 : index
      %get3A_183 = tpu.vector_load %arg8[%get3A_181, %get3A_182] {strides = array<i32>} : memref<125x80xi32, #tpu.memory_space<vmem>>, vector<16xi32>,
      %get3A_184 = arith.index_cast %add3A_117 : i32 to index
      %get3A_185 = arith.constant 64 : index
      %get3A_186 = tpu.vector_load %arg9[%get3A_184, %get3A_185] {strides = array<i32>} : memref<125x80xi32, #tpu.memory_space<vmem>>, vector<16xi32>,
      %gather3A_187 = tpu.vector_load_idx %arg21[%get3A_183] : memref<10000xf32, #tpu.memory_space<vmem>>[vector<16xi32>], vector<16xf32>,
      %gather3A_188 = tpu.vector_load_idx %arg22[%get3A_186] : memref<10000xf32, #tpu.memory_space<vmem>>[vector<16xi32>], vector<16xf32>,
      %add3A_189 = arith.addf %gather3A_187, %gather3A_188 : vector<16xf32>
      %mul3A_190 = arith.constant 2.000000e-01 : f32
      %mul3A_191 = vector.broadcast %mul3A_190 : f32 to vector<16xf32>
      %mul3A_192 = arith.mulf %mul3A_191, %add3A_189 : vector<16xf32>
      %max3A_193 = arith.maximumf %add3A_189, %mul3A_192 : vector<16xf32>
      %exp3A_194 = math.exp %max3A_193 : vector<16xf32>
      %swap3A_195 = arith.constant 64 : index
      %swap3A_196 = tpu.vector_load %arg20[%swap3A_195] {strides = array<i32>} : memref<80xf32, #tpu.memory_space<vmem>>, vector<16xf32>,
      tpu.vector_store %arg20[%swap3A_195], %exp3A_194 {strides = array<i32>} : memref<80xf32, #tpu.memory_space<vmem>>, vector<16xf32>,
      %dma_wait3A_197 = arith.constant 0 : i32
      %dma_wait3A_198 = tpu.memref_slice %arg8[%add3A_117, %dma_wait3A_197] : memref<125x80xi32, #tpu.memory_space<vmem>> -> memref<1x80xi32, #tpu.memory_space<vmem>>
      %dma_wait3A_199 = tpu.memref_squeeze %dma_wait3A_198 : memref<1x80xi32, #tpu.memory_space<vmem>> -> memref<80xi32, #tpu.memory_space<vmem>>
      %dma_wait3A_200 = arith.constant 0 : i32
      %dma_wait3A_201 = arith.constant 0 : i32
      %dma_wait3A_202 = tpu.memref_slice %arg2[%dma_wait3A_200, %dma_wait3A_201] : memref<10000x16xf32, #tpu.memory_space<hbm>> -> memref<10000x16xf32, #tpu.memory_space<hbm>>
      tpu.wait_indirect_dma semaphore(%arg24 : memref<!tpu.dma_semaphore, #tpu.memory_space<semaphore_mem>>) src(%dma_wait3A_202 : memref<10000x16xf32, #tpu.memory_space<hbm>>) dst(%arg10 : memref<80x16xf32, #tpu.memory_space<vmem>>)
      %parallel_loop3A = arith.constant 0 : i32
      %parallel_loop3A_203 = arith.constant 80 : i32
      %parallel_loop3A_204 = arith.constant 1 : i32
      scf.for %parallel_loop3A_635 = %parallel_loop3A to %parallel_loop3A_203 step %parallel_loop3A_204  : i32 {
        %parallel_loop3A_636 = arith.constant 0 : i32
        %parallel_loop3A_637 = vector.broadcast %parallel_loop3A_636 : i32 to vector<16xi32>
        %parallel_loop3A_638 = vector.broadcast %parallel_loop3A_635 : i32 to vector<16xi32>
        %parallel_loop3A_639 = arith.addi %parallel_loop3A_638, %parallel_loop3A_637 : vector<16xi32>
        %parallel_loop3A_640 = tpu.vector_load_idx %arg20[%parallel_loop3A_639] : memref<80xf32, #tpu.memory_space<vmem>>[vector<16xi32>], vector<16xf32>,
        %parallel_loop3A_641 = arith.index_cast %parallel_loop3A_635 : i32 to index
        %parallel_loop3A_642 = arith.constant 0 : index
        %parallel_loop3A_643 = tpu.vector_load %arg10[%parallel_loop3A_641, %parallel_loop3A_642] {strides = array<i32>} : memref<80x16xf32, #tpu.memory_space<vmem>>, vector<16xf32>,
        %parallel_loop3A_644 = arith.mulf %parallel_loop3A_643, %parallel_loop3A_640 : vector<16xf32>
        %parallel_loop3A_645 = arith.index_cast %parallel_loop3A_635 : i32 to index
        %parallel_loop3A_646 = arith.constant 0 : index
        %parallel_loop3A_647 = tpu.vector_load %arg15[%parallel_loop3A_645, %parallel_loop3A_646] {strides = array<i32>} : memref<80x32xf32, #tpu.memory_space<vmem>>, vector<16xf32>,
        tpu.vector_store %arg15[%parallel_loop3A_645, %parallel_loop3A_646], %parallel_loop3A_644 {strides = array<i32>} : memref<80x32xf32, #tpu.memory_space<vmem>>, vector<16xf32>,
        %parallel_loop3A_648 = arith.index_cast %parallel_loop3A_635 : i32 to index
        %parallel_loop3A_649 = arith.constant 16 : index
        %parallel_loop3A_650 = tpu.vector_load %arg15[%parallel_loop3A_648, %parallel_loop3A_649] {strides = array<i32>} : memref<80x32xf32, #tpu.memory_space<vmem>>, vector<16xf32>,
        tpu.vector_store %arg15[%parallel_loop3A_648, %parallel_loop3A_649], %parallel_loop3A_640 {strides = array<i32>} : memref<80x32xf32, #tpu.memory_space<vmem>>, vector<16xf32>,
      } {sc.loop_unroll_factor = 4 : i64, sc.parallel_access}
      %dma_start3A_205 = arith.constant 0 : i32
      %dma_start3A_206 = tpu.memref_slice %arg9[%add3A_117, %dma_start3A_205] : memref<125x80xi32, #tpu.memory_space<vmem>> -> memref<1x80xi32, #tpu.memory_space<vmem>>
      %dma_start3A_207 = tpu.memref_squeeze %dma_start3A_206 : memref<1x80xi32, #tpu.memory_space<vmem>> -> memref<80xi32, #tpu.memory_space<vmem>>
      %dma_start3A_208 = arith.constant 0 : i32
      %dma_start3A_209 = arith.constant 0 : i32
      %dma_start3A_210 = tpu.memref_slice %arg23[%dma_start3A_208, %dma_start3A_209] : memref<10240x32xf32, #tpu.memory_space<vmem_shared>> -> memref<10240x32xf32, #tpu.memory_space<vmem_shared>>
      tpu.enqueue_indirect_dma source(%arg15 : memref<80x32xf32, #tpu.memory_space<vmem>>) target(%dma_start3A_210 : memref<10240x32xf32, #tpu.memory_space<vmem_shared>>) offsets(%dma_start3A_207 : memref<80xi32, #tpu.memory_space<vmem>>) semaphore(%arg29 : memref<!tpu.dma_semaphore, #tpu.memory_space<semaphore_mem>>) {add = true}
      %mul3A_211 = arith.constant 5 : i32
      %mul3A_212 = arith.muli %add3A_113, %mul3A_211 : i32
      %add3A_213 = arith.constant 1 : i32
      %add3A_214 = arith.addi %mul3A_212, %add3A_213 : i32
      %add3A_215 = arith.constant 3 : i32
      %add3A_216 = arith.addi %add3A_214, %add3A_215 : i32
      %lt3A_217 = arith.constant 125 : i32
      %lt3A_218 = arith.cmpi slt, %add3A_216, %lt3A_217 : i32
      %convert_element_type3A_219 = arith.extui %lt3A_218 : i1 to i32
      %cond3A_220 = arith.constant 0 : i32
      %cond3A_221 = arith.cmpi ne, %convert_element_type3A_219, %cond3A_220 : i32
      scf.if %cond3A_221 {
        %ge3A = arith.constant 2 : i32
        %ge3A_635 = arith.cmpi sge, %add3A_214, %ge3A : i32
        %convert_element_type3A_636 = arith.extui %ge3A_635 : i1 to i32
        %cond3A_637 = arith.constant 0 : i32
        %cond3A_638 = arith.cmpi ne, %convert_element_type3A_636, %cond3A_637 : i32
        scf.if %cond3A_638 {
          %dma_wait3A_647 = arith.constant 0 : i32
          %dma_wait3A_648 = arith.constant 0 : i32
          %dma_wait3A_649 = tpu.memref_slice %arg9[%dma_wait3A_647, %dma_wait3A_648] : memref<125x80xi32, #tpu.memory_space<vmem>> -> memref<1x80xi32, #tpu.memory_space<vmem>>
          %dma_wait3A_650 = tpu.memref_squeeze %dma_wait3A_649 : memref<1x80xi32, #tpu.memory_space<vmem>> -> memref<80xi32, #tpu.memory_space<vmem>>
          %dma_wait3A_651 = arith.constant 0 : i32
          %dma_wait3A_652 = arith.constant 0 : i32
          %dma_wait3A_653 = tpu.memref_slice %arg23[%dma_wait3A_651, %dma_wait3A_652] : memref<10240x32xf32, #tpu.memory_space<vmem_shared>> -> memref<10240x32xf32, #tpu.memory_space<vmem_shared>>
          tpu.wait_indirect_dma semaphore(%arg33 : memref<!tpu.dma_semaphore, #tpu.memory_space<semaphore_mem>>) src(%arg19 : memref<80x32xf32, #tpu.memory_space<vmem>>) dst(%dma_wait3A_653 : memref<10240x32xf32, #tpu.memory_space<vmem_shared>>)
        } else {
        }
        %add3A_639 = arith.constant 3 : i32
        %add3A_640 = arith.addi %add3A_214, %add3A_639 : i32
        %dma_start3A_641 = arith.constant 0 : i32
        %dma_start3A_642 = tpu.memref_slice %arg8[%add3A_640, %dma_start3A_641] : memref<125x80xi32, #tpu.memory_space<vmem>> -> memref<1x80xi32, #tpu.memory_space<vmem>>
        %dma_start3A_643 = tpu.memref_squeeze %dma_start3A_642 : memref<1x80xi32, #tpu.memory_space<vmem>> -> memref<80xi32, #tpu.memory_space<vmem>>
        %dma_start3A_644 = arith.constant 0 : i32
        %dma_start3A_645 = arith.constant 0 : i32
        %dma_start3A_646 = tpu.memref_slice %arg2[%dma_start3A_644, %dma_start3A_645] : memref<10000x16xf32, #tpu.memory_space<hbm>> -> memref<10000x16xf32, #tpu.memory_space<hbm>>
        tpu.enqueue_indirect_dma source(%dma_start3A_646 : memref<10000x16xf32, #tpu.memory_space<hbm>>) target(%arg14 : memref<80x16xf32, #tpu.memory_space<vmem>>) offsets(%dma_start3A_643 : memref<80xi32, #tpu.memory_space<vmem>>) semaphore(%arg28 : memref<!tpu.dma_semaphore, #tpu.memory_space<semaphore_mem>>)
      } else {
      }
      %get3A_222 = arith.index_cast %add3A_214 : i32 to index
      %get3A_223 = arith.constant 0 : index
      %get3A_224 = tpu.vector_load %arg8[%get3A_222, %get3A_223] {strides = array<i32>} : memref<125x80xi32, #tpu.memory_space<vmem>>, vector<16xi32>,
      %get3A_225 = arith.index_cast %add3A_214 : i32 to index
      %get3A_226 = arith.constant 0 : index
      %get3A_227 = tpu.vector_load %arg9[%get3A_225, %get3A_226] {strides = array<i32>} : memref<125x80xi32, #tpu.memory_space<vmem>>, vector<16xi32>,
      %gather3A_228 = tpu.vector_load_idx %arg21[%get3A_224] : memref<10000xf32, #tpu.memory_space<vmem>>[vector<16xi32>], vector<16xf32>,
      %gather3A_229 = tpu.vector_load_idx %arg22[%get3A_227] : memref<10000xf32, #tpu.memory_space<vmem>>[vector<16xi32>], vector<16xf32>,
      %add3A_230 = arith.addf %gather3A_228, %gather3A_229 : vector<16xf32>
      %mul3A_231 = arith.constant 2.000000e-01 : f32
      %mul3A_232 = vector.broadcast %mul3A_231 : f32 to vector<16xf32>
      %mul3A_233 = arith.mulf %mul3A_232, %add3A_230 : vector<16xf32>
      %max3A_234 = arith.maximumf %add3A_230, %mul3A_233 : vector<16xf32>
      %exp3A_235 = math.exp %max3A_234 : vector<16xf32>
      %swap3A_236 = arith.constant 0 : index
      %swap3A_237 = tpu.vector_load %arg20[%swap3A_236] {strides = array<i32>} : memref<80xf32, #tpu.memory_space<vmem>>, vector<16xf32>,
      tpu.vector_store %arg20[%swap3A_236], %exp3A_235 {strides = array<i32>} : memref<80xf32, #tpu.memory_space<vmem>>, vector<16xf32>,
      %get3A_238 = arith.index_cast %add3A_214 : i32 to index
      %get3A_239 = arith.constant 16 : index
      %get3A_240 = tpu.vector_load %arg8[%get3A_238, %get3A_239] {strides = array<i32>} : memref<125x80xi32, #tpu.memory_space<vmem>>, vector<16xi32>,
      %get3A_241 = arith.index_cast %add3A_214 : i32 to index
      %get3A_242 = arith.constant 16 : index
      %get3A_243 = tpu.vector_load %arg9[%get3A_241, %get3A_242] {strides = array<i32>} : memref<125x80xi32, #tpu.memory_space<vmem>>, vector<16xi32>,
      %gather3A_244 = tpu.vector_load_idx %arg21[%get3A_240] : memref<10000xf32, #tpu.memory_space<vmem>>[vector<16xi32>], vector<16xf32>,
      %gather3A_245 = tpu.vector_load_idx %arg22[%get3A_243] : memref<10000xf32, #tpu.memory_space<vmem>>[vector<16xi32>], vector<16xf32>,
      %add3A_246 = arith.addf %gather3A_244, %gather3A_245 : vector<16xf32>
      %mul3A_247 = arith.constant 2.000000e-01 : f32
      %mul3A_248 = vector.broadcast %mul3A_247 : f32 to vector<16xf32>
      %mul3A_249 = arith.mulf %mul3A_248, %add3A_246 : vector<16xf32>
      %max3A_250 = arith.maximumf %add3A_246, %mul3A_249 : vector<16xf32>
      %exp3A_251 = math.exp %max3A_250 : vector<16xf32>
      %swap3A_252 = arith.constant 16 : index
      %swap3A_253 = tpu.vector_load %arg20[%swap3A_252] {strides = array<i32>} : memref<80xf32, #tpu.memory_space<vmem>>, vector<16xf32>,
      tpu.vector_store %arg20[%swap3A_252], %exp3A_251 {strides = array<i32>} : memref<80xf32, #tpu.memory_space<vmem>>, vector<16xf32>,
      %get3A_254 = arith.index_cast %add3A_214 : i32 to index
      %get3A_255 = arith.constant 32 : index
      %get3A_256 = tpu.vector_load %arg8[%get3A_254, %get3A_255] {strides = array<i32>} : memref<125x80xi32, #tpu.memory_space<vmem>>, vector<16xi32>,
      %get3A_257 = arith.index_cast %add3A_214 : i32 to index
      %get3A_258 = arith.constant 32 : index
      %get3A_259 = tpu.vector_load %arg9[%get3A_257, %get3A_258] {strides = array<i32>} : memref<125x80xi32, #tpu.memory_space<vmem>>, vector<16xi32>,
      %gather3A_260 = tpu.vector_load_idx %arg21[%get3A_256] : memref<10000xf32, #tpu.memory_space<vmem>>[vector<16xi32>], vector<16xf32>,
      %gather3A_261 = tpu.vector_load_idx %arg22[%get3A_259] : memref<10000xf32, #tpu.memory_space<vmem>>[vector<16xi32>], vector<16xf32>,
      %add3A_262 = arith.addf %gather3A_260, %gather3A_261 : vector<16xf32>
      %mul3A_263 = arith.constant 2.000000e-01 : f32
      %mul3A_264 = vector.broadcast %mul3A_263 : f32 to vector<16xf32>
      %mul3A_265 = arith.mulf %mul3A_264, %add3A_262 : vector<16xf32>
      %max3A_266 = arith.maximumf %add3A_262, %mul3A_265 : vector<16xf32>
      %exp3A_267 = math.exp %max3A_266 : vector<16xf32>
      %swap3A_268 = arith.constant 32 : index
      %swap3A_269 = tpu.vector_load %arg20[%swap3A_268] {strides = array<i32>} : memref<80xf32, #tpu.memory_space<vmem>>, vector<16xf32>,
      tpu.vector_store %arg20[%swap3A_268], %exp3A_267 {strides = array<i32>} : memref<80xf32, #tpu.memory_space<vmem>>, vector<16xf32>,
      %get3A_270 = arith.index_cast %add3A_214 : i32 to index
      %get3A_271 = arith.constant 48 : index
      %get3A_272 = tpu.vector_load %arg8[%get3A_270, %get3A_271] {strides = array<i32>} : memref<125x80xi32, #tpu.memory_space<vmem>>, vector<16xi32>,
      %get3A_273 = arith.index_cast %add3A_214 : i32 to index
      %get3A_274 = arith.constant 48 : index
      %get3A_275 = tpu.vector_load %arg9[%get3A_273, %get3A_274] {strides = array<i32>} : memref<125x80xi32, #tpu.memory_space<vmem>>, vector<16xi32>,
      %gather3A_276 = tpu.vector_load_idx %arg21[%get3A_272] : memref<10000xf32, #tpu.memory_space<vmem>>[vector<16xi32>], vector<16xf32>,
      %gather3A_277 = tpu.vector_load_idx %arg22[%get3A_275] : memref<10000xf32, #tpu.memory_space<vmem>>[vector<16xi32>], vector<16xf32>,
      %add3A_278 = arith.addf %gather3A_276, %gather3A_277 : vector<16xf32>
      %mul3A_279 = arith.constant 2.000000e-01 : f32
      %mul3A_280 = vector.broadcast %mul3A_279 : f32 to vector<16xf32>
      %mul3A_281 = arith.mulf %mul3A_280, %add3A_278 : vector<16xf32>
      %max3A_282 = arith.maximumf %add3A_278, %mul3A_281 : vector<16xf32>
      %exp3A_283 = math.exp %max3A_282 : vector<16xf32>
      %swap3A_284 = arith.constant 48 : index
      %swap3A_285 = tpu.vector_load %arg20[%swap3A_284] {strides = array<i32>} : memref<80xf32, #tpu.memory_space<vmem>>, vector<16xf32>,
      tpu.vector_store %arg20[%swap3A_284], %exp3A_283 {strides = array<i32>} : memref<80xf32, #tpu.memory_space<vmem>>, vector<16xf32>,
      %get3A_286 = arith.index_cast %add3A_214 : i32 to index
      %get3A_287 = arith.constant 64 : index
      %get3A_288 = tpu.vector_load %arg8[%get3A_286, %get3A_287] {strides = array<i32>} : memref<125x80xi32, #tpu.memory_space<vmem>>, vector<16xi32>,
      %get3A_289 = arith.index_cast %add3A_214 : i32 to index
      %get3A_290 = arith.constant 64 : index
      %get3A_291 = tpu.vector_load %arg9[%get3A_289, %get3A_290] {strides = array<i32>} : memref<125x80xi32, #tpu.memory_space<vmem>>, vector<16xi32>,
      %gather3A_292 = tpu.vector_load_idx %arg21[%get3A_288] : memref<10000xf32, #tpu.memory_space<vmem>>[vector<16xi32>], vector<16xf32>,
      %gather3A_293 = tpu.vector_load_idx %arg22[%get3A_291] : memref<10000xf32, #tpu.memory_space<vmem>>[vector<16xi32>], vector<16xf32>,
      %add3A_294 = arith.addf %gather3A_292, %gather3A_293 : vector<16xf32>
      %mul3A_295 = arith.constant 2.000000e-01 : f32
      %mul3A_296 = vector.broadcast %mul3A_295 : f32 to vector<16xf32>
      %mul3A_297 = arith.mulf %mul3A_296, %add3A_294 : vector<16xf32>
      %max3A_298 = arith.maximumf %add3A_294, %mul3A_297 : vector<16xf32>
      %exp3A_299 = math.exp %max3A_298 : vector<16xf32>
      %swap3A_300 = arith.constant 64 : index
      %swap3A_301 = tpu.vector_load %arg20[%swap3A_300] {strides = array<i32>} : memref<80xf32, #tpu.memory_space<vmem>>, vector<16xf32>,
      tpu.vector_store %arg20[%swap3A_300], %exp3A_299 {strides = array<i32>} : memref<80xf32, #tpu.memory_space<vmem>>, vector<16xf32>,
      %dma_wait3A_302 = arith.constant 0 : i32
      %dma_wait3A_303 = tpu.memref_slice %arg8[%add3A_214, %dma_wait3A_302] : memref<125x80xi32, #tpu.memory_space<vmem>> -> memref<1x80xi32, #tpu.memory_space<vmem>>
      %dma_wait3A_304 = tpu.memref_squeeze %dma_wait3A_303 : memref<1x80xi32, #tpu.memory_space<vmem>> -> memref<80xi32, #tpu.memory_space<vmem>>
      %dma_wait3A_305 = arith.constant 0 : i32
      %dma_wait3A_306 = arith.constant 0 : i32
      %dma_wait3A_307 = tpu.memref_slice %arg2[%dma_wait3A_305, %dma_wait3A_306] : memref<10000x16xf32, #tpu.memory_space<hbm>> -> memref<10000x16xf32, #tpu.memory_space<hbm>>
      tpu.wait_indirect_dma semaphore(%arg25 : memref<!tpu.dma_semaphore, #tpu.memory_space<semaphore_mem>>) src(%dma_wait3A_307 : memref<10000x16xf32, #tpu.memory_space<hbm>>) dst(%arg11 : memref<80x16xf32, #tpu.memory_space<vmem>>)
      %parallel_loop3A_308 = arith.constant 0 : i32
      %parallel_loop3A_309 = arith.constant 80 : i32
      %parallel_loop3A_310 = arith.constant 1 : i32
      scf.for %parallel_loop3A_635 = %parallel_loop3A_308 to %parallel_loop3A_309 step %parallel_loop3A_310  : i32 {
        %parallel_loop3A_636 = arith.constant 0 : i32
        %parallel_loop3A_637 = vector.broadcast %parallel_loop3A_636 : i32 to vector<16xi32>
        %parallel_loop3A_638 = vector.broadcast %parallel_loop3A_635 : i32 to vector<16xi32>
        %parallel_loop3A_639 = arith.addi %parallel_loop3A_638, %parallel_loop3A_637 : vector<16xi32>
        %parallel_loop3A_640 = tpu.vector_load_idx %arg20[%parallel_loop3A_639] : memref<80xf32, #tpu.memory_space<vmem>>[vector<16xi32>], vector<16xf32>,
        %parallel_loop3A_641 = arith.index_cast %parallel_loop3A_635 : i32 to index
        %parallel_loop3A_642 = arith.constant 0 : index
        %parallel_loop3A_643 = tpu.vector_load %arg11[%parallel_loop3A_641, %parallel_loop3A_642] {strides = array<i32>} : memref<80x16xf32, #tpu.memory_space<vmem>>, vector<16xf32>,
        %parallel_loop3A_644 = arith.mulf %parallel_loop3A_643, %parallel_loop3A_640 : vector<16xf32>
        %parallel_loop3A_645 = arith.index_cast %parallel_loop3A_635 : i32 to index
        %parallel_loop3A_646 = arith.constant 0 : index
        %parallel_loop3A_647 = tpu.vector_load %arg16[%parallel_loop3A_645, %parallel_loop3A_646] {strides = array<i32>} : memref<80x32xf32, #tpu.memory_space<vmem>>, vector<16xf32>,
        tpu.vector_store %arg16[%parallel_loop3A_645, %parallel_loop3A_646], %parallel_loop3A_644 {strides = array<i32>} : memref<80x32xf32, #tpu.memory_space<vmem>>, vector<16xf32>,
        %parallel_loop3A_648 = arith.index_cast %parallel_loop3A_635 : i32 to index
        %parallel_loop3A_649 = arith.constant 16 : index
        %parallel_loop3A_650 = tpu.vector_load %arg16[%parallel_loop3A_648, %parallel_loop3A_649] {strides = array<i32>} : memref<80x32xf32, #tpu.memory_space<vmem>>, vector<16xf32>,
        tpu.vector_store %arg16[%parallel_loop3A_648, %parallel_loop3A_649], %parallel_loop3A_640 {strides = array<i32>} : memref<80x32xf32, #tpu.memory_space<vmem>>, vector<16xf32>,
      } {sc.loop_unroll_factor = 4 : i64, sc.parallel_access}
      %dma_start3A_311 = arith.constant 0 : i32
      %dma_start3A_312 = tpu.memref_slice %arg9[%add3A_214, %dma_start3A_311] : memref<125x80xi32, #tpu.memory_space<vmem>> -> memref<1x80xi32, #tpu.memory_space<vmem>>
      %dma_start3A_313 = tpu.memref_squeeze %dma_start3A_312 : memref<1x80xi32, #tpu.memory_space<vmem>> -> memref<80xi32, #tpu.memory_space<vmem>>
      %dma_start3A_314 = arith.constant 0 : i32
      %dma_start3A_315 = arith.constant 0 : i32
      %dma_start3A_316 = tpu.memref_slice %arg23[%dma_start3A_314, %dma_start3A_315] : memref<10240x32xf32, #tpu.memory_space<vmem_shared>> -> memref<10240x32xf32, #tpu.memory_space<vmem_shared>>
      tpu.enqueue_indirect_dma source(%arg16 : memref<80x32xf32, #tpu.memory_space<vmem>>) target(%dma_start3A_316 : memref<10240x32xf32, #tpu.memory_space<vmem_shared>>) offsets(%dma_start3A_313 : memref<80xi32, #tpu.memory_space<vmem>>) semaphore(%arg30 : memref<!tpu.dma_semaphore, #tpu.memory_space<semaphore_mem>>) {add = true}
      %mul3A_317 = arith.constant 5 : i32
      %mul3A_318 = arith.muli %add3A_113, %mul3A_317 : i32
      %add3A_319 = arith.constant 2 : i32
      %add3A_320 = arith.addi %mul3A_318, %add3A_319 : i32
      %add3A_321 = arith.constant 3 : i32
      %add3A_322 = arith.addi %add3A_320, %add3A_321 : i32
      %lt3A_323 = arith.constant 125 : i32
      %lt3A_324 = arith.cmpi slt, %add3A_322, %lt3A_323 : i32
      %convert_element_type3A_325 = arith.extui %lt3A_324 : i1 to i32
      %cond3A_326 = arith.constant 0 : i32
      %cond3A_327 = arith.cmpi ne, %convert_element_type3A_325, %cond3A_326 : i32
      scf.if %cond3A_327 {
        %ge3A = arith.constant 2 : i32
        %ge3A_635 = arith.cmpi sge, %add3A_320, %ge3A : i32
        %convert_element_type3A_636 = arith.extui %ge3A_635 : i1 to i32
        %cond3A_637 = arith.constant 0 : i32
        %cond3A_638 = arith.cmpi ne, %convert_element_type3A_636, %cond3A_637 : i32
        scf.if %cond3A_638 {
          %dma_wait3A_647 = arith.constant 0 : i32
          %dma_wait3A_648 = arith.constant 0 : i32
          %dma_wait3A_649 = tpu.memref_slice %arg9[%dma_wait3A_647, %dma_wait3A_648] : memref<125x80xi32, #tpu.memory_space<vmem>> -> memref<1x80xi32, #tpu.memory_space<vmem>>
          %dma_wait3A_650 = tpu.memref_squeeze %dma_wait3A_649 : memref<1x80xi32, #tpu.memory_space<vmem>> -> memref<80xi32, #tpu.memory_space<vmem>>
          %dma_wait3A_651 = arith.constant 0 : i32
          %dma_wait3A_652 = arith.constant 0 : i32
          %dma_wait3A_653 = tpu.memref_slice %arg23[%dma_wait3A_651, %dma_wait3A_652] : memref<10240x32xf32, #tpu.memory_space<vmem_shared>> -> memref<10240x32xf32, #tpu.memory_space<vmem_shared>>
          tpu.wait_indirect_dma semaphore(%arg29 : memref<!tpu.dma_semaphore, #tpu.memory_space<semaphore_mem>>) src(%arg15 : memref<80x32xf32, #tpu.memory_space<vmem>>) dst(%dma_wait3A_653 : memref<10240x32xf32, #tpu.memory_space<vmem_shared>>)
        } else {
        }
        %add3A_639 = arith.constant 3 : i32
        %add3A_640 = arith.addi %add3A_320, %add3A_639 : i32
        %dma_start3A_641 = arith.constant 0 : i32
        %dma_start3A_642 = tpu.memref_slice %arg8[%add3A_640, %dma_start3A_641] : memref<125x80xi32, #tpu.memory_space<vmem>> -> memref<1x80xi32, #tpu.memory_space<vmem>>
        %dma_start3A_643 = tpu.memref_squeeze %dma_start3A_642 : memref<1x80xi32, #tpu.memory_space<vmem>> -> memref<80xi32, #tpu.memory_space<vmem>>
        %dma_start3A_644 = arith.constant 0 : i32
        %dma_start3A_645 = arith.constant 0 : i32
        %dma_start3A_646 = tpu.memref_slice %arg2[%dma_start3A_644, %dma_start3A_645] : memref<10000x16xf32, #tpu.memory_space<hbm>> -> memref<10000x16xf32, #tpu.memory_space<hbm>>
        tpu.enqueue_indirect_dma source(%dma_start3A_646 : memref<10000x16xf32, #tpu.memory_space<hbm>>) target(%arg10 : memref<80x16xf32, #tpu.memory_space<vmem>>) offsets(%dma_start3A_643 : memref<80xi32, #tpu.memory_space<vmem>>) semaphore(%arg24 : memref<!tpu.dma_semaphore, #tpu.memory_space<semaphore_mem>>)
      } else {
      }
      %get3A_328 = arith.index_cast %add3A_320 : i32 to index
      %get3A_329 = arith.constant 0 : index
      %get3A_330 = tpu.vector_load %arg8[%get3A_328, %get3A_329] {strides = array<i32>} : memref<125x80xi32, #tpu.memory_space<vmem>>, vector<16xi32>,
      %get3A_331 = arith.index_cast %add3A_320 : i32 to index
      %get3A_332 = arith.constant 0 : index
      %get3A_333 = tpu.vector_load %arg9[%get3A_331, %get3A_332] {strides = array<i32>} : memref<125x80xi32, #tpu.memory_space<vmem>>, vector<16xi32>,
      %gather3A_334 = tpu.vector_load_idx %arg21[%get3A_330] : memref<10000xf32, #tpu.memory_space<vmem>>[vector<16xi32>], vector<16xf32>,
      %gather3A_335 = tpu.vector_load_idx %arg22[%get3A_333] : memref<10000xf32, #tpu.memory_space<vmem>>[vector<16xi32>], vector<16xf32>,
      %add3A_336 = arith.addf %gather3A_334, %gather3A_335 : vector<16xf32>
      %mul3A_337 = arith.constant 2.000000e-01 : f32
      %mul3A_338 = vector.broadcast %mul3A_337 : f32 to vector<16xf32>
      %mul3A_339 = arith.mulf %mul3A_338, %add3A_336 : vector<16xf32>
      %max3A_340 = arith.maximumf %add3A_336, %mul3A_339 : vector<16xf32>
      %exp3A_341 = math.exp %max3A_340 : vector<16xf32>
      %swap3A_342 = arith.constant 0 : index
      %swap3A_343 = tpu.vector_load %arg20[%swap3A_342] {strides = array<i32>} : memref<80xf32, #tpu.memory_space<vmem>>, vector<16xf32>,
      tpu.vector_store %arg20[%swap3A_342], %exp3A_341 {strides = array<i32>} : memref<80xf32, #tpu.memory_space<vmem>>, vector<16xf32>,
      %get3A_344 = arith.index_cast %add3A_320 : i32 to index
      %get3A_345 = arith.constant 16 : index
      %get3A_346 = tpu.vector_load %arg8[%get3A_344, %get3A_345] {strides = array<i32>} : memref<125x80xi32, #tpu.memory_space<vmem>>, vector<16xi32>,
      %get3A_347 = arith.index_cast %add3A_320 : i32 to index
      %get3A_348 = arith.constant 16 : index
      %get3A_349 = tpu.vector_load %arg9[%get3A_347, %get3A_348] {strides = array<i32>} : memref<125x80xi32, #tpu.memory_space<vmem>>, vector<16xi32>,
      %gather3A_350 = tpu.vector_load_idx %arg21[%get3A_346] : memref<10000xf32, #tpu.memory_space<vmem>>[vector<16xi32>], vector<16xf32>,
      %gather3A_351 = tpu.vector_load_idx %arg22[%get3A_349] : memref<10000xf32, #tpu.memory_space<vmem>>[vector<16xi32>], vector<16xf32>,
      %add3A_352 = arith.addf %gather3A_350, %gather3A_351 : vector<16xf32>
      %mul3A_353 = arith.constant 2.000000e-01 : f32
      %mul3A_354 = vector.broadcast %mul3A_353 : f32 to vector<16xf32>
      %mul3A_355 = arith.mulf %mul3A_354, %add3A_352 : vector<16xf32>
      %max3A_356 = arith.maximumf %add3A_352, %mul3A_355 : vector<16xf32>
      %exp3A_357 = math.exp %max3A_356 : vector<16xf32>
      %swap3A_358 = arith.constant 16 : index
      %swap3A_359 = tpu.vector_load %arg20[%swap3A_358] {strides = array<i32>} : memref<80xf32, #tpu.memory_space<vmem>>, vector<16xf32>,
      tpu.vector_store %arg20[%swap3A_358], %exp3A_357 {strides = array<i32>} : memref<80xf32, #tpu.memory_space<vmem>>, vector<16xf32>,
      %get3A_360 = arith.index_cast %add3A_320 : i32 to index
      %get3A_361 = arith.constant 32 : index
      %get3A_362 = tpu.vector_load %arg8[%get3A_360, %get3A_361] {strides = array<i32>} : memref<125x80xi32, #tpu.memory_space<vmem>>, vector<16xi32>,
      %get3A_363 = arith.index_cast %add3A_320 : i32 to index
      %get3A_364 = arith.constant 32 : index
      %get3A_365 = tpu.vector_load %arg9[%get3A_363, %get3A_364] {strides = array<i32>} : memref<125x80xi32, #tpu.memory_space<vmem>>, vector<16xi32>,
      %gather3A_366 = tpu.vector_load_idx %arg21[%get3A_362] : memref<10000xf32, #tpu.memory_space<vmem>>[vector<16xi32>], vector<16xf32>,
      %gather3A_367 = tpu.vector_load_idx %arg22[%get3A_365] : memref<10000xf32, #tpu.memory_space<vmem>>[vector<16xi32>], vector<16xf32>,
      %add3A_368 = arith.addf %gather3A_366, %gather3A_367 : vector<16xf32>
      %mul3A_369 = arith.constant 2.000000e-01 : f32
      %mul3A_370 = vector.broadcast %mul3A_369 : f32 to vector<16xf32>
      %mul3A_371 = arith.mulf %mul3A_370, %add3A_368 : vector<16xf32>
      %max3A_372 = arith.maximumf %add3A_368, %mul3A_371 : vector<16xf32>
      %exp3A_373 = math.exp %max3A_372 : vector<16xf32>
      %swap3A_374 = arith.constant 32 : index
      %swap3A_375 = tpu.vector_load %arg20[%swap3A_374] {strides = array<i32>} : memref<80xf32, #tpu.memory_space<vmem>>, vector<16xf32>,
      tpu.vector_store %arg20[%swap3A_374], %exp3A_373 {strides = array<i32>} : memref<80xf32, #tpu.memory_space<vmem>>, vector<16xf32>,
      %get3A_376 = arith.index_cast %add3A_320 : i32 to index
      %get3A_377 = arith.constant 48 : index
      %get3A_378 = tpu.vector_load %arg8[%get3A_376, %get3A_377] {strides = array<i32>} : memref<125x80xi32, #tpu.memory_space<vmem>>, vector<16xi32>,
      %get3A_379 = arith.index_cast %add3A_320 : i32 to index
      %get3A_380 = arith.constant 48 : index
      %get3A_381 = tpu.vector_load %arg9[%get3A_379, %get3A_380] {strides = array<i32>} : memref<125x80xi32, #tpu.memory_space<vmem>>, vector<16xi32>,
      %gather3A_382 = tpu.vector_load_idx %arg21[%get3A_378] : memref<10000xf32, #tpu.memory_space<vmem>>[vector<16xi32>], vector<16xf32>,
      %gather3A_383 = tpu.vector_load_idx %arg22[%get3A_381] : memref<10000xf32, #tpu.memory_space<vmem>>[vector<16xi32>], vector<16xf32>,
      %add3A_384 = arith.addf %gather3A_382, %gather3A_383 : vector<16xf32>
      %mul3A_385 = arith.constant 2.000000e-01 : f32
      %mul3A_386 = vector.broadcast %mul3A_385 : f32 to vector<16xf32>
      %mul3A_387 = arith.mulf %mul3A_386, %add3A_384 : vector<16xf32>
      %max3A_388 = arith.maximumf %add3A_384, %mul3A_387 : vector<16xf32>
      %exp3A_389 = math.exp %max3A_388 : vector<16xf32>
      %swap3A_390 = arith.constant 48 : index
      %swap3A_391 = tpu.vector_load %arg20[%swap3A_390] {strides = array<i32>} : memref<80xf32, #tpu.memory_space<vmem>>, vector<16xf32>,
      tpu.vector_store %arg20[%swap3A_390], %exp3A_389 {strides = array<i32>} : memref<80xf32, #tpu.memory_space<vmem>>, vector<16xf32>,
      %get3A_392 = arith.index_cast %add3A_320 : i32 to index
      %get3A_393 = arith.constant 64 : index
      %get3A_394 = tpu.vector_load %arg8[%get3A_392, %get3A_393] {strides = array<i32>} : memref<125x80xi32, #tpu.memory_space<vmem>>, vector<16xi32>,
      %get3A_395 = arith.index_cast %add3A_320 : i32 to index
      %get3A_396 = arith.constant 64 : index
      %get3A_397 = tpu.vector_load %arg9[%get3A_395, %get3A_396] {strides = array<i32>} : memref<125x80xi32, #tpu.memory_space<vmem>>, vector<16xi32>,
      %gather3A_398 = tpu.vector_load_idx %arg21[%get3A_394] : memref<10000xf32, #tpu.memory_space<vmem>>[vector<16xi32>], vector<16xf32>,
      %gather3A_399 = tpu.vector_load_idx %arg22[%get3A_397] : memref<10000xf32, #tpu.memory_space<vmem>>[vector<16xi32>], vector<16xf32>,
      %add3A_400 = arith.addf %gather3A_398, %gather3A_399 : vector<16xf32>
      %mul3A_401 = arith.constant 2.000000e-01 : f32
      %mul3A_402 = vector.broadcast %mul3A_401 : f32 to vector<16xf32>
      %mul3A_403 = arith.mulf %mul3A_402, %add3A_400 : vector<16xf32>
      %max3A_404 = arith.maximumf %add3A_400, %mul3A_403 : vector<16xf32>
      %exp3A_405 = math.exp %max3A_404 : vector<16xf32>
      %swap3A_406 = arith.constant 64 : index
      %swap3A_407 = tpu.vector_load %arg20[%swap3A_406] {strides = array<i32>} : memref<80xf32, #tpu.memory_space<vmem>>, vector<16xf32>,
      tpu.vector_store %arg20[%swap3A_406], %exp3A_405 {strides = array<i32>} : memref<80xf32, #tpu.memory_space<vmem>>, vector<16xf32>,
      %dma_wait3A_408 = arith.constant 0 : i32
      %dma_wait3A_409 = tpu.memref_slice %arg8[%add3A_320, %dma_wait3A_408] : memref<125x80xi32, #tpu.memory_space<vmem>> -> memref<1x80xi32, #tpu.memory_space<vmem>>
      %dma_wait3A_410 = tpu.memref_squeeze %dma_wait3A_409 : memref<1x80xi32, #tpu.memory_space<vmem>> -> memref<80xi32, #tpu.memory_space<vmem>>
      %dma_wait3A_411 = arith.constant 0 : i32
      %dma_wait3A_412 = arith.constant 0 : i32
      %dma_wait3A_413 = tpu.memref_slice %arg2[%dma_wait3A_411, %dma_wait3A_412] : memref<10000x16xf32, #tpu.memory_space<hbm>> -> memref<10000x16xf32, #tpu.memory_space<hbm>>
      tpu.wait_indirect_dma semaphore(%arg26 : memref<!tpu.dma_semaphore, #tpu.memory_space<semaphore_mem>>) src(%dma_wait3A_413 : memref<10000x16xf32, #tpu.memory_space<hbm>>) dst(%arg12 : memref<80x16xf32, #tpu.memory_space<vmem>>)
      %parallel_loop3A_414 = arith.constant 0 : i32
      %parallel_loop3A_415 = arith.constant 80 : i32
      %parallel_loop3A_416 = arith.constant 1 : i32
      scf.for %parallel_loop3A_635 = %parallel_loop3A_414 to %parallel_loop3A_415 step %parallel_loop3A_416  : i32 {
        %parallel_loop3A_636 = arith.constant 0 : i32
        %parallel_loop3A_637 = vector.broadcast %parallel_loop3A_636 : i32 to vector<16xi32>
        %parallel_loop3A_638 = vector.broadcast %parallel_loop3A_635 : i32 to vector<16xi32>
        %parallel_loop3A_639 = arith.addi %parallel_loop3A_638, %parallel_loop3A_637 : vector<16xi32>
        %parallel_loop3A_640 = tpu.vector_load_idx %arg20[%parallel_loop3A_639] : memref<80xf32, #tpu.memory_space<vmem>>[vector<16xi32>], vector<16xf32>,
        %parallel_loop3A_641 = arith.index_cast %parallel_loop3A_635 : i32 to index
        %parallel_loop3A_642 = arith.constant 0 : index
        %parallel_loop3A_643 = tpu.vector_load %arg12[%parallel_loop3A_641, %parallel_loop3A_642] {strides = array<i32>} : memref<80x16xf32, #tpu.memory_space<vmem>>, vector<16xf32>,
        %parallel_loop3A_644 = arith.mulf %parallel_loop3A_643, %parallel_loop3A_640 : vector<16xf32>
        %parallel_loop3A_645 = arith.index_cast %parallel_loop3A_635 : i32 to index
        %parallel_loop3A_646 = arith.constant 0 : index
        %parallel_loop3A_647 = tpu.vector_load %arg17[%parallel_loop3A_645, %parallel_loop3A_646] {strides = array<i32>} : memref<80x32xf32, #tpu.memory_space<vmem>>, vector<16xf32>,
        tpu.vector_store %arg17[%parallel_loop3A_645, %parallel_loop3A_646], %parallel_loop3A_644 {strides = array<i32>} : memref<80x32xf32, #tpu.memory_space<vmem>>, vector<16xf32>,
        %parallel_loop3A_648 = arith.index_cast %parallel_loop3A_635 : i32 to index
        %parallel_loop3A_649 = arith.constant 16 : index
        %parallel_loop3A_650 = tpu.vector_load %arg17[%parallel_loop3A_648, %parallel_loop3A_649] {strides = array<i32>} : memref<80x32xf32, #tpu.memory_space<vmem>>, vector<16xf32>,
        tpu.vector_store %arg17[%parallel_loop3A_648, %parallel_loop3A_649], %parallel_loop3A_640 {strides = array<i32>} : memref<80x32xf32, #tpu.memory_space<vmem>>, vector<16xf32>,
      } {sc.loop_unroll_factor = 4 : i64, sc.parallel_access}
      %dma_start3A_417 = arith.constant 0 : i32
      %dma_start3A_418 = tpu.memref_slice %arg9[%add3A_320, %dma_start3A_417] : memref<125x80xi32, #tpu.memory_space<vmem>> -> memref<1x80xi32, #tpu.memory_space<vmem>>
      %dma_start3A_419 = tpu.memref_squeeze %dma_start3A_418 : memref<1x80xi32, #tpu.memory_space<vmem>> -> memref<80xi32, #tpu.memory_space<vmem>>
      %dma_start3A_420 = arith.constant 0 : i32
      %dma_start3A_421 = arith.constant 0 : i32
      %dma_start3A_422 = tpu.memref_slice %arg23[%dma_start3A_420, %dma_start3A_421] : memref<10240x32xf32, #tpu.memory_space<vmem_shared>> -> memref<10240x32xf32, #tpu.memory_space<vmem_shared>>
      tpu.enqueue_indirect_dma source(%arg17 : memref<80x32xf32, #tpu.memory_space<vmem>>) target(%dma_start3A_422 : memref<10240x32xf32, #tpu.memory_space<vmem_shared>>) offsets(%dma_start3A_419 : memref<80xi32, #tpu.memory_space<vmem>>) semaphore(%arg31 : memref<!tpu.dma_semaphore, #tpu.memory_space<semaphore_mem>>) {add = true}
      %mul3A_423 = arith.constant 5 : i32
      %mul3A_424 = arith.muli %add3A_113, %mul3A_423 : i32
      %add3A_425 = arith.constant 3 : i32
      %add3A_426 = arith.addi %mul3A_424, %add3A_425 : i32
      %add3A_427 = arith.constant 3 : i32
      %add3A_428 = arith.addi %add3A_426, %add3A_427 : i32
      %lt3A_429 = arith.constant 125 : i32
      %lt3A_430 = arith.cmpi slt, %add3A_428, %lt3A_429 : i32
      %convert_element_type3A_431 = arith.extui %lt3A_430 : i1 to i32
      %cond3A_432 = arith.constant 0 : i32
      %cond3A_433 = arith.cmpi ne, %convert_element_type3A_431, %cond3A_432 : i32
      scf.if %cond3A_433 {
        %ge3A = arith.constant 2 : i32
        %ge3A_635 = arith.cmpi sge, %add3A_426, %ge3A : i32
        %convert_element_type3A_636 = arith.extui %ge3A_635 : i1 to i32
        %cond3A_637 = arith.constant 0 : i32
        %cond3A_638 = arith.cmpi ne, %convert_element_type3A_636, %cond3A_637 : i32
        scf.if %cond3A_638 {
          %dma_wait3A_647 = arith.constant 0 : i32
          %dma_wait3A_648 = arith.constant 0 : i32
          %dma_wait3A_649 = tpu.memref_slice %arg9[%dma_wait3A_647, %dma_wait3A_648] : memref<125x80xi32, #tpu.memory_space<vmem>> -> memref<1x80xi32, #tpu.memory_space<vmem>>
          %dma_wait3A_650 = tpu.memref_squeeze %dma_wait3A_649 : memref<1x80xi32, #tpu.memory_space<vmem>> -> memref<80xi32, #tpu.memory_space<vmem>>
          %dma_wait3A_651 = arith.constant 0 : i32
          %dma_wait3A_652 = arith.constant 0 : i32
          %dma_wait3A_653 = tpu.memref_slice %arg23[%dma_wait3A_651, %dma_wait3A_652] : memref<10240x32xf32, #tpu.memory_space<vmem_shared>> -> memref<10240x32xf32, #tpu.memory_space<vmem_shared>>
          tpu.wait_indirect_dma semaphore(%arg30 : memref<!tpu.dma_semaphore, #tpu.memory_space<semaphore_mem>>) src(%arg16 : memref<80x32xf32, #tpu.memory_space<vmem>>) dst(%dma_wait3A_653 : memref<10240x32xf32, #tpu.memory_space<vmem_shared>>)
        } else {
        }
        %add3A_639 = arith.constant 3 : i32
        %add3A_640 = arith.addi %add3A_426, %add3A_639 : i32
        %dma_start3A_641 = arith.constant 0 : i32
        %dma_start3A_642 = tpu.memref_slice %arg8[%add3A_640, %dma_start3A_641] : memref<125x80xi32, #tpu.memory_space<vmem>> -> memref<1x80xi32, #tpu.memory_space<vmem>>
        %dma_start3A_643 = tpu.memref_squeeze %dma_start3A_642 : memref<1x80xi32, #tpu.memory_space<vmem>> -> memref<80xi32, #tpu.memory_space<vmem>>
        %dma_start3A_644 = arith.constant 0 : i32
        %dma_start3A_645 = arith.constant 0 : i32
        %dma_start3A_646 = tpu.memref_slice %arg2[%dma_start3A_644, %dma_start3A_645] : memref<10000x16xf32, #tpu.memory_space<hbm>> -> memref<10000x16xf32, #tpu.memory_space<hbm>>
        tpu.enqueue_indirect_dma source(%dma_start3A_646 : memref<10000x16xf32, #tpu.memory_space<hbm>>) target(%arg11 : memref<80x16xf32, #tpu.memory_space<vmem>>) offsets(%dma_start3A_643 : memref<80xi32, #tpu.memory_space<vmem>>) semaphore(%arg25 : memref<!tpu.dma_semaphore, #tpu.memory_space<semaphore_mem>>)
      } else {
      }
      %get3A_434 = arith.index_cast %add3A_426 : i32 to index
      %get3A_435 = arith.constant 0 : index
      %get3A_436 = tpu.vector_load %arg8[%get3A_434, %get3A_435] {strides = array<i32>} : memref<125x80xi32, #tpu.memory_space<vmem>>, vector<16xi32>,
      %get3A_437 = arith.index_cast %add3A_426 : i32 to index
      %get3A_438 = arith.constant 0 : index
      %get3A_439 = tpu.vector_load %arg9[%get3A_437, %get3A_438] {strides = array<i32>} : memref<125x80xi32, #tpu.memory_space<vmem>>, vector<16xi32>,
      %gather3A_440 = tpu.vector_load_idx %arg21[%get3A_436] : memref<10000xf32, #tpu.memory_space<vmem>>[vector<16xi32>], vector<16xf32>,
      %gather3A_441 = tpu.vector_load_idx %arg22[%get3A_439] : memref<10000xf32, #tpu.memory_space<vmem>>[vector<16xi32>], vector<16xf32>,
      %add3A_442 = arith.addf %gather3A_440, %gather3A_441 : vector<16xf32>
      %mul3A_443 = arith.constant 2.000000e-01 : f32
      %mul3A_444 = vector.broadcast %mul3A_443 : f32 to vector<16xf32>
      %mul3A_445 = arith.mulf %mul3A_444, %add3A_442 : vector<16xf32>
      %max3A_446 = arith.maximumf %add3A_442, %mul3A_445 : vector<16xf32>
      %exp3A_447 = math.exp %max3A_446 : vector<16xf32>
      %swap3A_448 = arith.constant 0 : index
      %swap3A_449 = tpu.vector_load %arg20[%swap3A_448] {strides = array<i32>} : memref<80xf32, #tpu.memory_space<vmem>>, vector<16xf32>,
      tpu.vector_store %arg20[%swap3A_448], %exp3A_447 {strides = array<i32>} : memref<80xf32, #tpu.memory_space<vmem>>, vector<16xf32>,
      %get3A_450 = arith.index_cast %add3A_426 : i32 to index
      %get3A_451 = arith.constant 16 : index
      %get3A_452 = tpu.vector_load %arg8[%get3A_450, %get3A_451] {strides = array<i32>} : memref<125x80xi32, #tpu.memory_space<vmem>>, vector<16xi32>,
      %get3A_453 = arith.index_cast %add3A_426 : i32 to index
      %get3A_454 = arith.constant 16 : index
      %get3A_455 = tpu.vector_load %arg9[%get3A_453, %get3A_454] {strides = array<i32>} : memref<125x80xi32, #tpu.memory_space<vmem>>, vector<16xi32>,
      %gather3A_456 = tpu.vector_load_idx %arg21[%get3A_452] : memref<10000xf32, #tpu.memory_space<vmem>>[vector<16xi32>], vector<16xf32>,
      %gather3A_457 = tpu.vector_load_idx %arg22[%get3A_455] : memref<10000xf32, #tpu.memory_space<vmem>>[vector<16xi32>], vector<16xf32>,
      %add3A_458 = arith.addf %gather3A_456, %gather3A_457 : vector<16xf32>
      %mul3A_459 = arith.constant 2.000000e-01 : f32
      %mul3A_460 = vector.broadcast %mul3A_459 : f32 to vector<16xf32>
      %mul3A_461 = arith.mulf %mul3A_460, %add3A_458 : vector<16xf32>
      %max3A_462 = arith.maximumf %add3A_458, %mul3A_461 : vector<16xf32>
      %exp3A_463 = math.exp %max3A_462 : vector<16xf32>
      %swap3A_464 = arith.constant 16 : index
      %swap3A_465 = tpu.vector_load %arg20[%swap3A_464] {strides = array<i32>} : memref<80xf32, #tpu.memory_space<vmem>>, vector<16xf32>,
      tpu.vector_store %arg20[%swap3A_464], %exp3A_463 {strides = array<i32>} : memref<80xf32, #tpu.memory_space<vmem>>, vector<16xf32>,
      %get3A_466 = arith.index_cast %add3A_426 : i32 to index
      %get3A_467 = arith.constant 32 : index
      %get3A_468 = tpu.vector_load %arg8[%get3A_466, %get3A_467] {strides = array<i32>} : memref<125x80xi32, #tpu.memory_space<vmem>>, vector<16xi32>,
      %get3A_469 = arith.index_cast %add3A_426 : i32 to index
      %get3A_470 = arith.constant 32 : index
      %get3A_471 = tpu.vector_load %arg9[%get3A_469, %get3A_470] {strides = array<i32>} : memref<125x80xi32, #tpu.memory_space<vmem>>, vector<16xi32>,
      %gather3A_472 = tpu.vector_load_idx %arg21[%get3A_468] : memref<10000xf32, #tpu.memory_space<vmem>>[vector<16xi32>], vector<16xf32>,
      %gather3A_473 = tpu.vector_load_idx %arg22[%get3A_471] : memref<10000xf32, #tpu.memory_space<vmem>>[vector<16xi32>], vector<16xf32>,
      %add3A_474 = arith.addf %gather3A_472, %gather3A_473 : vector<16xf32>
      %mul3A_475 = arith.constant 2.000000e-01 : f32
      %mul3A_476 = vector.broadcast %mul3A_475 : f32 to vector<16xf32>
      %mul3A_477 = arith.mulf %mul3A_476, %add3A_474 : vector<16xf32>
      %max3A_478 = arith.maximumf %add3A_474, %mul3A_477 : vector<16xf32>
      %exp3A_479 = math.exp %max3A_478 : vector<16xf32>
      %swap3A_480 = arith.constant 32 : index
      %swap3A_481 = tpu.vector_load %arg20[%swap3A_480] {strides = array<i32>} : memref<80xf32, #tpu.memory_space<vmem>>, vector<16xf32>,
      tpu.vector_store %arg20[%swap3A_480], %exp3A_479 {strides = array<i32>} : memref<80xf32, #tpu.memory_space<vmem>>, vector<16xf32>,
      %get3A_482 = arith.index_cast %add3A_426 : i32 to index
      %get3A_483 = arith.constant 48 : index
      %get3A_484 = tpu.vector_load %arg8[%get3A_482, %get3A_483] {strides = array<i32>} : memref<125x80xi32, #tpu.memory_space<vmem>>, vector<16xi32>,
      %get3A_485 = arith.index_cast %add3A_426 : i32 to index
      %get3A_486 = arith.constant 48 : index
      %get3A_487 = tpu.vector_load %arg9[%get3A_485, %get3A_486] {strides = array<i32>} : memref<125x80xi32, #tpu.memory_space<vmem>>, vector<16xi32>,
      %gather3A_488 = tpu.vector_load_idx %arg21[%get3A_484] : memref<10000xf32, #tpu.memory_space<vmem>>[vector<16xi32>], vector<16xf32>,
      %gather3A_489 = tpu.vector_load_idx %arg22[%get3A_487] : memref<10000xf32, #tpu.memory_space<vmem>>[vector<16xi32>], vector<16xf32>,
      %add3A_490 = arith.addf %gather3A_488, %gather3A_489 : vector<16xf32>
      %mul3A_491 = arith.constant 2.000000e-01 : f32
      %mul3A_492 = vector.broadcast %mul3A_491 : f32 to vector<16xf32>
      %mul3A_493 = arith.mulf %mul3A_492, %add3A_490 : vector<16xf32>
      %max3A_494 = arith.maximumf %add3A_490, %mul3A_493 : vector<16xf32>
      %exp3A_495 = math.exp %max3A_494 : vector<16xf32>
      %swap3A_496 = arith.constant 48 : index
      %swap3A_497 = tpu.vector_load %arg20[%swap3A_496] {strides = array<i32>} : memref<80xf32, #tpu.memory_space<vmem>>, vector<16xf32>,
      tpu.vector_store %arg20[%swap3A_496], %exp3A_495 {strides = array<i32>} : memref<80xf32, #tpu.memory_space<vmem>>, vector<16xf32>,
      %get3A_498 = arith.index_cast %add3A_426 : i32 to index
      %get3A_499 = arith.constant 64 : index
      %get3A_500 = tpu.vector_load %arg8[%get3A_498, %get3A_499] {strides = array<i32>} : memref<125x80xi32, #tpu.memory_space<vmem>>, vector<16xi32>,
      %get3A_501 = arith.index_cast %add3A_426 : i32 to index
      %get3A_502 = arith.constant 64 : index
      %get3A_503 = tpu.vector_load %arg9[%get3A_501, %get3A_502] {strides = array<i32>} : memref<125x80xi32, #tpu.memory_space<vmem>>, vector<16xi32>,
      %gather3A_504 = tpu.vector_load_idx %arg21[%get3A_500] : memref<10000xf32, #tpu.memory_space<vmem>>[vector<16xi32>], vector<16xf32>,
      %gather3A_505 = tpu.vector_load_idx %arg22[%get3A_503] : memref<10000xf32, #tpu.memory_space<vmem>>[vector<16xi32>], vector<16xf32>,
      %add3A_506 = arith.addf %gather3A_504, %gather3A_505 : vector<16xf32>
      %mul3A_507 = arith.constant 2.000000e-01 : f32
      %mul3A_508 = vector.broadcast %mul3A_507 : f32 to vector<16xf32>
      %mul3A_509 = arith.mulf %mul3A_508, %add3A_506 : vector<16xf32>
      %max3A_510 = arith.maximumf %add3A_506, %mul3A_509 : vector<16xf32>
      %exp3A_511 = math.exp %max3A_510 : vector<16xf32>
      %swap3A_512 = arith.constant 64 : index
      %swap3A_513 = tpu.vector_load %arg20[%swap3A_512] {strides = array<i32>} : memref<80xf32, #tpu.memory_space<vmem>>, vector<16xf32>,
      tpu.vector_store %arg20[%swap3A_512], %exp3A_511 {strides = array<i32>} : memref<80xf32, #tpu.memory_space<vmem>>, vector<16xf32>,
      %dma_wait3A_514 = arith.constant 0 : i32
      %dma_wait3A_515 = tpu.memref_slice %arg8[%add3A_426, %dma_wait3A_514] : memref<125x80xi32, #tpu.memory_space<vmem>> -> memref<1x80xi32, #tpu.memory_space<vmem>>
      %dma_wait3A_516 = tpu.memref_squeeze %dma_wait3A_515 : memref<1x80xi32, #tpu.memory_space<vmem>> -> memref<80xi32, #tpu.memory_space<vmem>>
      %dma_wait3A_517 = arith.constant 0 : i32
      %dma_wait3A_518 = arith.constant 0 : i32
      %dma_wait3A_519 = tpu.memref_slice %arg2[%dma_wait3A_517, %dma_wait3A_518] : memref<10000x16xf32, #tpu.memory_space<hbm>> -> memref<10000x16xf32, #tpu.memory_space<hbm>>
      tpu.wait_indirect_dma semaphore(%arg27 : memref<!tpu.dma_semaphore, #tpu.memory_space<semaphore_mem>>) src(%dma_wait3A_519 : memref<10000x16xf32, #tpu.memory_space<hbm>>) dst(%arg13 : memref<80x16xf32, #tpu.memory_space<vmem>>)
      %parallel_loop3A_520 = arith.constant 0 : i32
      %parallel_loop3A_521 = arith.constant 80 : i32
      %parallel_loop3A_522 = arith.constant 1 : i32
      scf.for %parallel_loop3A_635 = %parallel_loop3A_520 to %parallel_loop3A_521 step %parallel_loop3A_522  : i32 {
        %parallel_loop3A_636 = arith.constant 0 : i32
        %parallel_loop3A_637 = vector.broadcast %parallel_loop3A_636 : i32 to vector<16xi32>
        %parallel_loop3A_638 = vector.broadcast %parallel_loop3A_635 : i32 to vector<16xi32>
        %parallel_loop3A_639 = arith.addi %parallel_loop3A_638, %parallel_loop3A_637 : vector<16xi32>
        %parallel_loop3A_640 = tpu.vector_load_idx %arg20[%parallel_loop3A_639] : memref<80xf32, #tpu.memory_space<vmem>>[vector<16xi32>], vector<16xf32>,
        %parallel_loop3A_641 = arith.index_cast %parallel_loop3A_635 : i32 to index
        %parallel_loop3A_642 = arith.constant 0 : index
        %parallel_loop3A_643 = tpu.vector_load %arg13[%parallel_loop3A_641, %parallel_loop3A_642] {strides = array<i32>} : memref<80x16xf32, #tpu.memory_space<vmem>>, vector<16xf32>,
        %parallel_loop3A_644 = arith.mulf %parallel_loop3A_643, %parallel_loop3A_640 : vector<16xf32>
        %parallel_loop3A_645 = arith.index_cast %parallel_loop3A_635 : i32 to index
        %parallel_loop3A_646 = arith.constant 0 : index
        %parallel_loop3A_647 = tpu.vector_load %arg18[%parallel_loop3A_645, %parallel_loop3A_646] {strides = array<i32>} : memref<80x32xf32, #tpu.memory_space<vmem>>, vector<16xf32>,
        tpu.vector_store %arg18[%parallel_loop3A_645, %parallel_loop3A_646], %parallel_loop3A_644 {strides = array<i32>} : memref<80x32xf32, #tpu.memory_space<vmem>>, vector<16xf32>,
        %parallel_loop3A_648 = arith.index_cast %parallel_loop3A_635 : i32 to index
        %parallel_loop3A_649 = arith.constant 16 : index
        %parallel_loop3A_650 = tpu.vector_load %arg18[%parallel_loop3A_648, %parallel_loop3A_649] {strides = array<i32>} : memref<80x32xf32, #tpu.memory_space<vmem>>, vector<16xf32>,
        tpu.vector_store %arg18[%parallel_loop3A_648, %parallel_loop3A_649], %parallel_loop3A_640 {strides = array<i32>} : memref<80x32xf32, #tpu.memory_space<vmem>>, vector<16xf32>,
      } {sc.loop_unroll_factor = 4 : i64, sc.parallel_access}
      %dma_start3A_523 = arith.constant 0 : i32
      %dma_start3A_524 = tpu.memref_slice %arg9[%add3A_426, %dma_start3A_523] : memref<125x80xi32, #tpu.memory_space<vmem>> -> memref<1x80xi32, #tpu.memory_space<vmem>>
      %dma_start3A_525 = tpu.memref_squeeze %dma_start3A_524 : memref<1x80xi32, #tpu.memory_space<vmem>> -> memref<80xi32, #tpu.memory_space<vmem>>
      %dma_start3A_526 = arith.constant 0 : i32
      %dma_start3A_527 = arith.constant 0 : i32
      %dma_start3A_528 = tpu.memref_slice %arg23[%dma_start3A_526, %dma_start3A_527] : memref<10240x32xf32, #tpu.memory_space<vmem_shared>> -> memref<10240x32xf32, #tpu.memory_space<vmem_shared>>
      tpu.enqueue_indirect_dma source(%arg18 : memref<80x32xf32, #tpu.memory_space<vmem>>) target(%dma_start3A_528 : memref<10240x32xf32, #tpu.memory_space<vmem_shared>>) offsets(%dma_start3A_525 : memref<80xi32, #tpu.memory_space<vmem>>) semaphore(%arg32 : memref<!tpu.dma_semaphore, #tpu.memory_space<semaphore_mem>>) {add = true}
      %mul3A_529 = arith.constant 5 : i32
      %mul3A_530 = arith.muli %add3A_113, %mul3A_529 : i32
      %add3A_531 = arith.constant 4 : i32
      %add3A_532 = arith.addi %mul3A_530, %add3A_531 : i32
      %add3A_533 = arith.constant 3 : i32
      %add3A_534 = arith.addi %add3A_532, %add3A_533 : i32
      %lt3A_535 = arith.constant 125 : i32
      %lt3A_536 = arith.cmpi slt, %add3A_534, %lt3A_535 : i32
      %convert_element_type3A_537 = arith.extui %lt3A_536 : i1 to i32
      %cond3A_538 = arith.constant 0 : i32
      %cond3A_539 = arith.cmpi ne, %convert_element_type3A_537, %cond3A_538 : i32
      scf.if %cond3A_539 {
        %ge3A = arith.constant 2 : i32
        %ge3A_635 = arith.cmpi sge, %add3A_532, %ge3A : i32
        %convert_element_type3A_636 = arith.extui %ge3A_635 : i1 to i32
        %cond3A_637 = arith.constant 0 : i32
        %cond3A_638 = arith.cmpi ne, %convert_element_type3A_636, %cond3A_637 : i32
        scf.if %cond3A_638 {
          %dma_wait3A_647 = arith.constant 0 : i32
          %dma_wait3A_648 = arith.constant 0 : i32
          %dma_wait3A_649 = tpu.memref_slice %arg9[%dma_wait3A_647, %dma_wait3A_648] : memref<125x80xi32, #tpu.memory_space<vmem>> -> memref<1x80xi32, #tpu.memory_space<vmem>>
          %dma_wait3A_650 = tpu.memref_squeeze %dma_wait3A_649 : memref<1x80xi32, #tpu.memory_space<vmem>> -> memref<80xi32, #tpu.memory_space<vmem>>
          %dma_wait3A_651 = arith.constant 0 : i32
          %dma_wait3A_652 = arith.constant 0 : i32
          %dma_wait3A_653 = tpu.memref_slice %arg23[%dma_wait3A_651, %dma_wait3A_652] : memref<10240x32xf32, #tpu.memory_space<vmem_shared>> -> memref<10240x32xf32, #tpu.memory_space<vmem_shared>>
          tpu.wait_indirect_dma semaphore(%arg31 : memref<!tpu.dma_semaphore, #tpu.memory_space<semaphore_mem>>) src(%arg17 : memref<80x32xf32, #tpu.memory_space<vmem>>) dst(%dma_wait3A_653 : memref<10240x32xf32, #tpu.memory_space<vmem_shared>>)
        } else {
        }
        %add3A_639 = arith.constant 3 : i32
        %add3A_640 = arith.addi %add3A_532, %add3A_639 : i32
        %dma_start3A_641 = arith.constant 0 : i32
        %dma_start3A_642 = tpu.memref_slice %arg8[%add3A_640, %dma_start3A_641] : memref<125x80xi32, #tpu.memory_space<vmem>> -> memref<1x80xi32, #tpu.memory_space<vmem>>
        %dma_start3A_643 = tpu.memref_squeeze %dma_start3A_642 : memref<1x80xi32, #tpu.memory_space<vmem>> -> memref<80xi32, #tpu.memory_space<vmem>>
        %dma_start3A_644 = arith.constant 0 : i32
        %dma_start3A_645 = arith.constant 0 : i32
        %dma_start3A_646 = tpu.memref_slice %arg2[%dma_start3A_644, %dma_start3A_645] : memref<10000x16xf32, #tpu.memory_space<hbm>> -> memref<10000x16xf32, #tpu.memory_space<hbm>>
        tpu.enqueue_indirect_dma source(%dma_start3A_646 : memref<10000x16xf32, #tpu.memory_space<hbm>>) target(%arg12 : memref<80x16xf32, #tpu.memory_space<vmem>>) offsets(%dma_start3A_643 : memref<80xi32, #tpu.memory_space<vmem>>) semaphore(%arg26 : memref<!tpu.dma_semaphore, #tpu.memory_space<semaphore_mem>>)
      } else {
      }
      %get3A_540 = arith.index_cast %add3A_532 : i32 to index
      %get3A_541 = arith.constant 0 : index
      %get3A_542 = tpu.vector_load %arg8[%get3A_540, %get3A_541] {strides = array<i32>} : memref<125x80xi32, #tpu.memory_space<vmem>>, vector<16xi32>,
      %get3A_543 = arith.index_cast %add3A_532 : i32 to index
      %get3A_544 = arith.constant 0 : index
      %get3A_545 = tpu.vector_load %arg9[%get3A_543, %get3A_544] {strides = array<i32>} : memref<125x80xi32, #tpu.memory_space<vmem>>, vector<16xi32>,
      %gather3A_546 = tpu.vector_load_idx %arg21[%get3A_542] : memref<10000xf32, #tpu.memory_space<vmem>>[vector<16xi32>], vector<16xf32>,
      %gather3A_547 = tpu.vector_load_idx %arg22[%get3A_545] : memref<10000xf32, #tpu.memory_space<vmem>>[vector<16xi32>], vector<16xf32>,
      %add3A_548 = arith.addf %gather3A_546, %gather3A_547 : vector<16xf32>
      %mul3A_549 = arith.constant 2.000000e-01 : f32
      %mul3A_550 = vector.broadcast %mul3A_549 : f32 to vector<16xf32>
      %mul3A_551 = arith.mulf %mul3A_550, %add3A_548 : vector<16xf32>
      %max3A_552 = arith.maximumf %add3A_548, %mul3A_551 : vector<16xf32>
      %exp3A_553 = math.exp %max3A_552 : vector<16xf32>
      %swap3A_554 = arith.constant 0 : index
      %swap3A_555 = tpu.vector_load %arg20[%swap3A_554] {strides = array<i32>} : memref<80xf32, #tpu.memory_space<vmem>>, vector<16xf32>,
      tpu.vector_store %arg20[%swap3A_554], %exp3A_553 {strides = array<i32>} : memref<80xf32, #tpu.memory_space<vmem>>, vector<16xf32>,
      %get3A_556 = arith.index_cast %add3A_532 : i32 to index
      %get3A_557 = arith.constant 16 : index
      %get3A_558 = tpu.vector_load %arg8[%get3A_556, %get3A_557] {strides = array<i32>} : memref<125x80xi32, #tpu.memory_space<vmem>>, vector<16xi32>,
      %get3A_559 = arith.index_cast %add3A_532 : i32 to index
      %get3A_560 = arith.constant 16 : index
      %get3A_561 = tpu.vector_load %arg9[%get3A_559, %get3A_560] {strides = array<i32>} : memref<125x80xi32, #tpu.memory_space<vmem>>, vector<16xi32>,
      %gather3A_562 = tpu.vector_load_idx %arg21[%get3A_558] : memref<10000xf32, #tpu.memory_space<vmem>>[vector<16xi32>], vector<16xf32>,
      %gather3A_563 = tpu.vector_load_idx %arg22[%get3A_561] : memref<10000xf32, #tpu.memory_space<vmem>>[vector<16xi32>], vector<16xf32>,
      %add3A_564 = arith.addf %gather3A_562, %gather3A_563 : vector<16xf32>
      %mul3A_565 = arith.constant 2.000000e-01 : f32
      %mul3A_566 = vector.broadcast %mul3A_565 : f32 to vector<16xf32>
      %mul3A_567 = arith.mulf %mul3A_566, %add3A_564 : vector<16xf32>
      %max3A_568 = arith.maximumf %add3A_564, %mul3A_567 : vector<16xf32>
      %exp3A_569 = math.exp %max3A_568 : vector<16xf32>
      %swap3A_570 = arith.constant 16 : index
      %swap3A_571 = tpu.vector_load %arg20[%swap3A_570] {strides = array<i32>} : memref<80xf32, #tpu.memory_space<vmem>>, vector<16xf32>,
      tpu.vector_store %arg20[%swap3A_570], %exp3A_569 {strides = array<i32>} : memref<80xf32, #tpu.memory_space<vmem>>, vector<16xf32>,
      %get3A_572 = arith.index_cast %add3A_532 : i32 to index
      %get3A_573 = arith.constant 32 : index
      %get3A_574 = tpu.vector_load %arg8[%get3A_572, %get3A_573] {strides = array<i32>} : memref<125x80xi32, #tpu.memory_space<vmem>>, vector<16xi32>,
      %get3A_575 = arith.index_cast %add3A_532 : i32 to index
      %get3A_576 = arith.constant 32 : index
      %get3A_577 = tpu.vector_load %arg9[%get3A_575, %get3A_576] {strides = array<i32>} : memref<125x80xi32, #tpu.memory_space<vmem>>, vector<16xi32>,
      %gather3A_578 = tpu.vector_load_idx %arg21[%get3A_574] : memref<10000xf32, #tpu.memory_space<vmem>>[vector<16xi32>], vector<16xf32>,
      %gather3A_579 = tpu.vector_load_idx %arg22[%get3A_577] : memref<10000xf32, #tpu.memory_space<vmem>>[vector<16xi32>], vector<16xf32>,
      %add3A_580 = arith.addf %gather3A_578, %gather3A_579 : vector<16xf32>
      %mul3A_581 = arith.constant 2.000000e-01 : f32
      %mul3A_582 = vector.broadcast %mul3A_581 : f32 to vector<16xf32>
      %mul3A_583 = arith.mulf %mul3A_582, %add3A_580 : vector<16xf32>
      %max3A_584 = arith.maximumf %add3A_580, %mul3A_583 : vector<16xf32>
      %exp3A_585 = math.exp %max3A_584 : vector<16xf32>
      %swap3A_586 = arith.constant 32 : index
      %swap3A_587 = tpu.vector_load %arg20[%swap3A_586] {strides = array<i32>} : memref<80xf32, #tpu.memory_space<vmem>>, vector<16xf32>,
      tpu.vector_store %arg20[%swap3A_586], %exp3A_585 {strides = array<i32>} : memref<80xf32, #tpu.memory_space<vmem>>, vector<16xf32>,
      %get3A_588 = arith.index_cast %add3A_532 : i32 to index
      %get3A_589 = arith.constant 48 : index
      %get3A_590 = tpu.vector_load %arg8[%get3A_588, %get3A_589] {strides = array<i32>} : memref<125x80xi32, #tpu.memory_space<vmem>>, vector<16xi32>,
      %get3A_591 = arith.index_cast %add3A_532 : i32 to index
      %get3A_592 = arith.constant 48 : index
      %get3A_593 = tpu.vector_load %arg9[%get3A_591, %get3A_592] {strides = array<i32>} : memref<125x80xi32, #tpu.memory_space<vmem>>, vector<16xi32>,
      %gather3A_594 = tpu.vector_load_idx %arg21[%get3A_590] : memref<10000xf32, #tpu.memory_space<vmem>>[vector<16xi32>], vector<16xf32>,
      %gather3A_595 = tpu.vector_load_idx %arg22[%get3A_593] : memref<10000xf32, #tpu.memory_space<vmem>>[vector<16xi32>], vector<16xf32>,
      %add3A_596 = arith.addf %gather3A_594, %gather3A_595 : vector<16xf32>
      %mul3A_597 = arith.constant 2.000000e-01 : f32
      %mul3A_598 = vector.broadcast %mul3A_597 : f32 to vector<16xf32>
      %mul3A_599 = arith.mulf %mul3A_598, %add3A_596 : vector<16xf32>
      %max3A_600 = arith.maximumf %add3A_596, %mul3A_599 : vector<16xf32>
      %exp3A_601 = math.exp %max3A_600 : vector<16xf32>
      %swap3A_602 = arith.constant 48 : index
      %swap3A_603 = tpu.vector_load %arg20[%swap3A_602] {strides = array<i32>} : memref<80xf32, #tpu.memory_space<vmem>>, vector<16xf32>,
      tpu.vector_store %arg20[%swap3A_602], %exp3A_601 {strides = array<i32>} : memref<80xf32, #tpu.memory_space<vmem>>, vector<16xf32>,
      %get3A_604 = arith.index_cast %add3A_532 : i32 to index
      %get3A_605 = arith.constant 64 : index
      %get3A_606 = tpu.vector_load %arg8[%get3A_604, %get3A_605] {strides = array<i32>} : memref<125x80xi32, #tpu.memory_space<vmem>>, vector<16xi32>,
      %get3A_607 = arith.index_cast %add3A_532 : i32 to index
      %get3A_608 = arith.constant 64 : index
      %get3A_609 = tpu.vector_load %arg9[%get3A_607, %get3A_608] {strides = array<i32>} : memref<125x80xi32, #tpu.memory_space<vmem>>, vector<16xi32>,
      %gather3A_610 = tpu.vector_load_idx %arg21[%get3A_606] : memref<10000xf32, #tpu.memory_space<vmem>>[vector<16xi32>], vector<16xf32>,
      %gather3A_611 = tpu.vector_load_idx %arg22[%get3A_609] : memref<10000xf32, #tpu.memory_space<vmem>>[vector<16xi32>], vector<16xf32>,
      %add3A_612 = arith.addf %gather3A_610, %gather3A_611 : vector<16xf32>
      %mul3A_613 = arith.constant 2.000000e-01 : f32
      %mul3A_614 = vector.broadcast %mul3A_613 : f32 to vector<16xf32>
      %mul3A_615 = arith.mulf %mul3A_614, %add3A_612 : vector<16xf32>
      %max3A_616 = arith.maximumf %add3A_612, %mul3A_615 : vector<16xf32>
      %exp3A_617 = math.exp %max3A_616 : vector<16xf32>
      %swap3A_618 = arith.constant 64 : index
      %swap3A_619 = tpu.vector_load %arg20[%swap3A_618] {strides = array<i32>} : memref<80xf32, #tpu.memory_space<vmem>>, vector<16xf32>,
      tpu.vector_store %arg20[%swap3A_618], %exp3A_617 {strides = array<i32>} : memref<80xf32, #tpu.memory_space<vmem>>, vector<16xf32>,
      %dma_wait3A_620 = arith.constant 0 : i32
      %dma_wait3A_621 = tpu.memref_slice %arg8[%add3A_532, %dma_wait3A_620] : memref<125x80xi32, #tpu.memory_space<vmem>> -> memref<1x80xi32, #tpu.memory_space<vmem>>
      %dma_wait3A_622 = tpu.memref_squeeze %dma_wait3A_621 : memref<1x80xi32, #tpu.memory_space<vmem>> -> memref<80xi32, #tpu.memory_space<vmem>>
      %dma_wait3A_623 = arith.constant 0 : i32
      %dma_wait3A_624 = arith.constant 0 : i32
      %dma_wait3A_625 = tpu.memref_slice %arg2[%dma_wait3A_623, %dma_wait3A_624] : memref<10000x16xf32, #tpu.memory_space<hbm>> -> memref<10000x16xf32, #tpu.memory_space<hbm>>
      tpu.wait_indirect_dma semaphore(%arg28 : memref<!tpu.dma_semaphore, #tpu.memory_space<semaphore_mem>>) src(%dma_wait3A_625 : memref<10000x16xf32, #tpu.memory_space<hbm>>) dst(%arg14 : memref<80x16xf32, #tpu.memory_space<vmem>>)
      %parallel_loop3A_626 = arith.constant 0 : i32
      %parallel_loop3A_627 = arith.constant 80 : i32
      %parallel_loop3A_628 = arith.constant 1 : i32
      scf.for %parallel_loop3A_635 = %parallel_loop3A_626 to %parallel_loop3A_627 step %parallel_loop3A_628  : i32 {
        %parallel_loop3A_636 = arith.constant 0 : i32
        %parallel_loop3A_637 = vector.broadcast %parallel_loop3A_636 : i32 to vector<16xi32>
        %parallel_loop3A_638 = vector.broadcast %parallel_loop3A_635 : i32 to vector<16xi32>
        %parallel_loop3A_639 = arith.addi %parallel_loop3A_638, %parallel_loop3A_637 : vector<16xi32>
        %parallel_loop3A_640 = tpu.vector_load_idx %arg20[%parallel_loop3A_639] : memref<80xf32, #tpu.memory_space<vmem>>[vector<16xi32>], vector<16xf32>,
        %parallel_loop3A_641 = arith.index_cast %parallel_loop3A_635 : i32 to index
        %parallel_loop3A_642 = arith.constant 0 : index
        %parallel_loop3A_643 = tpu.vector_load %arg14[%parallel_loop3A_641, %parallel_loop3A_642] {strides = array<i32>} : memref<80x16xf32, #tpu.memory_space<vmem>>, vector<16xf32>,
        %parallel_loop3A_644 = arith.mulf %parallel_loop3A_643, %parallel_loop3A_640 : vector<16xf32>
        %parallel_loop3A_645 = arith.index_cast %parallel_loop3A_635 : i32 to index
        %parallel_loop3A_646 = arith.constant 0 : index
        %parallel_loop3A_647 = tpu.vector_load %arg19[%parallel_loop3A_645, %parallel_loop3A_646] {strides = array<i32>} : memref<80x32xf32, #tpu.memory_space<vmem>>, vector<16xf32>,
        tpu.vector_store %arg19[%parallel_loop3A_645, %parallel_loop3A_646], %parallel_loop3A_644 {strides = array<i32>} : memref<80x32xf32, #tpu.memory_space<vmem>>, vector<16xf32>,
        %parallel_loop3A_648 = arith.index_cast %parallel_loop3A_635 : i32 to index
        %parallel_loop3A_649 = arith.constant 16 : index
        %parallel_loop3A_650 = tpu.vector_load %arg19[%parallel_loop3A_648, %parallel_loop3A_649] {strides = array<i32>} : memref<80x32xf32, #tpu.memory_space<vmem>>, vector<16xf32>,
        tpu.vector_store %arg19[%parallel_loop3A_648, %parallel_loop3A_649], %parallel_loop3A_640 {strides = array<i32>} : memref<80x32xf32, #tpu.memory_space<vmem>>, vector<16xf32>,
      } {sc.loop_unroll_factor = 4 : i64, sc.parallel_access}
      %dma_start3A_629 = arith.constant 0 : i32
      %dma_start3A_630 = tpu.memref_slice %arg9[%add3A_532, %dma_start3A_629] : memref<125x80xi32, #tpu.memory_space<vmem>> -> memref<1x80xi32, #tpu.memory_space<vmem>>
      %dma_start3A_631 = tpu.memref_squeeze %dma_start3A_630 : memref<1x80xi32, #tpu.memory_space<vmem>> -> memref<80xi32, #tpu.memory_space<vmem>>
      %dma_start3A_632 = arith.constant 0 : i32
      %dma_start3A_633 = arith.constant 0 : i32
      %dma_start3A_634 = tpu.memref_slice %arg23[%dma_start3A_632, %dma_start3A_633] : memref<10240x32xf32, #tpu.memory_space<vmem_shared>> -> memref<10240x32xf32, #tpu.memory_space<vmem_shared>>
      tpu.enqueue_indirect_dma source(%arg19 : memref<80x32xf32, #tpu.memory_space<vmem>>) target(%dma_start3A_634 : memref<10240x32xf32, #tpu.memory_space<vmem_shared>>) offsets(%dma_start3A_631 : memref<80xi32, #tpu.memory_space<vmem>>) semaphore(%arg33 : memref<!tpu.dma_semaphore, #tpu.memory_space<semaphore_mem>>) {add = true}
    }
    %scan3A_69 = arith.constant 25 : i32
    %dma_wait3A = arith.constant 0 : i32
    %dma_wait3A_70 = arith.constant 0 : i32
    %dma_wait3A_71 = tpu.memref_slice %arg9[%dma_wait3A, %dma_wait3A_70] : memref<125x80xi32, #tpu.memory_space<vmem>> -> memref<1x80xi32, #tpu.memory_space<vmem>>
    %dma_wait3A_72 = tpu.memref_squeeze %dma_wait3A_71 : memref<1x80xi32, #tpu.memory_space<vmem>> -> memref<80xi32, #tpu.memory_space<vmem>>
    %dma_wait3A_73 = arith.constant 0 : i32
    %dma_wait3A_74 = arith.constant 0 : i32
    %dma_wait3A_75 = tpu.memref_slice %arg23[%dma_wait3A_73, %dma_wait3A_74] : memref<10240x32xf32, #tpu.memory_space<vmem_shared>> -> memref<10240x32xf32, #tpu.memory_space<vmem_shared>>
    tpu.wait_indirect_dma semaphore(%arg29 : memref<!tpu.dma_semaphore, #tpu.memory_space<semaphore_mem>>) src(%arg15 : memref<80x32xf32, #tpu.memory_space<vmem>>) dst(%dma_wait3A_75 : memref<10240x32xf32, #tpu.memory_space<vmem_shared>>)
    %dma_wait3A_76 = arith.constant 0 : i32
    %dma_wait3A_77 = arith.constant 0 : i32
    %dma_wait3A_78 = tpu.memref_slice %arg9[%dma_wait3A_76, %dma_wait3A_77] : memref<125x80xi32, #tpu.memory_space<vmem>> -> memref<1x80xi32, #tpu.memory_space<vmem>>
    %dma_wait3A_79 = tpu.memref_squeeze %dma_wait3A_78 : memref<1x80xi32, #tpu.memory_space<vmem>> -> memref<80xi32, #tpu.memory_space<vmem>>
    %dma_wait3A_80 = arith.constant 0 : i32
    %dma_wait3A_81 = arith.constant 0 : i32
    %dma_wait3A_82 = tpu.memref_slice %arg23[%dma_wait3A_80, %dma_wait3A_81] : memref<10240x32xf32, #tpu.memory_space<vmem_shared>> -> memref<10240x32xf32, #tpu.memory_space<vmem_shared>>
    tpu.wait_indirect_dma semaphore(%arg30 : memref<!tpu.dma_semaphore, #tpu.memory_space<semaphore_mem>>) src(%arg16 : memref<80x32xf32, #tpu.memory_space<vmem>>) dst(%dma_wait3A_82 : memref<10240x32xf32, #tpu.memory_space<vmem_shared>>)
    %dma_wait3A_83 = arith.constant 0 : i32
    %dma_wait3A_84 = arith.constant 0 : i32
    %dma_wait3A_85 = tpu.memref_slice %arg9[%dma_wait3A_83, %dma_wait3A_84] : memref<125x80xi32, #tpu.memory_space<vmem>> -> memref<1x80xi32, #tpu.memory_space<vmem>>
    %dma_wait3A_86 = tpu.memref_squeeze %dma_wait3A_85 : memref<1x80xi32, #tpu.memory_space<vmem>> -> memref<80xi32, #tpu.memory_space<vmem>>
    %dma_wait3A_87 = arith.constant 0 : i32
    %dma_wait3A_88 = arith.constant 0 : i32
    %dma_wait3A_89 = tpu.memref_slice %arg23[%dma_wait3A_87, %dma_wait3A_88] : memref<10240x32xf32, #tpu.memory_space<vmem_shared>> -> memref<10240x32xf32, #tpu.memory_space<vmem_shared>>
    tpu.wait_indirect_dma semaphore(%arg31 : memref<!tpu.dma_semaphore, #tpu.memory_space<semaphore_mem>>) src(%arg17 : memref<80x32xf32, #tpu.memory_space<vmem>>) dst(%dma_wait3A_89 : memref<10240x32xf32, #tpu.memory_space<vmem_shared>>)
    %dma_wait3A_90 = arith.constant 0 : i32
    %dma_wait3A_91 = arith.constant 0 : i32
    %dma_wait3A_92 = tpu.memref_slice %arg9[%dma_wait3A_90, %dma_wait3A_91] : memref<125x80xi32, #tpu.memory_space<vmem>> -> memref<1x80xi32, #tpu.memory_space<vmem>>
    %dma_wait3A_93 = tpu.memref_squeeze %dma_wait3A_92 : memref<1x80xi32, #tpu.memory_space<vmem>> -> memref<80xi32, #tpu.memory_space<vmem>>
    %dma_wait3A_94 = arith.constant 0 : i32
    %dma_wait3A_95 = arith.constant 0 : i32
    %dma_wait3A_96 = tpu.memref_slice %arg23[%dma_wait3A_94, %dma_wait3A_95] : memref<10240x32xf32, #tpu.memory_space<vmem_shared>> -> memref<10240x32xf32, #tpu.memory_space<vmem_shared>>
    tpu.wait_indirect_dma semaphore(%arg32 : memref<!tpu.dma_semaphore, #tpu.memory_space<semaphore_mem>>) src(%arg18 : memref<80x32xf32, #tpu.memory_space<vmem>>) dst(%dma_wait3A_96 : memref<10240x32xf32, #tpu.memory_space<vmem_shared>>)
    %dma_wait3A_97 = arith.constant 0 : i32
    %dma_wait3A_98 = arith.constant 0 : i32
    %dma_wait3A_99 = tpu.memref_slice %arg9[%dma_wait3A_97, %dma_wait3A_98] : memref<125x80xi32, #tpu.memory_space<vmem>> -> memref<1x80xi32, #tpu.memory_space<vmem>>
    %dma_wait3A_100 = tpu.memref_squeeze %dma_wait3A_99 : memref<1x80xi32, #tpu.memory_space<vmem>> -> memref<80xi32, #tpu.memory_space<vmem>>
    %dma_wait3A_101 = arith.constant 0 : i32
    %dma_wait3A_102 = arith.constant 0 : i32
    %dma_wait3A_103 = tpu.memref_slice %arg23[%dma_wait3A_101, %dma_wait3A_102] : memref<10240x32xf32, #tpu.memory_space<vmem_shared>> -> memref<10240x32xf32, #tpu.memory_space<vmem_shared>>
    tpu.wait_indirect_dma semaphore(%arg33 : memref<!tpu.dma_semaphore, #tpu.memory_space<semaphore_mem>>) src(%arg19 : memref<80x32xf32, #tpu.memory_space<vmem>>) dst(%dma_wait3A_103 : memref<10240x32xf32, #tpu.memory_space<vmem_shared>>)
    %barrier3A_104 = arith.constant 0 : index
    tpu.barrier barrier_id(%barrier3A_104)
    %mul3A_105 = arith.constant 640 : i32
    %mul3A_106 = arith.muli %arg1, %mul3A_105 : i32
    %mul3A_107 = arith.constant 640 : i32
    %mul3A_108 = arith.muli %arg1, %mul3A_107 : i32
    "tpu.region"() ({
      %run_scoped3A_109 = tpu.sem_alloc : memref<!tpu.dma_semaphore, #tpu.memory_space<semaphore_mem>>
      %dma_start3A_110 = arith.constant 0 : i32
      %dma_start3A_111 = tpu.memref_slice %arg7[%arg0, %mul3A_108, %dma_start3A_110] : memref<2x10240x32xf32, #tpu.memory_space<hbm>> -> memref<1x640x32xf32, #tpu.memory_space<hbm>>
      %dma_start3A_112 = tpu.memref_squeeze %dma_start3A_111 : memref<1x640x32xf32, #tpu.memory_space<hbm>> -> memref<640x32xf32, #tpu.memory_space<hbm>>
      %dma_start3A_113 = arith.constant 0 : i32
      %dma_start3A_114 = tpu.memref_slice %arg23[%mul3A_106, %dma_start3A_113] : memref<10240x32xf32, #tpu.memory_space<vmem_shared>> -> memref<640x32xf32, #tpu.memory_space<vmem_shared>>
      tpu.enqueue_dma source(%dma_start3A_114 : memref<640x32xf32, #tpu.memory_space<vmem_shared>>) target(%dma_start3A_112 : memref<640x32xf32, #tpu.memory_space<hbm>>) target_semaphore(%run_scoped3A_109 : memref<!tpu.dma_semaphore, #tpu.memory_space<semaphore_mem>>)
      %dma_wait3A_115 = arith.constant 0 : i32
      %dma_wait3A_116 = tpu.memref_slice %arg7[%arg0, %mul3A_108, %dma_wait3A_115] : memref<2x10240x32xf32, #tpu.memory_space<hbm>> -> memref<1x640x32xf32, #tpu.memory_space<hbm>>
      %dma_wait3A_117 = tpu.memref_squeeze %dma_wait3A_116 : memref<1x640x32xf32, #tpu.memory_space<hbm>> -> memref<640x32xf32, #tpu.memory_space<hbm>>
      %dma_wait3A_118 = arith.constant 0 : i32
      %dma_wait3A_119 = tpu.memref_slice %arg23[%mul3A_106, %dma_wait3A_118] : memref<10240x32xf32, #tpu.memory_space<vmem_shared>> -> memref<640x32xf32, #tpu.memory_space<vmem_shared>>
      tpu.wait_dma2 semaphore(%run_scoped3A_109 : memref<!tpu.dma_semaphore, #tpu.memory_space<semaphore_mem>>) src(%dma_wait3A_119 : memref<640x32xf32, #tpu.memory_space<vmem_shared>>) dst(%dma_wait3A_117 : memref<640x32xf32, #tpu.memory_space<hbm>>)
      tpu.yield
    }) : () -> ()
    return
  }
}

#map = affine_map<(d0, d1) -> (0, 0)>
#map1 = affine_map<(d0, d1) -> (0, 0, 0)>
module attributes {stable_mosaic.version = 14 : i64} {
  func.func @k(%arg0: i32, %arg1: i32, %arg2: memref<10000x80xf32, #tpu.memory_space<hbm>>, %arg3: memref<10000x16xf32, #tpu.memory_space<hbm>>, %arg4: memref<4000x80xi32, #tpu.memory_space<hbm>>, %arg5: memref<4000x80xi32, #tpu.memory_space<hbm>>, %arg6: memref<640x80xf32, #tpu.memory_space<hbm>>, %arg7: memref<2x10240x80xf32, #tpu.memory_space<hbm>>, %arg8: memref<125x80xi32, #tpu.memory_space<vmem>>, %arg9: memref<125x80xi32, #tpu.memory_space<vmem>>, %arg10: memref<80x80xf32, #tpu.memory_space<vmem>>, %arg11: memref<80x80xf32, #tpu.memory_space<vmem>>, %arg12: memref<80x80xf32, #tpu.memory_space<vmem>>, %arg13: memref<80x80xf32, #tpu.memory_space<vmem>>, %arg14: memref<80x80xf32, #tpu.memory_space<vmem>>, %arg15: memref<80x16xf32, #tpu.memory_space<vmem>>, %arg16: memref<80x16xf32, #tpu.memory_space<vmem>>, %arg17: memref<80x16xf32, #tpu.memory_space<vmem>>, %arg18: memref<80x16xf32, #tpu.memory_space<vmem>>, %arg19: memref<80x16xf32, #tpu.memory_space<vmem>>, %arg20: memref<1280xf32, #tpu.memory_space<vmem>>, %arg21: memref<10240x80xf32, #tpu.memory_space<vmem_shared>>, %arg22: memref<!tpu.dma_semaphore, #tpu.memory_space<semaphore_mem>>, %arg23: memref<!tpu.dma_semaphore, #tpu.memory_space<semaphore_mem>>, %arg24: memref<!tpu.dma_semaphore, #tpu.memory_space<semaphore_mem>>, %arg25: memref<!tpu.dma_semaphore, #tpu.memory_space<semaphore_mem>>, %arg26: memref<!tpu.dma_semaphore, #tpu.memory_space<semaphore_mem>>, %arg27: memref<!tpu.dma_semaphore, #tpu.memory_space<semaphore_mem>>, %arg28: memref<!tpu.dma_semaphore, #tpu.memory_space<semaphore_mem>>, %arg29: memref<!tpu.dma_semaphore, #tpu.memory_space<semaphore_mem>>, %arg30: memref<!tpu.dma_semaphore, #tpu.memory_space<semaphore_mem>>, %arg31: memref<!tpu.dma_semaphore, #tpu.memory_space<semaphore_mem>>, %arg32: memref<!tpu.dma_semaphore, #tpu.memory_space<semaphore_mem>>, %arg33: memref<!tpu.dma_semaphore, #tpu.memory_space<semaphore_mem>>, %arg34: memref<!tpu.dma_semaphore, #tpu.memory_space<semaphore_mem>>, %arg35: memref<!tpu.dma_semaphore, #tpu.memory_space<semaphore_mem>>, %arg36: memref<!tpu.dma_semaphore, #tpu.memory_space<semaphore_mem>>) attributes {dimension_semantics = [#tpu.dimension_semantics<core_parallel>, #tpu.dimension_semantics<subcore_parallel>], iteration_bounds = array<i64: 2, 16>, scalar_prefetch = 0 : i64, scratch_operands = 29 : i64, tpu.core_type = #tpu.core_type<sc_vector_subcore>, window_params = [{transform_indices = #map}, {transform_indices = #map}, {transform_indices = #map}, {transform_indices = #map}, {transform_indices = #map}, {transform_indices = #map1}]} {
    %mul3A = arith.constant 2 : i32
    %mul3A_0 = arith.muli %arg1, %mul3A : i32
    %add3A = arith.addi %mul3A_0, %arg0 : i32
    %mul3A_1 = arith.constant 640 : i32
    %mul3A_2 = arith.muli %arg1, %mul3A_1 : i32
    "tpu.region"() ({
      %run_scoped3A = tpu.sem_alloc : memref<!tpu.dma_semaphore, #tpu.memory_space<semaphore_mem>>
      %dma_start3A_93 = arith.constant 0 : i32
      %dma_start3A_94 = tpu.memref_slice %arg21[%mul3A_2, %dma_start3A_93] : memref<10240x80xf32, #tpu.memory_space<vmem_shared>> -> memref<640x80xf32, #tpu.memory_space<vmem_shared>>
      tpu.enqueue_dma source(%arg6 : memref<640x80xf32, #tpu.memory_space<hbm>>) target(%dma_start3A_94 : memref<640x80xf32, #tpu.memory_space<vmem_shared>>) target_semaphore(%run_scoped3A : memref<!tpu.dma_semaphore, #tpu.memory_space<semaphore_mem>>)
      %dma_wait3A_95 = arith.constant 0 : i32
      %dma_wait3A_96 = tpu.memref_slice %arg21[%mul3A_2, %dma_wait3A_95] : memref<10240x80xf32, #tpu.memory_space<vmem_shared>> -> memref<640x80xf32, #tpu.memory_space<vmem_shared>>
      tpu.wait_dma2 semaphore(%run_scoped3A : memref<!tpu.dma_semaphore, #tpu.memory_space<semaphore_mem>>) src(%arg6 : memref<640x80xf32, #tpu.memory_space<hbm>>) dst(%dma_wait3A_96 : memref<640x80xf32, #tpu.memory_space<vmem_shared>>)
      tpu.yield
    }) : () -> ()
    %mul3A_3 = arith.constant 125 : i32
    %mul3A_4 = arith.muli %add3A, %mul3A_3 : i32
    "tpu.region"() ({
      %run_scoped3A = tpu.sem_alloc : memref<!tpu.dma_semaphore, #tpu.memory_space<semaphore_mem>>
      %dma_start3A_93 = arith.constant 0 : i32
      %dma_start3A_94 = tpu.memref_slice %arg4[%mul3A_4, %dma_start3A_93] : memref<4000x80xi32, #tpu.memory_space<hbm>> -> memref<125x80xi32, #tpu.memory_space<hbm>>
      %dma_start3A_95 = arith.constant 0 : i32
      %dma_start3A_96 = tpu.memref_slice %arg4[%mul3A_4, %dma_start3A_95] : memref<4000x80xi32, #tpu.memory_space<hbm>> -> memref<125x80xi32, #tpu.memory_space<hbm>>
      tpu.enqueue_dma source(%dma_start3A_96 : memref<125x80xi32, #tpu.memory_space<hbm>>) target(%arg8 : memref<125x80xi32, #tpu.memory_space<vmem>>) target_semaphore(%run_scoped3A : memref<!tpu.dma_semaphore, #tpu.memory_space<semaphore_mem>>)
      %dma_wait3A_97 = arith.constant 0 : i32
      %dma_wait3A_98 = tpu.memref_slice %arg4[%mul3A_4, %dma_wait3A_97] : memref<4000x80xi32, #tpu.memory_space<hbm>> -> memref<125x80xi32, #tpu.memory_space<hbm>>
      %dma_wait3A_99 = arith.constant 0 : i32
      %dma_wait3A_100 = tpu.memref_slice %arg4[%mul3A_4, %dma_wait3A_99] : memref<4000x80xi32, #tpu.memory_space<hbm>> -> memref<125x80xi32, #tpu.memory_space<hbm>>
      tpu.wait_dma2 semaphore(%run_scoped3A : memref<!tpu.dma_semaphore, #tpu.memory_space<semaphore_mem>>) src(%dma_wait3A_100 : memref<125x80xi32, #tpu.memory_space<hbm>>) dst(%arg8 : memref<125x80xi32, #tpu.memory_space<vmem>>)
      tpu.yield
    }) : () -> ()
    %mul3A_5 = arith.constant 125 : i32
    %mul3A_6 = arith.muli %add3A, %mul3A_5 : i32
    "tpu.region"() ({
      %run_scoped3A = tpu.sem_alloc : memref<!tpu.dma_semaphore, #tpu.memory_space<semaphore_mem>>
      %dma_start3A_93 = arith.constant 0 : i32
      %dma_start3A_94 = tpu.memref_slice %arg5[%mul3A_6, %dma_start3A_93] : memref<4000x80xi32, #tpu.memory_space<hbm>> -> memref<125x80xi32, #tpu.memory_space<hbm>>
      %dma_start3A_95 = arith.constant 0 : i32
      %dma_start3A_96 = tpu.memref_slice %arg5[%mul3A_6, %dma_start3A_95] : memref<4000x80xi32, #tpu.memory_space<hbm>> -> memref<125x80xi32, #tpu.memory_space<hbm>>
      tpu.enqueue_dma source(%dma_start3A_96 : memref<125x80xi32, #tpu.memory_space<hbm>>) target(%arg9 : memref<125x80xi32, #tpu.memory_space<vmem>>) target_semaphore(%run_scoped3A : memref<!tpu.dma_semaphore, #tpu.memory_space<semaphore_mem>>)
      %dma_wait3A_97 = arith.constant 0 : i32
      %dma_wait3A_98 = tpu.memref_slice %arg5[%mul3A_6, %dma_wait3A_97] : memref<4000x80xi32, #tpu.memory_space<hbm>> -> memref<125x80xi32, #tpu.memory_space<hbm>>
      %dma_wait3A_99 = arith.constant 0 : i32
      %dma_wait3A_100 = tpu.memref_slice %arg5[%mul3A_6, %dma_wait3A_99] : memref<4000x80xi32, #tpu.memory_space<hbm>> -> memref<125x80xi32, #tpu.memory_space<hbm>>
      tpu.wait_dma2 semaphore(%run_scoped3A : memref<!tpu.dma_semaphore, #tpu.memory_space<semaphore_mem>>) src(%dma_wait3A_100 : memref<125x80xi32, #tpu.memory_space<hbm>>) dst(%arg9 : memref<125x80xi32, #tpu.memory_space<vmem>>)
      tpu.yield
    }) : () -> ()
    %barrier3A = arith.constant 0 : index
    tpu.barrier barrier_id(%barrier3A)
    %iota3A = tpu.iota {dimensions = array<i32: 0>} : vector<16xi32>
    %shift_right_logical3A = arith.constant 3 : i32
    %shift_right_logical3A_7 = vector.broadcast %shift_right_logical3A : i32 to vector<16xi32>
    %shift_right_logical3A_8 = arith.shrui %iota3A, %shift_right_logical3A_7 : vector<16xi32>
    %dma_start3A = arith.constant 0 : i32
    %dma_start3A_9 = arith.constant 0 : i32
    %dma_start3A_10 = tpu.memref_slice %arg8[%dma_start3A, %dma_start3A_9] : memref<125x80xi32, #tpu.memory_space<vmem>> -> memref<1x80xi32, #tpu.memory_space<vmem>>
    %dma_start3A_11 = tpu.memref_squeeze %dma_start3A_10 : memref<1x80xi32, #tpu.memory_space<vmem>> -> memref<80xi32, #tpu.memory_space<vmem>>
    %dma_start3A_12 = arith.constant 0 : i32
    %dma_start3A_13 = arith.constant 0 : i32
    %dma_start3A_14 = tpu.memref_slice %arg2[%dma_start3A_12, %dma_start3A_13] : memref<10000x80xf32, #tpu.memory_space<hbm>> -> memref<10000x80xf32, #tpu.memory_space<hbm>>
    tpu.enqueue_indirect_dma source(%dma_start3A_14 : memref<10000x80xf32, #tpu.memory_space<hbm>>) target(%arg10 : memref<80x80xf32, #tpu.memory_space<vmem>>) offsets(%dma_start3A_11 : memref<80xi32, #tpu.memory_space<vmem>>) semaphore(%arg22 : memref<!tpu.dma_semaphore, #tpu.memory_space<semaphore_mem>>)
    %dma_start3A_15 = arith.constant 0 : i32
    %dma_start3A_16 = arith.constant 0 : i32
    %dma_start3A_17 = tpu.memref_slice %arg9[%dma_start3A_15, %dma_start3A_16] : memref<125x80xi32, #tpu.memory_space<vmem>> -> memref<1x80xi32, #tpu.memory_space<vmem>>
    %dma_start3A_18 = tpu.memref_squeeze %dma_start3A_17 : memref<1x80xi32, #tpu.memory_space<vmem>> -> memref<80xi32, #tpu.memory_space<vmem>>
    %dma_start3A_19 = arith.constant 0 : i32
    %dma_start3A_20 = arith.constant 0 : i32
    %dma_start3A_21 = tpu.memref_slice %arg3[%dma_start3A_19, %dma_start3A_20] : memref<10000x16xf32, #tpu.memory_space<hbm>> -> memref<10000x16xf32, #tpu.memory_space<hbm>>
    tpu.enqueue_indirect_dma source(%dma_start3A_21 : memref<10000x16xf32, #tpu.memory_space<hbm>>) target(%arg15 : memref<80x16xf32, #tpu.memory_space<vmem>>) offsets(%dma_start3A_18 : memref<80xi32, #tpu.memory_space<vmem>>) semaphore(%arg27 : memref<!tpu.dma_semaphore, #tpu.memory_space<semaphore_mem>>)
    %dma_start3A_22 = arith.constant 1 : i32
    %dma_start3A_23 = arith.constant 0 : i32
    %dma_start3A_24 = tpu.memref_slice %arg8[%dma_start3A_22, %dma_start3A_23] : memref<125x80xi32, #tpu.memory_space<vmem>> -> memref<1x80xi32, #tpu.memory_space<vmem>>
    %dma_start3A_25 = tpu.memref_squeeze %dma_start3A_24 : memref<1x80xi32, #tpu.memory_space<vmem>> -> memref<80xi32, #tpu.memory_space<vmem>>
    %dma_start3A_26 = arith.constant 0 : i32
    %dma_start3A_27 = arith.constant 0 : i32
    %dma_start3A_28 = tpu.memref_slice %arg2[%dma_start3A_26, %dma_start3A_27] : memref<10000x80xf32, #tpu.memory_space<hbm>> -> memref<10000x80xf32, #tpu.memory_space<hbm>>
    tpu.enqueue_indirect_dma source(%dma_start3A_28 : memref<10000x80xf32, #tpu.memory_space<hbm>>) target(%arg11 : memref<80x80xf32, #tpu.memory_space<vmem>>) offsets(%dma_start3A_25 : memref<80xi32, #tpu.memory_space<vmem>>) semaphore(%arg23 : memref<!tpu.dma_semaphore, #tpu.memory_space<semaphore_mem>>)
    %dma_start3A_29 = arith.constant 1 : i32
    %dma_start3A_30 = arith.constant 0 : i32
    %dma_start3A_31 = tpu.memref_slice %arg9[%dma_start3A_29, %dma_start3A_30] : memref<125x80xi32, #tpu.memory_space<vmem>> -> memref<1x80xi32, #tpu.memory_space<vmem>>
    %dma_start3A_32 = tpu.memref_squeeze %dma_start3A_31 : memref<1x80xi32, #tpu.memory_space<vmem>> -> memref<80xi32, #tpu.memory_space<vmem>>
    %dma_start3A_33 = arith.constant 0 : i32
    %dma_start3A_34 = arith.constant 0 : i32
    %dma_start3A_35 = tpu.memref_slice %arg3[%dma_start3A_33, %dma_start3A_34] : memref<10000x16xf32, #tpu.memory_space<hbm>> -> memref<10000x16xf32, #tpu.memory_space<hbm>>
    tpu.enqueue_indirect_dma source(%dma_start3A_35 : memref<10000x16xf32, #tpu.memory_space<hbm>>) target(%arg16 : memref<80x16xf32, #tpu.memory_space<vmem>>) offsets(%dma_start3A_32 : memref<80xi32, #tpu.memory_space<vmem>>) semaphore(%arg28 : memref<!tpu.dma_semaphore, #tpu.memory_space<semaphore_mem>>)
    %dma_start3A_36 = arith.constant 2 : i32
    %dma_start3A_37 = arith.constant 0 : i32
    %dma_start3A_38 = tpu.memref_slice %arg8[%dma_start3A_36, %dma_start3A_37] : memref<125x80xi32, #tpu.memory_space<vmem>> -> memref<1x80xi32, #tpu.memory_space<vmem>>
    %dma_start3A_39 = tpu.memref_squeeze %dma_start3A_38 : memref<1x80xi32, #tpu.memory_space<vmem>> -> memref<80xi32, #tpu.memory_space<vmem>>
    %dma_start3A_40 = arith.constant 0 : i32
    %dma_start3A_41 = arith.constant 0 : i32
    %dma_start3A_42 = tpu.memref_slice %arg2[%dma_start3A_40, %dma_start3A_41] : memref<10000x80xf32, #tpu.memory_space<hbm>> -> memref<10000x80xf32, #tpu.memory_space<hbm>>
    tpu.enqueue_indirect_dma source(%dma_start3A_42 : memref<10000x80xf32, #tpu.memory_space<hbm>>) target(%arg12 : memref<80x80xf32, #tpu.memory_space<vmem>>) offsets(%dma_start3A_39 : memref<80xi32, #tpu.memory_space<vmem>>) semaphore(%arg24 : memref<!tpu.dma_semaphore, #tpu.memory_space<semaphore_mem>>)
    %dma_start3A_43 = arith.constant 2 : i32
    %dma_start3A_44 = arith.constant 0 : i32
    %dma_start3A_45 = tpu.memref_slice %arg9[%dma_start3A_43, %dma_start3A_44] : memref<125x80xi32, #tpu.memory_space<vmem>> -> memref<1x80xi32, #tpu.memory_space<vmem>>
    %dma_start3A_46 = tpu.memref_squeeze %dma_start3A_45 : memref<1x80xi32, #tpu.memory_space<vmem>> -> memref<80xi32, #tpu.memory_space<vmem>>
    %dma_start3A_47 = arith.constant 0 : i32
    %dma_start3A_48 = arith.constant 0 : i32
    %dma_start3A_49 = tpu.memref_slice %arg3[%dma_start3A_47, %dma_start3A_48] : memref<10000x16xf32, #tpu.memory_space<hbm>> -> memref<10000x16xf32, #tpu.memory_space<hbm>>
    tpu.enqueue_indirect_dma source(%dma_start3A_49 : memref<10000x16xf32, #tpu.memory_space<hbm>>) target(%arg17 : memref<80x16xf32, #tpu.memory_space<vmem>>) offsets(%dma_start3A_46 : memref<80xi32, #tpu.memory_space<vmem>>) semaphore(%arg29 : memref<!tpu.dma_semaphore, #tpu.memory_space<semaphore_mem>>)
    %scan3A = arith.constant 0 : i32
    %scan3A_50 = arith.constant 25 : i32
    %scan3A_51 = arith.addi %scan3A, %scan3A_50 : i32
    %scan3A_52 = arith.constant 1 : i32
    scf.for %scan3A_93 = %scan3A to %scan3A_51 step %scan3A_52  : i32 {
      %mul3A_94 = arith.constant 1 : i32
      %mul3A_95 = arith.muli %scan3A_93, %mul3A_94 : i32
      %add3A_96 = arith.constant 0 : i32
      %add3A_97 = arith.addi %add3A_96, %mul3A_95 : i32
      %mul3A_98 = arith.constant 5 : i32
      %mul3A_99 = arith.muli %add3A_97, %mul3A_98 : i32
      %add3A_100 = arith.constant 0 : i32
      %add3A_101 = arith.addi %mul3A_99, %add3A_100 : i32
      %add3A_102 = arith.constant 3 : i32
      %add3A_103 = arith.addi %add3A_101, %add3A_102 : i32
      %lt3A = arith.constant 125 : i32
      %lt3A_104 = arith.cmpi slt, %add3A_103, %lt3A : i32
      %convert_element_type3A = arith.extui %lt3A_104 : i1 to i32
      %cond3A = arith.constant 0 : i32
      %cond3A_105 = arith.cmpi ne, %convert_element_type3A, %cond3A : i32
      scf.if %cond3A_105 {
        %ge3A = arith.constant 2 : i32
        %ge3A_254 = arith.cmpi sge, %add3A_101, %ge3A : i32
        %convert_element_type3A_255 = arith.extui %ge3A_254 : i1 to i32
        %cond3A_256 = arith.constant 0 : i32
        %cond3A_257 = arith.cmpi ne, %convert_element_type3A_255, %cond3A_256 : i32
        scf.if %cond3A_257 {
          %dma_wait3A_272 = arith.constant 0 : i32
          %dma_wait3A_273 = arith.constant 0 : i32
          %dma_wait3A_274 = tpu.memref_slice %arg9[%dma_wait3A_272, %dma_wait3A_273] : memref<125x80xi32, #tpu.memory_space<vmem>> -> memref<1x80xi32, #tpu.memory_space<vmem>>
          %dma_wait3A_275 = tpu.memref_squeeze %dma_wait3A_274 : memref<1x80xi32, #tpu.memory_space<vmem>> -> memref<80xi32, #tpu.memory_space<vmem>>
          %dma_wait3A_276 = arith.constant 0 : i32
          %dma_wait3A_277 = arith.constant 0 : i32
          %dma_wait3A_278 = tpu.memref_slice %arg21[%dma_wait3A_276, %dma_wait3A_277] : memref<10240x80xf32, #tpu.memory_space<vmem_shared>> -> memref<10240x80xf32, #tpu.memory_space<vmem_shared>>
          tpu.wait_indirect_dma semaphore(%arg35 : memref<!tpu.dma_semaphore, #tpu.memory_space<semaphore_mem>>) src(%arg13 : memref<80x80xf32, #tpu.memory_space<vmem>>) dst(%dma_wait3A_278 : memref<10240x80xf32, #tpu.memory_space<vmem_shared>>)
        } else {
        }
        %add3A_258 = arith.constant 3 : i32
        %add3A_259 = arith.addi %add3A_101, %add3A_258 : i32
        %dma_start3A_260 = arith.constant 0 : i32
        %dma_start3A_261 = tpu.memref_slice %arg8[%add3A_259, %dma_start3A_260] : memref<125x80xi32, #tpu.memory_space<vmem>> -> memref<1x80xi32, #tpu.memory_space<vmem>>
        %dma_start3A_262 = tpu.memref_squeeze %dma_start3A_261 : memref<1x80xi32, #tpu.memory_space<vmem>> -> memref<80xi32, #tpu.memory_space<vmem>>
        %dma_start3A_263 = arith.constant 0 : i32
        %dma_start3A_264 = arith.constant 0 : i32
        %dma_start3A_265 = tpu.memref_slice %arg2[%dma_start3A_263, %dma_start3A_264] : memref<10000x80xf32, #tpu.memory_space<hbm>> -> memref<10000x80xf32, #tpu.memory_space<hbm>>
        tpu.enqueue_indirect_dma source(%dma_start3A_265 : memref<10000x80xf32, #tpu.memory_space<hbm>>) target(%arg13 : memref<80x80xf32, #tpu.memory_space<vmem>>) offsets(%dma_start3A_262 : memref<80xi32, #tpu.memory_space<vmem>>) semaphore(%arg25 : memref<!tpu.dma_semaphore, #tpu.memory_space<semaphore_mem>>)
        %dma_start3A_266 = arith.constant 0 : i32
        %dma_start3A_267 = tpu.memref_slice %arg9[%add3A_259, %dma_start3A_266] : memref<125x80xi32, #tpu.memory_space<vmem>> -> memref<1x80xi32, #tpu.memory_space<vmem>>
        %dma_start3A_268 = tpu.memref_squeeze %dma_start3A_267 : memref<1x80xi32, #tpu.memory_space<vmem>> -> memref<80xi32, #tpu.memory_space<vmem>>
        %dma_start3A_269 = arith.constant 0 : i32
        %dma_start3A_270 = arith.constant 0 : i32
        %dma_start3A_271 = tpu.memref_slice %arg3[%dma_start3A_269, %dma_start3A_270] : memref<10000x16xf32, #tpu.memory_space<hbm>> -> memref<10000x16xf32, #tpu.memory_space<hbm>>
        tpu.enqueue_indirect_dma source(%dma_start3A_271 : memref<10000x16xf32, #tpu.memory_space<hbm>>) target(%arg18 : memref<80x16xf32, #tpu.memory_space<vmem>>) offsets(%dma_start3A_268 : memref<80xi32, #tpu.memory_space<vmem>>) semaphore(%arg30 : memref<!tpu.dma_semaphore, #tpu.memory_space<semaphore_mem>>)
      } else {
      }
      %dma_wait3A_106 = arith.constant 0 : i32
      %dma_wait3A_107 = tpu.memref_slice %arg8[%add3A_101, %dma_wait3A_106] : memref<125x80xi32, #tpu.memory_space<vmem>> -> memref<1x80xi32, #tpu.memory_space<vmem>>
      %dma_wait3A_108 = tpu.memref_squeeze %dma_wait3A_107 : memref<1x80xi32, #tpu.memory_space<vmem>> -> memref<80xi32, #tpu.memory_space<vmem>>
      %dma_wait3A_109 = arith.constant 0 : i32
      %dma_wait3A_110 = arith.constant 0 : i32
      %dma_wait3A_111 = tpu.memref_slice %arg2[%dma_wait3A_109, %dma_wait3A_110] : memref<10000x80xf32, #tpu.memory_space<hbm>> -> memref<10000x80xf32, #tpu.memory_space<hbm>>
      tpu.wait_indirect_dma semaphore(%arg22 : memref<!tpu.dma_semaphore, #tpu.memory_space<semaphore_mem>>) src(%dma_wait3A_111 : memref<10000x80xf32, #tpu.memory_space<hbm>>) dst(%arg10 : memref<80x80xf32, #tpu.memory_space<vmem>>)
      %dma_wait3A_112 = arith.constant 0 : i32
      %dma_wait3A_113 = tpu.memref_slice %arg9[%add3A_101, %dma_wait3A_112] : memref<125x80xi32, #tpu.memory_space<vmem>> -> memref<1x80xi32, #tpu.memory_space<vmem>>
      %dma_wait3A_114 = tpu.memref_squeeze %dma_wait3A_113 : memref<1x80xi32, #tpu.memory_space<vmem>> -> memref<80xi32, #tpu.memory_space<vmem>>
      %dma_wait3A_115 = arith.constant 0 : i32
      %dma_wait3A_116 = arith.constant 0 : i32
      %dma_wait3A_117 = tpu.memref_slice %arg3[%dma_wait3A_115, %dma_wait3A_116] : memref<10000x16xf32, #tpu.memory_space<hbm>> -> memref<10000x16xf32, #tpu.memory_space<hbm>>
      tpu.wait_indirect_dma semaphore(%arg27 : memref<!tpu.dma_semaphore, #tpu.memory_space<semaphore_mem>>) src(%dma_wait3A_117 : memref<10000x16xf32, #tpu.memory_space<hbm>>) dst(%arg15 : memref<80x16xf32, #tpu.memory_space<vmem>>)
      %parallel_loop3A = arith.constant 0 : i32
      %parallel_loop3A_118 = arith.constant 80 : i32
      %parallel_loop3A_119 = arith.constant 1 : i32
      scf.for %parallel_loop3A_254 = %parallel_loop3A to %parallel_loop3A_118 step %parallel_loop3A_119  : i32 {
        %parallel_loop3A_255 = arith.index_cast %parallel_loop3A_254 : i32 to index
        %parallel_loop3A_256 = arith.constant 64 : index
        %parallel_loop3A_257 = tpu.vector_load %arg10[%parallel_loop3A_255, %parallel_loop3A_256] {strides = array<i32>} : memref<80x80xf32, #tpu.memory_space<vmem>>, vector<16xf32>,
        %parallel_loop3A_258 = arith.index_cast %parallel_loop3A_254 : i32 to index
        %parallel_loop3A_259 = arith.constant 0 : index
        %parallel_loop3A_260 = tpu.vector_load %arg15[%parallel_loop3A_258, %parallel_loop3A_259] {strides = array<i32>} : memref<80x16xf32, #tpu.memory_space<vmem>>, vector<16xf32>,
        %parallel_loop3A_261 = arith.addf %parallel_loop3A_257, %parallel_loop3A_260 : vector<16xf32>
        %parallel_loop3A_262 = arith.constant 2.000000e-01 : f32
        %parallel_loop3A_263 = vector.broadcast %parallel_loop3A_262 : f32 to vector<16xf32>
        %parallel_loop3A_264 = arith.mulf %parallel_loop3A_263, %parallel_loop3A_261 : vector<16xf32>
        %parallel_loop3A_265 = arith.maximumf %parallel_loop3A_261, %parallel_loop3A_264 : vector<16xf32>
        %parallel_loop3A_266 = math.exp %parallel_loop3A_265 : vector<16xf32>
        %parallel_loop3A_267 = arith.index_cast %parallel_loop3A_254 : i32 to index
        %parallel_loop3A_268 = arith.constant 64 : index
        %parallel_loop3A_269 = tpu.vector_load %arg10[%parallel_loop3A_267, %parallel_loop3A_268] {strides = array<i32>} : memref<80x80xf32, #tpu.memory_space<vmem>>, vector<16xf32>,
        tpu.vector_store %arg10[%parallel_loop3A_267, %parallel_loop3A_268], %parallel_loop3A_266 {strides = array<i32>} : memref<80x80xf32, #tpu.memory_space<vmem>>, vector<16xf32>,
        %parallel_loop3A_270 = arith.constant 16 : i32
        %parallel_loop3A_271 = arith.muli %parallel_loop3A_254, %parallel_loop3A_270 : i32
        %parallel_loop3A_272 = arith.index_cast %parallel_loop3A_271 : i32 to index
        %parallel_loop3A_273 = tpu.vector_load %arg20[%parallel_loop3A_272] {strides = array<i32>} : memref<1280xf32, #tpu.memory_space<vmem>>, vector<16xf32>,
        tpu.vector_store %arg20[%parallel_loop3A_272], %parallel_loop3A_266 {strides = array<i32>} : memref<1280xf32, #tpu.memory_space<vmem>>, vector<16xf32>,
        %parallel_loop3A_274 = arith.constant 16 : i32
        %parallel_loop3A_275 = arith.muli %parallel_loop3A_254, %parallel_loop3A_274 : i32
        %parallel_loop3A_276 = vector.broadcast %parallel_loop3A_275 : i32 to vector<16xi32>
        %parallel_loop3A_277 = arith.addi %parallel_loop3A_276, %shift_right_logical3A_8 : vector<16xi32>
        %parallel_loop3A_278 = arith.constant 0 : i32
        %parallel_loop3A_279 = vector.broadcast %parallel_loop3A_278 : i32 to vector<16xi32>
        %parallel_loop3A_280 = arith.addi %parallel_loop3A_277, %parallel_loop3A_279 : vector<16xi32>
        %parallel_loop3A_281 = tpu.vector_load_idx %arg20[%parallel_loop3A_280] : memref<1280xf32, #tpu.memory_space<vmem>>[vector<16xi32>], vector<16xf32>,
        %parallel_loop3A_282 = arith.index_cast %parallel_loop3A_254 : i32 to index
        %parallel_loop3A_283 = arith.constant 0 : index
        %parallel_loop3A_284 = tpu.vector_load %arg10[%parallel_loop3A_282, %parallel_loop3A_283] {strides = array<i32>} : memref<80x80xf32, #tpu.memory_space<vmem>>, vector<16xf32>,
        %parallel_loop3A_285 = arith.mulf %parallel_loop3A_284, %parallel_loop3A_281 : vector<16xf32>
        %parallel_loop3A_286 = arith.index_cast %parallel_loop3A_254 : i32 to index
        %parallel_loop3A_287 = arith.constant 0 : index
        %parallel_loop3A_288 = tpu.vector_load %arg10[%parallel_loop3A_286, %parallel_loop3A_287] {strides = array<i32>} : memref<80x80xf32, #tpu.memory_space<vmem>>, vector<16xf32>,
        tpu.vector_store %arg10[%parallel_loop3A_286, %parallel_loop3A_287], %parallel_loop3A_285 {strides = array<i32>} : memref<80x80xf32, #tpu.memory_space<vmem>>, vector<16xf32>,
        %parallel_loop3A_289 = arith.constant 16 : i32
        %parallel_loop3A_290 = arith.muli %parallel_loop3A_254, %parallel_loop3A_289 : i32
        %parallel_loop3A_291 = vector.broadcast %parallel_loop3A_290 : i32 to vector<16xi32>
        %parallel_loop3A_292 = arith.addi %parallel_loop3A_291, %shift_right_logical3A_8 : vector<16xi32>
        %parallel_loop3A_293 = arith.constant 2 : i32
        %parallel_loop3A_294 = vector.broadcast %parallel_loop3A_293 : i32 to vector<16xi32>
        %parallel_loop3A_295 = arith.addi %parallel_loop3A_292, %parallel_loop3A_294 : vector<16xi32>
        %parallel_loop3A_296 = tpu.vector_load_idx %arg20[%parallel_loop3A_295] : memref<1280xf32, #tpu.memory_space<vmem>>[vector<16xi32>], vector<16xf32>,
        %parallel_loop3A_297 = arith.index_cast %parallel_loop3A_254 : i32 to index
        %parallel_loop3A_298 = arith.constant 16 : index
        %parallel_loop3A_299 = tpu.vector_load %arg10[%parallel_loop3A_297, %parallel_loop3A_298] {strides = array<i32>} : memref<80x80xf32, #tpu.memory_space<vmem>>, vector<16xf32>,
        %parallel_loop3A_300 = arith.mulf %parallel_loop3A_299, %parallel_loop3A_296 : vector<16xf32>
        %parallel_loop3A_301 = arith.index_cast %parallel_loop3A_254 : i32 to index
        %parallel_loop3A_302 = arith.constant 16 : index
        %parallel_loop3A_303 = tpu.vector_load %arg10[%parallel_loop3A_301, %parallel_loop3A_302] {strides = array<i32>} : memref<80x80xf32, #tpu.memory_space<vmem>>, vector<16xf32>,
        tpu.vector_store %arg10[%parallel_loop3A_301, %parallel_loop3A_302], %parallel_loop3A_300 {strides = array<i32>} : memref<80x80xf32, #tpu.memory_space<vmem>>, vector<16xf32>,
        %parallel_loop3A_304 = arith.constant 16 : i32
        %parallel_loop3A_305 = arith.muli %parallel_loop3A_254, %parallel_loop3A_304 : i32
        %parallel_loop3A_306 = vector.broadcast %parallel_loop3A_305 : i32 to vector<16xi32>
        %parallel_loop3A_307 = arith.addi %parallel_loop3A_306, %shift_right_logical3A_8 : vector<16xi32>
        %parallel_loop3A_308 = arith.constant 4 : i32
        %parallel_loop3A_309 = vector.broadcast %parallel_loop3A_308 : i32 to vector<16xi32>
        %parallel_loop3A_310 = arith.addi %parallel_loop3A_307, %parallel_loop3A_309 : vector<16xi32>
        %parallel_loop3A_311 = tpu.vector_load_idx %arg20[%parallel_loop3A_310] : memref<1280xf32, #tpu.memory_space<vmem>>[vector<16xi32>], vector<16xf32>,
        %parallel_loop3A_312 = arith.index_cast %parallel_loop3A_254 : i32 to index
        %parallel_loop3A_313 = arith.constant 32 : index
        %parallel_loop3A_314 = tpu.vector_load %arg10[%parallel_loop3A_312, %parallel_loop3A_313] {strides = array<i32>} : memref<80x80xf32, #tpu.memory_space<vmem>>, vector<16xf32>,
        %parallel_loop3A_315 = arith.mulf %parallel_loop3A_314, %parallel_loop3A_311 : vector<16xf32>
        %parallel_loop3A_316 = arith.index_cast %parallel_loop3A_254 : i32 to index
        %parallel_loop3A_317 = arith.constant 32 : index
        %parallel_loop3A_318 = tpu.vector_load %arg10[%parallel_loop3A_316, %parallel_loop3A_317] {strides = array<i32>} : memref<80x80xf32, #tpu.memory_space<vmem>>, vector<16xf32>,
        tpu.vector_store %arg10[%parallel_loop3A_316, %parallel_loop3A_317], %parallel_loop3A_315 {strides = array<i32>} : memref<80x80xf32, #tpu.memory_space<vmem>>, vector<16xf32>,
        %parallel_loop3A_319 = arith.constant 16 : i32
        %parallel_loop3A_320 = arith.muli %parallel_loop3A_254, %parallel_loop3A_319 : i32
        %parallel_loop3A_321 = vector.broadcast %parallel_loop3A_320 : i32 to vector<16xi32>
        %parallel_loop3A_322 = arith.addi %parallel_loop3A_321, %shift_right_logical3A_8 : vector<16xi32>
        %parallel_loop3A_323 = arith.constant 6 : i32
        %parallel_loop3A_324 = vector.broadcast %parallel_loop3A_323 : i32 to vector<16xi32>
        %parallel_loop3A_325 = arith.addi %parallel_loop3A_322, %parallel_loop3A_324 : vector<16xi32>
        %parallel_loop3A_326 = tpu.vector_load_idx %arg20[%parallel_loop3A_325] : memref<1280xf32, #tpu.memory_space<vmem>>[vector<16xi32>], vector<16xf32>,
        %parallel_loop3A_327 = arith.index_cast %parallel_loop3A_254 : i32 to index
        %parallel_loop3A_328 = arith.constant 48 : index
        %parallel_loop3A_329 = tpu.vector_load %arg10[%parallel_loop3A_327, %parallel_loop3A_328] {strides = array<i32>} : memref<80x80xf32, #tpu.memory_space<vmem>>, vector<16xf32>,
        %parallel_loop3A_330 = arith.mulf %parallel_loop3A_329, %parallel_loop3A_326 : vector<16xf32>
        %parallel_loop3A_331 = arith.index_cast %parallel_loop3A_254 : i32 to index
        %parallel_loop3A_332 = arith.constant 48 : index
        %parallel_loop3A_333 = tpu.vector_load %arg10[%parallel_loop3A_331, %parallel_loop3A_332] {strides = array<i32>} : memref<80x80xf32, #tpu.memory_space<vmem>>, vector<16xf32>,
        tpu.vector_store %arg10[%parallel_loop3A_331, %parallel_loop3A_332], %parallel_loop3A_330 {strides = array<i32>} : memref<80x80xf32, #tpu.memory_space<vmem>>, vector<16xf32>,
      } {sc.loop_unroll_factor = 4 : i64, sc.parallel_access}
      %dma_start3A_120 = arith.constant 0 : i32
      %dma_start3A_121 = tpu.memref_slice %arg9[%add3A_101, %dma_start3A_120] : memref<125x80xi32, #tpu.memory_space<vmem>> -> memref<1x80xi32, #tpu.memory_space<vmem>>
      %dma_start3A_122 = tpu.memref_squeeze %dma_start3A_121 : memref<1x80xi32, #tpu.memory_space<vmem>> -> memref<80xi32, #tpu.memory_space<vmem>>
      %dma_start3A_123 = arith.constant 0 : i32
      %dma_start3A_124 = arith.constant 0 : i32
      %dma_start3A_125 = tpu.memref_slice %arg21[%dma_start3A_123, %dma_start3A_124] : memref<10240x80xf32, #tpu.memory_space<vmem_shared>> -> memref<10240x80xf32, #tpu.memory_space<vmem_shared>>
      tpu.enqueue_indirect_dma source(%arg10 : memref<80x80xf32, #tpu.memory_space<vmem>>) target(%dma_start3A_125 : memref<10240x80xf32, #tpu.memory_space<vmem_shared>>) offsets(%dma_start3A_122 : memref<80xi32, #tpu.memory_space<vmem>>) semaphore(%arg32 : memref<!tpu.dma_semaphore, #tpu.memory_space<semaphore_mem>>) {add = true}
      %mul3A_126 = arith.constant 5 : i32
      %mul3A_127 = arith.muli %add3A_97, %mul3A_126 : i32
      %add3A_128 = arith.constant 1 : i32
      %add3A_129 = arith.addi %mul3A_127, %add3A_128 : i32
      %add3A_130 = arith.constant 3 : i32
      %add3A_131 = arith.addi %add3A_129, %add3A_130 : i32
      %lt3A_132 = arith.constant 125 : i32
      %lt3A_133 = arith.cmpi slt, %add3A_131, %lt3A_132 : i32
      %convert_element_type3A_134 = arith.extui %lt3A_133 : i1 to i32
      %cond3A_135 = arith.constant 0 : i32
      %cond3A_136 = arith.cmpi ne, %convert_element_type3A_134, %cond3A_135 : i32
      scf.if %cond3A_136 {
        %ge3A = arith.constant 2 : i32
        %ge3A_254 = arith.cmpi sge, %add3A_129, %ge3A : i32
        %convert_element_type3A_255 = arith.extui %ge3A_254 : i1 to i32
        %cond3A_256 = arith.constant 0 : i32
        %cond3A_257 = arith.cmpi ne, %convert_element_type3A_255, %cond3A_256 : i32
        scf.if %cond3A_257 {
          %dma_wait3A_272 = arith.constant 0 : i32
          %dma_wait3A_273 = arith.constant 0 : i32
          %dma_wait3A_274 = tpu.memref_slice %arg9[%dma_wait3A_272, %dma_wait3A_273] : memref<125x80xi32, #tpu.memory_space<vmem>> -> memref<1x80xi32, #tpu.memory_space<vmem>>
          %dma_wait3A_275 = tpu.memref_squeeze %dma_wait3A_274 : memref<1x80xi32, #tpu.memory_space<vmem>> -> memref<80xi32, #tpu.memory_space<vmem>>
          %dma_wait3A_276 = arith.constant 0 : i32
          %dma_wait3A_277 = arith.constant 0 : i32
          %dma_wait3A_278 = tpu.memref_slice %arg21[%dma_wait3A_276, %dma_wait3A_277] : memref<10240x80xf32, #tpu.memory_space<vmem_shared>> -> memref<10240x80xf32, #tpu.memory_space<vmem_shared>>
          tpu.wait_indirect_dma semaphore(%arg36 : memref<!tpu.dma_semaphore, #tpu.memory_space<semaphore_mem>>) src(%arg14 : memref<80x80xf32, #tpu.memory_space<vmem>>) dst(%dma_wait3A_278 : memref<10240x80xf32, #tpu.memory_space<vmem_shared>>)
        } else {
        }
        %add3A_258 = arith.constant 3 : i32
        %add3A_259 = arith.addi %add3A_129, %add3A_258 : i32
        %dma_start3A_260 = arith.constant 0 : i32
        %dma_start3A_261 = tpu.memref_slice %arg8[%add3A_259, %dma_start3A_260] : memref<125x80xi32, #tpu.memory_space<vmem>> -> memref<1x80xi32, #tpu.memory_space<vmem>>
        %dma_start3A_262 = tpu.memref_squeeze %dma_start3A_261 : memref<1x80xi32, #tpu.memory_space<vmem>> -> memref<80xi32, #tpu.memory_space<vmem>>
        %dma_start3A_263 = arith.constant 0 : i32
        %dma_start3A_264 = arith.constant 0 : i32
        %dma_start3A_265 = tpu.memref_slice %arg2[%dma_start3A_263, %dma_start3A_264] : memref<10000x80xf32, #tpu.memory_space<hbm>> -> memref<10000x80xf32, #tpu.memory_space<hbm>>
        tpu.enqueue_indirect_dma source(%dma_start3A_265 : memref<10000x80xf32, #tpu.memory_space<hbm>>) target(%arg14 : memref<80x80xf32, #tpu.memory_space<vmem>>) offsets(%dma_start3A_262 : memref<80xi32, #tpu.memory_space<vmem>>) semaphore(%arg26 : memref<!tpu.dma_semaphore, #tpu.memory_space<semaphore_mem>>)
        %dma_start3A_266 = arith.constant 0 : i32
        %dma_start3A_267 = tpu.memref_slice %arg9[%add3A_259, %dma_start3A_266] : memref<125x80xi32, #tpu.memory_space<vmem>> -> memref<1x80xi32, #tpu.memory_space<vmem>>
        %dma_start3A_268 = tpu.memref_squeeze %dma_start3A_267 : memref<1x80xi32, #tpu.memory_space<vmem>> -> memref<80xi32, #tpu.memory_space<vmem>>
        %dma_start3A_269 = arith.constant 0 : i32
        %dma_start3A_270 = arith.constant 0 : i32
        %dma_start3A_271 = tpu.memref_slice %arg3[%dma_start3A_269, %dma_start3A_270] : memref<10000x16xf32, #tpu.memory_space<hbm>> -> memref<10000x16xf32, #tpu.memory_space<hbm>>
        tpu.enqueue_indirect_dma source(%dma_start3A_271 : memref<10000x16xf32, #tpu.memory_space<hbm>>) target(%arg19 : memref<80x16xf32, #tpu.memory_space<vmem>>) offsets(%dma_start3A_268 : memref<80xi32, #tpu.memory_space<vmem>>) semaphore(%arg31 : memref<!tpu.dma_semaphore, #tpu.memory_space<semaphore_mem>>)
      } else {
      }
      %dma_wait3A_137 = arith.constant 0 : i32
      %dma_wait3A_138 = tpu.memref_slice %arg8[%add3A_129, %dma_wait3A_137] : memref<125x80xi32, #tpu.memory_space<vmem>> -> memref<1x80xi32, #tpu.memory_space<vmem>>
      %dma_wait3A_139 = tpu.memref_squeeze %dma_wait3A_138 : memref<1x80xi32, #tpu.memory_space<vmem>> -> memref<80xi32, #tpu.memory_space<vmem>>
      %dma_wait3A_140 = arith.constant 0 : i32
      %dma_wait3A_141 = arith.constant 0 : i32
      %dma_wait3A_142 = tpu.memref_slice %arg2[%dma_wait3A_140, %dma_wait3A_141] : memref<10000x80xf32, #tpu.memory_space<hbm>> -> memref<10000x80xf32, #tpu.memory_space<hbm>>
      tpu.wait_indirect_dma semaphore(%arg23 : memref<!tpu.dma_semaphore, #tpu.memory_space<semaphore_mem>>) src(%dma_wait3A_142 : memref<10000x80xf32, #tpu.memory_space<hbm>>) dst(%arg11 : memref<80x80xf32, #tpu.memory_space<vmem>>)
      %dma_wait3A_143 = arith.constant 0 : i32
      %dma_wait3A_144 = tpu.memref_slice %arg9[%add3A_129, %dma_wait3A_143] : memref<125x80xi32, #tpu.memory_space<vmem>> -> memref<1x80xi32, #tpu.memory_space<vmem>>
      %dma_wait3A_145 = tpu.memref_squeeze %dma_wait3A_144 : memref<1x80xi32, #tpu.memory_space<vmem>> -> memref<80xi32, #tpu.memory_space<vmem>>
      %dma_wait3A_146 = arith.constant 0 : i32
      %dma_wait3A_147 = arith.constant 0 : i32
      %dma_wait3A_148 = tpu.memref_slice %arg3[%dma_wait3A_146, %dma_wait3A_147] : memref<10000x16xf32, #tpu.memory_space<hbm>> -> memref<10000x16xf32, #tpu.memory_space<hbm>>
      tpu.wait_indirect_dma semaphore(%arg28 : memref<!tpu.dma_semaphore, #tpu.memory_space<semaphore_mem>>) src(%dma_wait3A_148 : memref<10000x16xf32, #tpu.memory_space<hbm>>) dst(%arg16 : memref<80x16xf32, #tpu.memory_space<vmem>>)
      %parallel_loop3A_149 = arith.constant 0 : i32
      %parallel_loop3A_150 = arith.constant 80 : i32
      %parallel_loop3A_151 = arith.constant 1 : i32
      scf.for %parallel_loop3A_254 = %parallel_loop3A_149 to %parallel_loop3A_150 step %parallel_loop3A_151  : i32 {
        %parallel_loop3A_255 = arith.index_cast %parallel_loop3A_254 : i32 to index
        %parallel_loop3A_256 = arith.constant 64 : index
        %parallel_loop3A_257 = tpu.vector_load %arg11[%parallel_loop3A_255, %parallel_loop3A_256] {strides = array<i32>} : memref<80x80xf32, #tpu.memory_space<vmem>>, vector<16xf32>,
        %parallel_loop3A_258 = arith.index_cast %parallel_loop3A_254 : i32 to index
        %parallel_loop3A_259 = arith.constant 0 : index
        %parallel_loop3A_260 = tpu.vector_load %arg16[%parallel_loop3A_258, %parallel_loop3A_259] {strides = array<i32>} : memref<80x16xf32, #tpu.memory_space<vmem>>, vector<16xf32>,
        %parallel_loop3A_261 = arith.addf %parallel_loop3A_257, %parallel_loop3A_260 : vector<16xf32>
        %parallel_loop3A_262 = arith.constant 2.000000e-01 : f32
        %parallel_loop3A_263 = vector.broadcast %parallel_loop3A_262 : f32 to vector<16xf32>
        %parallel_loop3A_264 = arith.mulf %parallel_loop3A_263, %parallel_loop3A_261 : vector<16xf32>
        %parallel_loop3A_265 = arith.maximumf %parallel_loop3A_261, %parallel_loop3A_264 : vector<16xf32>
        %parallel_loop3A_266 = math.exp %parallel_loop3A_265 : vector<16xf32>
        %parallel_loop3A_267 = arith.index_cast %parallel_loop3A_254 : i32 to index
        %parallel_loop3A_268 = arith.constant 64 : index
        %parallel_loop3A_269 = tpu.vector_load %arg11[%parallel_loop3A_267, %parallel_loop3A_268] {strides = array<i32>} : memref<80x80xf32, #tpu.memory_space<vmem>>, vector<16xf32>,
        tpu.vector_store %arg11[%parallel_loop3A_267, %parallel_loop3A_268], %parallel_loop3A_266 {strides = array<i32>} : memref<80x80xf32, #tpu.memory_space<vmem>>, vector<16xf32>,
        %parallel_loop3A_270 = arith.constant 16 : i32
        %parallel_loop3A_271 = arith.muli %parallel_loop3A_254, %parallel_loop3A_270 : i32
        %parallel_loop3A_272 = arith.index_cast %parallel_loop3A_271 : i32 to index
        %parallel_loop3A_273 = tpu.vector_load %arg20[%parallel_loop3A_272] {strides = array<i32>} : memref<1280xf32, #tpu.memory_space<vmem>>, vector<16xf32>,
        tpu.vector_store %arg20[%parallel_loop3A_272], %parallel_loop3A_266 {strides = array<i32>} : memref<1280xf32, #tpu.memory_space<vmem>>, vector<16xf32>,
        %parallel_loop3A_274 = arith.constant 16 : i32
        %parallel_loop3A_275 = arith.muli %parallel_loop3A_254, %parallel_loop3A_274 : i32
        %parallel_loop3A_276 = vector.broadcast %parallel_loop3A_275 : i32 to vector<16xi32>
        %parallel_loop3A_277 = arith.addi %parallel_loop3A_276, %shift_right_logical3A_8 : vector<16xi32>
        %parallel_loop3A_278 = arith.constant 0 : i32
        %parallel_loop3A_279 = vector.broadcast %parallel_loop3A_278 : i32 to vector<16xi32>
        %parallel_loop3A_280 = arith.addi %parallel_loop3A_277, %parallel_loop3A_279 : vector<16xi32>
        %parallel_loop3A_281 = tpu.vector_load_idx %arg20[%parallel_loop3A_280] : memref<1280xf32, #tpu.memory_space<vmem>>[vector<16xi32>], vector<16xf32>,
        %parallel_loop3A_282 = arith.index_cast %parallel_loop3A_254 : i32 to index
        %parallel_loop3A_283 = arith.constant 0 : index
        %parallel_loop3A_284 = tpu.vector_load %arg11[%parallel_loop3A_282, %parallel_loop3A_283] {strides = array<i32>} : memref<80x80xf32, #tpu.memory_space<vmem>>, vector<16xf32>,
        %parallel_loop3A_285 = arith.mulf %parallel_loop3A_284, %parallel_loop3A_281 : vector<16xf32>
        %parallel_loop3A_286 = arith.index_cast %parallel_loop3A_254 : i32 to index
        %parallel_loop3A_287 = arith.constant 0 : index
        %parallel_loop3A_288 = tpu.vector_load %arg11[%parallel_loop3A_286, %parallel_loop3A_287] {strides = array<i32>} : memref<80x80xf32, #tpu.memory_space<vmem>>, vector<16xf32>,
        tpu.vector_store %arg11[%parallel_loop3A_286, %parallel_loop3A_287], %parallel_loop3A_285 {strides = array<i32>} : memref<80x80xf32, #tpu.memory_space<vmem>>, vector<16xf32>,
        %parallel_loop3A_289 = arith.constant 16 : i32
        %parallel_loop3A_290 = arith.muli %parallel_loop3A_254, %parallel_loop3A_289 : i32
        %parallel_loop3A_291 = vector.broadcast %parallel_loop3A_290 : i32 to vector<16xi32>
        %parallel_loop3A_292 = arith.addi %parallel_loop3A_291, %shift_right_logical3A_8 : vector<16xi32>
        %parallel_loop3A_293 = arith.constant 2 : i32
        %parallel_loop3A_294 = vector.broadcast %parallel_loop3A_293 : i32 to vector<16xi32>
        %parallel_loop3A_295 = arith.addi %parallel_loop3A_292, %parallel_loop3A_294 : vector<16xi32>
        %parallel_loop3A_296 = tpu.vector_load_idx %arg20[%parallel_loop3A_295] : memref<1280xf32, #tpu.memory_space<vmem>>[vector<16xi32>], vector<16xf32>,
        %parallel_loop3A_297 = arith.index_cast %parallel_loop3A_254 : i32 to index
        %parallel_loop3A_298 = arith.constant 16 : index
        %parallel_loop3A_299 = tpu.vector_load %arg11[%parallel_loop3A_297, %parallel_loop3A_298] {strides = array<i32>} : memref<80x80xf32, #tpu.memory_space<vmem>>, vector<16xf32>,
        %parallel_loop3A_300 = arith.mulf %parallel_loop3A_299, %parallel_loop3A_296 : vector<16xf32>
        %parallel_loop3A_301 = arith.index_cast %parallel_loop3A_254 : i32 to index
        %parallel_loop3A_302 = arith.constant 16 : index
        %parallel_loop3A_303 = tpu.vector_load %arg11[%parallel_loop3A_301, %parallel_loop3A_302] {strides = array<i32>} : memref<80x80xf32, #tpu.memory_space<vmem>>, vector<16xf32>,
        tpu.vector_store %arg11[%parallel_loop3A_301, %parallel_loop3A_302], %parallel_loop3A_300 {strides = array<i32>} : memref<80x80xf32, #tpu.memory_space<vmem>>, vector<16xf32>,
        %parallel_loop3A_304 = arith.constant 16 : i32
        %parallel_loop3A_305 = arith.muli %parallel_loop3A_254, %parallel_loop3A_304 : i32
        %parallel_loop3A_306 = vector.broadcast %parallel_loop3A_305 : i32 to vector<16xi32>
        %parallel_loop3A_307 = arith.addi %parallel_loop3A_306, %shift_right_logical3A_8 : vector<16xi32>
        %parallel_loop3A_308 = arith.constant 4 : i32
        %parallel_loop3A_309 = vector.broadcast %parallel_loop3A_308 : i32 to vector<16xi32>
        %parallel_loop3A_310 = arith.addi %parallel_loop3A_307, %parallel_loop3A_309 : vector<16xi32>
        %parallel_loop3A_311 = tpu.vector_load_idx %arg20[%parallel_loop3A_310] : memref<1280xf32, #tpu.memory_space<vmem>>[vector<16xi32>], vector<16xf32>,
        %parallel_loop3A_312 = arith.index_cast %parallel_loop3A_254 : i32 to index
        %parallel_loop3A_313 = arith.constant 32 : index
        %parallel_loop3A_314 = tpu.vector_load %arg11[%parallel_loop3A_312, %parallel_loop3A_313] {strides = array<i32>} : memref<80x80xf32, #tpu.memory_space<vmem>>, vector<16xf32>,
        %parallel_loop3A_315 = arith.mulf %parallel_loop3A_314, %parallel_loop3A_311 : vector<16xf32>
        %parallel_loop3A_316 = arith.index_cast %parallel_loop3A_254 : i32 to index
        %parallel_loop3A_317 = arith.constant 32 : index
        %parallel_loop3A_318 = tpu.vector_load %arg11[%parallel_loop3A_316, %parallel_loop3A_317] {strides = array<i32>} : memref<80x80xf32, #tpu.memory_space<vmem>>, vector<16xf32>,
        tpu.vector_store %arg11[%parallel_loop3A_316, %parallel_loop3A_317], %parallel_loop3A_315 {strides = array<i32>} : memref<80x80xf32, #tpu.memory_space<vmem>>, vector<16xf32>,
        %parallel_loop3A_319 = arith.constant 16 : i32
        %parallel_loop3A_320 = arith.muli %parallel_loop3A_254, %parallel_loop3A_319 : i32
        %parallel_loop3A_321 = vector.broadcast %parallel_loop3A_320 : i32 to vector<16xi32>
        %parallel_loop3A_322 = arith.addi %parallel_loop3A_321, %shift_right_logical3A_8 : vector<16xi32>
        %parallel_loop3A_323 = arith.constant 6 : i32
        %parallel_loop3A_324 = vector.broadcast %parallel_loop3A_323 : i32 to vector<16xi32>
        %parallel_loop3A_325 = arith.addi %parallel_loop3A_322, %parallel_loop3A_324 : vector<16xi32>
        %parallel_loop3A_326 = tpu.vector_load_idx %arg20[%parallel_loop3A_325] : memref<1280xf32, #tpu.memory_space<vmem>>[vector<16xi32>], vector<16xf32>,
        %parallel_loop3A_327 = arith.index_cast %parallel_loop3A_254 : i32 to index
        %parallel_loop3A_328 = arith.constant 48 : index
        %parallel_loop3A_329 = tpu.vector_load %arg11[%parallel_loop3A_327, %parallel_loop3A_328] {strides = array<i32>} : memref<80x80xf32, #tpu.memory_space<vmem>>, vector<16xf32>,
        %parallel_loop3A_330 = arith.mulf %parallel_loop3A_329, %parallel_loop3A_326 : vector<16xf32>
        %parallel_loop3A_331 = arith.index_cast %parallel_loop3A_254 : i32 to index
        %parallel_loop3A_332 = arith.constant 48 : index
        %parallel_loop3A_333 = tpu.vector_load %arg11[%parallel_loop3A_331, %parallel_loop3A_332] {strides = array<i32>} : memref<80x80xf32, #tpu.memory_space<vmem>>, vector<16xf32>,
        tpu.vector_store %arg11[%parallel_loop3A_331, %parallel_loop3A_332], %parallel_loop3A_330 {strides = array<i32>} : memref<80x80xf32, #tpu.memory_space<vmem>>, vector<16xf32>,
      } {sc.loop_unroll_factor = 4 : i64, sc.parallel_access}
      %dma_start3A_152 = arith.constant 0 : i32
      %dma_start3A_153 = tpu.memref_slice %arg9[%add3A_129, %dma_start3A_152] : memref<125x80xi32, #tpu.memory_space<vmem>> -> memref<1x80xi32, #tpu.memory_space<vmem>>
      %dma_start3A_154 = tpu.memref_squeeze %dma_start3A_153 : memref<1x80xi32, #tpu.memory_space<vmem>> -> memref<80xi32, #tpu.memory_space<vmem>>
      %dma_start3A_155 = arith.constant 0 : i32
      %dma_start3A_156 = arith.constant 0 : i32
      %dma_start3A_157 = tpu.memref_slice %arg21[%dma_start3A_155, %dma_start3A_156] : memref<10240x80xf32, #tpu.memory_space<vmem_shared>> -> memref<10240x80xf32, #tpu.memory_space<vmem_shared>>
      tpu.enqueue_indirect_dma source(%arg11 : memref<80x80xf32, #tpu.memory_space<vmem>>) target(%dma_start3A_157 : memref<10240x80xf32, #tpu.memory_space<vmem_shared>>) offsets(%dma_start3A_154 : memref<80xi32, #tpu.memory_space<vmem>>) semaphore(%arg33 : memref<!tpu.dma_semaphore, #tpu.memory_space<semaphore_mem>>) {add = true}
      %mul3A_158 = arith.constant 5 : i32
      %mul3A_159 = arith.muli %add3A_97, %mul3A_158 : i32
      %add3A_160 = arith.constant 2 : i32
      %add3A_161 = arith.addi %mul3A_159, %add3A_160 : i32
      %add3A_162 = arith.constant 3 : i32
      %add3A_163 = arith.addi %add3A_161, %add3A_162 : i32
      %lt3A_164 = arith.constant 125 : i32
      %lt3A_165 = arith.cmpi slt, %add3A_163, %lt3A_164 : i32
      %convert_element_type3A_166 = arith.extui %lt3A_165 : i1 to i32
      %cond3A_167 = arith.constant 0 : i32
      %cond3A_168 = arith.cmpi ne, %convert_element_type3A_166, %cond3A_167 : i32
      scf.if %cond3A_168 {
        %ge3A = arith.constant 2 : i32
        %ge3A_254 = arith.cmpi sge, %add3A_161, %ge3A : i32
        %convert_element_type3A_255 = arith.extui %ge3A_254 : i1 to i32
        %cond3A_256 = arith.constant 0 : i32
        %cond3A_257 = arith.cmpi ne, %convert_element_type3A_255, %cond3A_256 : i32
        scf.if %cond3A_257 {
          %dma_wait3A_272 = arith.constant 0 : i32
          %dma_wait3A_273 = arith.constant 0 : i32
          %dma_wait3A_274 = tpu.memref_slice %arg9[%dma_wait3A_272, %dma_wait3A_273] : memref<125x80xi32, #tpu.memory_space<vmem>> -> memref<1x80xi32, #tpu.memory_space<vmem>>
          %dma_wait3A_275 = tpu.memref_squeeze %dma_wait3A_274 : memref<1x80xi32, #tpu.memory_space<vmem>> -> memref<80xi32, #tpu.memory_space<vmem>>
          %dma_wait3A_276 = arith.constant 0 : i32
          %dma_wait3A_277 = arith.constant 0 : i32
          %dma_wait3A_278 = tpu.memref_slice %arg21[%dma_wait3A_276, %dma_wait3A_277] : memref<10240x80xf32, #tpu.memory_space<vmem_shared>> -> memref<10240x80xf32, #tpu.memory_space<vmem_shared>>
          tpu.wait_indirect_dma semaphore(%arg32 : memref<!tpu.dma_semaphore, #tpu.memory_space<semaphore_mem>>) src(%arg10 : memref<80x80xf32, #tpu.memory_space<vmem>>) dst(%dma_wait3A_278 : memref<10240x80xf32, #tpu.memory_space<vmem_shared>>)
        } else {
        }
        %add3A_258 = arith.constant 3 : i32
        %add3A_259 = arith.addi %add3A_161, %add3A_258 : i32
        %dma_start3A_260 = arith.constant 0 : i32
        %dma_start3A_261 = tpu.memref_slice %arg8[%add3A_259, %dma_start3A_260] : memref<125x80xi32, #tpu.memory_space<vmem>> -> memref<1x80xi32, #tpu.memory_space<vmem>>
        %dma_start3A_262 = tpu.memref_squeeze %dma_start3A_261 : memref<1x80xi32, #tpu.memory_space<vmem>> -> memref<80xi32, #tpu.memory_space<vmem>>
        %dma_start3A_263 = arith.constant 0 : i32
        %dma_start3A_264 = arith.constant 0 : i32
        %dma_start3A_265 = tpu.memref_slice %arg2[%dma_start3A_263, %dma_start3A_264] : memref<10000x80xf32, #tpu.memory_space<hbm>> -> memref<10000x80xf32, #tpu.memory_space<hbm>>
        tpu.enqueue_indirect_dma source(%dma_start3A_265 : memref<10000x80xf32, #tpu.memory_space<hbm>>) target(%arg10 : memref<80x80xf32, #tpu.memory_space<vmem>>) offsets(%dma_start3A_262 : memref<80xi32, #tpu.memory_space<vmem>>) semaphore(%arg22 : memref<!tpu.dma_semaphore, #tpu.memory_space<semaphore_mem>>)
        %dma_start3A_266 = arith.constant 0 : i32
        %dma_start3A_267 = tpu.memref_slice %arg9[%add3A_259, %dma_start3A_266] : memref<125x80xi32, #tpu.memory_space<vmem>> -> memref<1x80xi32, #tpu.memory_space<vmem>>
        %dma_start3A_268 = tpu.memref_squeeze %dma_start3A_267 : memref<1x80xi32, #tpu.memory_space<vmem>> -> memref<80xi32, #tpu.memory_space<vmem>>
        %dma_start3A_269 = arith.constant 0 : i32
        %dma_start3A_270 = arith.constant 0 : i32
        %dma_start3A_271 = tpu.memref_slice %arg3[%dma_start3A_269, %dma_start3A_270] : memref<10000x16xf32, #tpu.memory_space<hbm>> -> memref<10000x16xf32, #tpu.memory_space<hbm>>
        tpu.enqueue_indirect_dma source(%dma_start3A_271 : memref<10000x16xf32, #tpu.memory_space<hbm>>) target(%arg15 : memref<80x16xf32, #tpu.memory_space<vmem>>) offsets(%dma_start3A_268 : memref<80xi32, #tpu.memory_space<vmem>>) semaphore(%arg27 : memref<!tpu.dma_semaphore, #tpu.memory_space<semaphore_mem>>)
      } else {
      }
      %dma_wait3A_169 = arith.constant 0 : i32
      %dma_wait3A_170 = tpu.memref_slice %arg8[%add3A_161, %dma_wait3A_169] : memref<125x80xi32, #tpu.memory_space<vmem>> -> memref<1x80xi32, #tpu.memory_space<vmem>>
      %dma_wait3A_171 = tpu.memref_squeeze %dma_wait3A_170 : memref<1x80xi32, #tpu.memory_space<vmem>> -> memref<80xi32, #tpu.memory_space<vmem>>
      %dma_wait3A_172 = arith.constant 0 : i32
      %dma_wait3A_173 = arith.constant 0 : i32
      %dma_wait3A_174 = tpu.memref_slice %arg2[%dma_wait3A_172, %dma_wait3A_173] : memref<10000x80xf32, #tpu.memory_space<hbm>> -> memref<10000x80xf32, #tpu.memory_space<hbm>>
      tpu.wait_indirect_dma semaphore(%arg24 : memref<!tpu.dma_semaphore, #tpu.memory_space<semaphore_mem>>) src(%dma_wait3A_174 : memref<10000x80xf32, #tpu.memory_space<hbm>>) dst(%arg12 : memref<80x80xf32, #tpu.memory_space<vmem>>)
      %dma_wait3A_175 = arith.constant 0 : i32
      %dma_wait3A_176 = tpu.memref_slice %arg9[%add3A_161, %dma_wait3A_175] : memref<125x80xi32, #tpu.memory_space<vmem>> -> memref<1x80xi32, #tpu.memory_space<vmem>>
      %dma_wait3A_177 = tpu.memref_squeeze %dma_wait3A_176 : memref<1x80xi32, #tpu.memory_space<vmem>> -> memref<80xi32, #tpu.memory_space<vmem>>
      %dma_wait3A_178 = arith.constant 0 : i32
      %dma_wait3A_179 = arith.constant 0 : i32
      %dma_wait3A_180 = tpu.memref_slice %arg3[%dma_wait3A_178, %dma_wait3A_179] : memref<10000x16xf32, #tpu.memory_space<hbm>> -> memref<10000x16xf32, #tpu.memory_space<hbm>>
      tpu.wait_indirect_dma semaphore(%arg29 : memref<!tpu.dma_semaphore, #tpu.memory_space<semaphore_mem>>) src(%dma_wait3A_180 : memref<10000x16xf32, #tpu.memory_space<hbm>>) dst(%arg17 : memref<80x16xf32, #tpu.memory_space<vmem>>)
      %parallel_loop3A_181 = arith.constant 0 : i32
      %parallel_loop3A_182 = arith.constant 80 : i32
      %parallel_loop3A_183 = arith.constant 1 : i32
      scf.for %parallel_loop3A_254 = %parallel_loop3A_181 to %parallel_loop3A_182 step %parallel_loop3A_183  : i32 {
        %parallel_loop3A_255 = arith.index_cast %parallel_loop3A_254 : i32 to index
        %parallel_loop3A_256 = arith.constant 64 : index
        %parallel_loop3A_257 = tpu.vector_load %arg12[%parallel_loop3A_255, %parallel_loop3A_256] {strides = array<i32>} : memref<80x80xf32, #tpu.memory_space<vmem>>, vector<16xf32>,
        %parallel_loop3A_258 = arith.index_cast %parallel_loop3A_254 : i32 to index
        %parallel_loop3A_259 = arith.constant 0 : index
        %parallel_loop3A_260 = tpu.vector_load %arg17[%parallel_loop3A_258, %parallel_loop3A_259] {strides = array<i32>} : memref<80x16xf32, #tpu.memory_space<vmem>>, vector<16xf32>,
        %parallel_loop3A_261 = arith.addf %parallel_loop3A_257, %parallel_loop3A_260 : vector<16xf32>
        %parallel_loop3A_262 = arith.constant 2.000000e-01 : f32
        %parallel_loop3A_263 = vector.broadcast %parallel_loop3A_262 : f32 to vector<16xf32>
        %parallel_loop3A_264 = arith.mulf %parallel_loop3A_263, %parallel_loop3A_261 : vector<16xf32>
        %parallel_loop3A_265 = arith.maximumf %parallel_loop3A_261, %parallel_loop3A_264 : vector<16xf32>
        %parallel_loop3A_266 = math.exp %parallel_loop3A_265 : vector<16xf32>
        %parallel_loop3A_267 = arith.index_cast %parallel_loop3A_254 : i32 to index
        %parallel_loop3A_268 = arith.constant 64 : index
        %parallel_loop3A_269 = tpu.vector_load %arg12[%parallel_loop3A_267, %parallel_loop3A_268] {strides = array<i32>} : memref<80x80xf32, #tpu.memory_space<vmem>>, vector<16xf32>,
        tpu.vector_store %arg12[%parallel_loop3A_267, %parallel_loop3A_268], %parallel_loop3A_266 {strides = array<i32>} : memref<80x80xf32, #tpu.memory_space<vmem>>, vector<16xf32>,
        %parallel_loop3A_270 = arith.constant 16 : i32
        %parallel_loop3A_271 = arith.muli %parallel_loop3A_254, %parallel_loop3A_270 : i32
        %parallel_loop3A_272 = arith.index_cast %parallel_loop3A_271 : i32 to index
        %parallel_loop3A_273 = tpu.vector_load %arg20[%parallel_loop3A_272] {strides = array<i32>} : memref<1280xf32, #tpu.memory_space<vmem>>, vector<16xf32>,
        tpu.vector_store %arg20[%parallel_loop3A_272], %parallel_loop3A_266 {strides = array<i32>} : memref<1280xf32, #tpu.memory_space<vmem>>, vector<16xf32>,
        %parallel_loop3A_274 = arith.constant 16 : i32
        %parallel_loop3A_275 = arith.muli %parallel_loop3A_254, %parallel_loop3A_274 : i32
        %parallel_loop3A_276 = vector.broadcast %parallel_loop3A_275 : i32 to vector<16xi32>
        %parallel_loop3A_277 = arith.addi %parallel_loop3A_276, %shift_right_logical3A_8 : vector<16xi32>
        %parallel_loop3A_278 = arith.constant 0 : i32
        %parallel_loop3A_279 = vector.broadcast %parallel_loop3A_278 : i32 to vector<16xi32>
        %parallel_loop3A_280 = arith.addi %parallel_loop3A_277, %parallel_loop3A_279 : vector<16xi32>
        %parallel_loop3A_281 = tpu.vector_load_idx %arg20[%parallel_loop3A_280] : memref<1280xf32, #tpu.memory_space<vmem>>[vector<16xi32>], vector<16xf32>,
        %parallel_loop3A_282 = arith.index_cast %parallel_loop3A_254 : i32 to index
        %parallel_loop3A_283 = arith.constant 0 : index
        %parallel_loop3A_284 = tpu.vector_load %arg12[%parallel_loop3A_282, %parallel_loop3A_283] {strides = array<i32>} : memref<80x80xf32, #tpu.memory_space<vmem>>, vector<16xf32>,
        %parallel_loop3A_285 = arith.mulf %parallel_loop3A_284, %parallel_loop3A_281 : vector<16xf32>
        %parallel_loop3A_286 = arith.index_cast %parallel_loop3A_254 : i32 to index
        %parallel_loop3A_287 = arith.constant 0 : index
        %parallel_loop3A_288 = tpu.vector_load %arg12[%parallel_loop3A_286, %parallel_loop3A_287] {strides = array<i32>} : memref<80x80xf32, #tpu.memory_space<vmem>>, vector<16xf32>,
        tpu.vector_store %arg12[%parallel_loop3A_286, %parallel_loop3A_287], %parallel_loop3A_285 {strides = array<i32>} : memref<80x80xf32, #tpu.memory_space<vmem>>, vector<16xf32>,
        %parallel_loop3A_289 = arith.constant 16 : i32
        %parallel_loop3A_290 = arith.muli %parallel_loop3A_254, %parallel_loop3A_289 : i32
        %parallel_loop3A_291 = vector.broadcast %parallel_loop3A_290 : i32 to vector<16xi32>
        %parallel_loop3A_292 = arith.addi %parallel_loop3A_291, %shift_right_logical3A_8 : vector<16xi32>
        %parallel_loop3A_293 = arith.constant 2 : i32
        %parallel_loop3A_294 = vector.broadcast %parallel_loop3A_293 : i32 to vector<16xi32>
        %parallel_loop3A_295 = arith.addi %parallel_loop3A_292, %parallel_loop3A_294 : vector<16xi32>
        %parallel_loop3A_296 = tpu.vector_load_idx %arg20[%parallel_loop3A_295] : memref<1280xf32, #tpu.memory_space<vmem>>[vector<16xi32>], vector<16xf32>,
        %parallel_loop3A_297 = arith.index_cast %parallel_loop3A_254 : i32 to index
        %parallel_loop3A_298 = arith.constant 16 : index
        %parallel_loop3A_299 = tpu.vector_load %arg12[%parallel_loop3A_297, %parallel_loop3A_298] {strides = array<i32>} : memref<80x80xf32, #tpu.memory_space<vmem>>, vector<16xf32>,
        %parallel_loop3A_300 = arith.mulf %parallel_loop3A_299, %parallel_loop3A_296 : vector<16xf32>
        %parallel_loop3A_301 = arith.index_cast %parallel_loop3A_254 : i32 to index
        %parallel_loop3A_302 = arith.constant 16 : index
        %parallel_loop3A_303 = tpu.vector_load %arg12[%parallel_loop3A_301, %parallel_loop3A_302] {strides = array<i32>} : memref<80x80xf32, #tpu.memory_space<vmem>>, vector<16xf32>,
        tpu.vector_store %arg12[%parallel_loop3A_301, %parallel_loop3A_302], %parallel_loop3A_300 {strides = array<i32>} : memref<80x80xf32, #tpu.memory_space<vmem>>, vector<16xf32>,
        %parallel_loop3A_304 = arith.constant 16 : i32
        %parallel_loop3A_305 = arith.muli %parallel_loop3A_254, %parallel_loop3A_304 : i32
        %parallel_loop3A_306 = vector.broadcast %parallel_loop3A_305 : i32 to vector<16xi32>
        %parallel_loop3A_307 = arith.addi %parallel_loop3A_306, %shift_right_logical3A_8 : vector<16xi32>
        %parallel_loop3A_308 = arith.constant 4 : i32
        %parallel_loop3A_309 = vector.broadcast %parallel_loop3A_308 : i32 to vector<16xi32>
        %parallel_loop3A_310 = arith.addi %parallel_loop3A_307, %parallel_loop3A_309 : vector<16xi32>
        %parallel_loop3A_311 = tpu.vector_load_idx %arg20[%parallel_loop3A_310] : memref<1280xf32, #tpu.memory_space<vmem>>[vector<16xi32>], vector<16xf32>,
        %parallel_loop3A_312 = arith.index_cast %parallel_loop3A_254 : i32 to index
        %parallel_loop3A_313 = arith.constant 32 : index
        %parallel_loop3A_314 = tpu.vector_load %arg12[%parallel_loop3A_312, %parallel_loop3A_313] {strides = array<i32>} : memref<80x80xf32, #tpu.memory_space<vmem>>, vector<16xf32>,
        %parallel_loop3A_315 = arith.mulf %parallel_loop3A_314, %parallel_loop3A_311 : vector<16xf32>
        %parallel_loop3A_316 = arith.index_cast %parallel_loop3A_254 : i32 to index
        %parallel_loop3A_317 = arith.constant 32 : index
        %parallel_loop3A_318 = tpu.vector_load %arg12[%parallel_loop3A_316, %parallel_loop3A_317] {strides = array<i32>} : memref<80x80xf32, #tpu.memory_space<vmem>>, vector<16xf32>,
        tpu.vector_store %arg12[%parallel_loop3A_316, %parallel_loop3A_317], %parallel_loop3A_315 {strides = array<i32>} : memref<80x80xf32, #tpu.memory_space<vmem>>, vector<16xf32>,
        %parallel_loop3A_319 = arith.constant 16 : i32
        %parallel_loop3A_320 = arith.muli %parallel_loop3A_254, %parallel_loop3A_319 : i32
        %parallel_loop3A_321 = vector.broadcast %parallel_loop3A_320 : i32 to vector<16xi32>
        %parallel_loop3A_322 = arith.addi %parallel_loop3A_321, %shift_right_logical3A_8 : vector<16xi32>
        %parallel_loop3A_323 = arith.constant 6 : i32
        %parallel_loop3A_324 = vector.broadcast %parallel_loop3A_323 : i32 to vector<16xi32>
        %parallel_loop3A_325 = arith.addi %parallel_loop3A_322, %parallel_loop3A_324 : vector<16xi32>
        %parallel_loop3A_326 = tpu.vector_load_idx %arg20[%parallel_loop3A_325] : memref<1280xf32, #tpu.memory_space<vmem>>[vector<16xi32>], vector<16xf32>,
        %parallel_loop3A_327 = arith.index_cast %parallel_loop3A_254 : i32 to index
        %parallel_loop3A_328 = arith.constant 48 : index
        %parallel_loop3A_329 = tpu.vector_load %arg12[%parallel_loop3A_327, %parallel_loop3A_328] {strides = array<i32>} : memref<80x80xf32, #tpu.memory_space<vmem>>, vector<16xf32>,
        %parallel_loop3A_330 = arith.mulf %parallel_loop3A_329, %parallel_loop3A_326 : vector<16xf32>
        %parallel_loop3A_331 = arith.index_cast %parallel_loop3A_254 : i32 to index
        %parallel_loop3A_332 = arith.constant 48 : index
        %parallel_loop3A_333 = tpu.vector_load %arg12[%parallel_loop3A_331, %parallel_loop3A_332] {strides = array<i32>} : memref<80x80xf32, #tpu.memory_space<vmem>>, vector<16xf32>,
        tpu.vector_store %arg12[%parallel_loop3A_331, %parallel_loop3A_332], %parallel_loop3A_330 {strides = array<i32>} : memref<80x80xf32, #tpu.memory_space<vmem>>, vector<16xf32>,
      } {sc.loop_unroll_factor = 4 : i64, sc.parallel_access}
      %dma_start3A_184 = arith.constant 0 : i32
      %dma_start3A_185 = tpu.memref_slice %arg9[%add3A_161, %dma_start3A_184] : memref<125x80xi32, #tpu.memory_space<vmem>> -> memref<1x80xi32, #tpu.memory_space<vmem>>
      %dma_start3A_186 = tpu.memref_squeeze %dma_start3A_185 : memref<1x80xi32, #tpu.memory_space<vmem>> -> memref<80xi32, #tpu.memory_space<vmem>>
      %dma_start3A_187 = arith.constant 0 : i32
      %dma_start3A_188 = arith.constant 0 : i32
      %dma_start3A_189 = tpu.memref_slice %arg21[%dma_start3A_187, %dma_start3A_188] : memref<10240x80xf32, #tpu.memory_space<vmem_shared>> -> memref<10240x80xf32, #tpu.memory_space<vmem_shared>>
      tpu.enqueue_indirect_dma source(%arg12 : memref<80x80xf32, #tpu.memory_space<vmem>>) target(%dma_start3A_189 : memref<10240x80xf32, #tpu.memory_space<vmem_shared>>) offsets(%dma_start3A_186 : memref<80xi32, #tpu.memory_space<vmem>>) semaphore(%arg34 : memref<!tpu.dma_semaphore, #tpu.memory_space<semaphore_mem>>) {add = true}
      %mul3A_190 = arith.constant 5 : i32
      %mul3A_191 = arith.muli %add3A_97, %mul3A_190 : i32
      %add3A_192 = arith.constant 3 : i32
      %add3A_193 = arith.addi %mul3A_191, %add3A_192 : i32
      %add3A_194 = arith.constant 3 : i32
      %add3A_195 = arith.addi %add3A_193, %add3A_194 : i32
      %lt3A_196 = arith.constant 125 : i32
      %lt3A_197 = arith.cmpi slt, %add3A_195, %lt3A_196 : i32
      %convert_element_type3A_198 = arith.extui %lt3A_197 : i1 to i32
      %cond3A_199 = arith.constant 0 : i32
      %cond3A_200 = arith.cmpi ne, %convert_element_type3A_198, %cond3A_199 : i32
      scf.if %cond3A_200 {
        %ge3A = arith.constant 2 : i32
        %ge3A_254 = arith.cmpi sge, %add3A_193, %ge3A : i32
        %convert_element_type3A_255 = arith.extui %ge3A_254 : i1 to i32
        %cond3A_256 = arith.constant 0 : i32
        %cond3A_257 = arith.cmpi ne, %convert_element_type3A_255, %cond3A_256 : i32
        scf.if %cond3A_257 {
          %dma_wait3A_272 = arith.constant 0 : i32
          %dma_wait3A_273 = arith.constant 0 : i32
          %dma_wait3A_274 = tpu.memref_slice %arg9[%dma_wait3A_272, %dma_wait3A_273] : memref<125x80xi32, #tpu.memory_space<vmem>> -> memref<1x80xi32, #tpu.memory_space<vmem>>
          %dma_wait3A_275 = tpu.memref_squeeze %dma_wait3A_274 : memref<1x80xi32, #tpu.memory_space<vmem>> -> memref<80xi32, #tpu.memory_space<vmem>>
          %dma_wait3A_276 = arith.constant 0 : i32
          %dma_wait3A_277 = arith.constant 0 : i32
          %dma_wait3A_278 = tpu.memref_slice %arg21[%dma_wait3A_276, %dma_wait3A_277] : memref<10240x80xf32, #tpu.memory_space<vmem_shared>> -> memref<10240x80xf32, #tpu.memory_space<vmem_shared>>
          tpu.wait_indirect_dma semaphore(%arg33 : memref<!tpu.dma_semaphore, #tpu.memory_space<semaphore_mem>>) src(%arg11 : memref<80x80xf32, #tpu.memory_space<vmem>>) dst(%dma_wait3A_278 : memref<10240x80xf32, #tpu.memory_space<vmem_shared>>)
        } else {
        }
        %add3A_258 = arith.constant 3 : i32
        %add3A_259 = arith.addi %add3A_193, %add3A_258 : i32
        %dma_start3A_260 = arith.constant 0 : i32
        %dma_start3A_261 = tpu.memref_slice %arg8[%add3A_259, %dma_start3A_260] : memref<125x80xi32, #tpu.memory_space<vmem>> -> memref<1x80xi32, #tpu.memory_space<vmem>>
        %dma_start3A_262 = tpu.memref_squeeze %dma_start3A_261 : memref<1x80xi32, #tpu.memory_space<vmem>> -> memref<80xi32, #tpu.memory_space<vmem>>
        %dma_start3A_263 = arith.constant 0 : i32
        %dma_start3A_264 = arith.constant 0 : i32
        %dma_start3A_265 = tpu.memref_slice %arg2[%dma_start3A_263, %dma_start3A_264] : memref<10000x80xf32, #tpu.memory_space<hbm>> -> memref<10000x80xf32, #tpu.memory_space<hbm>>
        tpu.enqueue_indirect_dma source(%dma_start3A_265 : memref<10000x80xf32, #tpu.memory_space<hbm>>) target(%arg11 : memref<80x80xf32, #tpu.memory_space<vmem>>) offsets(%dma_start3A_262 : memref<80xi32, #tpu.memory_space<vmem>>) semaphore(%arg23 : memref<!tpu.dma_semaphore, #tpu.memory_space<semaphore_mem>>)
        %dma_start3A_266 = arith.constant 0 : i32
        %dma_start3A_267 = tpu.memref_slice %arg9[%add3A_259, %dma_start3A_266] : memref<125x80xi32, #tpu.memory_space<vmem>> -> memref<1x80xi32, #tpu.memory_space<vmem>>
        %dma_start3A_268 = tpu.memref_squeeze %dma_start3A_267 : memref<1x80xi32, #tpu.memory_space<vmem>> -> memref<80xi32, #tpu.memory_space<vmem>>
        %dma_start3A_269 = arith.constant 0 : i32
        %dma_start3A_270 = arith.constant 0 : i32
        %dma_start3A_271 = tpu.memref_slice %arg3[%dma_start3A_269, %dma_start3A_270] : memref<10000x16xf32, #tpu.memory_space<hbm>> -> memref<10000x16xf32, #tpu.memory_space<hbm>>
        tpu.enqueue_indirect_dma source(%dma_start3A_271 : memref<10000x16xf32, #tpu.memory_space<hbm>>) target(%arg16 : memref<80x16xf32, #tpu.memory_space<vmem>>) offsets(%dma_start3A_268 : memref<80xi32, #tpu.memory_space<vmem>>) semaphore(%arg28 : memref<!tpu.dma_semaphore, #tpu.memory_space<semaphore_mem>>)
      } else {
      }
      %dma_wait3A_201 = arith.constant 0 : i32
      %dma_wait3A_202 = tpu.memref_slice %arg8[%add3A_193, %dma_wait3A_201] : memref<125x80xi32, #tpu.memory_space<vmem>> -> memref<1x80xi32, #tpu.memory_space<vmem>>
      %dma_wait3A_203 = tpu.memref_squeeze %dma_wait3A_202 : memref<1x80xi32, #tpu.memory_space<vmem>> -> memref<80xi32, #tpu.memory_space<vmem>>
      %dma_wait3A_204 = arith.constant 0 : i32
      %dma_wait3A_205 = arith.constant 0 : i32
      %dma_wait3A_206 = tpu.memref_slice %arg2[%dma_wait3A_204, %dma_wait3A_205] : memref<10000x80xf32, #tpu.memory_space<hbm>> -> memref<10000x80xf32, #tpu.memory_space<hbm>>
      tpu.wait_indirect_dma semaphore(%arg25 : memref<!tpu.dma_semaphore, #tpu.memory_space<semaphore_mem>>) src(%dma_wait3A_206 : memref<10000x80xf32, #tpu.memory_space<hbm>>) dst(%arg13 : memref<80x80xf32, #tpu.memory_space<vmem>>)
      %dma_wait3A_207 = arith.constant 0 : i32
      %dma_wait3A_208 = tpu.memref_slice %arg9[%add3A_193, %dma_wait3A_207] : memref<125x80xi32, #tpu.memory_space<vmem>> -> memref<1x80xi32, #tpu.memory_space<vmem>>
      %dma_wait3A_209 = tpu.memref_squeeze %dma_wait3A_208 : memref<1x80xi32, #tpu.memory_space<vmem>> -> memref<80xi32, #tpu.memory_space<vmem>>
      %dma_wait3A_210 = arith.constant 0 : i32
      %dma_wait3A_211 = arith.constant 0 : i32
      %dma_wait3A_212 = tpu.memref_slice %arg3[%dma_wait3A_210, %dma_wait3A_211] : memref<10000x16xf32, #tpu.memory_space<hbm>> -> memref<10000x16xf32, #tpu.memory_space<hbm>>
      tpu.wait_indirect_dma semaphore(%arg30 : memref<!tpu.dma_semaphore, #tpu.memory_space<semaphore_mem>>) src(%dma_wait3A_212 : memref<10000x16xf32, #tpu.memory_space<hbm>>) dst(%arg18 : memref<80x16xf32, #tpu.memory_space<vmem>>)
      %parallel_loop3A_213 = arith.constant 0 : i32
      %parallel_loop3A_214 = arith.constant 80 : i32
      %parallel_loop3A_215 = arith.constant 1 : i32
      scf.for %parallel_loop3A_254 = %parallel_loop3A_213 to %parallel_loop3A_214 step %parallel_loop3A_215  : i32 {
        %parallel_loop3A_255 = arith.index_cast %parallel_loop3A_254 : i32 to index
        %parallel_loop3A_256 = arith.constant 64 : index
        %parallel_loop3A_257 = tpu.vector_load %arg13[%parallel_loop3A_255, %parallel_loop3A_256] {strides = array<i32>} : memref<80x80xf32, #tpu.memory_space<vmem>>, vector<16xf32>,
        %parallel_loop3A_258 = arith.index_cast %parallel_loop3A_254 : i32 to index
        %parallel_loop3A_259 = arith.constant 0 : index
        %parallel_loop3A_260 = tpu.vector_load %arg18[%parallel_loop3A_258, %parallel_loop3A_259] {strides = array<i32>} : memref<80x16xf32, #tpu.memory_space<vmem>>, vector<16xf32>,
        %parallel_loop3A_261 = arith.addf %parallel_loop3A_257, %parallel_loop3A_260 : vector<16xf32>
        %parallel_loop3A_262 = arith.constant 2.000000e-01 : f32
        %parallel_loop3A_263 = vector.broadcast %parallel_loop3A_262 : f32 to vector<16xf32>
        %parallel_loop3A_264 = arith.mulf %parallel_loop3A_263, %parallel_loop3A_261 : vector<16xf32>
        %parallel_loop3A_265 = arith.maximumf %parallel_loop3A_261, %parallel_loop3A_264 : vector<16xf32>
        %parallel_loop3A_266 = math.exp %parallel_loop3A_265 : vector<16xf32>
        %parallel_loop3A_267 = arith.index_cast %parallel_loop3A_254 : i32 to index
        %parallel_loop3A_268 = arith.constant 64 : index
        %parallel_loop3A_269 = tpu.vector_load %arg13[%parallel_loop3A_267, %parallel_loop3A_268] {strides = array<i32>} : memref<80x80xf32, #tpu.memory_space<vmem>>, vector<16xf32>,
        tpu.vector_store %arg13[%parallel_loop3A_267, %parallel_loop3A_268], %parallel_loop3A_266 {strides = array<i32>} : memref<80x80xf32, #tpu.memory_space<vmem>>, vector<16xf32>,
        %parallel_loop3A_270 = arith.constant 16 : i32
        %parallel_loop3A_271 = arith.muli %parallel_loop3A_254, %parallel_loop3A_270 : i32
        %parallel_loop3A_272 = arith.index_cast %parallel_loop3A_271 : i32 to index
        %parallel_loop3A_273 = tpu.vector_load %arg20[%parallel_loop3A_272] {strides = array<i32>} : memref<1280xf32, #tpu.memory_space<vmem>>, vector<16xf32>,
        tpu.vector_store %arg20[%parallel_loop3A_272], %parallel_loop3A_266 {strides = array<i32>} : memref<1280xf32, #tpu.memory_space<vmem>>, vector<16xf32>,
        %parallel_loop3A_274 = arith.constant 16 : i32
        %parallel_loop3A_275 = arith.muli %parallel_loop3A_254, %parallel_loop3A_274 : i32
        %parallel_loop3A_276 = vector.broadcast %parallel_loop3A_275 : i32 to vector<16xi32>
        %parallel_loop3A_277 = arith.addi %parallel_loop3A_276, %shift_right_logical3A_8 : vector<16xi32>
        %parallel_loop3A_278 = arith.constant 0 : i32
        %parallel_loop3A_279 = vector.broadcast %parallel_loop3A_278 : i32 to vector<16xi32>
        %parallel_loop3A_280 = arith.addi %parallel_loop3A_277, %parallel_loop3A_279 : vector<16xi32>
        %parallel_loop3A_281 = tpu.vector_load_idx %arg20[%parallel_loop3A_280] : memref<1280xf32, #tpu.memory_space<vmem>>[vector<16xi32>], vector<16xf32>,
        %parallel_loop3A_282 = arith.index_cast %parallel_loop3A_254 : i32 to index
        %parallel_loop3A_283 = arith.constant 0 : index
        %parallel_loop3A_284 = tpu.vector_load %arg13[%parallel_loop3A_282, %parallel_loop3A_283] {strides = array<i32>} : memref<80x80xf32, #tpu.memory_space<vmem>>, vector<16xf32>,
        %parallel_loop3A_285 = arith.mulf %parallel_loop3A_284, %parallel_loop3A_281 : vector<16xf32>
        %parallel_loop3A_286 = arith.index_cast %parallel_loop3A_254 : i32 to index
        %parallel_loop3A_287 = arith.constant 0 : index
        %parallel_loop3A_288 = tpu.vector_load %arg13[%parallel_loop3A_286, %parallel_loop3A_287] {strides = array<i32>} : memref<80x80xf32, #tpu.memory_space<vmem>>, vector<16xf32>,
        tpu.vector_store %arg13[%parallel_loop3A_286, %parallel_loop3A_287], %parallel_loop3A_285 {strides = array<i32>} : memref<80x80xf32, #tpu.memory_space<vmem>>, vector<16xf32>,
        %parallel_loop3A_289 = arith.constant 16 : i32
        %parallel_loop3A_290 = arith.muli %parallel_loop3A_254, %parallel_loop3A_289 : i32
        %parallel_loop3A_291 = vector.broadcast %parallel_loop3A_290 : i32 to vector<16xi32>
        %parallel_loop3A_292 = arith.addi %parallel_loop3A_291, %shift_right_logical3A_8 : vector<16xi32>
        %parallel_loop3A_293 = arith.constant 2 : i32
        %parallel_loop3A_294 = vector.broadcast %parallel_loop3A_293 : i32 to vector<16xi32>
        %parallel_loop3A_295 = arith.addi %parallel_loop3A_292, %parallel_loop3A_294 : vector<16xi32>
        %parallel_loop3A_296 = tpu.vector_load_idx %arg20[%parallel_loop3A_295] : memref<1280xf32, #tpu.memory_space<vmem>>[vector<16xi32>], vector<16xf32>,
        %parallel_loop3A_297 = arith.index_cast %parallel_loop3A_254 : i32 to index
        %parallel_loop3A_298 = arith.constant 16 : index
        %parallel_loop3A_299 = tpu.vector_load %arg13[%parallel_loop3A_297, %parallel_loop3A_298] {strides = array<i32>} : memref<80x80xf32, #tpu.memory_space<vmem>>, vector<16xf32>,
        %parallel_loop3A_300 = arith.mulf %parallel_loop3A_299, %parallel_loop3A_296 : vector<16xf32>
        %parallel_loop3A_301 = arith.index_cast %parallel_loop3A_254 : i32 to index
        %parallel_loop3A_302 = arith.constant 16 : index
        %parallel_loop3A_303 = tpu.vector_load %arg13[%parallel_loop3A_301, %parallel_loop3A_302] {strides = array<i32>} : memref<80x80xf32, #tpu.memory_space<vmem>>, vector<16xf32>,
        tpu.vector_store %arg13[%parallel_loop3A_301, %parallel_loop3A_302], %parallel_loop3A_300 {strides = array<i32>} : memref<80x80xf32, #tpu.memory_space<vmem>>, vector<16xf32>,
        %parallel_loop3A_304 = arith.constant 16 : i32
        %parallel_loop3A_305 = arith.muli %parallel_loop3A_254, %parallel_loop3A_304 : i32
        %parallel_loop3A_306 = vector.broadcast %parallel_loop3A_305 : i32 to vector<16xi32>
        %parallel_loop3A_307 = arith.addi %parallel_loop3A_306, %shift_right_logical3A_8 : vector<16xi32>
        %parallel_loop3A_308 = arith.constant 4 : i32
        %parallel_loop3A_309 = vector.broadcast %parallel_loop3A_308 : i32 to vector<16xi32>
        %parallel_loop3A_310 = arith.addi %parallel_loop3A_307, %parallel_loop3A_309 : vector<16xi32>
        %parallel_loop3A_311 = tpu.vector_load_idx %arg20[%parallel_loop3A_310] : memref<1280xf32, #tpu.memory_space<vmem>>[vector<16xi32>], vector<16xf32>,
        %parallel_loop3A_312 = arith.index_cast %parallel_loop3A_254 : i32 to index
        %parallel_loop3A_313 = arith.constant 32 : index
        %parallel_loop3A_314 = tpu.vector_load %arg13[%parallel_loop3A_312, %parallel_loop3A_313] {strides = array<i32>} : memref<80x80xf32, #tpu.memory_space<vmem>>, vector<16xf32>,
        %parallel_loop3A_315 = arith.mulf %parallel_loop3A_314, %parallel_loop3A_311 : vector<16xf32>
        %parallel_loop3A_316 = arith.index_cast %parallel_loop3A_254 : i32 to index
        %parallel_loop3A_317 = arith.constant 32 : index
        %parallel_loop3A_318 = tpu.vector_load %arg13[%parallel_loop3A_316, %parallel_loop3A_317] {strides = array<i32>} : memref<80x80xf32, #tpu.memory_space<vmem>>, vector<16xf32>,
        tpu.vector_store %arg13[%parallel_loop3A_316, %parallel_loop3A_317], %parallel_loop3A_315 {strides = array<i32>} : memref<80x80xf32, #tpu.memory_space<vmem>>, vector<16xf32>,
        %parallel_loop3A_319 = arith.constant 16 : i32
        %parallel_loop3A_320 = arith.muli %parallel_loop3A_254, %parallel_loop3A_319 : i32
        %parallel_loop3A_321 = vector.broadcast %parallel_loop3A_320 : i32 to vector<16xi32>
        %parallel_loop3A_322 = arith.addi %parallel_loop3A_321, %shift_right_logical3A_8 : vector<16xi32>
        %parallel_loop3A_323 = arith.constant 6 : i32
        %parallel_loop3A_324 = vector.broadcast %parallel_loop3A_323 : i32 to vector<16xi32>
        %parallel_loop3A_325 = arith.addi %parallel_loop3A_322, %parallel_loop3A_324 : vector<16xi32>
        %parallel_loop3A_326 = tpu.vector_load_idx %arg20[%parallel_loop3A_325] : memref<1280xf32, #tpu.memory_space<vmem>>[vector<16xi32>], vector<16xf32>,
        %parallel_loop3A_327 = arith.index_cast %parallel_loop3A_254 : i32 to index
        %parallel_loop3A_328 = arith.constant 48 : index
        %parallel_loop3A_329 = tpu.vector_load %arg13[%parallel_loop3A_327, %parallel_loop3A_328] {strides = array<i32>} : memref<80x80xf32, #tpu.memory_space<vmem>>, vector<16xf32>,
        %parallel_loop3A_330 = arith.mulf %parallel_loop3A_329, %parallel_loop3A_326 : vector<16xf32>
        %parallel_loop3A_331 = arith.index_cast %parallel_loop3A_254 : i32 to index
        %parallel_loop3A_332 = arith.constant 48 : index
        %parallel_loop3A_333 = tpu.vector_load %arg13[%parallel_loop3A_331, %parallel_loop3A_332] {strides = array<i32>} : memref<80x80xf32, #tpu.memory_space<vmem>>, vector<16xf32>,
        tpu.vector_store %arg13[%parallel_loop3A_331, %parallel_loop3A_332], %parallel_loop3A_330 {strides = array<i32>} : memref<80x80xf32, #tpu.memory_space<vmem>>, vector<16xf32>,
      } {sc.loop_unroll_factor = 4 : i64, sc.parallel_access}
      %dma_start3A_216 = arith.constant 0 : i32
      %dma_start3A_217 = tpu.memref_slice %arg9[%add3A_193, %dma_start3A_216] : memref<125x80xi32, #tpu.memory_space<vmem>> -> memref<1x80xi32, #tpu.memory_space<vmem>>
      %dma_start3A_218 = tpu.memref_squeeze %dma_start3A_217 : memref<1x80xi32, #tpu.memory_space<vmem>> -> memref<80xi32, #tpu.memory_space<vmem>>
      %dma_start3A_219 = arith.constant 0 : i32
      %dma_start3A_220 = arith.constant 0 : i32
      %dma_start3A_221 = tpu.memref_slice %arg21[%dma_start3A_219, %dma_start3A_220] : memref<10240x80xf32, #tpu.memory_space<vmem_shared>> -> memref<10240x80xf32, #tpu.memory_space<vmem_shared>>
      tpu.enqueue_indirect_dma source(%arg13 : memref<80x80xf32, #tpu.memory_space<vmem>>) target(%dma_start3A_221 : memref<10240x80xf32, #tpu.memory_space<vmem_shared>>) offsets(%dma_start3A_218 : memref<80xi32, #tpu.memory_space<vmem>>) semaphore(%arg35 : memref<!tpu.dma_semaphore, #tpu.memory_space<semaphore_mem>>) {add = true}
      %mul3A_222 = arith.constant 5 : i32
      %mul3A_223 = arith.muli %add3A_97, %mul3A_222 : i32
      %add3A_224 = arith.constant 4 : i32
      %add3A_225 = arith.addi %mul3A_223, %add3A_224 : i32
      %add3A_226 = arith.constant 3 : i32
      %add3A_227 = arith.addi %add3A_225, %add3A_226 : i32
      %lt3A_228 = arith.constant 125 : i32
      %lt3A_229 = arith.cmpi slt, %add3A_227, %lt3A_228 : i32
      %convert_element_type3A_230 = arith.extui %lt3A_229 : i1 to i32
      %cond3A_231 = arith.constant 0 : i32
      %cond3A_232 = arith.cmpi ne, %convert_element_type3A_230, %cond3A_231 : i32
      scf.if %cond3A_232 {
        %ge3A = arith.constant 2 : i32
        %ge3A_254 = arith.cmpi sge, %add3A_225, %ge3A : i32
        %convert_element_type3A_255 = arith.extui %ge3A_254 : i1 to i32
        %cond3A_256 = arith.constant 0 : i32
        %cond3A_257 = arith.cmpi ne, %convert_element_type3A_255, %cond3A_256 : i32
        scf.if %cond3A_257 {
          %dma_wait3A_272 = arith.constant 0 : i32
          %dma_wait3A_273 = arith.constant 0 : i32
          %dma_wait3A_274 = tpu.memref_slice %arg9[%dma_wait3A_272, %dma_wait3A_273] : memref<125x80xi32, #tpu.memory_space<vmem>> -> memref<1x80xi32, #tpu.memory_space<vmem>>
          %dma_wait3A_275 = tpu.memref_squeeze %dma_wait3A_274 : memref<1x80xi32, #tpu.memory_space<vmem>> -> memref<80xi32, #tpu.memory_space<vmem>>
          %dma_wait3A_276 = arith.constant 0 : i32
          %dma_wait3A_277 = arith.constant 0 : i32
          %dma_wait3A_278 = tpu.memref_slice %arg21[%dma_wait3A_276, %dma_wait3A_277] : memref<10240x80xf32, #tpu.memory_space<vmem_shared>> -> memref<10240x80xf32, #tpu.memory_space<vmem_shared>>
          tpu.wait_indirect_dma semaphore(%arg34 : memref<!tpu.dma_semaphore, #tpu.memory_space<semaphore_mem>>) src(%arg12 : memref<80x80xf32, #tpu.memory_space<vmem>>) dst(%dma_wait3A_278 : memref<10240x80xf32, #tpu.memory_space<vmem_shared>>)
        } else {
        }
        %add3A_258 = arith.constant 3 : i32
        %add3A_259 = arith.addi %add3A_225, %add3A_258 : i32
        %dma_start3A_260 = arith.constant 0 : i32
        %dma_start3A_261 = tpu.memref_slice %arg8[%add3A_259, %dma_start3A_260] : memref<125x80xi32, #tpu.memory_space<vmem>> -> memref<1x80xi32, #tpu.memory_space<vmem>>
        %dma_start3A_262 = tpu.memref_squeeze %dma_start3A_261 : memref<1x80xi32, #tpu.memory_space<vmem>> -> memref<80xi32, #tpu.memory_space<vmem>>
        %dma_start3A_263 = arith.constant 0 : i32
        %dma_start3A_264 = arith.constant 0 : i32
        %dma_start3A_265 = tpu.memref_slice %arg2[%dma_start3A_263, %dma_start3A_264] : memref<10000x80xf32, #tpu.memory_space<hbm>> -> memref<10000x80xf32, #tpu.memory_space<hbm>>
        tpu.enqueue_indirect_dma source(%dma_start3A_265 : memref<10000x80xf32, #tpu.memory_space<hbm>>) target(%arg12 : memref<80x80xf32, #tpu.memory_space<vmem>>) offsets(%dma_start3A_262 : memref<80xi32, #tpu.memory_space<vmem>>) semaphore(%arg24 : memref<!tpu.dma_semaphore, #tpu.memory_space<semaphore_mem>>)
        %dma_start3A_266 = arith.constant 0 : i32
        %dma_start3A_267 = tpu.memref_slice %arg9[%add3A_259, %dma_start3A_266] : memref<125x80xi32, #tpu.memory_space<vmem>> -> memref<1x80xi32, #tpu.memory_space<vmem>>
        %dma_start3A_268 = tpu.memref_squeeze %dma_start3A_267 : memref<1x80xi32, #tpu.memory_space<vmem>> -> memref<80xi32, #tpu.memory_space<vmem>>
        %dma_start3A_269 = arith.constant 0 : i32
        %dma_start3A_270 = arith.constant 0 : i32
        %dma_start3A_271 = tpu.memref_slice %arg3[%dma_start3A_269, %dma_start3A_270] : memref<10000x16xf32, #tpu.memory_space<hbm>> -> memref<10000x16xf32, #tpu.memory_space<hbm>>
        tpu.enqueue_indirect_dma source(%dma_start3A_271 : memref<10000x16xf32, #tpu.memory_space<hbm>>) target(%arg17 : memref<80x16xf32, #tpu.memory_space<vmem>>) offsets(%dma_start3A_268 : memref<80xi32, #tpu.memory_space<vmem>>) semaphore(%arg29 : memref<!tpu.dma_semaphore, #tpu.memory_space<semaphore_mem>>)
      } else {
      }
      %dma_wait3A_233 = arith.constant 0 : i32
      %dma_wait3A_234 = tpu.memref_slice %arg8[%add3A_225, %dma_wait3A_233] : memref<125x80xi32, #tpu.memory_space<vmem>> -> memref<1x80xi32, #tpu.memory_space<vmem>>
      %dma_wait3A_235 = tpu.memref_squeeze %dma_wait3A_234 : memref<1x80xi32, #tpu.memory_space<vmem>> -> memref<80xi32, #tpu.memory_space<vmem>>
      %dma_wait3A_236 = arith.constant 0 : i32
      %dma_wait3A_237 = arith.constant 0 : i32
      %dma_wait3A_238 = tpu.memref_slice %arg2[%dma_wait3A_236, %dma_wait3A_237] : memref<10000x80xf32, #tpu.memory_space<hbm>> -> memref<10000x80xf32, #tpu.memory_space<hbm>>
      tpu.wait_indirect_dma semaphore(%arg26 : memref<!tpu.dma_semaphore, #tpu.memory_space<semaphore_mem>>) src(%dma_wait3A_238 : memref<10000x80xf32, #tpu.memory_space<hbm>>) dst(%arg14 : memref<80x80xf32, #tpu.memory_space<vmem>>)
      %dma_wait3A_239 = arith.constant 0 : i32
      %dma_wait3A_240 = tpu.memref_slice %arg9[%add3A_225, %dma_wait3A_239] : memref<125x80xi32, #tpu.memory_space<vmem>> -> memref<1x80xi32, #tpu.memory_space<vmem>>
      %dma_wait3A_241 = tpu.memref_squeeze %dma_wait3A_240 : memref<1x80xi32, #tpu.memory_space<vmem>> -> memref<80xi32, #tpu.memory_space<vmem>>
      %dma_wait3A_242 = arith.constant 0 : i32
      %dma_wait3A_243 = arith.constant 0 : i32
      %dma_wait3A_244 = tpu.memref_slice %arg3[%dma_wait3A_242, %dma_wait3A_243] : memref<10000x16xf32, #tpu.memory_space<hbm>> -> memref<10000x16xf32, #tpu.memory_space<hbm>>
      tpu.wait_indirect_dma semaphore(%arg31 : memref<!tpu.dma_semaphore, #tpu.memory_space<semaphore_mem>>) src(%dma_wait3A_244 : memref<10000x16xf32, #tpu.memory_space<hbm>>) dst(%arg19 : memref<80x16xf32, #tpu.memory_space<vmem>>)
      %parallel_loop3A_245 = arith.constant 0 : i32
      %parallel_loop3A_246 = arith.constant 80 : i32
      %parallel_loop3A_247 = arith.constant 1 : i32
      scf.for %parallel_loop3A_254 = %parallel_loop3A_245 to %parallel_loop3A_246 step %parallel_loop3A_247  : i32 {
        %parallel_loop3A_255 = arith.index_cast %parallel_loop3A_254 : i32 to index
        %parallel_loop3A_256 = arith.constant 64 : index
        %parallel_loop3A_257 = tpu.vector_load %arg14[%parallel_loop3A_255, %parallel_loop3A_256] {strides = array<i32>} : memref<80x80xf32, #tpu.memory_space<vmem>>, vector<16xf32>,
        %parallel_loop3A_258 = arith.index_cast %parallel_loop3A_254 : i32 to index
        %parallel_loop3A_259 = arith.constant 0 : index
        %parallel_loop3A_260 = tpu.vector_load %arg19[%parallel_loop3A_258, %parallel_loop3A_259] {strides = array<i32>} : memref<80x16xf32, #tpu.memory_space<vmem>>, vector<16xf32>,
        %parallel_loop3A_261 = arith.addf %parallel_loop3A_257, %parallel_loop3A_260 : vector<16xf32>
        %parallel_loop3A_262 = arith.constant 2.000000e-01 : f32
        %parallel_loop3A_263 = vector.broadcast %parallel_loop3A_262 : f32 to vector<16xf32>
        %parallel_loop3A_264 = arith.mulf %parallel_loop3A_263, %parallel_loop3A_261 : vector<16xf32>
        %parallel_loop3A_265 = arith.maximumf %parallel_loop3A_261, %parallel_loop3A_264 : vector<16xf32>
        %parallel_loop3A_266 = math.exp %parallel_loop3A_265 : vector<16xf32>
        %parallel_loop3A_267 = arith.index_cast %parallel_loop3A_254 : i32 to index
        %parallel_loop3A_268 = arith.constant 64 : index
        %parallel_loop3A_269 = tpu.vector_load %arg14[%parallel_loop3A_267, %parallel_loop3A_268] {strides = array<i32>} : memref<80x80xf32, #tpu.memory_space<vmem>>, vector<16xf32>,
        tpu.vector_store %arg14[%parallel_loop3A_267, %parallel_loop3A_268], %parallel_loop3A_266 {strides = array<i32>} : memref<80x80xf32, #tpu.memory_space<vmem>>, vector<16xf32>,
        %parallel_loop3A_270 = arith.constant 16 : i32
        %parallel_loop3A_271 = arith.muli %parallel_loop3A_254, %parallel_loop3A_270 : i32
        %parallel_loop3A_272 = arith.index_cast %parallel_loop3A_271 : i32 to index
        %parallel_loop3A_273 = tpu.vector_load %arg20[%parallel_loop3A_272] {strides = array<i32>} : memref<1280xf32, #tpu.memory_space<vmem>>, vector<16xf32>,
        tpu.vector_store %arg20[%parallel_loop3A_272], %parallel_loop3A_266 {strides = array<i32>} : memref<1280xf32, #tpu.memory_space<vmem>>, vector<16xf32>,
        %parallel_loop3A_274 = arith.constant 16 : i32
        %parallel_loop3A_275 = arith.muli %parallel_loop3A_254, %parallel_loop3A_274 : i32
        %parallel_loop3A_276 = vector.broadcast %parallel_loop3A_275 : i32 to vector<16xi32>
        %parallel_loop3A_277 = arith.addi %parallel_loop3A_276, %shift_right_logical3A_8 : vector<16xi32>
        %parallel_loop3A_278 = arith.constant 0 : i32
        %parallel_loop3A_279 = vector.broadcast %parallel_loop3A_278 : i32 to vector<16xi32>
        %parallel_loop3A_280 = arith.addi %parallel_loop3A_277, %parallel_loop3A_279 : vector<16xi32>
        %parallel_loop3A_281 = tpu.vector_load_idx %arg20[%parallel_loop3A_280] : memref<1280xf32, #tpu.memory_space<vmem>>[vector<16xi32>], vector<16xf32>,
        %parallel_loop3A_282 = arith.index_cast %parallel_loop3A_254 : i32 to index
        %parallel_loop3A_283 = arith.constant 0 : index
        %parallel_loop3A_284 = tpu.vector_load %arg14[%parallel_loop3A_282, %parallel_loop3A_283] {strides = array<i32>} : memref<80x80xf32, #tpu.memory_space<vmem>>, vector<16xf32>,
        %parallel_loop3A_285 = arith.mulf %parallel_loop3A_284, %parallel_loop3A_281 : vector<16xf32>
        %parallel_loop3A_286 = arith.index_cast %parallel_loop3A_254 : i32 to index
        %parallel_loop3A_287 = arith.constant 0 : index
        %parallel_loop3A_288 = tpu.vector_load %arg14[%parallel_loop3A_286, %parallel_loop3A_287] {strides = array<i32>} : memref<80x80xf32, #tpu.memory_space<vmem>>, vector<16xf32>,
        tpu.vector_store %arg14[%parallel_loop3A_286, %parallel_loop3A_287], %parallel_loop3A_285 {strides = array<i32>} : memref<80x80xf32, #tpu.memory_space<vmem>>, vector<16xf32>,
        %parallel_loop3A_289 = arith.constant 16 : i32
        %parallel_loop3A_290 = arith.muli %parallel_loop3A_254, %parallel_loop3A_289 : i32
        %parallel_loop3A_291 = vector.broadcast %parallel_loop3A_290 : i32 to vector<16xi32>
        %parallel_loop3A_292 = arith.addi %parallel_loop3A_291, %shift_right_logical3A_8 : vector<16xi32>
        %parallel_loop3A_293 = arith.constant 2 : i32
        %parallel_loop3A_294 = vector.broadcast %parallel_loop3A_293 : i32 to vector<16xi32>
        %parallel_loop3A_295 = arith.addi %parallel_loop3A_292, %parallel_loop3A_294 : vector<16xi32>
        %parallel_loop3A_296 = tpu.vector_load_idx %arg20[%parallel_loop3A_295] : memref<1280xf32, #tpu.memory_space<vmem>>[vector<16xi32>], vector<16xf32>,
        %parallel_loop3A_297 = arith.index_cast %parallel_loop3A_254 : i32 to index
        %parallel_loop3A_298 = arith.constant 16 : index
        %parallel_loop3A_299 = tpu.vector_load %arg14[%parallel_loop3A_297, %parallel_loop3A_298] {strides = array<i32>} : memref<80x80xf32, #tpu.memory_space<vmem>>, vector<16xf32>,
        %parallel_loop3A_300 = arith.mulf %parallel_loop3A_299, %parallel_loop3A_296 : vector<16xf32>
        %parallel_loop3A_301 = arith.index_cast %parallel_loop3A_254 : i32 to index
        %parallel_loop3A_302 = arith.constant 16 : index
        %parallel_loop3A_303 = tpu.vector_load %arg14[%parallel_loop3A_301, %parallel_loop3A_302] {strides = array<i32>} : memref<80x80xf32, #tpu.memory_space<vmem>>, vector<16xf32>,
        tpu.vector_store %arg14[%parallel_loop3A_301, %parallel_loop3A_302], %parallel_loop3A_300 {strides = array<i32>} : memref<80x80xf32, #tpu.memory_space<vmem>>, vector<16xf32>,
        %parallel_loop3A_304 = arith.constant 16 : i32
        %parallel_loop3A_305 = arith.muli %parallel_loop3A_254, %parallel_loop3A_304 : i32
        %parallel_loop3A_306 = vector.broadcast %parallel_loop3A_305 : i32 to vector<16xi32>
        %parallel_loop3A_307 = arith.addi %parallel_loop3A_306, %shift_right_logical3A_8 : vector<16xi32>
        %parallel_loop3A_308 = arith.constant 4 : i32
        %parallel_loop3A_309 = vector.broadcast %parallel_loop3A_308 : i32 to vector<16xi32>
        %parallel_loop3A_310 = arith.addi %parallel_loop3A_307, %parallel_loop3A_309 : vector<16xi32>
        %parallel_loop3A_311 = tpu.vector_load_idx %arg20[%parallel_loop3A_310] : memref<1280xf32, #tpu.memory_space<vmem>>[vector<16xi32>], vector<16xf32>,
        %parallel_loop3A_312 = arith.index_cast %parallel_loop3A_254 : i32 to index
        %parallel_loop3A_313 = arith.constant 32 : index
        %parallel_loop3A_314 = tpu.vector_load %arg14[%parallel_loop3A_312, %parallel_loop3A_313] {strides = array<i32>} : memref<80x80xf32, #tpu.memory_space<vmem>>, vector<16xf32>,
        %parallel_loop3A_315 = arith.mulf %parallel_loop3A_314, %parallel_loop3A_311 : vector<16xf32>
        %parallel_loop3A_316 = arith.index_cast %parallel_loop3A_254 : i32 to index
        %parallel_loop3A_317 = arith.constant 32 : index
        %parallel_loop3A_318 = tpu.vector_load %arg14[%parallel_loop3A_316, %parallel_loop3A_317] {strides = array<i32>} : memref<80x80xf32, #tpu.memory_space<vmem>>, vector<16xf32>,
        tpu.vector_store %arg14[%parallel_loop3A_316, %parallel_loop3A_317], %parallel_loop3A_315 {strides = array<i32>} : memref<80x80xf32, #tpu.memory_space<vmem>>, vector<16xf32>,
        %parallel_loop3A_319 = arith.constant 16 : i32
        %parallel_loop3A_320 = arith.muli %parallel_loop3A_254, %parallel_loop3A_319 : i32
        %parallel_loop3A_321 = vector.broadcast %parallel_loop3A_320 : i32 to vector<16xi32>
        %parallel_loop3A_322 = arith.addi %parallel_loop3A_321, %shift_right_logical3A_8 : vector<16xi32>
        %parallel_loop3A_323 = arith.constant 6 : i32
        %parallel_loop3A_324 = vector.broadcast %parallel_loop3A_323 : i32 to vector<16xi32>
        %parallel_loop3A_325 = arith.addi %parallel_loop3A_322, %parallel_loop3A_324 : vector<16xi32>
        %parallel_loop3A_326 = tpu.vector_load_idx %arg20[%parallel_loop3A_325] : memref<1280xf32, #tpu.memory_space<vmem>>[vector<16xi32>], vector<16xf32>,
        %parallel_loop3A_327 = arith.index_cast %parallel_loop3A_254 : i32 to index
        %parallel_loop3A_328 = arith.constant 48 : index
        %parallel_loop3A_329 = tpu.vector_load %arg14[%parallel_loop3A_327, %parallel_loop3A_328] {strides = array<i32>} : memref<80x80xf32, #tpu.memory_space<vmem>>, vector<16xf32>,
        %parallel_loop3A_330 = arith.mulf %parallel_loop3A_329, %parallel_loop3A_326 : vector<16xf32>
        %parallel_loop3A_331 = arith.index_cast %parallel_loop3A_254 : i32 to index
        %parallel_loop3A_332 = arith.constant 48 : index
        %parallel_loop3A_333 = tpu.vector_load %arg14[%parallel_loop3A_331, %parallel_loop3A_332] {strides = array<i32>} : memref<80x80xf32, #tpu.memory_space<vmem>>, vector<16xf32>,
        tpu.vector_store %arg14[%parallel_loop3A_331, %parallel_loop3A_332], %parallel_loop3A_330 {strides = array<i32>} : memref<80x80xf32, #tpu.memory_space<vmem>>, vector<16xf32>,
      } {sc.loop_unroll_factor = 4 : i64, sc.parallel_access}
      %dma_start3A_248 = arith.constant 0 : i32
      %dma_start3A_249 = tpu.memref_slice %arg9[%add3A_225, %dma_start3A_248] : memref<125x80xi32, #tpu.memory_space<vmem>> -> memref<1x80xi32, #tpu.memory_space<vmem>>
      %dma_start3A_250 = tpu.memref_squeeze %dma_start3A_249 : memref<1x80xi32, #tpu.memory_space<vmem>> -> memref<80xi32, #tpu.memory_space<vmem>>
      %dma_start3A_251 = arith.constant 0 : i32
      %dma_start3A_252 = arith.constant 0 : i32
      %dma_start3A_253 = tpu.memref_slice %arg21[%dma_start3A_251, %dma_start3A_252] : memref<10240x80xf32, #tpu.memory_space<vmem_shared>> -> memref<10240x80xf32, #tpu.memory_space<vmem_shared>>
      tpu.enqueue_indirect_dma source(%arg14 : memref<80x80xf32, #tpu.memory_space<vmem>>) target(%dma_start3A_253 : memref<10240x80xf32, #tpu.memory_space<vmem_shared>>) offsets(%dma_start3A_250 : memref<80xi32, #tpu.memory_space<vmem>>) semaphore(%arg36 : memref<!tpu.dma_semaphore, #tpu.memory_space<semaphore_mem>>) {add = true}
    }
    %scan3A_53 = arith.constant 25 : i32
    %dma_wait3A = arith.constant 0 : i32
    %dma_wait3A_54 = arith.constant 0 : i32
    %dma_wait3A_55 = tpu.memref_slice %arg9[%dma_wait3A, %dma_wait3A_54] : memref<125x80xi32, #tpu.memory_space<vmem>> -> memref<1x80xi32, #tpu.memory_space<vmem>>
    %dma_wait3A_56 = tpu.memref_squeeze %dma_wait3A_55 : memref<1x80xi32, #tpu.memory_space<vmem>> -> memref<80xi32, #tpu.memory_space<vmem>>
    %dma_wait3A_57 = arith.constant 0 : i32
    %dma_wait3A_58 = arith.constant 0 : i32
    %dma_wait3A_59 = tpu.memref_slice %arg21[%dma_wait3A_57, %dma_wait3A_58] : memref<10240x80xf32, #tpu.memory_space<vmem_shared>> -> memref<10240x80xf32, #tpu.memory_space<vmem_shared>>
    tpu.wait_indirect_dma semaphore(%arg32 : memref<!tpu.dma_semaphore, #tpu.memory_space<semaphore_mem>>) src(%arg10 : memref<80x80xf32, #tpu.memory_space<vmem>>) dst(%dma_wait3A_59 : memref<10240x80xf32, #tpu.memory_space<vmem_shared>>)
    %dma_wait3A_60 = arith.constant 0 : i32
    %dma_wait3A_61 = arith.constant 0 : i32
    %dma_wait3A_62 = tpu.memref_slice %arg9[%dma_wait3A_60, %dma_wait3A_61] : memref<125x80xi32, #tpu.memory_space<vmem>> -> memref<1x80xi32, #tpu.memory_space<vmem>>
    %dma_wait3A_63 = tpu.memref_squeeze %dma_wait3A_62 : memref<1x80xi32, #tpu.memory_space<vmem>> -> memref<80xi32, #tpu.memory_space<vmem>>
    %dma_wait3A_64 = arith.constant 0 : i32
    %dma_wait3A_65 = arith.constant 0 : i32
    %dma_wait3A_66 = tpu.memref_slice %arg21[%dma_wait3A_64, %dma_wait3A_65] : memref<10240x80xf32, #tpu.memory_space<vmem_shared>> -> memref<10240x80xf32, #tpu.memory_space<vmem_shared>>
    tpu.wait_indirect_dma semaphore(%arg33 : memref<!tpu.dma_semaphore, #tpu.memory_space<semaphore_mem>>) src(%arg11 : memref<80x80xf32, #tpu.memory_space<vmem>>) dst(%dma_wait3A_66 : memref<10240x80xf32, #tpu.memory_space<vmem_shared>>)
    %dma_wait3A_67 = arith.constant 0 : i32
    %dma_wait3A_68 = arith.constant 0 : i32
    %dma_wait3A_69 = tpu.memref_slice %arg9[%dma_wait3A_67, %dma_wait3A_68] : memref<125x80xi32, #tpu.memory_space<vmem>> -> memref<1x80xi32, #tpu.memory_space<vmem>>
    %dma_wait3A_70 = tpu.memref_squeeze %dma_wait3A_69 : memref<1x80xi32, #tpu.memory_space<vmem>> -> memref<80xi32, #tpu.memory_space<vmem>>
    %dma_wait3A_71 = arith.constant 0 : i32
    %dma_wait3A_72 = arith.constant 0 : i32
    %dma_wait3A_73 = tpu.memref_slice %arg21[%dma_wait3A_71, %dma_wait3A_72] : memref<10240x80xf32, #tpu.memory_space<vmem_shared>> -> memref<10240x80xf32, #tpu.memory_space<vmem_shared>>
    tpu.wait_indirect_dma semaphore(%arg34 : memref<!tpu.dma_semaphore, #tpu.memory_space<semaphore_mem>>) src(%arg12 : memref<80x80xf32, #tpu.memory_space<vmem>>) dst(%dma_wait3A_73 : memref<10240x80xf32, #tpu.memory_space<vmem_shared>>)
    %dma_wait3A_74 = arith.constant 0 : i32
    %dma_wait3A_75 = arith.constant 0 : i32
    %dma_wait3A_76 = tpu.memref_slice %arg9[%dma_wait3A_74, %dma_wait3A_75] : memref<125x80xi32, #tpu.memory_space<vmem>> -> memref<1x80xi32, #tpu.memory_space<vmem>>
    %dma_wait3A_77 = tpu.memref_squeeze %dma_wait3A_76 : memref<1x80xi32, #tpu.memory_space<vmem>> -> memref<80xi32, #tpu.memory_space<vmem>>
    %dma_wait3A_78 = arith.constant 0 : i32
    %dma_wait3A_79 = arith.constant 0 : i32
    %dma_wait3A_80 = tpu.memref_slice %arg21[%dma_wait3A_78, %dma_wait3A_79] : memref<10240x80xf32, #tpu.memory_space<vmem_shared>> -> memref<10240x80xf32, #tpu.memory_space<vmem_shared>>
    tpu.wait_indirect_dma semaphore(%arg35 : memref<!tpu.dma_semaphore, #tpu.memory_space<semaphore_mem>>) src(%arg13 : memref<80x80xf32, #tpu.memory_space<vmem>>) dst(%dma_wait3A_80 : memref<10240x80xf32, #tpu.memory_space<vmem_shared>>)
    %dma_wait3A_81 = arith.constant 0 : i32
    %dma_wait3A_82 = arith.constant 0 : i32
    %dma_wait3A_83 = tpu.memref_slice %arg9[%dma_wait3A_81, %dma_wait3A_82] : memref<125x80xi32, #tpu.memory_space<vmem>> -> memref<1x80xi32, #tpu.memory_space<vmem>>
    %dma_wait3A_84 = tpu.memref_squeeze %dma_wait3A_83 : memref<1x80xi32, #tpu.memory_space<vmem>> -> memref<80xi32, #tpu.memory_space<vmem>>
    %dma_wait3A_85 = arith.constant 0 : i32
    %dma_wait3A_86 = arith.constant 0 : i32
    %dma_wait3A_87 = tpu.memref_slice %arg21[%dma_wait3A_85, %dma_wait3A_86] : memref<10240x80xf32, #tpu.memory_space<vmem_shared>> -> memref<10240x80xf32, #tpu.memory_space<vmem_shared>>
    tpu.wait_indirect_dma semaphore(%arg36 : memref<!tpu.dma_semaphore, #tpu.memory_space<semaphore_mem>>) src(%arg14 : memref<80x80xf32, #tpu.memory_space<vmem>>) dst(%dma_wait3A_87 : memref<10240x80xf32, #tpu.memory_space<vmem_shared>>)
    %barrier3A_88 = arith.constant 0 : index
    tpu.barrier barrier_id(%barrier3A_88)
    %mul3A_89 = arith.constant 640 : i32
    %mul3A_90 = arith.muli %arg1, %mul3A_89 : i32
    %mul3A_91 = arith.constant 640 : i32
    %mul3A_92 = arith.muli %arg1, %mul3A_91 : i32
    "tpu.region"() ({
      %run_scoped3A = tpu.sem_alloc : memref<!tpu.dma_semaphore, #tpu.memory_space<semaphore_mem>>
      %dma_start3A_93 = arith.constant 0 : i32
      %dma_start3A_94 = tpu.memref_slice %arg7[%arg0, %mul3A_92, %dma_start3A_93] : memref<2x10240x80xf32, #tpu.memory_space<hbm>> -> memref<1x640x80xf32, #tpu.memory_space<hbm>>
      %dma_start3A_95 = tpu.memref_squeeze %dma_start3A_94 : memref<1x640x80xf32, #tpu.memory_space<hbm>> -> memref<640x80xf32, #tpu.memory_space<hbm>>
      %dma_start3A_96 = arith.constant 0 : i32
      %dma_start3A_97 = tpu.memref_slice %arg21[%mul3A_90, %dma_start3A_96] : memref<10240x80xf32, #tpu.memory_space<vmem_shared>> -> memref<640x80xf32, #tpu.memory_space<vmem_shared>>
      tpu.enqueue_dma source(%dma_start3A_97 : memref<640x80xf32, #tpu.memory_space<vmem_shared>>) target(%dma_start3A_95 : memref<640x80xf32, #tpu.memory_space<hbm>>) target_semaphore(%run_scoped3A : memref<!tpu.dma_semaphore, #tpu.memory_space<semaphore_mem>>)
      %dma_wait3A_98 = arith.constant 0 : i32
      %dma_wait3A_99 = tpu.memref_slice %arg7[%arg0, %mul3A_92, %dma_wait3A_98] : memref<2x10240x80xf32, #tpu.memory_space<hbm>> -> memref<1x640x80xf32, #tpu.memory_space<hbm>>
      %dma_wait3A_100 = tpu.memref_squeeze %dma_wait3A_99 : memref<1x640x80xf32, #tpu.memory_space<hbm>> -> memref<640x80xf32, #tpu.memory_space<hbm>>
      %dma_wait3A_101 = arith.constant 0 : i32
      %dma_wait3A_102 = tpu.memref_slice %arg21[%mul3A_90, %dma_wait3A_101] : memref<10240x80xf32, #tpu.memory_space<vmem_shared>> -> memref<640x80xf32, #tpu.memory_space<vmem_shared>>
      tpu.wait_dma2 semaphore(%run_scoped3A : memref<!tpu.dma_semaphore, #tpu.memory_space<semaphore_mem>>) src(%dma_wait3A_102 : memref<640x80xf32, #tpu.memory_space<vmem_shared>>) dst(%dma_wait3A_100 : memref<640x80xf32, #tpu.memory_space<hbm>>)
      tpu.yield
    }) : () -> ()
    return
  }
}

module attributes {stable_mosaic.version = 14 : i64} {
  func.func @_tc1_body(%arg0: i32, %arg1: memref<1000x128xf32, #tpu.memory_space<vmem>>, %arg2: memref<128x64xf32, #tpu.memory_space<vmem>>, %arg3: memref<64x8xf32, #tpu.memory_space<vmem>>, %arg4: memref<64x8xf32, #tpu.memory_space<vmem>>, %arg5: memref<1x400x80xi32, #tpu.memory_space<vmem>>, %arg6: memref<1x400x80xi32, #tpu.memory_space<vmem>>, %arg7: memref<1000x80xf32, #tpu.memory_space<vmem>>, %arg8: memref<1000x16xf32, #tpu.memory_space<vmem>>, %arg9: memref<400x80xi32, #tpu.memory_space<vmem>>, %arg10: memref<400x80xi32, #tpu.memory_space<vmem>>) attributes {dimension_semantics = [#tpu.dimension_semantics<arbitrary>], iteration_bounds = array<i64: 10>, scalar_prefetch = 0 : i64, scratch_operands = 0 : i64, tpu.core_type = #tpu.core_type<tc>, window_params = [{transform_indices = @transform_0, window_bounds = array<i64: 1000, 128>}, {pipeline_mode = #tpu.pipeline_mode<synchronous>, transform_indices = @transform_1, window_bounds = array<i64: 128, 64>}, {pipeline_mode = #tpu.pipeline_mode<synchronous>, transform_indices = @transform_2, window_bounds = array<i64: 64, 8>}, {pipeline_mode = #tpu.pipeline_mode<synchronous>, transform_indices = @transform_3, window_bounds = array<i64: 64, 8>}, {transform_indices = @transform_4, window_bounds = array<i64: 1, 400, 80>}, {transform_indices = @transform_5, window_bounds = array<i64: 1, 400, 80>}, {transform_indices = @transform_6, window_bounds = array<i64: 1000, 80>}, {transform_indices = @transform_7, window_bounds = array<i64: 1000, 16>}, {transform_indices = @transform_8, window_bounds = array<i64: 400, 80>}, {transform_indices = @transform_9, window_bounds = array<i64: 400, 80>}]} {
    %get3A = arith.constant 0 : index
    %get3A_0 = arith.constant 0 : index
    %get3A_1 = vector.load %arg1[%get3A, %get3A_0] : memref<1000x128xf32, #tpu.memory_space<vmem>>, vector<1000x128xf32>
    %get3A_2 = arith.constant 0 : index
    %get3A_3 = arith.constant 0 : index
    %get3A_4 = vector.load %arg2[%get3A_2, %get3A_3] : memref<128x64xf32, #tpu.memory_space<vmem>>, vector<128x64xf32>
    %dot_general3A = arith.constant dense<0.000000e+00> : vector<1000x64xf32>
    %dot_general3A_5 = tpu.matmul %get3A_1, %get3A_4, %dot_general3A {dimension_numbers = #tpu.dot_dimension_numbers<[1], [0], [0], [1], [0, 0, 1, 1], [], []>, transpose_lhs_hint = false} : vector<1000x128xf32>, vector<128x64xf32>, vector<1000x64xf32> -> vector<1000x64xf32>
    %get3A_6 = arith.constant 0 : index
    %get3A_7 = arith.constant 0 : index
    %get3A_8 = vector.load %arg3[%get3A_6, %get3A_7] : memref<64x8xf32, #tpu.memory_space<vmem>>, vector<64x8xf32>
    %dot_general3A_9 = arith.constant dense<0.000000e+00> : vector<1000x8xf32>
    %dot_general3A_10 = tpu.matmul %dot_general3A_5, %get3A_8, %dot_general3A_9 {dimension_numbers = #tpu.dot_dimension_numbers<[1], [0], [0], [1], [0, 0, 1, 1], [], []>, transpose_lhs_hint = false} : vector<1000x64xf32>, vector<64x8xf32>, vector<1000x8xf32> -> vector<1000x8xf32>
    %get3A_11 = arith.constant 0 : index
    %get3A_12 = arith.constant 0 : index
    %get3A_13 = vector.load %arg4[%get3A_11, %get3A_12] : memref<64x8xf32, #tpu.memory_space<vmem>>, vector<64x8xf32>
    %dot_general3A_14 = arith.constant dense<0.000000e+00> : vector<1000x8xf32>
    %dot_general3A_15 = tpu.matmul %dot_general3A_5, %get3A_13, %dot_general3A_14 {dimension_numbers = #tpu.dot_dimension_numbers<[1], [0], [0], [1], [0, 0, 1, 1], [], []>, transpose_lhs_hint = false} : vector<1000x64xf32>, vector<64x8xf32>, vector<1000x8xf32> -> vector<1000x8xf32>
    %concatenate3A = tpu.concatenate %dot_general3A_5, %dot_general3A_10, %dot_general3A_15 in 1 : vector<1000x64xf32>, vector<1000x8xf32>, vector<1000x8xf32> -> vector<1000x80xf32>
    %swap3A = arith.constant 0 : index
    %swap3A_16 = arith.constant 0 : index
    %swap3A_17 = vector.load %arg7[%swap3A, %swap3A_16] : memref<1000x80xf32, #tpu.memory_space<vmem>>, vector<1000x80xf32>
    tpu.vector_store %arg7[%swap3A, %swap3A_16], %concatenate3A {strides = array<i32>} : memref<1000x80xf32, #tpu.memory_space<vmem>>, vector<1000x80xf32>,
    %broadcast_in_dim3A = arith.constant 0.000000e+00 : f32
    %broadcast_in_dim3A_18 = vector.broadcast %broadcast_in_dim3A : f32 to vector<1000x8xf32>
    %concatenate3A_19 = tpu.concatenate %dot_general3A_15, %broadcast_in_dim3A_18 in 1 : vector<1000x8xf32>, vector<1000x8xf32> -> vector<1000x16xf32>
    %swap3A_20 = arith.constant 0 : index
    %swap3A_21 = arith.constant 0 : index
    %swap3A_22 = vector.load %arg8[%swap3A_20, %swap3A_21] : memref<1000x16xf32, #tpu.memory_space<vmem>>, vector<1000x16xf32>
    tpu.vector_store %arg8[%swap3A_20, %swap3A_21], %concatenate3A_19 {strides = array<i32>} : memref<1000x16xf32, #tpu.memory_space<vmem>>, vector<1000x16xf32>,
    %get3A_23 = arith.constant 0 : index
    %get3A_24 = arith.constant 0 : index
    %get3A_25 = arith.constant 0 : index
    %get3A_26 = vector.load %arg5[%get3A_23, %get3A_24, %get3A_25] : memref<1x400x80xi32, #tpu.memory_space<vmem>>, vector<1x400x80xi32>
    %get3A_27 = vector.shape_cast %get3A_26 : vector<1x400x80xi32> to vector<400x80xi32>
    %swap3A_28 = arith.constant 0 : index
    %swap3A_29 = arith.constant 0 : index
    %swap3A_30 = vector.load %arg9[%swap3A_28, %swap3A_29] : memref<400x80xi32, #tpu.memory_space<vmem>>, vector<400x80xi32>
    tpu.vector_store %arg9[%swap3A_28, %swap3A_29], %get3A_27 {strides = array<i32>} : memref<400x80xi32, #tpu.memory_space<vmem>>, vector<400x80xi32>,
    %get3A_31 = arith.constant 0 : index
    %get3A_32 = arith.constant 0 : index
    %get3A_33 = arith.constant 0 : index
    %get3A_34 = vector.load %arg6[%get3A_31, %get3A_32, %get3A_33] : memref<1x400x80xi32, #tpu.memory_space<vmem>>, vector<1x400x80xi32>
    %get3A_35 = vector.shape_cast %get3A_34 : vector<1x400x80xi32> to vector<400x80xi32>
    %swap3A_36 = arith.constant 0 : index
    %swap3A_37 = arith.constant 0 : index
    %swap3A_38 = vector.load %arg10[%swap3A_36, %swap3A_37] : memref<400x80xi32, #tpu.memory_space<vmem>>, vector<400x80xi32>
    tpu.vector_store %arg10[%swap3A_36, %swap3A_37], %get3A_35 {strides = array<i32>} : memref<400x80xi32, #tpu.memory_space<vmem>>, vector<400x80xi32>,
    return
  }
  func.func @transform_0(%arg0: i32) -> (i32, i32) {
    %c0_i32 = arith.constant 0 : i32
    %c0_i32_0 = arith.constant 0 : i32
    return %arg0, %c0_i32 : i32, i32
  }
  func.func @transform_1(%arg0: i32) -> (i32, i32) {
    %c0_i32 = arith.constant 0 : i32
    %c0_i32_0 = arith.constant 0 : i32
    %c0_i32_1 = arith.constant 0 : i32
    return %c0_i32, %c0_i32_0 : i32, i32
  }
  func.func @transform_2(%arg0: i32) -> (i32, i32) {
    %c0_i32 = arith.constant 0 : i32
    %c0_i32_0 = arith.constant 0 : i32
    %c0_i32_1 = arith.constant 0 : i32
    return %c0_i32, %c0_i32_0 : i32, i32
  }
  func.func @transform_3(%arg0: i32) -> (i32, i32) {
    %c0_i32 = arith.constant 0 : i32
    %c0_i32_0 = arith.constant 0 : i32
    %c0_i32_1 = arith.constant 0 : i32
    return %c0_i32, %c0_i32_0 : i32, i32
  }
  func.func @transform_4(%arg0: i32) -> (i32, i32, i32) {
    %c0_i32 = arith.constant 0 : i32
    %c0_i32_0 = arith.constant 0 : i32
    %c0_i32_1 = arith.constant 0 : i32
    return %c0_i32, %arg0, %c0_i32_0 : i32, i32, i32
  }
  func.func @transform_5(%arg0: i32) -> (i32, i32, i32) {
    %c1_i32 = arith.constant 1 : i32
    %c0_i32 = arith.constant 0 : i32
    %c0_i32_0 = arith.constant 0 : i32
    return %c1_i32, %arg0, %c0_i32 : i32, i32, i32
  }
  func.func @transform_6(%arg0: i32) -> (i32, i32) {
    %c0_i32 = arith.constant 0 : i32
    %c0_i32_0 = arith.constant 0 : i32
    return %arg0, %c0_i32 : i32, i32
  }
  func.func @transform_7(%arg0: i32) -> (i32, i32) {
    %c0_i32 = arith.constant 0 : i32
    %c0_i32_0 = arith.constant 0 : i32
    return %arg0, %c0_i32 : i32, i32
  }
  func.func @transform_8(%arg0: i32) -> (i32, i32) {
    %c0_i32 = arith.constant 0 : i32
    %c0_i32_0 = arith.constant 0 : i32
    return %arg0, %c0_i32 : i32, i32
  }
  func.func @transform_9(%arg0: i32) -> (i32, i32) {
    %c0_i32 = arith.constant 0 : i32
    %c0_i32_0 = arith.constant 0 : i32
    return %arg0, %c0_i32 : i32, i32
  }
}

module attributes {stable_mosaic.version = 14 : i64} {
  func.func @_tc3_body(%arg0: i32, %arg1: memref<2x1000x80xf32, #tpu.memory_space<vmem>>, %arg2: memref<1x64xf32, #tpu.memory_space<vmem>>, %arg3: memref<8x64xf32, #tpu.memory_space<vmem>>, %arg4: memref<64x16xf32, #tpu.memory_space<vmem>>, %arg5: memref<1x16xf32, #tpu.memory_space<vmem>>, %arg6: memref<1x16xf32, #tpu.memory_space<vmem>>, %arg7: memref<1000x16xf32, #tpu.memory_space<vmem>>, %arg8: memref<1x2x1000xf32, #tpu.memory_space<vmem>>) attributes {dimension_semantics = [#tpu.dimension_semantics<arbitrary>], iteration_bounds = array<i64: 10>, scalar_prefetch = 0 : i64, scratch_operands = 0 : i64, tpu.core_type = #tpu.core_type<tc>, window_params = [{transform_indices = @transform_0, window_bounds = array<i64: 2, 1000, 80>}, {pipeline_mode = #tpu.pipeline_mode<synchronous>, transform_indices = @transform_1, window_bounds = array<i64: 1, 64>}, {pipeline_mode = #tpu.pipeline_mode<synchronous>, transform_indices = @transform_2, window_bounds = array<i64: 8, 64>}, {pipeline_mode = #tpu.pipeline_mode<synchronous>, transform_indices = @transform_3, window_bounds = array<i64: 64, 16>}, {pipeline_mode = #tpu.pipeline_mode<synchronous>, transform_indices = @transform_4, window_bounds = array<i64: 1, 16>}, {pipeline_mode = #tpu.pipeline_mode<synchronous>, transform_indices = @transform_5, window_bounds = array<i64: 1, 16>}, {transform_indices = @transform_6, window_bounds = array<i64: 1000, 16>}, {transform_indices = @transform_7, window_bounds = array<i64: 1, 2, 1000>}]} {
    %get3A = arith.constant 0 : index
    %get3A_0 = arith.constant 0 : index
    %get3A_1 = arith.constant 0 : index
    %get3A_2 = vector.load %arg1[%get3A, %get3A_0, %get3A_1] : memref<2x1000x80xf32, #tpu.memory_space<vmem>>, vector<1x1000x80xf32>
    %get3A_3 = vector.shape_cast %get3A_2 : vector<1x1000x80xf32> to vector<1000x80xf32>
    %get3A_4 = arith.constant 1 : index
    %get3A_5 = arith.constant 0 : index
    %get3A_6 = arith.constant 0 : index
    %get3A_7 = vector.load %arg1[%get3A_4, %get3A_5, %get3A_6] : memref<2x1000x80xf32, #tpu.memory_space<vmem>>, vector<1x1000x80xf32>
    %get3A_8 = vector.shape_cast %get3A_7 : vector<1x1000x80xf32> to vector<1000x80xf32>
    %add3A = arith.addf %get3A_3, %get3A_8 : vector<1000x80xf32>
    %slice3A = vector.extract_strided_slice %add3A {offsets = [0, 0], sizes = [1000, 64], strides = [1, 1]} : vector<1000x80xf32> to vector<1000x64xf32>
    %slice3A_9 = vector.extract_strided_slice %add3A {offsets = [0, 64], sizes = [1000, 8], strides = [1, 1]} : vector<1000x80xf32> to vector<1000x8xf32>
    %get3A_10 = arith.constant 0 : index
    %get3A_11 = arith.constant 0 : index
    %get3A_12 = vector.load %arg3[%get3A_10, %get3A_11] : memref<8x64xf32, #tpu.memory_space<vmem>>, vector<8x64xf32>
    %dot_general3A = arith.constant dense<0.000000e+00> : vector<1000x64xf32>
    %dot_general3A_13 = tpu.matmul %slice3A_9, %get3A_12, %dot_general3A {dimension_numbers = #tpu.dot_dimension_numbers<[1], [0], [0], [1], [0, 0, 1, 1], [], []>, transpose_lhs_hint = false} : vector<1000x8xf32>, vector<8x64xf32>, vector<1000x64xf32> -> vector<1000x64xf32>
    %add3A_14 = arith.constant 1.000000e-16 : f32
    %add3A_15 = vector.broadcast %add3A_14 : f32 to vector<1000x64xf32>
    %add3A_16 = arith.addf %dot_general3A_13, %add3A_15 : vector<1000x64xf32>
    %div3A = arith.divf %slice3A, %add3A_16 : vector<1000x64xf32>
    %get3A_17 = arith.constant 0 : index
    %get3A_18 = arith.constant 0 : index
    %get3A_19 = vector.load %arg2[%get3A_17, %get3A_18] : memref<1x64xf32, #tpu.memory_space<vmem>>, vector<1x64xf32>
    %add3A_20 = vector.broadcast %get3A_19 : vector<1x64xf32> to vector<1000x64xf32>
    %add3A_21 = arith.addf %div3A, %add3A_20 : vector<1000x64xf32>
    %gt3A = arith.constant 0.000000e+00 : f32
    %gt3A_22 = vector.broadcast %gt3A : f32 to vector<1000x64xf32>
    %gt3A_23 = arith.cmpf ogt, %add3A_21, %gt3A_22 : vector<1000x64xf32>
    %exp3A = math.exp %add3A_21 : vector<1000x64xf32>
    %sub3A = arith.constant 1.000000e+00 : f32
    %sub3A_24 = vector.broadcast %sub3A : f32 to vector<1000x64xf32>
    %sub3A_25 = arith.subf %exp3A, %sub3A_24 : vector<1000x64xf32>
    %select_n3A = arith.select %gt3A_23, %add3A_21, %sub3A_25 : vector<1000x64xi1>, vector<1000x64xf32>
    %get3A_26 = arith.constant 0 : index
    %get3A_27 = arith.constant 0 : index
    %get3A_28 = vector.load %arg4[%get3A_26, %get3A_27] : memref<64x16xf32, #tpu.memory_space<vmem>>, vector<64x16xf32>
    %dot_general3A_29 = arith.constant dense<0.000000e+00> : vector<1000x16xf32>
    %dot_general3A_30 = tpu.matmul %select_n3A, %get3A_28, %dot_general3A_29 {dimension_numbers = #tpu.dot_dimension_numbers<[1], [0], [0], [1], [0, 0, 1, 1], [], []>, transpose_lhs_hint = false} : vector<1000x64xf32>, vector<64x16xf32>, vector<1000x16xf32> -> vector<1000x16xf32>
    %swap3A = arith.constant 0 : index
    %swap3A_31 = arith.constant 0 : index
    %swap3A_32 = vector.load %arg7[%swap3A, %swap3A_31] : memref<1000x16xf32, #tpu.memory_space<vmem>>, vector<1000x16xf32>
    tpu.vector_store %arg7[%swap3A, %swap3A_31], %dot_general3A_30 {strides = array<i32>} : memref<1000x16xf32, #tpu.memory_space<vmem>>, vector<1000x16xf32>,
    %get3A_33 = arith.constant 0 : index
    %get3A_34 = arith.constant 0 : index
    %get3A_35 = vector.load %arg5[%get3A_33, %get3A_34] : memref<1x16xf32, #tpu.memory_space<vmem>>, vector<1x16xf32>
    %mul3A = vector.broadcast %get3A_35 : vector<1x16xf32> to vector<1000x16xf32>
    %mul3A_36 = arith.mulf %dot_general3A_30, %mul3A : vector<1000x16xf32>
    %reduce_sum3A = arith.constant dense<0.000000e+00> : vector<1000xf32>
    %reduce_sum3A_37 = vector.multi_reduction <add>, %mul3A_36, %reduce_sum3A [1] : vector<1000x16xf32> to vector<1000xf32>
    %get3A_38 = arith.constant 0 : index
    %get3A_39 = arith.constant 0 : index
    %get3A_40 = vector.load %arg6[%get3A_38, %get3A_39] : memref<1x16xf32, #tpu.memory_space<vmem>>, vector<1x16xf32>
    %mul3A_41 = vector.broadcast %get3A_40 : vector<1x16xf32> to vector<1000x16xf32>
    %mul3A_42 = arith.mulf %dot_general3A_30, %mul3A_41 : vector<1000x16xf32>
    %reduce_sum3A_43 = arith.constant dense<0.000000e+00> : vector<1000xf32>
    %reduce_sum3A_44 = vector.multi_reduction <add>, %mul3A_42, %reduce_sum3A_43 [1] : vector<1000x16xf32> to vector<1000xf32>
    %broadcast_in_dim3A = vector.shape_cast %reduce_sum3A_37 : vector<1000xf32> to vector<1x1x1000xf32>
    %broadcast_in_dim3A_45 = vector.shape_cast %reduce_sum3A_44 : vector<1000xf32> to vector<1x1x1000xf32>
    %concatenate3A = tpu.concatenate %broadcast_in_dim3A, %broadcast_in_dim3A_45 in 1 : vector<1x1x1000xf32>, vector<1x1x1000xf32> -> vector<1x2x1000xf32>
    %swap3A_46 = arith.constant 0 : index
    %swap3A_47 = arith.constant 0 : index
    %swap3A_48 = arith.constant 0 : index
    %swap3A_49 = vector.load %arg8[%swap3A_46, %swap3A_47, %swap3A_48] : memref<1x2x1000xf32, #tpu.memory_space<vmem>>, vector<1x2x1000xf32>
    tpu.vector_store %arg8[%swap3A_46, %swap3A_47, %swap3A_48], %concatenate3A {strides = array<i32>} : memref<1x2x1000xf32, #tpu.memory_space<vmem>>, vector<1x2x1000xf32>,
    return
  }
  func.func @transform_0(%arg0: i32) -> (i32, i32, i32) {
    %c0_i32 = arith.constant 0 : i32
    %c0_i32_0 = arith.constant 0 : i32
    %c0_i32_1 = arith.constant 0 : i32
    return %c0_i32, %arg0, %c0_i32_0 : i32, i32, i32
  }
  func.func @transform_1(%arg0: i32) -> (i32, i32) {
    %c0_i32 = arith.constant 0 : i32
    %c0_i32_0 = arith.constant 0 : i32
    %c0_i32_1 = arith.constant 0 : i32
    return %c0_i32, %c0_i32_0 : i32, i32
  }
  func.func @transform_2(%arg0: i32) -> (i32, i32) {
    %c0_i32 = arith.constant 0 : i32
    %c0_i32_0 = arith.constant 0 : i32
    %c0_i32_1 = arith.constant 0 : i32
    return %c0_i32, %c0_i32_0 : i32, i32
  }
  func.func @transform_3(%arg0: i32) -> (i32, i32) {
    %c0_i32 = arith.constant 0 : i32
    %c0_i32_0 = arith.constant 0 : i32
    %c0_i32_1 = arith.constant 0 : i32
    return %c0_i32, %c0_i32_0 : i32, i32
  }
  func.func @transform_4(%arg0: i32) -> (i32, i32) {
    %c0_i32 = arith.constant 0 : i32
    %c0_i32_0 = arith.constant 0 : i32
    %c0_i32_1 = arith.constant 0 : i32
    return %c0_i32, %c0_i32_0 : i32, i32
  }
  func.func @transform_5(%arg0: i32) -> (i32, i32) {
    %c0_i32 = arith.constant 0 : i32
    %c0_i32_0 = arith.constant 0 : i32
    %c0_i32_1 = arith.constant 0 : i32
    return %c0_i32, %c0_i32_0 : i32, i32
  }
  func.func @transform_6(%arg0: i32) -> (i32, i32) {
    %c0_i32 = arith.constant 0 : i32
    %c0_i32_0 = arith.constant 0 : i32
    return %arg0, %c0_i32 : i32, i32
  }
  func.func @transform_7(%arg0: i32) -> (i32, i32, i32) {
    %c0_i32 = arith.constant 0 : i32
    %c0_i32_0 = arith.constant 0 : i32
    %c0_i32_1 = arith.constant 0 : i32
    return %arg0, %c0_i32, %c0_i32_0 : i32, i32, i32
  }
}

module attributes {stable_mosaic.version = 14 : i64} {
  func.func @_tc5_body(%arg0: i32, %arg1: memref<2x1000x32xf32, #tpu.memory_space<vmem>>, %arg2: memref<1x16xf32, #tpu.memory_space<vmem>>, %arg3: memref<1000x16xf32, #tpu.memory_space<vmem>>) attributes {dimension_semantics = [#tpu.dimension_semantics<arbitrary>], iteration_bounds = array<i64: 10>, scalar_prefetch = 0 : i64, scratch_operands = 0 : i64, tpu.core_type = #tpu.core_type<tc>, window_params = [{transform_indices = @transform_0, window_bounds = array<i64: 2, 1000, 32>}, {pipeline_mode = #tpu.pipeline_mode<synchronous>, transform_indices = @transform_1, window_bounds = array<i64: 1, 16>}, {transform_indices = @transform_2, window_bounds = array<i64: 1000, 16>}]} {
    %get3A = arith.constant 0 : index
    %get3A_0 = arith.constant 0 : index
    %get3A_1 = arith.constant 0 : index
    %get3A_2 = vector.load %arg1[%get3A, %get3A_0, %get3A_1] : memref<2x1000x32xf32, #tpu.memory_space<vmem>>, vector<1x1000x32xf32>
    %get3A_3 = vector.shape_cast %get3A_2 : vector<1x1000x32xf32> to vector<1000x32xf32>
    %get3A_4 = arith.constant 1 : index
    %get3A_5 = arith.constant 0 : index
    %get3A_6 = arith.constant 0 : index
    %get3A_7 = vector.load %arg1[%get3A_4, %get3A_5, %get3A_6] : memref<2x1000x32xf32, #tpu.memory_space<vmem>>, vector<1x1000x32xf32>
    %get3A_8 = vector.shape_cast %get3A_7 : vector<1x1000x32xf32> to vector<1000x32xf32>
    %add3A = arith.addf %get3A_3, %get3A_8 : vector<1000x32xf32>
    %slice3A = vector.extract_strided_slice %add3A {offsets = [0, 0], sizes = [1000, 16], strides = [1, 1]} : vector<1000x32xf32> to vector<1000x16xf32>
    %slice3A_9 = vector.extract_strided_slice %add3A {offsets = [0, 16], sizes = [1000, 1], strides = [1, 1]} : vector<1000x32xf32> to vector<1000x1xf32>
    %add3A_10 = arith.constant 1.000000e-16 : f32
    %add3A_11 = vector.broadcast %add3A_10 : f32 to vector<1000x1xf32>
    %add3A_12 = arith.addf %slice3A_9, %add3A_11 : vector<1000x1xf32>
    %div3A = vector.broadcast %add3A_12 : vector<1000x1xf32> to vector<1000x16xf32>
    %div3A_13 = arith.divf %slice3A, %div3A : vector<1000x16xf32>
    %get3A_14 = arith.constant 0 : index
    %get3A_15 = arith.constant 0 : index
    %get3A_16 = vector.load %arg2[%get3A_14, %get3A_15] : memref<1x16xf32, #tpu.memory_space<vmem>>, vector<1x16xf32>
    %add3A_17 = vector.broadcast %get3A_16 : vector<1x16xf32> to vector<1000x16xf32>
    %add3A_18 = arith.addf %div3A_13, %add3A_17 : vector<1000x16xf32>
    %swap3A = arith.constant 0 : index
    %swap3A_19 = arith.constant 0 : index
    %swap3A_20 = vector.load %arg3[%swap3A, %swap3A_19] : memref<1000x16xf32, #tpu.memory_space<vmem>>, vector<1000x16xf32>
    tpu.vector_store %arg3[%swap3A, %swap3A_19], %add3A_18 {strides = array<i32>} : memref<1000x16xf32, #tpu.memory_space<vmem>>, vector<1000x16xf32>,
    return
  }
  func.func @transform_0(%arg0: i32) -> (i32, i32, i32) {
    %c0_i32 = arith.constant 0 : i32
    %c0_i32_0 = arith.constant 0 : i32
    %c0_i32_1 = arith.constant 0 : i32
    return %c0_i32, %arg0, %c0_i32_0 : i32, i32, i32
  }
  func.func @transform_1(%arg0: i32) -> (i32, i32) {
    %c0_i32 = arith.constant 0 : i32
    %c0_i32_0 = arith.constant 0 : i32
    %c0_i32_1 = arith.constant 0 : i32
    return %c0_i32, %c0_i32_0 : i32, i32
  }
  func.func @transform_2(%arg0: i32) -> (i32, i32) {
    %c0_i32 = arith.constant 0 : i32
    %c0_i32_0 = arith.constant 0 : i32
    return %arg0, %c0_i32 : i32, i32
  }
}

</mosaic_0001>

<sc_bundles>
// kernel: kernel.10.cloned.1.call-start
scs
__scs_entry_jumppad:
0x0: {  	(pc) =	sbr.rel $0x88, $3  }
0x1: {  	(tag) =	ssettag $0x0;
	lr =	simm.s32 $0x1  }
0x2: {  	[smem:$0x3F97] =	sst lr;
	_ =	strace $0xD0000000  }
0x3: {  	_ = 	snop  }
0x4: {  	_ = 	snop  }
0x5: {  	_ = 	snop  }
0x6: {  	_ = 	snop  }
0x7: {  	_ = 	snop  }
__scs_overlays_trampoline_lowered:
0x8: {  	[smem:$0x3FA6] =	sst s0  }
0x9: {  	[smem:$0x3FA7] =	sst s1  }
0xa: {  	[smem:$0x3FA8] =	sst s2  }
0xb: {  	[smem:$0x3FA9] =	sst s3  }
0xc: {  	[smem:$0x3FAA] =	sst s4  }
0xd: {  	[smem:$0x3FAB] =	sst s5  }
0xe: {  	[smem:$0x3FAC] =	sst s6  }
0xf: {  	[smem:$0x3FAD] =	sst s7  }
0x10: {  	[smem:$0x3FAE] =	sst s8  }
0x11: {  	[smem:$0x3FAF] =	sst s9;
	s0 =	simm.s32 @!p0 $0x0  }
0x12: {  	s1 =	sld [smem:$0x3F95];
	s0 =	simm.s32 @p0 $0x1  }
0x13: {  	[smem:$0x3FB0] =	sst s0;
	s0 =	simm.s32 @!p1 $0x0  }
0x14: {  	s2 =	sld [smem:$0x3F94];
	s0 =	simm.s32 @p1 $0x1  }
0x15: {  	[smem:$0x3FB1] =	sst s0;
	s0 =	simm.s32 @!p2 $0x0  }
0x16: {  	s3 =	sld [smem:$0x3FDB];
	s0 =	simm.s32 @p2 $0x1  }
0x17: {  	s4 =	simm.s32 $0x1BF5;
	[smem:$0x3FB3] =	sst s0  }
0x18: {  	s0 =	sld [smem:$0x3F96];
	_ =	swait.ge [sflag:s4], $0x0  }
0x19: {  	s7 =	sld [smem:$0x3F97]  }
0x1a: {  	s8 =	sadd.s32 $0xFFFFE003, lr  }
0x1b: {  	s9 =	sadd.s32 $0xFFFFFEF7, lr;
	s5 =	simm.s32 $0xFFFFFFFF;
	p2 =	slt.u32 s8, $0xFFFFF086  }
0x1c: {  	p1 =	slt.u32 s9, $0xF7A;
	s5 =	simm.s32 @!p2 $0x0  }
0x1d: {  	s5 =	simm.s32 @p1 $0x1;
	p0 =	seq.s32 s7, s2  }
0x1e: {  	s7 =	smul.u32 @!p0 $0xF7A, s2;
	p2 =	seq.s32 @!p0 s5, $0x0  }
0x1f: {  	s9 =	smul.u32 $0xF7A, s1;
	s8 =	simm.s32 @!p0 $0x1BF5;
	p2 =	por !p2, p0  }
0x20: {  	[sflag:s8] =	ssyncset.s32 @!p0 $0xFFFFF086;
	s6 =	sadd.s32 @!p0 s3, s7;
	s7 =	simm.s32 @!p0 $0x108  }
0x21: {  	s3 =	sadd.s32 s3, s9;
	s6 =	sadd.s32 @!p0 $0x88, s6;
	s7 =	simm.s32 @p2 $0x1082  }
0x22: {  	[simem:s7], [sflag:s8] =	dma.local @!p0 [hbm:s6], $0xF7A  }
0x23: {  	s9 =	sor.u32 $0xD0000000, s2;
	s6 =	simm.s32 $0x108;
	_ =	swait.ge @!p0 [sflag:s8], $0x0  }
0x24: {  	s3 =	sadd.s32 $0x88, s3;
	s6 =	simm.s32 @!p1 $0x1082;
	[sflag:s4] =	ssyncset.s32 $0xFFFFF086  }
0x25: {  	[simem:s6], [sflag:s4] =	dma.local [hbm:s3], $0xF7A  }
0x26: {  	[smem:$0x3F97] =	sst s1;
	(tag) =	ssettag s2;
	_ =	strace s9  }
0x27: {  	s1 =	sld [smem:$0x3FA7]  }
0x28: {  	s2 =	sld [smem:$0x3FA8]  }
0x29: {  	s4 =	sld [smem:$0x3FAA]  }
0x2a: {  	p0 =	seq.s32 s5, $0x0;
	s5 =	sld [smem:$0x3FAB]  }
0x2b: {  	s6 =	sld [smem:$0x3FAC]  }
0x2c: {  	s7 =	sld [smem:$0x3FAD]  }
0x2d: {  	s3 =	simm.s32 $0x108;
	s8 =	sld [smem:$0x3FAE]  }
0x2e: {  	s3 =	simm.s32 @!p0 $0x1082;
	s9 =	sld [smem:$0x3FAF]  }
0x2f: {  	lr =	sadd.s32 s0, s3;
	s0 =	sld [smem:$0x3FA6]  }
0x30: {  	s3 =	sld [smem:$0x3FA9]  }
0x31: {  	[smem:$0x3FB2] =	sst s10  }
0x32: {  	s10 =	sld [smem:$0x3FB0];
	_ =	sdelay $0x3  }
0x33: {  	p0 =	seq.s32 s10, $0x1;
	s10 =	sld [smem:$0x3FB2];
	_ =	sdelay $0x3  }
0x34: {  	[smem:$0x3FB2] =	sst s10  }
0x35: {  	s10 =	sld [smem:$0x3FB1];
	_ =	sdelay $0x3  }
0x36: {  	p1 =	seq.s32 s10, $0x1;
	s10 =	sld [smem:$0x3FB2];
	_ =	sdelay $0x3  }
0x37: {  	[smem:$0x3FB2] =	sst s10  }
0x38: {  	s10 =	sld [smem:$0x3FB3]  }
0x39: {  	_ = 	snop;
	(pc) =	sbr.ind lr, $3  }
0x3a: {  	_ = 	snop  }
0x3b: {  	_ = 	snop  }
0x3c: {  	p2 =	seq.s32 s10, $0x1;
	s10 =	sld [smem:$0x3FB2]  }
0x3d: {  	_ =	shalt  }
0x3e: {  	_ =	shalt  }
0x3f: {  	_ =	shalt  }
0x40: {  	_ =	shalt  }
0x41: {  	_ =	shalt  }
0x42: {  	_ =	shalt  }
0x43: {  	_ =	shalt  }
0x44: {  	_ =	shalt  }
0x45: {  	_ =	shalt  }
0x46: {  	_ =	shalt  }
0x47: {  	_ =	shalt  }
0x48: {  	_ =	shalt  }
0x49: {  	_ =	shalt  }
0x4a: {  	_ =	shalt  }
0x4b: {  	_ =	shalt  }
0x4c: {  	_ =	shalt  }
0x4d: {  	_ =	shalt  }
0x4e: {  	_ =	shalt  }
0x4f: {  	_ =	shalt  }
0x50: {  	_ =	shalt  }
0x51: {  	_ =	shalt  }
0x52: {  	_ =	shalt  }
0x53: {  	_ =	shalt  }
0x54: {  	_ =	shalt  }
0x55: {  	_ =	shalt  }
0x56: {  	_ =	shalt  }
0x57: {  	_ =	shalt  }
0x58: {  	_ =	shalt  }
0x59: {  	_ =	shalt  }
0x5a: {  	_ =	shalt  }
0x5b: {  	_ =	shalt  }
0x5c: {  	_ =	shalt  }
0x5d: {  	_ =	shalt  }
0x5e: {  	_ =	shalt  }
0x5f: {  	_ =	shalt  }
0x60: {  	_ =	shalt  }
0x61: {  	_ =	shalt  }
0x62: {  	_ =	shalt  }
0x63: {  	_ =	shalt  }
0x64: {  	_ =	shalt  }
0x65: {  	_ =	shalt  }
0x66: {  	_ =	shalt  }
0x67: {  	_ =	shalt  }
0x68: {  	_ =	shalt  }
0x69: {  	_ =	shalt  }
0x6a: {  	_ =	shalt  }
0x6b: {  	_ =	shalt  }
0x6c: {  	_ =	shalt  }
0x6d: {  	_ =	shalt  }
0x6e: {  	_ =	shalt  }
0x6f: {  	_ =	shalt  }
0x70: {  	_ =	shalt  }
0x71: {  	_ =	shalt  }
0x72: {  	_ =	shalt  }
0x73: {  	_ =	shalt  }
0x74: {  	_ =	shalt  }
0x75: {  	_ =	shalt  }
0x76: {  	_ =	shalt  }
0x77: {  	_ =	shalt  }
0x78: {  	_ =	shalt  }
0x79: {  	_ =	shalt  }
0x7a: {  	_ =	shalt  }
0x7b: {  	_ =	shalt  }
0x7c: {  	_ =	shalt  }
0x7d: {  	_ =	shalt  }
0x7e: {  	_ =	shalt  }
0x7f: {  	_ =	shalt  }
0x80: {  	_ =	shalt  }
0x81: {  	_ =	shalt  }
0x82: {  	_ =	shalt  }
0x83: {  	_ =	shalt  }
0x84: {  	_ =	shalt  }
0x85: {  	_ =	shalt  }
0x86: {  	_ =	shalt  }
0x87: {  	_ =	shalt  }
.Lfunc_end0:
.L_simem_size_0:
called_computation.1_lowered:
.L_overlay_start_0:
0x88: {  	s2 =	sld [smem:$0x3FD9]  }
0x89: {  	s3 =	sld [smem:$0x3FFE];
	_ =	sdelay $0x1  }
0x8a: {  	s1 =	srdreg.scid  }
0x8b: {  	s0 =	sand.u32 $0x1, s1  }
0x8c: {  	s17 =	sshll.u32 s0, $0xA;
	s2 =	sadd.s32 s3, s2  }
0x8d: {  	s2 =	sadd.s32 s2, s17  }
0x8e: {  	[smem:$0x3FBE] =	sst s2  }
0x8f: {  	_ = 	snop  }
0x90: {  	s2 =	sld [smem:$0x3FD0];
	(tm) =	ssettm $0x1  }
0x91: {  	s18 =	sld [smem:$0x3FFB];
	_ =	sdelay $0x3  }
0x92: {  	_ =	strace s18  }
0x93: {  	s3 =	sld [smem:$0x3FFC];
	_ =	sdelay $0x3  }
0x94: {  	_ =	strace s3  }
0x95: {  	s3 =	sld [smem:$0x3FFD];
	_ =	sdelay $0x3  }
0x96: {  	_ =	strace s3  }
0x97: {  	_ =	strace $0x8FFFFFFF  }
0x98: {  	s19 =	sld [smem:$0x3FDB];
	_ =	sdelay $0x1  }
0x99: {  	s4 =	simm.s32 $_scs_section_size  }
0x9a: {  	s5 =	simm.s32 $_size__tile_overlayer_lowered;
	s6 =	simm.s32 $_tile_overlayer_lowered  }
0x9b: {  	s22 =	simm.s32 $0x1BFF;
	s21 =	sshll.u32 s6, $0x1;
	s3 =	sadd.s32 s4, s19  }
0x9c: {  	s7 =	simm.s32 $0x0;
	s20 =	sshll.u32 s5, $0x1;
	s5 =	sadd.s32 s21, s3  }
0x9d: {  	[timem:s7], [sflag:s22] =	dma.local [hbm:s5], s20  }
0x9e: {  	_ =	swait.ge [sflag:s22], s20  }
0x9f: {  	s4 =	ssub.s32 $0x0, s20;
	[sflag:s22] =	ssyncset.done $0x0  }
0xa0: {  	[sflag:s22] =	ssyncadd.s32 s4;
	_ =	sdelay $0x1  }
0xa1: {  	s23 =	simm.s32 $0x1B8B  }
0xa2: {  	_ =	swait.ge [sflag:s23], $0x1  }
0xa3: {  	[sflag:s23] =	ssyncset.done $0x0  }
0xa4: {  	s25 =	simm.s32 $0x1B8E;
	s24 =	sld [smem:$0x3FFE];
	[sflag:s23] =	ssyncadd.s32 $0xFFFFFFFF  }
0xa5: {  	s26 =	simm.s32 $execute0_lowered;
	[smem:$0x3FD2] =	sst s25  }
0xa6: {  	s5 =	sshll.u32 s26, $0x1;
	_ =	strace $0x80000049;
	[dreg:$0x1] =	wrdreg $0xFFFFFFFF  }
0xa7: {  	s28 =	simm.s32 $_size_execute0_lowered;
	s3 =	sadd.s32 s3, s5;
	[dreg:$0x0] =	wrdreg $0x0  }
0xa8: {  	s5 =	sshll.u32 s28, $0x1;
	[dreg:$0x2] =	wrdreg s3  }
0xa9: {  	[dreg:$0x3] =	wrdreg s5  }
0xaa: {  	[dreg:$0x4] =	wrdreg $0xC0  }
0xab: {  	_ =	task [dreg:s7], $0x5FFFF  }
0xac: {  	[dreg:$0x1] =	wrdreg $0xFFFFFFFF  }
0xad: {  	[dreg:$0x0] =	wrdreg $0x60  }
0xae: {  	[dreg:$0x2] =	wrdreg s2  }
0xaf: {  	[dreg:$0x3] =	wrdreg s24  }
0xb0: {  	[dreg:$0x4] =	wrdreg $0xE7900  }
0xb1: {  	[dreg:$0x5] =	wrdreg $0x9  }
0xb2: {  	_ =	task.clear_ibuf [dreg:s7], $0x6FFFF;
	_ =	strace $0x90000049  }
0xb3: {  	s29 =	simm.s32 $0x9;
	_ =	strace $0x8000004B  }
0xb4: {  	_ =	swait.ge [sflag:s29], $0x1  }
0xb5: {  	[sflag:s29] =	ssyncadd.s32 $0xFFFFFFFF  }
0xb6: {  	_ =	strace $0x9000004B  }
0xb7: {  	_ =	sfence  }
0xb8: {  	s30 =	sld [smem:$0x0];
	_ =	sdelay $0x2  }
0xb9: {  	s31 =	sshll.u32 s1, $0xD;
	s1 =	sshrl.u32 s1, $0x2  }
0xba: {  	s3 =	sand.u32 $0x4000, s31;
	s1 =	sadd.s32 s1, s30  }
0xbb: {  	s0 =	sor.u32 s3, s0;
	s1 =	sshll.u32 s1, $0x11  }
0xbc: {  	s0 =	sor.u32 s1, s0  }
0xbd: {  	s0 =	sadd.s32 $0x8F2B, s0  }
0xbe: {  	[sflag:s0] =	ssyncadd.remote.s32 $0x1  }
0xbf: {  	_ =	sfence.sel $0xFFFF  }
0xc0: {  	[dreg:$0x0] =	wrdreg $0xFFFFFFFF;
	(pc) =	sbr.abs _section_cstart, $3  }
0xc1: {  	[dreg:$0x1] =	wrdreg $0xFFFFFFFF  }
0xc2: {  	_ =	task.clear_ibuf [dreg:s7], $0x2FFFF;
	_ =	strace $0x9FFFFFFF  }
0xc3: {  	(tm) =	ssettm $0x7FFFFFFF  }
tec
execute0_lowered:
.L_overlay_start_1:
0x0: {  	(tag) =	ssettag $0x1  }
0x1: {  	s1 =	rddreg [dreg:$0x0]  }
0x2: {  	s5 =	rddreg [dreg:$0x1]  }
0x3: {  	s3 =	rddreg [dreg:$0x2];
	s4 =	simm.s32 $0x0  }
0x4: {  	[smem:$0x7FF] =	sst s4;
	s8 =	sadd.s32 $0x15600, s5  }
0x5: {  	s30 =	sadd.s32 $0x16000, s5;
	_ =	strace $0x8000004A;
	[dreg:$0x4] =	wrdreg s8  }
0x6: {  	s10 =	sadd.s32 $0x1567D, s5;
	[dreg:$0x5] =	wrdreg s30  }
0x7: {  	s11 =	sadd.s32 $0x156FA, s5;
	[dreg:$0xa] =	wrdreg s10  }
0x8: {  	s12 =	sadd.s32 $0x15777, s5;
	[dreg:$0xb] =	wrdreg s11  }
0x9: {  	s13 =	sadd.s32 $0x157F4, s5;
	[dreg:$0xc] =	wrdreg s12  }
0xa: {  	s14 =	sadd.s32 $0x15871, s5;
	[dreg:$0xd] =	wrdreg s13  }
0xb: {  	s15 =	sadd.s32 $0x158EE, s5;
	[dreg:$0xe] =	wrdreg s14  }
0xc: {  	s16 =	sadd.s32 $0x1596B, s5;
	[dreg:$0xf] =	wrdreg s15  }
0xd: {  	s17 =	sadd.s32 $0x159E8, s5;
	[dreg:$0x10] =	wrdreg s16  }
0xe: {  	s0 =	srdreg.scid;
	s18 =	sadd.s32 $0x15A65, s5;
	[dreg:$0x11] =	wrdreg s17  }
0xf: {  	s9 =	stileid.u32;
	s19 =	sadd.s32 $0x15AE2, s5;
	[dreg:$0x12] =	wrdreg s18  }
0x10: {  	s28 =	simm.s32 $0x0;
	s20 =	sadd.s32 $0x15B5F, s5;
	[dreg:$0x13] =	wrdreg s19  }
0x11: {  	s0 =	sand.u32 $0x1, s0;
	s21 =	sadd.s32 $0x15BDC, s5;
	[dreg:$0x14] =	wrdreg s20  }
0x12: {  	s2 =	sshll.u32 s9, $0x1;
	s22 =	sadd.s32 $0x15C59, s5;
	[dreg:$0x15] =	wrdreg s21  }
0x13: {  	s6 =	smul.u32 $0x5000, s9;
	s23 =	sadd.s32 $0x15CD6, s5;
	[dreg:$0x16] =	wrdreg s22  }
0x14: {  	s9 =	sshll.u32 s9, $0x6;
	s24 =	sadd.s32 $0x15D53, s5;
	[dreg:$0x17] =	wrdreg s23  }
0x15: {  	s25 =	sadd.s32 $0x15DD0, s5;
	s26 =	sadd.s32 $0x15E4D, s5;
	[dreg:$0x18] =	wrdreg s24  }
0x16: {  	s29 =	sadd.s32 $0x15ECA, s5;
	s2 =	sor.u32 s0, s2;
	[dreg:$0x19] =	wrdreg s25  }
0x17: {  	s7 =	smul.u32 $0x50000, s0;
	s0 =	ssub.s32 $0x2, s0;
	[dreg:$0x1a] =	wrdreg s26  }
0x18: {  	s8 =	sor.u32 $0x1C0B, s9;
	[dreg:$0x1b] =	wrdreg s29;
	s30 =	sadd.s32 $0x15F47, s5  }
0x19: {  	s10 =	simm.s32 $0x1;
	s11 =	simm.s32 $0x9920;
	s12 =	simm.s32 $0x6720  }
0x1a: {  	s13 =	simm.s32 $0x6220;
	s14 =	simm.s32 $0x2;
	s15 =	simm.s32 $0x7120  }
0x1b: {  	s16 =	simm.s32 $0x3;
	s17 =	simm.s32 $0x7B20;
	s18 =	simm.s32 $0x4  }
0x1c: {  	s19 =	simm.s32 $0x8520;
	s20 =	simm.s32 $0x5;
	s21 =	simm.s32 $0x8F20  }
0x1d: {  	s2 =	smul.u32 $0x4E2, s2;
	s31 =	sshrl.u32 s0, $0x1;
	[dreg:$0x1c] =	wrdreg s30  }
0x1e: {  	[dreg:$0x7] =	wrdreg s8;
	s7 =	sadd.s32 s6, s7;
	s0 =	ssub.s32 s0, s31  }
0x1f: {  	s6 =	sadd.s32 s6, s3;
	s2 =	sadd.s32 s2, s5;
	s7 =	sshrl.u32 s7, $0x3  }
0x20: {  	[dreg:$0x6] =	wrdreg s6;
	s0 =	smax.u32 s0, $0x1;
	s6 =	simm.s32 $0xC080  }
0x21: {  	s7 =	sadd.s32 s7, s5;
	s9 =	sadd.s32 $0xB800, s2;
	[dreg:$0x1e] =	wrdreg s0  }
0x22: {  	s2 =	sadd.s32 $0x1A00, s2;
	s0 =	simm.s32 $0xB;
	[dreg:$0x8] =	wrdreg s9  }
0x23: {  	s5 =	simm.s32 $0x9970;
	[dreg:$0x9] =	wrdreg s2;
	s31 =	sadd.s32 $0x16A00, s7  }
0x24: {  	s7 =	simm.s32 $0x50;
	s9 =	simm.s32 $0x5D20;
	[dreg:$0x1d] =	wrdreg s31  }
.LBB2_1:
0x25: {  	s2 =	rddreg [dreg:$0x6]  }
0x26: {  	s23 =	rddreg [dreg:$0x5];
	s22 =	sshrl.u32 s2, $0x3  }
0x27: {  	[dreg:$0x1f] =	wrdreg s22  }
0x28: {  	[spmem:s22], [sflag:s8] =	dma.local [hbm:s23], $0xA00  }
0x29: {  	_ =	swait.ge [sflag:s0], $0xA00  }
0x2a: {  	[sflag:s0] =	ssyncset.done $0x0  }
0x2b: {  	s24 =	rddreg [dreg:$0x8];
	[sflag:s0] =	ssyncadd.s32 $0xFFFFF600  }
0x2c: {  	[tilespmem:s4], [sflag:$0xB] =	stream.linear.gather [hbm4b:s24+s4], $0x2710, $0x38;
	[tilespmem:$0x13790] =	vst v63  }
0x2d: {  	_ =	swait.ge [sflag:s0], $0x2710  }
0x2e: {  	[sflag:s0] =	ssyncset.done $0x0  }
0x2f: {  	s26 =	simm.s32 $0x2710;
	s25 =	rddreg [dreg:$0x9];
	[sflag:s0] =	ssyncadd.s32 $0xFFFFD8F0  }
0x30: {  	[tilespmem:s26], [sflag:$0xB] =	stream.linear.gather [hbm4b:s25+s4], $0x2710, $0x38;
	[tilespmem:$0x13790] =	vst v63  }
0x31: {  	_ =	swait.ge [sflag:s0], $0x2710  }
0x32: {  	[sflag:s0] =	ssyncset.done $0x0  }
0x33: {  	s29 =	rddreg [dreg:$0x4];
	[sflag:s0] =	ssyncadd.s32 $0xFFFFD8F0  }
0x34: {  	[tilespmem:s5], [sflag:$0xB] =	stream.linear.gather [hbm4b:s29+s4], $0x3E8, $0x38;
	[tilespmem:$0x13790] =	vst v63  }
0x35: {  	_ =	swait.ge [sflag:s0], $0x3E8  }
0x36: {  	[sflag:s0] =	ssyncset.done $0x0  }
0x37: {  	s31 =	rddreg [dreg:$0xa];
	[sflag:s0] =	ssyncadd.s32 $0xFFFFFC18  }
0x38: {  	[tilespmem:s6], [sflag:$0xB] =	stream.linear.gather [hbm4b:s31+s4], $0x3E8, $0x38;
	[tilespmem:$0x13790] =	vst v63  }
0x39: {  	_ =	swait.ge [sflag:s0], $0x3E8  }
0x3a: {  	[sflag:s0] =	ssyncset.done $0x0  }
0x3b: {  	s22 =	simm.s32 $0x9D58;
	s8 =	rddreg [dreg:$0xb];
	[sflag:s0] =	ssyncadd.s32 $0xFFFFFC18  }
0x3c: {  	[tilespmem:s22], [sflag:$0xB] =	stream.linear.gather [hbm4b:s8+s4], $0x3E8, $0x38;
	[tilespmem:$0x13790] =	vst v63  }
0x3d: {  	_ =	swait.ge [sflag:s0], $0x3E8  }
0x3e: {  	[sflag:s0] =	ssyncset.done $0x0  }
0x3f: {  	s24 =	simm.s32 $0xC468;
	s23 =	rddreg [dreg:$0xc];
	[sflag:s0] =	ssyncadd.s32 $0xFFFFFC18  }
0x40: {  	[tilespmem:s24], [sflag:$0xB] =	stream.linear.gather [hbm4b:s23+s4], $0x3E8, $0x38;
	[tilespmem:$0x13790] =	vst v63  }
0x41: {  	_ =	swait.ge [sflag:s0], $0x3E8  }
0x42: {  	[sflag:s0] =	ssyncset.done $0x0  }
0x43: {  	s26 =	simm.s32 $0xA140;
	s25 =	rddreg [dreg:$0xd];
	[sflag:s0] =	ssyncadd.s32 $0xFFFFFC18  }
0x44: {  	[tilespmem:s26], [sflag:$0xB] =	stream.linear.gather [hbm4b:s25+s4], $0x3E8, $0x38;
	[tilespmem:$0x13790] =	vst v63  }
0x45: {  	_ =	swait.ge [sflag:s0], $0x3E8  }
0x46: {  	[sflag:s0] =	ssyncset.done $0x0  }
0x47: {  	s31 =	simm.s32 $0xC850;
	s29 =	rddreg [dreg:$0xe];
	[sflag:s0] =	ssyncadd.s32 $0xFFFFFC18  }
0x48: {  	[tilespmem:s31], [sflag:$0xB] =	stream.linear.gather [hbm4b:s29+s4], $0x3E8, $0x38;
	[tilespmem:$0x13790] =	vst v63  }
0x49: {  	_ =	swait.ge [sflag:s0], $0x3E8  }
0x4a: {  	[sflag:s0] =	ssyncset.done $0x0  }
0x4b: {  	s22 =	simm.s32 $0xA528;
	s8 =	rddreg [dreg:$0xf];
	[sflag:s0] =	ssyncadd.s32 $0xFFFFFC18  }
0x4c: {  	[tilespmem:s22], [sflag:$0xB] =	stream.linear.gather [hbm4b:s8+s4], $0x3E8, $0x38;
	[tilespmem:$0x13790] =	vst v63  }
0x4d: {  	_ =	swait.ge [sflag:s0], $0x3E8  }
0x4e: {  	[sflag:s0] =	ssyncset.done $0x0  }
0x4f: {  	s24 =	simm.s32 $0xCC38;
	s23 =	rddreg [dreg:$0x10];
	[sflag:s0] =	ssyncadd.s32 $0xFFFFFC18  }
0x50: {  	[tilespmem:s24], [sflag:$0xB] =	stream.linear.gather [hbm4b:s23+s4], $0x3E8, $0x38;
	[tilespmem:$0x13790] =	vst v63  }
0x51: {  	_ =	swait.ge [sflag:s0], $0x3E8  }
0x52: {  	[sflag:s0] =	ssyncset.done $0x0  }
0x53: {  	s26 =	simm.s32 $0xA910;
	s25 =	rddreg [dreg:$0x11];
	[sflag:s0] =	ssyncadd.s32 $0xFFFFFC18  }
0x54: {  	[tilespmem:s26], [sflag:$0xB] =	stream.linear.gather [hbm4b:s25+s4], $0x3E8, $0x38;
	[tilespmem:$0x13790] =	vst v63  }
0x55: {  	_ =	swait.ge [sflag:s0], $0x3E8  }
0x56: {  	[sflag:s0] =	ssyncset.done $0x0  }
0x57: {  	s31 =	simm.s32 $0xD020;
	s29 =	rddreg [dreg:$0x12];
	[sflag:s0] =	ssyncadd.s32 $0xFFFFFC18  }
0x58: {  	[tilespmem:s31], [sflag:$0xB] =	stream.linear.gather [hbm4b:s29+s4], $0x3E8, $0x38;
	[tilespmem:$0x13790] =	vst v63  }
0x59: {  	_ =	swait.ge [sflag:s0], $0x3E8  }
0x5a: {  	[sflag:s0] =	ssyncset.done $0x0  }
0x5b: {  	s22 =	simm.s32 $0xACF8;
	s8 =	rddreg [dreg:$0x13];
	[sflag:s0] =	ssyncadd.s32 $0xFFFFFC18  }
0x5c: {  	[tilespmem:s22], [sflag:$0xB] =	stream.linear.gather [hbm4b:s8+s4], $0x3E8, $0x38;
	[tilespmem:$0x13790] =	vst v63  }
0x5d: {  	_ =	swait.ge [sflag:s0], $0x3E8  }
0x5e: {  	[sflag:s0] =	ssyncset.done $0x0  }
0x5f: {  	s24 =	simm.s32 $0xD408;
	s23 =	rddreg [dreg:$0x14];
	[sflag:s0] =	ssyncadd.s32 $0xFFFFFC18  }
0x60: {  	[tilespmem:s24], [sflag:$0xB] =	stream.linear.gather [hbm4b:s23+s4], $0x3E8, $0x38;
	[tilespmem:$0x13790] =	vst v63  }
0x61: {  	_ =	swait.ge [sflag:s0], $0x3E8  }
0x62: {  	[sflag:s0] =	ssyncset.done $0x0  }
0x63: {  	s26 =	simm.s32 $0xB0E0;
	s25 =	rddreg [dreg:$0x15];
	[sflag:s0] =	ssyncadd.s32 $0xFFFFFC18  }
0x64: {  	[tilespmem:s26], [sflag:$0xB] =	stream.linear.gather [hbm4b:s25+s4], $0x3E8, $0x38;
	[tilespmem:$0x13790] =	vst v63  }
0x65: {  	_ =	swait.ge [sflag:s0], $0x3E8  }
0x66: {  	[sflag:s0] =	ssyncset.done $0x0  }
0x67: {  	s31 =	simm.s32 $0xD7F0;
	s29 =	rddreg [dreg:$0x16];
	[sflag:s0] =	ssyncadd.s32 $0xFFFFFC18  }
0x68: {  	[tilespmem:s31], [sflag:$0xB] =	stream.linear.gather [hbm4b:s29+s4], $0x3E8, $0x38;
	[tilespmem:$0x13790] =	vst v63  }
0x69: {  	_ =	swait.ge [sflag:s0], $0x3E8  }
0x6a: {  	[sflag:s0] =	ssyncset.done $0x0  }
0x6b: {  	s22 =	simm.s32 $0xB4C8;
	s8 =	rddreg [dreg:$0x17];
	[sflag:s0] =	ssyncadd.s32 $0xFFFFFC18  }
0x6c: {  	[tilespmem:s22], [sflag:$0xB] =	stream.linear.gather [hbm4b:s8+s4], $0x3E8, $0x38;
	[tilespmem:$0x13790] =	vst v63  }
0x6d: {  	_ =	swait.ge [sflag:s0], $0x3E8  }
0x6e: {  	[sflag:s0] =	ssyncset.done $0x0  }
0x6f: {  	s24 =	simm.s32 $0xDBD8;
	s23 =	rddreg [dreg:$0x18];
	[sflag:s0] =	ssyncadd.s32 $0xFFFFFC18  }
0x70: {  	[tilespmem:s24], [sflag:$0xB] =	stream.linear.gather [hbm4b:s23+s4], $0x3E8, $0x38;
	[tilespmem:$0x13790] =	vst v63  }
0x71: {  	_ =	swait.ge [sflag:s0], $0x3E8  }
0x72: {  	[sflag:s0] =	ssyncset.done $0x0  }
0x73: {  	s26 =	simm.s32 $0xB8B0;
	s25 =	rddreg [dreg:$0x19];
	[sflag:s0] =	ssyncadd.s32 $0xFFFFFC18  }
0x74: {  	[tilespmem:s26], [sflag:$0xB] =	stream.linear.gather [hbm4b:s25+s4], $0x3E8, $0x38;
	[tilespmem:$0x13790] =	vst v63  }
0x75: {  	_ =	swait.ge [sflag:s0], $0x3E8  }
0x76: {  	[sflag:s0] =	ssyncset.done $0x0  }
0x77: {  	s31 =	simm.s32 $0xDFC0;
	s29 =	rddreg [dreg:$0x1a];
	[sflag:s0] =	ssyncadd.s32 $0xFFFFFC18  }
0x78: {  	[tilespmem:s31], [sflag:$0xB] =	stream.linear.gather [hbm4b:s29+s4], $0x3E8, $0x38;
	[tilespmem:$0x13790] =	vst v63  }
0x79: {  	_ =	swait.ge [sflag:s0], $0x3E8  }
0x7a: {  	[sflag:s0] =	ssyncset.done $0x0  }
0x7b: {  	s22 =	simm.s32 $0xBC98;
	s8 =	rddreg [dreg:$0x1b];
	[sflag:s0] =	ssyncadd.s32 $0xFFFFFC18  }
0x7c: {  	[tilespmem:s22], [sflag:$0xB] =	stream.linear.gather [hbm4b:s8+s4], $0x3E8, $0x38;
	[tilespmem:$0x13790] =	vst v63  }
0x7d: {  	_ =	swait.ge [sflag:s0], $0x3E8  }
0x7e: {  	[sflag:s0] =	ssyncset.done $0x0  }
0x7f: {  	s24 =	simm.s32 $0xE3A8;
	s23 =	rddreg [dreg:$0x1c];
	[sflag:s0] =	ssyncadd.s32 $0xFFFFFC18  }
0x80: {  	[tilespmem:s24], [sflag:$0xB] =	stream.linear.gather [hbm4b:s23+s4], $0x3E8, $0x38;
	[tilespmem:$0x13790] =	vst v63  }
0x81: {  	_ =	swait.ge [sflag:s0], $0x3E8  }
0x82: {  	[sflag:s0] =	ssyncset.done $0x0  }
0x83: {  	[sflag:s0] =	ssyncadd.s32 $0xFFFFFC18  }
0x84: {  	s25 =	simm.s32 $0x4E20;
	[bflag:$0x0] =	sbarrier.arrive $0xFFFF  }
0x85: {  	[tilespmem:s25], [sflag:$0x1] =	stream.indirect.gather [hbm4b:s1+s7], $0x10, s4, s7, $0xb8;
	[tilespmem:$0x13790] =	vst v63  }
0x86: {  	s26 =	simm.s32 $0x5320  }
0x87: {  	[tilespmem:s26], [sflag:$0x2] =	stream.indirect.gather [hbm4b:s1+s7], $0x10, s7, s7, $0xb8;
	[tilespmem:$0x13790] =	vst v63  }
0x88: {  	s30 =	simm.s32 $0x0;
	s29 =	simm.s32 $0xA0;
	s31 =	simm.s32 $0x5820  }
0x89: {  	[tilespmem:s31], [sflag:$0x3] =	stream.indirect.gather [hbm4b:s1+s7], $0x10, s29, s7, $0xb8;
	[tilespmem:$0x13790] =	vst v63  }
.LBB2_2:
0x8a: {  	s2 =	smul.u32 $0x5, s30  }
0x8b: {  	p0 =	seq.s32 s30, $0x0  }
0x8c: {  	s8 =	simm.s32 @!p0 $0x9;
	s31 =	sadd.s32 $0x3, s2  }
0x8d: {  	_ =	swait.ge @!p0 [sflag:s8], $0xA00;
	s22 =	smul.u32 $0x140, s31  }
0x8e: {  	[sflag:s8] =	ssyncset.done @!p0 $0x0  }
0x8f: {  	[sflag:s8] =	ssyncadd.s32 @!p0 $0xFFFFF600;
	s25 =	sshra.s32 s22, $0x2;
	s22 =	smul.u32 $0x190, s30  }
0x90: {  	[tilespmem:s9], [sflag:$0x4] =	stream.indirect.gather [hbm4b:s1+s7], $0x10, s25, s7, $0xb8;
	[tilespmem:$0x13790] =	vst v63  }
0x91: {  	v0 =	vld [tilespmem:s22+$0x0]  }
0x92: {  	v1 =	vld [tilespmem:s22+$0x2710];
	_ =	sdelay $0x6  }
0x93: {  	v0 =	vld.idx.msk [tilespmem:v0+s5+$0x0], $0xffff  }
0x94: {  	v1 =	vld.idx.msk [tilespmem:v1+s6+$0x0], $0xffff;
	_ =	sdelay $0x4  }
0x95: {  	v0 =	vadd.f32 v1, v0;
	_ =	sdelay $0x1  }
0x96: {  	v1 =	vmul.f32 $2.000000030e-01, v0;
	_ =	sdelay $0x1  }
0x97: {  	v0 =	vmax.f32 v0, v1  }
0x98: {  	v0 =	vmul.f32 $1.442695020e+00, v0;
	_ =	sdelay $0x1  }
0x99: {  	(erf) = vpow2.f32 v0;
	_ =	sdelay $0x8  }
0x9a: {  	v0 =	vpop (erf)  }
0x9b: {  	[tilespmem:$0x9920] =	vst v0  }
0x9c: {  	v0 =	vld [tilespmem:s22+$0x10]  }
0x9d: {  	v1 =	vld [tilespmem:s22+$0x2720];
	_ =	sdelay $0x6  }
0x9e: {  	v0 =	vld.idx.msk [tilespmem:v0+s5+$0x0], $0xffff  }
0x9f: {  	v1 =	vld.idx.msk [tilespmem:v1+s6+$0x0], $0xffff;
	_ =	sdelay $0x4  }
0xa0: {  	v0 =	vadd.f32 v1, v0;
	_ =	sdelay $0x1  }
0xa1: {  	v1 =	vmul.f32 $2.000000030e-01, v0;
	_ =	sdelay $0x1  }
0xa2: {  	v0 =	vmax.f32 v0, v1  }
0xa3: {  	v0 =	vmul.f32 $1.442695020e+00, v0;
	_ =	sdelay $0x1  }
0xa4: {  	(erf) = vpow2.f32 v0;
	_ =	sdelay $0x8  }
0xa5: {  	v0 =	vpop (erf)  }
0xa6: {  	[tilespmem:$0x9930] =	vst v0  }
0xa7: {  	v0 =	vld [tilespmem:s22+$0x20]  }
0xa8: {  	v1 =	vld [tilespmem:s22+$0x2730];
	_ =	sdelay $0x6  }
0xa9: {  	v0 =	vld.idx.msk [tilespmem:v0+s5+$0x0], $0xffff  }
0xaa: {  	v1 =	vld.idx.msk [tilespmem:v1+s6+$0x0], $0xffff;
	_ =	sdelay $0x4  }
0xab: {  	v0 =	vadd.f32 v1, v0;
	_ =	sdelay $0x1  }
0xac: {  	v1 =	vmul.f32 $2.000000030e-01, v0;
	_ =	sdelay $0x1  }
0xad: {  	v0 =	vmax.f32 v0, v1  }
0xae: {  	v0 =	vmul.f32 $1.442695020e+00, v0;
	_ =	sdelay $0x1  }
0xaf: {  	(erf) = vpow2.f32 v0;
	_ =	sdelay $0x8  }
0xb0: {  	v0 =	vpop (erf)  }
0xb1: {  	[tilespmem:$0x9940] =	vst v0  }
0xb2: {  	v0 =	vld [tilespmem:s22+$0x30]  }
0xb3: {  	v1 =	vld [tilespmem:s22+$0x2740];
	_ =	sdelay $0x6  }
0xb4: {  	v0 =	vld.idx.msk [tilespmem:v0+s5+$0x0], $0xffff  }
0xb5: {  	v1 =	vld.idx.msk [tilespmem:v1+s6+$0x0], $0xffff;
	_ =	sdelay $0x4  }
0xb6: {  	v0 =	vadd.f32 v1, v0;
	_ =	sdelay $0x1  }
0xb7: {  	v1 =	vmul.f32 $2.000000030e-01, v0;
	_ =	sdelay $0x1  }
0xb8: {  	v0 =	vmax.f32 v0, v1  }
0xb9: {  	v0 =	vmul.f32 $1.442695020e+00, v0;
	_ =	sdelay $0x1  }
0xba: {  	(erf) = vpow2.f32 v0;
	_ =	sdelay $0x8  }
0xbb: {  	v0 =	vpop (erf)  }
0xbc: {  	[tilespmem:$0x9950] =	vst v0  }
0xbd: {  	v0 =	vld [tilespmem:s22+$0x40]  }
0xbe: {  	v1 =	vld [tilespmem:s22+$0x2750];
	_ =	sdelay $0x6  }
0xbf: {  	v0 =	vld.idx.msk [tilespmem:v0+s5+$0x0], $0xffff  }
0xc0: {  	v1 =	vld.idx.msk [tilespmem:v1+s6+$0x0], $0xffff;
	_ =	sdelay $0x4  }
0xc1: {  	v0 =	vadd.f32 v1, v0;
	_ =	sdelay $0x1  }
0xc2: {  	v1 =	vmul.f32 $2.000000030e-01, v0;
	_ =	sdelay $0x1  }
0xc3: {  	v0 =	vmax.f32 v0, v1  }
0xc4: {  	v0 =	vmul.f32 $1.442695020e+00, v0;
	_ =	sdelay $0x1  }
0xc5: {  	(erf) = vpow2.f32 v0;
	_ =	sdelay $0x5  }
0xc6: {  	s26 =	simm.s32 $0x0  }
0xc7: {  	v0 =	vmov s26  }
0xc8: {  	s29 =	simm.s32 $0x3;
	s23 =	simm.s32 $0x1;
	v0 =	vand.u32 $0xFFFFFFFC, v0  }
0xc9: {  	s24 =	simm.s32 $0x2;
	v2 =	vmov s23;
	v1 =	vmov s29;
	v4 =	vbroadcast v0, $0x0;
	v3 =	vpop (erf)  }
0xca: {  	v0 =	vand.u32 $0xFFFFFFFD, v2;
	v2 =	vmov s24;
	[tilespmem:$0x9960] =	vst v3  }
0xcb: {  	v3 =	vbroadcast v0, $0x0;
	v0 =	vand.u32 $0xFFFFFFFE, v2;
	_ =	swait.ge [sflag:s10], $0x500  }
0xcc: {  	v2 =	vbroadcast v0, $0x0;
	[sflag:s10] =	ssyncset.done $0x0  }
0xcd: {  	[sflag:s10] =	ssyncadd.s32 $0xFFFFFB00  }
0xce: {  	s26 =	simm.s32 $0x5;
	v0 =	vld.idx.msk [tilespmem:v1+s11+$0x0], $0xffff  }
0xcf: {  	v6 =	vmov s26;
	s24 =	simm.s32 $0x4E40;
	v1 =	vld.idx.msk [tilespmem:v4+s11+$0x0], $0xffff  }
0xd0: {  	s25 =	simm.s32 $0x4;
	v7 =	vand.u32 $0xFFFFFFFD, v6;
	v9 =	vld [tilespmem:s24+$0x0]  }
0xd1: {  	v5 =	vmov s25;
	s25 =	simm.s32 $0x6;
	v8 =	vbroadcast v7, $0x0;
	v13 =	vld [tilespmem:s24+$0xFFFFFFE0]  }
0xd2: {  	s29 =	simm.s32 $0x7;
	v4 =	vand.u32 $0xFFFFFFFC, v5;
	v6 =	vld.idx.msk [tilespmem:v2+s11+$0x0], $0xffff;
	v2 =	vmov s25  }
0xd3: {  	v4 =	vbroadcast v4, $0x0;
	v5 =	vld.idx.msk [tilespmem:v3+s11+$0x0], $0xffff;
	v3 =	vmov s29;
	v2 =	vand.u32 $0xFFFFFFFE, v2  }
0xd4: {  	v11 =	vbroadcast v2, $0x0  }
0xd5: {  	v10 =	vld [tilespmem:s24+$0xFFFFFFF0]  }
0xd6: {  	s26 =	simm.s32 $0x8;
	v7 =	vld [tilespmem:s24+$0x10]  }
0xd7: {  	v12 =	vmov s26;
	v8 =	vld.idx.msk [tilespmem:v8+s11+$0x0], $0xffff  }
0xd8: {  	s8 =	simm.s32 $0xA;
	s26 =	simm.s32 $0x9;
	v14 =	vand.u32 $0xFFFFFFFC, v12;
	s29 =	simm.s32 $0xB;
	v13 =	vmul.f32 v13, v1;
	v2 =	vld.idx.msk [tilespmem:v3+s11+$0x0], $0xffff;
	v12 =	vmul.f32 v9, v6  }
0xd9: {  	s23 =	sadd.s32 $0x2710, s22;
	s25 =	simm.s32 $0x6760;
	v3 =	vmov s29;
	v4 =	vld.idx.msk [tilespmem:v4+s11+$0x0], $0xffff;
	v9 =	vbroadcast v14, $0x0;
	v14 =	vmov s26;
	s26 =	simm.s32 $0xC  }
.LBB2_3:
0xda: {  	p1 =	slt.u32 s26, $0x4C;
	v14 =	vand.u32 $0xFFFFFFFD, v14;
	v15 =	vmov s8;
	v16 =	vld.idx.msk [tilespmem:v11+s11+$0x0], $0xffff;
	v10 =	vmul.f32 v10, v5;
	[tilespmem:s25+$0x0] =	vst v12;
	s24 =	sadd.s32 $0x40, s24  }
0xdb: {  	v17 =	vbroadcast v14, $0x0;
	v11 =	vand.u32 $0xFFFFFFFE, v15;
	v12 =	vld [tilespmem:s24+$0x0];
	[tilespmem:s25+$0xFFFFFFC0] =	vst v13;
	v13 =	vmul.f32 v7, v0  }
0xdc: {  	v11 =	vbroadcast v11, $0x0;
	v15 =	vld [tilespmem:s24+$0xFFFFFFE0];
	[tilespmem:s25+$0xFFFFFFE0] =	vst v10  }
.Ltmp0:
0xdd: {  	v18 =	vmov v2;
	v10 =	vld [tilespmem:s24+$0xFFFFFFF0];
	[tilespmem:s25+$0xFFFFFFF0] =	vst v5;
	(pc) =	sbr.rel @p1 .LBB2_3-.Ltmp0, $4  }
0xde: {  	v7 =	vld [tilespmem:s24+$0x10];
	[tilespmem:s25+$0x10] =	vst v6  }
0xdf: {  	s8 =	sadd.s32 $0x3, s26;
	v14 =	vmov s26;
	v5 =	vmov v8;
	v2 =	vld.idx.msk [tilespmem:v3+s11+$0x0], $0xffff;
	[tilespmem:s25+$0xFFFFFFD0] =	vst v1;
	v1 =	vmov v4  }
0xe0: {  	s29 =	sadd.s32 $0x1, s26;
	v8 =	vand.u32 $0xFFFFFFFC, v14;
	v3 =	vmov s8;
	v6 =	vmovc v16;
	v4 =	vld.idx.msk [tilespmem:v9+s11+$0x0], $0xffff;
	v12 =	vmul.f32 v12, v16;
	[tilespmem:s25+$0x20] =	vst v13  }
0xe1: {  	v14 =	vmov s29;
	s8 =	sadd.s32 $0x2, s26;
	s26 =	sadd.s32 $0x4, s26;
	v9 =	vbroadcast v8, $0x0;
	v8 =	vld.idx.msk [tilespmem:v17+s11+$0x0], $0xffff;
	v13 =	vmul.f32 v15, v1;
	[tilespmem:s25+$0x30] =	vst v0;
	s25 =	sadd.s32 $0x80, s25;
	v0 =	vmovc v18  }
0xe2: {  	[tilespmem:s25+$0x0] =	vst v12  }
0xe3: {  	[tilespmem:s25+$0xFFFFFFF0] =	vst v5  }
0xe4: {  	[tilespmem:s25+$0x10] =	vst v6  }
0xe5: {  	[tilespmem:s25+$0xFFFFFFD0] =	vst v1  }
0xe6: {  	v14 =	vand.u32 $0xFFFFFFFD, v14;
	v15 =	vmov s8;
	v11 =	vld.idx.msk [tilespmem:v11+s11+$0x0], $0xffff;
	v10 =	vmul.f32 v10, v5;
	s24 =	sadd.s32 $0x40, s24;
	[tilespmem:s25+$0x30] =	vst v0  }
0xe7: {  	v12 =	vbroadcast v14, $0x0;
	v14 =	vand.u32 $0xFFFFFFFE, v15;
	v15 =	vld [tilespmem:s24+$0x0];
	[tilespmem:s25+$0xFFFFFFC0] =	vst v13;
	v5 =	vmul.f32 v7, v0  }
0xe8: {  	v6 =	vld [tilespmem:s24+$0x10];
	v13 =	vbroadcast v14, $0x0;
	[tilespmem:s25+$0xFFFFFFE0] =	vst v10  }
0xe9: {  	v10 =	vld [tilespmem:s24+$0xFFFFFFF0];
	[tilespmem:s25+$0x20] =	vst v5;
	s25 =	sadd.s32 $0x80, s25  }
0xea: {  	v14 =	vld [tilespmem:s24+$0xFFFFFFE0];
	[tilespmem:s25+$0xFFFFFFF0] =	vst v8  }
0xeb: {  	v3 =	vld.idx.msk [tilespmem:v3+s11+$0x0], $0xffff;
	[tilespmem:s25+$0xFFFFFFD0] =	vst v4  }
0xec: {  	v1 =	vld.idx.msk [tilespmem:v9+s11+$0x0], $0xffff;
	[tilespmem:s25+$0x30] =	vst v2;
	v7 =	vmul.f32 v15, v11  }
0xed: {  	[tilespmem:s25+$0x10] =	vst v11;
	v6 =	vmul.f32 v6, v2;
	v5 =	vld.idx.msk [tilespmem:v12+s11+$0x0], $0xffff  }
0xee: {  	s8 =	sadd.s32 $0x40, s24;
	v10 =	vmul.f32 v10, v8;
	v0 =	vld.idx.msk [tilespmem:v13+s11+$0x0], $0xffff;
	[tilespmem:s25+$0x0] =	vst v7  }
0xef: {  	v9 =	vmul.f32 v14, v4;
	v7 =	vld [tilespmem:s8+$0x0];
	[tilespmem:s25+$0x20] =	vst v6  }
0xf0: {  	[tilespmem:s25+$0xFFFFFFE0] =	vst v10;
	v10 =	vld [tilespmem:s8+$0xFFFFFFF0]  }
0xf1: {  	s26 =	sadd.s32 $0x80, s25;
	[tilespmem:s25+$0xFFFFFFC0] =	vst v9;
	v9 =	vld [tilespmem:s8+$0xFFFFFFE0]  }
0xf2: {  	v6 =	vld [tilespmem:s8+$0x10];
	[tilespmem:s26+$0x30] =	vst v3  }
0xf3: {  	[tilespmem:s26+$0xFFFFFFD0] =	vst v1  }
0xf4: {  	[tilespmem:s26+$0xFFFFFFF0] =	vst v5;
	v4 =	vmul.f32 v7, v0  }
0xf5: {  	[tilespmem:s26+$0x10] =	vst v0;
	v2 =	vmul.f32 v10, v5  }
0xf6: {  	v7 =	vmul.f32 v9, v1;
	[tilespmem:s26+$0x0] =	vst v4  }
0xf7: {  	[tilespmem:s26+$0xFFFFFFE0] =	vst v2;
	v2 =	vmul.f32 v6, v3  }
0xf8: {  	[tilespmem:s26+$0xFFFFFFC0] =	vst v7  }
0xf9: {  	s2 =	sadd.s32 $0x4, s2;
	s8 =	simm.s32 @!p0 $0xA;
	[tilespmem:s26+$0x20] =	vst v2  }
0xfa: {  	[spmem:s3] =	stream.indirect.scatter.add.f32 [tilespmem:s12], [sflag:$0x6], $0x20, s23, s7, $0xb8;
	[tilespmem:$0x13790] =	vst v63  }
0xfb: {  	s29 =	smul.u32 $0x140, s2;
	_ =	swait.ge @!p0 [sflag:s8], $0xA00  }
0xfc: {  	[sflag:s8] =	ssyncset.done @!p0 $0x0  }
0xfd: {  	s24 =	sshra.s32 s29, $0x2;
	[sflag:s8] =	ssyncadd.s32 @!p0 $0xFFFFF600  }
0xfe: {  	[tilespmem:s13], [sflag:$0x5] =	stream.indirect.gather [hbm4b:s1+s7], $0x10, s24, s7, $0xb8;
	[tilespmem:$0x13790] =	vst v63  }
0xff: {  	v0 =	vld [tilespmem:s22+$0x50]  }
0x100: {  	v1 =	vld [tilespmem:s22+$0x2760];
	_ =	sdelay $0x6  }
0x101: {  	v0 =	vld.idx.msk [tilespmem:v0+s5+$0x0], $0xffff  }
0x102: {  	v1 =	vld.idx.msk [tilespmem:v1+s6+$0x0], $0xffff;
	_ =	sdelay $0x4  }
0x103: {  	v0 =	vadd.f32 v1, v0;
	_ =	sdelay $0x1  }
0x104: {  	v1 =	vmul.f32 $2.000000030e-01, v0;
	_ =	sdelay $0x1  }
0x105: {  	v0 =	vmax.f32 v0, v1  }
0x106: {  	v0 =	vmul.f32 $1.442695020e+00, v0;
	_ =	sdelay $0x1  }
0x107: {  	(erf) = vpow2.f32 v0;
	_ =	sdelay $0x8  }
0x108: {  	v0 =	vpop (erf)  }
0x109: {  	[tilespmem:$0x9920] =	vst v0  }
0x10a: {  	v0 =	vld [tilespmem:s22+$0x60]  }
0x10b: {  	v1 =	vld [tilespmem:s22+$0x2770];
	_ =	sdelay $0x6  }
0x10c: {  	v0 =	vld.idx.msk [tilespmem:v0+s5+$0x0], $0xffff  }
0x10d: {  	v1 =	vld.idx.msk [tilespmem:v1+s6+$0x0], $0xffff;
	_ =	sdelay $0x4  }
0x10e: {  	v0 =	vadd.f32 v1, v0;
	_ =	sdelay $0x1  }
0x10f: {  	v1 =	vmul.f32 $2.000000030e-01, v0;
	_ =	sdelay $0x1  }
0x110: {  	v0 =	vmax.f32 v0, v1  }
0x111: {  	v0 =	vmul.f32 $1.442695020e+00, v0;
	_ =	sdelay $0x1  }
0x112: {  	(erf) = vpow2.f32 v0;
	_ =	sdelay $0x8  }
0x113: {  	v0 =	vpop (erf)  }
0x114: {  	[tilespmem:$0x9930] =	vst v0  }
0x115: {  	v0 =	vld [tilespmem:s22+$0x70]  }
0x116: {  	v1 =	vld [tilespmem:s22+$0x2780];
	_ =	sdelay $0x6  }
0x117: {  	v0 =	vld.idx.msk [tilespmem:v0+s5+$0x0], $0xffff  }
0x118: {  	v1 =	vld.idx.msk [tilespmem:v1+s6+$0x0], $0xffff;
	_ =	sdelay $0x4  }
0x119: {  	v0 =	vadd.f32 v1, v0;
	_ =	sdelay $0x1  }
0x11a: {  	v1 =	vmul.f32 $2.000000030e-01, v0;
	_ =	sdelay $0x1  }
0x11b: {  	v0 =	vmax.f32 v0, v1  }
0x11c: {  	v0 =	vmul.f32 $1.442695020e+00, v0;
	_ =	sdelay $0x1  }
0x11d: {  	(erf) = vpow2.f32 v0;
	_ =	sdelay $0x8  }
0x11e: {  	v0 =	vpop (erf)  }
0x11f: {  	[tilespmem:$0x9940] =	vst v0  }
0x120: {  	v0 =	vld [tilespmem:s22+$0x80]  }
0x121: {  	v1 =	vld [tilespmem:s22+$0x2790];
	_ =	sdelay $0x6  }
0x122: {  	v0 =	vld.idx.msk [tilespmem:v0+s5+$0x0], $0xffff  }
0x123: {  	v1 =	vld.idx.msk [tilespmem:v1+s6+$0x0], $0xffff;
	_ =	sdelay $0x4  }
0x124: {  	v0 =	vadd.f32 v1, v0;
	_ =	sdelay $0x1  }
0x125: {  	v1 =	vmul.f32 $2.000000030e-01, v0;
	_ =	sdelay $0x1  }
0x126: {  	v0 =	vmax.f32 v0, v1  }
0x127: {  	v0 =	vmul.f32 $1.442695020e+00, v0;
	_ =	sdelay $0x1  }
0x128: {  	(erf) = vpow2.f32 v0;
	_ =	sdelay $0x8  }
0x129: {  	v0 =	vpop (erf)  }
0x12a: {  	[tilespmem:$0x9950] =	vst v0  }
0x12b: {  	v0 =	vld [tilespmem:s22+$0x90]  }
0x12c: {  	v1 =	vld [tilespmem:s22+$0x27A0];
	_ =	sdelay $0x6  }
0x12d: {  	v0 =	vld.idx.msk [tilespmem:v0+s5+$0x0], $0xffff  }
0x12e: {  	v1 =	vld.idx.msk [tilespmem:v1+s6+$0x0], $0xffff;
	_ =	sdelay $0x4  }
0x12f: {  	v0 =	vadd.f32 v1, v0;
	_ =	sdelay $0x1  }
0x130: {  	v1 =	vmul.f32 $2.000000030e-01, v0;
	_ =	sdelay $0x1  }
0x131: {  	v0 =	vmax.f32 v0, v1  }
0x132: {  	v0 =	vmul.f32 $1.442695020e+00, v0;
	_ =	sdelay $0x1  }
0x133: {  	(erf) = vpow2.f32 v0;
	_ =	sdelay $0x5  }
0x134: {  	s25 =	simm.s32 $0x0  }
0x135: {  	v0 =	vmov s25  }
0x136: {  	s29 =	simm.s32 $0x1;
	s26 =	simm.s32 $0x3;
	v0 =	vand.u32 $0xFFFFFFFC, v0  }
0x137: {  	v2 =	vmov s29;
	s24 =	simm.s32 $0x2;
	v1 =	vmov s26;
	v4 =	vbroadcast v0, $0x0;
	v3 =	vpop (erf)  }
0x138: {  	v0 =	vand.u32 $0xFFFFFFFD, v2;
	v2 =	vmov s24;
	[tilespmem:$0x9960] =	vst v3  }
0x139: {  	v3 =	vbroadcast v0, $0x0;
	v0 =	vand.u32 $0xFFFFFFFE, v2;
	_ =	swait.ge [sflag:s14], $0x500  }
0x13a: {  	v2 =	vbroadcast v0, $0x0;
	[sflag:s14] =	ssyncset.done $0x0  }
0x13b: {  	[sflag:s14] =	ssyncadd.s32 $0xFFFFFB00  }
0x13c: {  	s26 =	simm.s32 $0x5;
	v0 =	vld.idx.msk [tilespmem:v1+s11+$0x0], $0xffff  }
0x13d: {  	v6 =	vmov s26;
	s24 =	simm.s32 $0x5340;
	v1 =	vld.idx.msk [tilespmem:v4+s11+$0x0], $0xffff  }
0x13e: {  	v7 =	vand.u32 $0xFFFFFFFD, v6;
	s25 =	simm.s32 $0x4;
	v9 =	vld [tilespmem:s24+$0x0]  }
0x13f: {  	v8 =	vbroadcast v7, $0x0;
	v5 =	vmov s25;
	s25 =	simm.s32 $0x6;
	v13 =	vld [tilespmem:s24+$0xFFFFFFE0]  }
0x140: {  	s29 =	simm.s32 $0x7;
	v4 =	vand.u32 $0xFFFFFFFC, v5;
	v6 =	vld.idx.msk [tilespmem:v2+s11+$0x0], $0xffff;
	v2 =	vmov s25  }
0x141: {  	v4 =	vbroadcast v4, $0x0;
	v5 =	vld.idx.msk [tilespmem:v3+s11+$0x0], $0xffff;
	v3 =	vmov s29;
	v2 =	vand.u32 $0xFFFFFFFE, v2  }
0x142: {  	v11 =	vbroadcast v2, $0x0  }
0x143: {  	v10 =	vld [tilespmem:s24+$0xFFFFFFF0]  }
0x144: {  	s26 =	simm.s32 $0x8;
	v7 =	vld [tilespmem:s24+$0x10]  }
0x145: {  	v12 =	vmov s26;
	v8 =	vld.idx.msk [tilespmem:v8+s11+$0x0], $0xffff  }
0x146: {  	s23 =	sadd.s32 $0x2760, s22;
	s26 =	simm.s32 $0x9;
	v14 =	vand.u32 $0xFFFFFFFC, v12;
	s29 =	simm.s32 $0xB;
	v13 =	vmul.f32 v13, v1;
	v2 =	vld.idx.msk [tilespmem:v3+s11+$0x0], $0xffff;
	v12 =	vmul.f32 v9, v6  }
0x147: {  	s8 =	simm.s32 $0xA;
	s25 =	simm.s32 $0x7160;
	v3 =	vmov s29;
	v4 =	vld.idx.msk [tilespmem:v4+s11+$0x0], $0xffff;
	v9 =	vbroadcast v14, $0x0;
	v14 =	vmov s26;
	s26 =	simm.s32 $0xC  }
.LBB2_5:
0x148: {  	p0 =	slt.u32 s26, $0x4C;
	v14 =	vand.u32 $0xFFFFFFFD, v14;
	v15 =	vmov s8;
	v16 =	vld.idx.msk [tilespmem:v11+s11+$0x0], $0xffff;
	v10 =	vmul.f32 v10, v5;
	[tilespmem:s25+$0x0] =	vst v12;
	s24 =	sadd.s32 $0x40, s24  }
0x149: {  	v17 =	vbroadcast v14, $0x0;
	v11 =	vand.u32 $0xFFFFFFFE, v15;
	v12 =	vld [tilespmem:s24+$0x0];
	[tilespmem:s25+$0xFFFFFFC0] =	vst v13;
	v13 =	vmul.f32 v7, v0  }
0x14a: {  	v11 =	vbroadcast v11, $0x0;
	v15 =	vld [tilespmem:s24+$0xFFFFFFE0];
	[tilespmem:s25+$0xFFFFFFE0] =	vst v10  }
.Ltmp1:
0x14b: {  	v18 =	vmov v2;
	v10 =	vld [tilespmem:s24+$0xFFFFFFF0];
	[tilespmem:s25+$0xFFFFFFF0] =	vst v5;
	(pc) =	sbr.rel @p0 .LBB2_5-.Ltmp1, $4  }
0x14c: {  	v7 =	vld [tilespmem:s24+$0x10];
	[tilespmem:s25+$0x10] =	vst v6  }
0x14d: {  	s8 =	sadd.s32 $0x3, s26;
	v14 =	vmov s26;
	v5 =	vmov v8;
	v2 =	vld.idx.msk [tilespmem:v3+s11+$0x0], $0xffff;
	[tilespmem:s25+$0xFFFFFFD0] =	vst v1;
	v1 =	vmov v4  }
0x14e: {  	s29 =	sadd.s32 $0x1, s26;
	v8 =	vand.u32 $0xFFFFFFFC, v14;
	v3 =	vmov s8;
	v6 =	vmovc v16;
	v4 =	vld.idx.msk [tilespmem:v9+s11+$0x0], $0xffff;
	v12 =	vmul.f32 v12, v16;
	[tilespmem:s25+$0x20] =	vst v13  }
0x14f: {  	v14 =	vmov s29;
	s8 =	sadd.s32 $0x2, s26;
	s26 =	sadd.s32 $0x4, s26;
	v9 =	vbroadcast v8, $0x0;
	v8 =	vld.idx.msk [tilespmem:v17+s11+$0x0], $0xffff;
	v13 =	vmul.f32 v15, v1;
	[tilespmem:s25+$0x30] =	vst v0;
	s25 =	sadd.s32 $0x80, s25;
	v0 =	vmovc v18  }
0x150: {  	[tilespmem:s25+$0x0] =	vst v12  }
0x151: {  	[tilespmem:s25+$0xFFFFFFF0] =	vst v5  }
0x152: {  	[tilespmem:s25+$0x10] =	vst v6  }
0x153: {  	[tilespmem:s25+$0xFFFFFFD0] =	vst v1  }
0x154: {  	v14 =	vand.u32 $0xFFFFFFFD, v14;
	v15 =	vmov s8;
	v11 =	vld.idx.msk [tilespmem:v11+s11+$0x0], $0xffff;
	v10 =	vmul.f32 v10, v5;
	s26 =	sadd.s32 $0x40, s24;
	[tilespmem:s25+$0x30] =	vst v0  }
0x155: {  	v12 =	vbroadcast v14, $0x0;
	v14 =	vand.u32 $0xFFFFFFFE, v15;
	v15 =	vld [tilespmem:s26+$0x0];
	[tilespmem:s25+$0xFFFFFFC0] =	vst v13  }
0x156: {  	s29 =	sadd.s32 $0x80, s25;
	v5 =	vmul.f32 v7, v0;
	v6 =	vld [tilespmem:s26+$0x10];
	v13 =	vbroadcast v14, $0x0;
	[tilespmem:s25+$0xFFFFFFE0] =	vst v10  }
0x157: {  	v10 =	vld [tilespmem:s26+$0xFFFFFFF0];
	[tilespmem:s29+$0x30] =	vst v2  }
0x158: {  	v14 =	vld [tilespmem:s26+$0xFFFFFFE0];
	[tilespmem:s25+$0x20] =	vst v5  }
0x159: {  	v3 =	vld.idx.msk [tilespmem:v3+s11+$0x0], $0xffff;
	[tilespmem:s29+$0xFFFFFFD0] =	vst v4  }
0x15a: {  	v1 =	vld.idx.msk [tilespmem:v9+s11+$0x0], $0xffff;
	[tilespmem:s29+$0xFFFFFFF0] =	vst v8;
	v7 =	vmul.f32 v15, v11  }
0x15b: {  	[tilespmem:s29+$0x10] =	vst v11;
	v6 =	vmul.f32 v6, v2;
	v5 =	vld.idx.msk [tilespmem:v12+s11+$0x0], $0xffff  }
0x15c: {  	s8 =	sadd.s32 $0x40, s26;
	v10 =	vmul.f32 v10, v8;
	v0 =	vld.idx.msk [tilespmem:v13+s11+$0x0], $0xffff;
	[tilespmem:s29+$0x0] =	vst v7  }
0x15d: {  	v9 =	vmul.f32 v14, v4;
	v7 =	vld [tilespmem:s8+$0x0];
	[tilespmem:s29+$0x20] =	vst v6  }
0x15e: {  	[tilespmem:s29+$0xFFFFFFE0] =	vst v10;
	v10 =	vld [tilespmem:s8+$0xFFFFFFF0]  }
0x15f: {  	s24 =	sadd.s32 $0x80, s29;
	[tilespmem:s29+$0xFFFFFFC0] =	vst v9;
	v9 =	vld [tilespmem:s8+$0xFFFFFFE0]  }
0x160: {  	v6 =	vld [tilespmem:s8+$0x10];
	[tilespmem:s24+$0x30] =	vst v3  }
0x161: {  	[tilespmem:s24+$0xFFFFFFD0] =	vst v1  }
0x162: {  	[tilespmem:s24+$0xFFFFFFF0] =	vst v5;
	v4 =	vmul.f32 v7, v0  }
0x163: {  	[tilespmem:s24+$0x10] =	vst v0;
	v2 =	vmul.f32 v10, v5  }
0x164: {  	v7 =	vmul.f32 v9, v1;
	[tilespmem:s24+$0x0] =	vst v4  }
0x165: {  	[tilespmem:s24+$0xFFFFFFE0] =	vst v2;
	v2 =	vmul.f32 v6, v3  }
0x166: {  	[tilespmem:s24+$0xFFFFFFC0] =	vst v7  }
0x167: {  	p0 =	seq.s32 s30, $0x18;
	[tilespmem:s24+$0x20] =	vst v2  }
0x168: {  	[spmem:s3] =	stream.indirect.scatter.add.f32 [tilespmem:s15], [sflag:$0x7], $0x20, s23, s7, $0xb8;
	[tilespmem:$0x13790] =	vst v63  }
0x169: {  	s8 =	simm.s32 @!p0 $0x6;
	s23 =	smul.u32 @!p0 $0x640, s30  }
0x16a: {  	_ =	swait.ge @!p0 [sflag:s8], $0xA00  }
0x16b: {  	s25 =	simm.s32 @!p0 $0x4E20;
	[sflag:s8] =	ssyncset.done @!p0 $0x0;
	s23 =	sshra.s32 @!p0 s23, $0x2  }
0x16c: {  	s24 =	simm.s32 @!p0 $0x50;
	[sflag:s8] =	ssyncadd.s32 @!p0 $0xFFFFF600;
	s8 =	sadd.s32 @!p0 $0x190, s23  }
0x16d: {  	[tilespmem:s25], [sflag:$0x1] =	stream.indirect.gather @!p0 [hbm4b:s1+s24], $0x10, s8, s24, $0xb8;
	[tilespmem:$0x13790] =	vst v63  }
0x16e: {  	v0 =	vld [tilespmem:s22+$0xA0]  }
0x16f: {  	v1 =	vld [tilespmem:s22+$0x27B0];
	_ =	sdelay $0x6  }
0x170: {  	v0 =	vld.idx.msk [tilespmem:v0+s5+$0x0], $0xffff  }
0x171: {  	v1 =	vld.idx.msk [tilespmem:v1+s6+$0x0], $0xffff;
	_ =	sdelay $0x4  }
0x172: {  	v0 =	vadd.f32 v1, v0;
	_ =	sdelay $0x1  }
0x173: {  	v1 =	vmul.f32 $2.000000030e-01, v0;
	_ =	sdelay $0x1  }
0x174: {  	v0 =	vmax.f32 v0, v1  }
0x175: {  	v0 =	vmul.f32 $1.442695020e+00, v0;
	_ =	sdelay $0x1  }
0x176: {  	(erf) = vpow2.f32 v0;
	_ =	sdelay $0x8  }
0x177: {  	v0 =	vpop (erf)  }
0x178: {  	[tilespmem:$0x9920] =	vst v0  }
0x179: {  	v0 =	vld [tilespmem:s22+$0xB0]  }
0x17a: {  	v1 =	vld [tilespmem:s22+$0x27C0];
	_ =	sdelay $0x6  }
0x17b: {  	v0 =	vld.idx.msk [tilespmem:v0+s5+$0x0], $0xffff  }
0x17c: {  	v1 =	vld.idx.msk [tilespmem:v1+s6+$0x0], $0xffff;
	_ =	sdelay $0x4  }
0x17d: {  	v0 =	vadd.f32 v1, v0;
	_ =	sdelay $0x1  }
0x17e: {  	v1 =	vmul.f32 $2.000000030e-01, v0;
	_ =	sdelay $0x1  }
0x17f: {  	v0 =	vmax.f32 v0, v1  }
0x180: {  	v0 =	vmul.f32 $1.442695020e+00, v0;
	_ =	sdelay $0x1  }
0x181: {  	(erf) = vpow2.f32 v0;
	_ =	sdelay $0x8  }
0x182: {  	v0 =	vpop (erf)  }
0x183: {  	[tilespmem:$0x9930] =	vst v0  }
0x184: {  	v0 =	vld [tilespmem:s22+$0xC0]  }
0x185: {  	v1 =	vld [tilespmem:s22+$0x27D0];
	_ =	sdelay $0x6  }
0x186: {  	v0 =	vld.idx.msk [tilespmem:v0+s5+$0x0], $0xffff  }
0x187: {  	v1 =	vld.idx.msk [tilespmem:v1+s6+$0x0], $0xffff;
	_ =	sdelay $0x4  }
0x188: {  	v0 =	vadd.f32 v1, v0;
	_ =	sdelay $0x1  }
0x189: {  	v1 =	vmul.f32 $2.000000030e-01, v0;
	_ =	sdelay $0x1  }
0x18a: {  	v0 =	vmax.f32 v0, v1  }
0x18b: {  	v0 =	vmul.f32 $1.442695020e+00, v0;
	_ =	sdelay $0x1  }
0x18c: {  	(erf) = vpow2.f32 v0;
	_ =	sdelay $0x8  }
0x18d: {  	v0 =	vpop (erf)  }
0x18e: {  	[tilespmem:$0x9940] =	vst v0  }
0x18f: {  	v0 =	vld [tilespmem:s22+$0xD0]  }
0x190: {  	v1 =	vld [tilespmem:s22+$0x27E0];
	_ =	sdelay $0x6  }
0x191: {  	v0 =	vld.idx.msk [tilespmem:v0+s5+$0x0], $0xffff  }
0x192: {  	v1 =	vld.idx.msk [tilespmem:v1+s6+$0x0], $0xffff;
	_ =	sdelay $0x4  }
0x193: {  	v0 =	vadd.f32 v1, v0;
	_ =	sdelay $0x1  }
0x194: {  	v1 =	vmul.f32 $2.000000030e-01, v0;
	_ =	sdelay $0x1  }
0x195: {  	v0 =	vmax.f32 v0, v1  }
0x196: {  	v0 =	vmul.f32 $1.442695020e+00, v0;
	_ =	sdelay $0x1  }
0x197: {  	(erf) = vpow2.f32 v0;
	_ =	sdelay $0x8  }
0x198: {  	v0 =	vpop (erf)  }
0x199: {  	[tilespmem:$0x9950] =	vst v0  }
0x19a: {  	v0 =	vld [tilespmem:s22+$0xE0]  }
0x19b: {  	v1 =	vld [tilespmem:s22+$0x27F0];
	_ =	sdelay $0x6  }
0x19c: {  	v0 =	vld.idx.msk [tilespmem:v0+s5+$0x0], $0xffff  }
0x19d: {  	v1 =	vld.idx.msk [tilespmem:v1+s6+$0x0], $0xffff;
	_ =	sdelay $0x4  }
0x19e: {  	v0 =	vadd.f32 v1, v0;
	_ =	sdelay $0x1  }
0x19f: {  	v1 =	vmul.f32 $2.000000030e-01, v0;
	_ =	sdelay $0x1  }
0x1a0: {  	v0 =	vmax.f32 v0, v1  }
0x1a1: {  	v0 =	vmul.f32 $1.442695020e+00, v0;
	_ =	sdelay $0x1  }
0x1a2: {  	(erf) = vpow2.f32 v0;
	_ =	sdelay $0x5  }
0x1a3: {  	s25 =	simm.s32 $0x0  }
0x1a4: {  	v0 =	vmov s25  }
0x1a5: {  	s26 =	simm.s32 $0x3;
	s29 =	simm.s32 $0x1;
	v0 =	vand.u32 $0xFFFFFFFC, v0  }
0x1a6: {  	v2 =	vmov s29;
	s24 =	simm.s32 $0x2;
	v1 =	vmov s26;
	v4 =	vbroadcast v0, $0x0;
	v3 =	vpop (erf)  }
0x1a7: {  	v0 =	vand.u32 $0xFFFFFFFD, v2;
	v2 =	vmov s24;
	[tilespmem:$0x9960] =	vst v3  }
0x1a8: {  	v3 =	vbroadcast v0, $0x0;
	v0 =	vand.u32 $0xFFFFFFFE, v2;
	_ =	swait.ge [sflag:s16], $0x500  }
0x1a9: {  	v2 =	vbroadcast v0, $0x0;
	[sflag:s16] =	ssyncset.done $0x0  }
0x1aa: {  	[sflag:s16] =	ssyncadd.s32 $0xFFFFFB00  }
0x1ab: {  	s26 =	simm.s32 $0x5;
	v0 =	vld.idx.msk [tilespmem:v1+s11+$0x0], $0xffff  }
0x1ac: {  	v6 =	vmov s26;
	s24 =	simm.s32 $0x5840;
	v1 =	vld.idx.msk [tilespmem:v4+s11+$0x0], $0xffff  }
0x1ad: {  	v7 =	vand.u32 $0xFFFFFFFD, v6;
	s25 =	simm.s32 $0x4;
	v9 =	vld [tilespmem:s24+$0x0]  }
0x1ae: {  	v8 =	vbroadcast v7, $0x0;
	v5 =	vmov s25;
	s25 =	simm.s32 $0x6;
	v13 =	vld [tilespmem:s24+$0xFFFFFFE0]  }
0x1af: {  	s29 =	simm.s32 $0x7;
	v4 =	vand.u32 $0xFFFFFFFC, v5;
	v6 =	vld.idx.msk [tilespmem:v2+s11+$0x0], $0xffff;
	v2 =	vmov s25  }
0x1b0: {  	v4 =	vbroadcast v4, $0x0;
	v5 =	vld.idx.msk [tilespmem:v3+s11+$0x0], $0xffff;
	v3 =	vmov s29;
	v2 =	vand.u32 $0xFFFFFFFE, v2  }
0x1b1: {  	v11 =	vbroadcast v2, $0x0  }
0x1b2: {  	v10 =	vld [tilespmem:s24+$0xFFFFFFF0]  }
0x1b3: {  	s26 =	simm.s32 $0x8;
	v7 =	vld [tilespmem:s24+$0x10]  }
0x1b4: {  	v12 =	vmov s26;
	v8 =	vld.idx.msk [tilespmem:v8+s11+$0x0], $0xffff  }
0x1b5: {  	s8 =	simm.s32 $0xA;
	s26 =	simm.s32 $0x9;
	v14 =	vand.u32 $0xFFFFFFFC, v12;
	s29 =	simm.s32 $0xB;
	v13 =	vmul.f32 v13, v1;
	v2 =	vld.idx.msk [tilespmem:v3+s11+$0x0], $0xffff;
	v12 =	vmul.f32 v9, v6  }
0x1b6: {  	s22 =	sadd.s32 $0x27B0, s22;
	s25 =	simm.s32 $0x7B60;
	v3 =	vmov s29;
	v4 =	vld.idx.msk [tilespmem:v4+s11+$0x0], $0xffff;
	v9 =	vbroadcast v14, $0x0;
	v14 =	vmov s26;
	s26 =	simm.s32 $0xC  }
.LBB2_7:
0x1b7: {  	p1 =	slt.u32 s26, $0x4C;
	v14 =	vand.u32 $0xFFFFFFFD, v14;
	v15 =	vmov s8;
	v16 =	vld.idx.msk [tilespmem:v11+s11+$0x0], $0xffff;
	v10 =	vmul.f32 v10, v5;
	[tilespmem:s25+$0x0] =	vst v12;
	s24 =	sadd.s32 $0x40, s24  }
0x1b8: {  	v17 =	vbroadcast v14, $0x0;
	v11 =	vand.u32 $0xFFFFFFFE, v15;
	v12 =	vld [tilespmem:s24+$0x0];
	[tilespmem:s25+$0xFFFFFFC0] =	vst v13;
	v13 =	vmul.f32 v7, v0  }
0x1b9: {  	v11 =	vbroadcast v11, $0x0;
	v15 =	vld [tilespmem:s24+$0xFFFFFFE0];
	[tilespmem:s25+$0xFFFFFFE0] =	vst v10  }
.Ltmp2:
0x1ba: {  	v18 =	vmov v2;
	v10 =	vld [tilespmem:s24+$0xFFFFFFF0];
	[tilespmem:s25+$0xFFFFFFF0] =	vst v5;
	(pc) =	sbr.rel @p1 .LBB2_7-.Ltmp2, $4  }
0x1bb: {  	v7 =	vld [tilespmem:s24+$0x10];
	[tilespmem:s25+$0x10] =	vst v6  }
0x1bc: {  	s8 =	sadd.s32 $0x3, s26;
	v14 =	vmov s26;
	v5 =	vmov v8;
	v2 =	vld.idx.msk [tilespmem:v3+s11+$0x0], $0xffff;
	[tilespmem:s25+$0xFFFFFFD0] =	vst v1;
	v1 =	vmov v4  }
0x1bd: {  	s29 =	sadd.s32 $0x1, s26;
	v8 =	vand.u32 $0xFFFFFFFC, v14;
	v3 =	vmov s8;
	v6 =	vmovc v16;
	v4 =	vld.idx.msk [tilespmem:v9+s11+$0x0], $0xffff;
	v12 =	vmul.f32 v12, v16;
	[tilespmem:s25+$0x20] =	vst v13  }
0x1be: {  	v14 =	vmov s29;
	s8 =	sadd.s32 $0x2, s26;
	s26 =	sadd.s32 $0x4, s26;
	v9 =	vbroadcast v8, $0x0;
	v8 =	vld.idx.msk [tilespmem:v17+s11+$0x0], $0xffff;
	v13 =	vmul.f32 v15, v1;
	[tilespmem:s25+$0x30] =	vst v0;
	s25 =	sadd.s32 $0x80, s25;
	v0 =	vmovc v18  }
0x1bf: {  	[tilespmem:s25+$0x0] =	vst v12  }
0x1c0: {  	[tilespmem:s25+$0xFFFFFFF0] =	vst v5  }
0x1c1: {  	[tilespmem:s25+$0x10] =	vst v6  }
0x1c2: {  	[tilespmem:s25+$0xFFFFFFD0] =	vst v1  }
0x1c3: {  	v14 =	vand.u32 $0xFFFFFFFD, v14;
	v15 =	vmov s8;
	v11 =	vld.idx.msk [tilespmem:v11+s11+$0x0], $0xffff;
	v10 =	vmul.f32 v10, v5;
	s26 =	sadd.s32 $0x40, s24;
	[tilespmem:s25+$0x30] =	vst v0  }
0x1c4: {  	v12 =	vbroadcast v14, $0x0;
	v14 =	vand.u32 $0xFFFFFFFE, v15;
	v15 =	vld [tilespmem:s26+$0x0];
	[tilespmem:s25+$0xFFFFFFC0] =	vst v13  }
0x1c5: {  	s29 =	sadd.s32 $0x80, s25;
	v5 =	vmul.f32 v7, v0;
	v6 =	vld [tilespmem:s26+$0x10];
	v13 =	vbroadcast v14, $0x0;
	[tilespmem:s25+$0xFFFFFFE0] =	vst v10  }
0x1c6: {  	v10 =	vld [tilespmem:s26+$0xFFFFFFF0];
	[tilespmem:s29+$0x30] =	vst v2  }
0x1c7: {  	v14 =	vld [tilespmem:s26+$0xFFFFFFE0];
	[tilespmem:s25+$0x20] =	vst v5  }
0x1c8: {  	v3 =	vld.idx.msk [tilespmem:v3+s11+$0x0], $0xffff;
	[tilespmem:s29+$0xFFFFFFD0] =	vst v4  }
0x1c9: {  	v1 =	vld.idx.msk [tilespmem:v9+s11+$0x0], $0xffff;
	[tilespmem:s29+$0xFFFFFFF0] =	vst v8;
	v7 =	vmul.f32 v15, v11  }
0x1ca: {  	[tilespmem:s29+$0x10] =	vst v11;
	v6 =	vmul.f32 v6, v2;
	v5 =	vld.idx.msk [tilespmem:v12+s11+$0x0], $0xffff  }
0x1cb: {  	s8 =	sadd.s32 $0x40, s26;
	v10 =	vmul.f32 v10, v8;
	v0 =	vld.idx.msk [tilespmem:v13+s11+$0x0], $0xffff;
	[tilespmem:s29+$0x0] =	vst v7  }
0x1cc: {  	v9 =	vmul.f32 v14, v4;
	v7 =	vld [tilespmem:s8+$0x0];
	[tilespmem:s29+$0x20] =	vst v6  }
0x1cd: {  	[tilespmem:s29+$0xFFFFFFE0] =	vst v10;
	v10 =	vld [tilespmem:s8+$0xFFFFFFF0]  }
0x1ce: {  	s25 =	sadd.s32 $0x80, s29;
	[tilespmem:s29+$0xFFFFFFC0] =	vst v9;
	v9 =	vld [tilespmem:s8+$0xFFFFFFE0]  }
0x1cf: {  	v6 =	vld [tilespmem:s8+$0x10];
	[tilespmem:s25+$0x30] =	vst v3  }
0x1d0: {  	[tilespmem:s25+$0xFFFFFFD0] =	vst v1  }
0x1d1: {  	[tilespmem:s25+$0xFFFFFFF0] =	vst v5;
	v4 =	vmul.f32 v7, v0  }
0x1d2: {  	[tilespmem:s25+$0x10] =	vst v0;
	v2 =	vmul.f32 v10, v5  }
0x1d3: {  	v7 =	vmul.f32 v9, v1;
	[tilespmem:s25+$0x0] =	vst v4  }
0x1d4: {  	[tilespmem:s25+$0xFFFFFFE0] =	vst v2;
	v2 =	vmul.f32 v6, v3  }
0x1d5: {  	[tilespmem:s25+$0xFFFFFFC0] =	vst v7  }
0x1d6: {  	s8 =	simm.s32 @!p0 $0x7;
	[tilespmem:s25+$0x20] =	vst v2  }
0x1d7: {  	[spmem:s3] =	stream.indirect.scatter.add.f32 [tilespmem:s17], [sflag:$0x8], $0x20, s22, s7, $0xb8;
	[tilespmem:$0x13790] =	vst v63  }
0x1d8: {  	_ =	swait.ge @!p0 [sflag:s8], $0xA00  }
0x1d9: {  	s24 =	simm.s32 @!p0 $0x50;
	s25 =	simm.s32 @!p0 $0x5320;
	[sflag:s8] =	ssyncset.done @!p0 $0x0  }
0x1da: {  	s22 =	smul.u32 $0x50, s31;
	[sflag:s8] =	ssyncadd.s32 @!p0 $0xFFFFF600;
	s8 =	sadd.s32 @!p0 $0x1E0, s23  }
0x1db: {  	[tilespmem:s25], [sflag:$0x2] =	stream.indirect.gather @!p0 [hbm4b:s1+s24], $0x10, s8, s24, $0xb8;
	[tilespmem:$0x13790] =	vst v63  }
0x1dc: {  	v0 =	vld [tilespmem:s22+$0x0]  }
0x1dd: {  	v1 =	vld [tilespmem:s22+$0x2710];
	_ =	sdelay $0x6  }
0x1de: {  	v0 =	vld.idx.msk [tilespmem:v0+s5+$0x0], $0xffff  }
0x1df: {  	v1 =	vld.idx.msk [tilespmem:v1+s6+$0x0], $0xffff;
	_ =	sdelay $0x4  }
0x1e0: {  	v0 =	vadd.f32 v1, v0;
	_ =	sdelay $0x1  }
0x1e1: {  	v1 =	vmul.f32 $2.000000030e-01, v0;
	_ =	sdelay $0x1  }
0x1e2: {  	v0 =	vmax.f32 v0, v1  }
0x1e3: {  	v0 =	vmul.f32 $1.442695020e+00, v0;
	_ =	sdelay $0x1  }
0x1e4: {  	(erf) = vpow2.f32 v0;
	_ =	sdelay $0x8  }
0x1e5: {  	v0 =	vpop (erf)  }
0x1e6: {  	[tilespmem:$0x9920] =	vst v0  }
0x1e7: {  	v0 =	vld [tilespmem:s22+$0x10]  }
0x1e8: {  	v1 =	vld [tilespmem:s22+$0x2720];
	_ =	sdelay $0x6  }
0x1e9: {  	v0 =	vld.idx.msk [tilespmem:v0+s5+$0x0], $0xffff  }
0x1ea: {  	v1 =	vld.idx.msk [tilespmem:v1+s6+$0x0], $0xffff;
	_ =	sdelay $0x4  }
0x1eb: {  	v0 =	vadd.f32 v1, v0;
	_ =	sdelay $0x1  }
0x1ec: {  	v1 =	vmul.f32 $2.000000030e-01, v0;
	_ =	sdelay $0x1  }
0x1ed: {  	v0 =	vmax.f32 v0, v1  }
0x1ee: {  	v0 =	vmul.f32 $1.442695020e+00, v0;
	_ =	sdelay $0x1  }
0x1ef: {  	(erf) = vpow2.f32 v0;
	_ =	sdelay $0x8  }
0x1f0: {  	v0 =	vpop (erf)  }
0x1f1: {  	[tilespmem:$0x9930] =	vst v0  }
0x1f2: {  	v0 =	vld [tilespmem:s22+$0x20]  }
0x1f3: {  	v1 =	vld [tilespmem:s22+$0x2730];
	_ =	sdelay $0x6  }
0x1f4: {  	v0 =	vld.idx.msk [tilespmem:v0+s5+$0x0], $0xffff  }
0x1f5: {  	v1 =	vld.idx.msk [tilespmem:v1+s6+$0x0], $0xffff;
	_ =	sdelay $0x4  }
0x1f6: {  	v0 =	vadd.f32 v1, v0;
	_ =	sdelay $0x1  }
0x1f7: {  	v1 =	vmul.f32 $2.000000030e-01, v0;
	_ =	sdelay $0x1  }
0x1f8: {  	v0 =	vmax.f32 v0, v1  }
0x1f9: {  	v0 =	vmul.f32 $1.442695020e+00, v0;
	_ =	sdelay $0x1  }
0x1fa: {  	(erf) = vpow2.f32 v0;
	_ =	sdelay $0x8  }
0x1fb: {  	v0 =	vpop (erf)  }
0x1fc: {  	[tilespmem:$0x9940] =	vst v0  }
0x1fd: {  	v0 =	vld [tilespmem:s22+$0x30]  }
0x1fe: {  	v1 =	vld [tilespmem:s22+$0x2740];
	_ =	sdelay $0x6  }
0x1ff: {  	v0 =	vld.idx.msk [tilespmem:v0+s5+$0x0], $0xffff  }
0x200: {  	v1 =	vld.idx.msk [tilespmem:v1+s6+$0x0], $0xffff;
	_ =	sdelay $0x4  }
0x201: {  	v0 =	vadd.f32 v1, v0;
	_ =	sdelay $0x1  }
0x202: {  	v1 =	vmul.f32 $2.000000030e-01, v0;
	_ =	sdelay $0x1  }
0x203: {  	v0 =	vmax.f32 v0, v1  }
0x204: {  	v0 =	vmul.f32 $1.442695020e+00, v0;
	_ =	sdelay $0x1  }
0x205: {  	(erf) = vpow2.f32 v0;
	_ =	sdelay $0x8  }
0x206: {  	v0 =	vpop (erf)  }
0x207: {  	[tilespmem:$0x9950] =	vst v0  }
0x208: {  	v0 =	vld [tilespmem:s22+$0x40]  }
0x209: {  	v1 =	vld [tilespmem:s22+$0x2750];
	_ =	sdelay $0x6  }
0x20a: {  	v0 =	vld.idx.msk [tilespmem:v0+s5+$0x0], $0xffff  }
0x20b: {  	v1 =	vld.idx.msk [tilespmem:v1+s6+$0x0], $0xffff;
	_ =	sdelay $0x4  }
0x20c: {  	v0 =	vadd.f32 v1, v0;
	_ =	sdelay $0x1  }
0x20d: {  	v1 =	vmul.f32 $2.000000030e-01, v0;
	_ =	sdelay $0x1  }
0x20e: {  	v0 =	vmax.f32 v0, v1  }
0x20f: {  	v0 =	vmul.f32 $1.442695020e+00, v0;
	_ =	sdelay $0x1  }
0x210: {  	(erf) = vpow2.f32 v0;
	_ =	sdelay $0x5  }
0x211: {  	s26 =	simm.s32 $0x0  }
0x212: {  	v0 =	vmov s26  }
0x213: {  	s29 =	simm.s32 $0x3;
	s31 =	simm.s32 $0x1;
	v0 =	vand.u32 $0xFFFFFFFC, v0  }
0x214: {  	v2 =	vmov s31;
	s25 =	simm.s32 $0x2;
	v1 =	vmov s29;
	v4 =	vbroadcast v0, $0x0;
	v3 =	vpop (erf)  }
0x215: {  	v0 =	vand.u32 $0xFFFFFFFD, v2;
	v2 =	vmov s25;
	[tilespmem:$0x9960] =	vst v3  }
0x216: {  	v3 =	vbroadcast v0, $0x0;
	v0 =	vand.u32 $0xFFFFFFFE, v2;
	_ =	swait.ge [sflag:s18], $0x500  }
0x217: {  	v2 =	vbroadcast v0, $0x0;
	[sflag:s18] =	ssyncset.done $0x0  }
0x218: {  	[sflag:s18] =	ssyncadd.s32 $0xFFFFFB00  }
0x219: {  	s29 =	simm.s32 $0x5;
	v0 =	vld.idx.msk [tilespmem:v1+s11+$0x0], $0xffff  }
0x21a: {  	s24 =	simm.s32 $0x5D40;
	v6 =	vmov s29;
	v1 =	vld.idx.msk [tilespmem:v4+s11+$0x0], $0xffff  }
0x21b: {  	v7 =	vand.u32 $0xFFFFFFFD, v6;
	s26 =	simm.s32 $0x4;
	v9 =	vld [tilespmem:s24+$0x0]  }
0x21c: {  	v8 =	vbroadcast v7, $0x0;
	v5 =	vmov s26;
	s26 =	simm.s32 $0x6;
	v13 =	vld [tilespmem:s24+$0xFFFFFFE0]  }
0x21d: {  	s31 =	simm.s32 $0x7;
	v4 =	vand.u32 $0xFFFFFFFC, v5;
	v6 =	vld.idx.msk [tilespmem:v2+s11+$0x0], $0xffff;
	v2 =	vmov s26  }
0x21e: {  	v4 =	vbroadcast v4, $0x0;
	v5 =	vld.idx.msk [tilespmem:v3+s11+$0x0], $0xffff;
	v3 =	vmov s31;
	v2 =	vand.u32 $0xFFFFFFFE, v2  }
0x21f: {  	v11 =	vbroadcast v2, $0x0  }
0x220: {  	v10 =	vld [tilespmem:s24+$0xFFFFFFF0]  }
0x221: {  	s29 =	simm.s32 $0x8;
	v7 =	vld [tilespmem:s24+$0x10]  }
0x222: {  	v12 =	vmov s29;
	v8 =	vld.idx.msk [tilespmem:v8+s11+$0x0], $0xffff  }
0x223: {  	s8 =	simm.s32 $0xA;
	v14 =	vand.u32 $0xFFFFFFFC, v12;
	s31 =	simm.s32 $0xB;
	s26 =	simm.s32 $0x9;
	v13 =	vmul.f32 v13, v1;
	v2 =	vld.idx.msk [tilespmem:v3+s11+$0x0], $0xffff;
	v12 =	vmul.f32 v9, v6  }
0x224: {  	s22 =	sadd.s32 $0x2710, s22;
	s25 =	simm.s32 $0x8560;
	v3 =	vmov s31;
	v4 =	vld.idx.msk [tilespmem:v4+s11+$0x0], $0xffff;
	v9 =	vbroadcast v14, $0x0;
	v14 =	vmov s26;
	s26 =	simm.s32 $0xC  }
.LBB2_9:
0x225: {  	p1 =	slt.u32 s26, $0x4C;
	v14 =	vand.u32 $0xFFFFFFFD, v14;
	v15 =	vmov s8;
	v16 =	vld.idx.msk [tilespmem:v11+s11+$0x0], $0xffff;
	v10 =	vmul.f32 v10, v5;
	[tilespmem:s25+$0x0] =	vst v12;
	s24 =	sadd.s32 $0x40, s24  }
0x226: {  	v17 =	vbroadcast v14, $0x0;
	v11 =	vand.u32 $0xFFFFFFFE, v15;
	v12 =	vld [tilespmem:s24+$0x0];
	[tilespmem:s25+$0xFFFFFFC0] =	vst v13;
	v13 =	vmul.f32 v7, v0  }
0x227: {  	v11 =	vbroadcast v11, $0x0;
	v15 =	vld [tilespmem:s24+$0xFFFFFFE0];
	[tilespmem:s25+$0xFFFFFFE0] =	vst v10  }
.Ltmp3:
0x228: {  	v18 =	vmov v2;
	v10 =	vld [tilespmem:s24+$0xFFFFFFF0];
	[tilespmem:s25+$0xFFFFFFF0] =	vst v5;
	(pc) =	sbr.rel @p1 .LBB2_9-.Ltmp3, $4  }
0x229: {  	v7 =	vld [tilespmem:s24+$0x10];
	[tilespmem:s25+$0x10] =	vst v6  }
0x22a: {  	s8 =	sadd.s32 $0x3, s26;
	v14 =	vmov s26;
	v5 =	vmov v8;
	v2 =	vld.idx.msk [tilespmem:v3+s11+$0x0], $0xffff;
	[tilespmem:s25+$0xFFFFFFD0] =	vst v1;
	v1 =	vmov v4  }
0x22b: {  	s29 =	sadd.s32 $0x1, s26;
	v8 =	vand.u32 $0xFFFFFFFC, v14;
	v3 =	vmov s8;
	v6 =	vmovc v16;
	v4 =	vld.idx.msk [tilespmem:v9+s11+$0x0], $0xffff;
	v12 =	vmul.f32 v12, v16;
	[tilespmem:s25+$0x20] =	vst v13  }
0x22c: {  	v14 =	vmov s29;
	s8 =	sadd.s32 $0x2, s26;
	s26 =	sadd.s32 $0x4, s26;
	v9 =	vbroadcast v8, $0x0;
	v8 =	vld.idx.msk [tilespmem:v17+s11+$0x0], $0xffff;
	v13 =	vmul.f32 v15, v1;
	[tilespmem:s25+$0x30] =	vst v0;
	s25 =	sadd.s32 $0x80, s25;
	v0 =	vmovc v18  }
0x22d: {  	[tilespmem:s25+$0x0] =	vst v12  }
0x22e: {  	[tilespmem:s25+$0xFFFFFFF0] =	vst v5  }
0x22f: {  	[tilespmem:s25+$0x10] =	vst v6  }
0x230: {  	[tilespmem:s25+$0xFFFFFFD0] =	vst v1  }
0x231: {  	v14 =	vand.u32 $0xFFFFFFFD, v14;
	v15 =	vmov s8;
	v11 =	vld.idx.msk [tilespmem:v11+s11+$0x0], $0xffff;
	v10 =	vmul.f32 v10, v5;
	s29 =	sadd.s32 $0x40, s24;
	[tilespmem:s25+$0x30] =	vst v0  }
0x232: {  	v12 =	vbroadcast v14, $0x0;
	v14 =	vand.u32 $0xFFFFFFFE, v15;
	v15 =	vld [tilespmem:s29+$0x0];
	[tilespmem:s25+$0xFFFFFFC0] =	vst v13  }
0x233: {  	s31 =	sadd.s32 $0x80, s25;
	v5 =	vmul.f32 v7, v0;
	v6 =	vld [tilespmem:s29+$0x10];
	v13 =	vbroadcast v14, $0x0;
	[tilespmem:s25+$0xFFFFFFE0] =	vst v10  }
0x234: {  	v10 =	vld [tilespmem:s29+$0xFFFFFFF0];
	[tilespmem:s31+$0x30] =	vst v2  }
0x235: {  	v14 =	vld [tilespmem:s29+$0xFFFFFFE0];
	[tilespmem:s25+$0x20] =	vst v5  }
0x236: {  	v3 =	vld.idx.msk [tilespmem:v3+s11+$0x0], $0xffff;
	[tilespmem:s31+$0xFFFFFFD0] =	vst v4  }
0x237: {  	v1 =	vld.idx.msk [tilespmem:v9+s11+$0x0], $0xffff;
	[tilespmem:s31+$0xFFFFFFF0] =	vst v8;
	v7 =	vmul.f32 v15, v11  }
0x238: {  	[tilespmem:s31+$0x10] =	vst v11;
	v6 =	vmul.f32 v6, v2;
	v5 =	vld.idx.msk [tilespmem:v12+s11+$0x0], $0xffff  }
0x239: {  	s8 =	sadd.s32 $0x40, s29;
	v10 =	vmul.f32 v10, v8;
	v0 =	vld.idx.msk [tilespmem:v13+s11+$0x0], $0xffff;
	[tilespmem:s31+$0x0] =	vst v7  }
0x23a: {  	v9 =	vmul.f32 v14, v4;
	v7 =	vld [tilespmem:s8+$0x0];
	[tilespmem:s31+$0x20] =	vst v6  }
0x23b: {  	[tilespmem:s31+$0xFFFFFFE0] =	vst v10;
	v10 =	vld [tilespmem:s8+$0xFFFFFFF0]  }
0x23c: {  	s24 =	sadd.s32 $0x80, s31;
	[tilespmem:s31+$0xFFFFFFC0] =	vst v9;
	v9 =	vld [tilespmem:s8+$0xFFFFFFE0]  }
0x23d: {  	v6 =	vld [tilespmem:s8+$0x10];
	[tilespmem:s24+$0x30] =	vst v3  }
0x23e: {  	[tilespmem:s24+$0xFFFFFFD0] =	vst v1  }
0x23f: {  	[tilespmem:s24+$0xFFFFFFF0] =	vst v5;
	v4 =	vmul.f32 v7, v0  }
0x240: {  	[tilespmem:s24+$0x10] =	vst v0;
	v2 =	vmul.f32 v10, v5  }
0x241: {  	v7 =	vmul.f32 v9, v1;
	[tilespmem:s24+$0x0] =	vst v4  }
0x242: {  	[tilespmem:s24+$0xFFFFFFE0] =	vst v2;
	v2 =	vmul.f32 v6, v3  }
0x243: {  	[tilespmem:s24+$0xFFFFFFC0] =	vst v7  }
0x244: {  	s8 =	simm.s32 @!p0 $0x8;
	[tilespmem:s24+$0x20] =	vst v2  }
0x245: {  	[spmem:s3] =	stream.indirect.scatter.add.f32 [tilespmem:s19], [sflag:$0x9], $0x20, s22, s7, $0xb8;
	[tilespmem:$0x13790] =	vst v63  }
0x246: {  	_ =	swait.ge @!p0 [sflag:s8], $0xA00  }
0x247: {  	s2 =	smul.u32 $0x50, s2;
	s22 =	simm.s32 @!p0 $0x50;
	[sflag:s8] =	ssyncset.done @!p0 $0x0  }
0x248: {  	[sflag:s8] =	ssyncadd.s32 @!p0 $0xFFFFF600;
	s8 =	sadd.s32 @!p0 $0x230, s23;
	s23 =	simm.s32 @!p0 $0x5820  }
0x249: {  	[tilespmem:s23], [sflag:$0x3] =	stream.indirect.gather @!p0 [hbm4b:s1+s22], $0x10, s8, s22, $0xb8;
	[tilespmem:$0x13790] =	vst v63  }
0x24a: {  	v0 =	vld [tilespmem:s2+$0x0]  }
0x24b: {  	v1 =	vld [tilespmem:s2+$0x2710];
	_ =	sdelay $0x6  }
0x24c: {  	v0 =	vld.idx.msk [tilespmem:v0+s5+$0x0], $0xffff  }
0x24d: {  	v1 =	vld.idx.msk [tilespmem:v1+s6+$0x0], $0xffff;
	_ =	sdelay $0x4  }
0x24e: {  	v0 =	vadd.f32 v1, v0;
	_ =	sdelay $0x1  }
0x24f: {  	v1 =	vmul.f32 $2.000000030e-01, v0;
	_ =	sdelay $0x1  }
0x250: {  	v0 =	vmax.f32 v0, v1  }
0x251: {  	v0 =	vmul.f32 $1.442695020e+00, v0;
	_ =	sdelay $0x1  }
0x252: {  	(erf) = vpow2.f32 v0;
	_ =	sdelay $0x8  }
0x253: {  	v0 =	vpop (erf)  }
0x254: {  	[tilespmem:$0x9920] =	vst v0  }
0x255: {  	v0 =	vld [tilespmem:s2+$0x10]  }
0x256: {  	v1 =	vld [tilespmem:s2+$0x2720];
	_ =	sdelay $0x6  }
0x257: {  	v0 =	vld.idx.msk [tilespmem:v0+s5+$0x0], $0xffff  }
0x258: {  	v1 =	vld.idx.msk [tilespmem:v1+s6+$0x0], $0xffff;
	_ =	sdelay $0x4  }
0x259: {  	v0 =	vadd.f32 v1, v0;
	_ =	sdelay $0x1  }
0x25a: {  	v1 =	vmul.f32 $2.000000030e-01, v0;
	_ =	sdelay $0x1  }
0x25b: {  	v0 =	vmax.f32 v0, v1  }
0x25c: {  	v0 =	vmul.f32 $1.442695020e+00, v0;
	_ =	sdelay $0x1  }
0x25d: {  	(erf) = vpow2.f32 v0;
	_ =	sdelay $0x8  }
0x25e: {  	v0 =	vpop (erf)  }
0x25f: {  	[tilespmem:$0x9930] =	vst v0  }
0x260: {  	v0 =	vld [tilespmem:s2+$0x20]  }
0x261: {  	v1 =	vld [tilespmem:s2+$0x2730];
	_ =	sdelay $0x6  }
0x262: {  	v0 =	vld.idx.msk [tilespmem:v0+s5+$0x0], $0xffff  }
0x263: {  	v1 =	vld.idx.msk [tilespmem:v1+s6+$0x0], $0xffff;
	_ =	sdelay $0x4  }
0x264: {  	v0 =	vadd.f32 v1, v0;
	_ =	sdelay $0x1  }
0x265: {  	v1 =	vmul.f32 $2.000000030e-01, v0;
	_ =	sdelay $0x1  }
0x266: {  	v0 =	vmax.f32 v0, v1  }
0x267: {  	v0 =	vmul.f32 $1.442695020e+00, v0;
	_ =	sdelay $0x1  }
0x268: {  	(erf) = vpow2.f32 v0;
	_ =	sdelay $0x8  }
0x269: {  	v0 =	vpop (erf)  }
0x26a: {  	[tilespmem:$0x9940] =	vst v0  }
0x26b: {  	v0 =	vld [tilespmem:s2+$0x30]  }
0x26c: {  	v1 =	vld [tilespmem:s2+$0x2740];
	_ =	sdelay $0x6  }
0x26d: {  	v0 =	vld.idx.msk [tilespmem:v0+s5+$0x0], $0xffff  }
0x26e: {  	v1 =	vld.idx.msk [tilespmem:v1+s6+$0x0], $0xffff;
	_ =	sdelay $0x4  }
0x26f: {  	v0 =	vadd.f32 v1, v0;
	_ =	sdelay $0x1  }
0x270: {  	v1 =	vmul.f32 $2.000000030e-01, v0;
	_ =	sdelay $0x1  }
0x271: {  	v0 =	vmax.f32 v0, v1  }
0x272: {  	v0 =	vmul.f32 $1.442695020e+00, v0;
	_ =	sdelay $0x1  }
0x273: {  	(erf) = vpow2.f32 v0;
	_ =	sdelay $0x8  }
0x274: {  	v0 =	vpop (erf)  }
0x275: {  	[tilespmem:$0x9950] =	vst v0  }
0x276: {  	v0 =	vld [tilespmem:s2+$0x40]  }
0x277: {  	v1 =	vld [tilespmem:s2+$0x2750];
	_ =	sdelay $0x6  }
0x278: {  	v0 =	vld.idx.msk [tilespmem:v0+s5+$0x0], $0xffff  }
0x279: {  	v1 =	vld.idx.msk [tilespmem:v1+s6+$0x0], $0xffff;
	_ =	sdelay $0x4  }
0x27a: {  	v0 =	vadd.f32 v1, v0;
	_ =	sdelay $0x1  }
0x27b: {  	v1 =	vmul.f32 $2.000000030e-01, v0;
	_ =	sdelay $0x1  }
0x27c: {  	v0 =	vmax.f32 v0, v1  }
0x27d: {  	v0 =	vmul.f32 $1.442695020e+00, v0;
	_ =	sdelay $0x1  }
0x27e: {  	(erf) = vpow2.f32 v0;
	_ =	sdelay $0x5  }
0x27f: {  	s25 =	simm.s32 $0x0  }
0x280: {  	v0 =	vmov s25  }
0x281: {  	s26 =	simm.s32 $0x3;
	s29 =	simm.s32 $0x1;
	v0 =	vand.u32 $0xFFFFFFFC, v0  }
0x282: {  	s31 =	simm.s32 $0x2;
	v2 =	vmov s29;
	v1 =	vmov s26;
	v4 =	vbroadcast v0, $0x0;
	v3 =	vpop (erf)  }
0x283: {  	v0 =	vand.u32 $0xFFFFFFFD, v2;
	v2 =	vmov s31;
	[tilespmem:$0x9960] =	vst v3  }
0x284: {  	v3 =	vbroadcast v0, $0x0;
	v0 =	vand.u32 $0xFFFFFFFE, v2;
	_ =	swait.ge [sflag:s20], $0x500  }
0x285: {  	v2 =	vbroadcast v0, $0x0;
	[sflag:s20] =	ssyncset.done $0x0  }
0x286: {  	[sflag:s20] =	ssyncadd.s32 $0xFFFFFB00  }
0x287: {  	s22 =	simm.s32 $0x4;
	s23 =	simm.s32 $0x5;
	v0 =	vld.idx.msk [tilespmem:v1+s11+$0x0], $0xffff  }
0x288: {  	v5 =	vmov s22;
	v6 =	vmov s23;
	s22 =	simm.s32 $0x6240;
	v1 =	vld.idx.msk [tilespmem:v4+s11+$0x0], $0xffff  }
0x289: {  	v7 =	vand.u32 $0xFFFFFFFD, v6;
	v9 =	vld [tilespmem:s22+$0x0]  }
0x28a: {  	v8 =	vbroadcast v7, $0x0;
	s25 =	simm.s32 $0x6;
	v13 =	vld [tilespmem:s22+$0xFFFFFFE0]  }
0x28b: {  	s24 =	simm.s32 $0x7;
	v4 =	vand.u32 $0xFFFFFFFC, v5;
	v6 =	vld.idx.msk [tilespmem:v2+s11+$0x0], $0xffff;
	v2 =	vmov s25  }
0x28c: {  	v4 =	vbroadcast v4, $0x0;
	v5 =	vld.idx.msk [tilespmem:v3+s11+$0x0], $0xffff;
	v3 =	vmov s24;
	v2 =	vand.u32 $0xFFFFFFFE, v2  }
0x28d: {  	v11 =	vbroadcast v2, $0x0  }
0x28e: {  	v10 =	vld [tilespmem:s22+$0xFFFFFFF0]  }
0x28f: {  	s26 =	simm.s32 $0x8;
	v7 =	vld [tilespmem:s22+$0x10]  }
0x290: {  	v12 =	vmov s26;
	v8 =	vld.idx.msk [tilespmem:v8+s11+$0x0], $0xffff  }
0x291: {  	s29 =	simm.s32 $0xB;
	s8 =	simm.s32 $0xA;
	v14 =	vand.u32 $0xFFFFFFFC, v12;
	s31 =	simm.s32 $0x9;
	v13 =	vmul.f32 v13, v1;
	v2 =	vld.idx.msk [tilespmem:v3+s11+$0x0], $0xffff;
	v12 =	vmul.f32 v9, v6  }
0x292: {  	s23 =	simm.s32 $0x8F60;
	s2 =	sadd.s32 $0x2710, s2;
	s24 =	simm.s32 $0xC;
	v3 =	vmov s29;
	v4 =	vld.idx.msk [tilespmem:v4+s11+$0x0], $0xffff;
	v9 =	vbroadcast v14, $0x0;
	v14 =	vmov s31  }
.LBB2_11:
0x293: {  	p0 =	slt.u32 s24, $0x4C;
	v14 =	vand.u32 $0xFFFFFFFD, v14;
	v15 =	vmov s8;
	v16 =	vld.idx.msk [tilespmem:v11+s11+$0x0], $0xffff;
	v10 =	vmul.f32 v10, v5;
	[tilespmem:s23+$0x0] =	vst v12;
	s22 =	sadd.s32 $0x40, s22  }
0x294: {  	v17 =	vbroadcast v14, $0x0;
	v11 =	vand.u32 $0xFFFFFFFE, v15;
	v12 =	vld [tilespmem:s22+$0x0];
	[tilespmem:s23+$0xFFFFFFC0] =	vst v13;
	v13 =	vmul.f32 v7, v0  }
0x295: {  	v11 =	vbroadcast v11, $0x0;
	v15 =	vld [tilespmem:s22+$0xFFFFFFE0];
	[tilespmem:s23+$0xFFFFFFE0] =	vst v10  }
.Ltmp4:
0x296: {  	v18 =	vmov v2;
	v10 =	vld [tilespmem:s22+$0xFFFFFFF0];
	[tilespmem:s23+$0xFFFFFFF0] =	vst v5;
	(pc) =	sbr.rel @p0 .LBB2_11-.Ltmp4, $4  }
0x297: {  	v7 =	vld [tilespmem:s22+$0x10];
	[tilespmem:s23+$0x10] =	vst v6  }
0x298: {  	s8 =	sadd.s32 $0x3, s24;
	v14 =	vmov s24;
	v5 =	vmov v8;
	v2 =	vld.idx.msk [tilespmem:v3+s11+$0x0], $0xffff;
	[tilespmem:s23+$0xFFFFFFD0] =	vst v1;
	v1 =	vmov v4  }
0x299: {  	s25 =	sadd.s32 $0x1, s24;
	v8 =	vand.u32 $0xFFFFFFFC, v14;
	v3 =	vmov s8;
	v6 =	vmovc v16;
	v4 =	vld.idx.msk [tilespmem:v9+s11+$0x0], $0xffff;
	v12 =	vmul.f32 v12, v16;
	[tilespmem:s23+$0x20] =	vst v13  }
0x29a: {  	v14 =	vmov s25;
	s8 =	sadd.s32 $0x2, s24;
	s24 =	sadd.s32 $0x4, s24;
	v9 =	vbroadcast v8, $0x0;
	v8 =	vld.idx.msk [tilespmem:v17+s11+$0x0], $0xffff;
	v13 =	vmul.f32 v15, v1;
	[tilespmem:s23+$0x30] =	vst v0;
	s23 =	sadd.s32 $0x80, s23;
	v0 =	vmovc v18  }
0x29b: {  	_ = 	snop  }
0x29c: {  	[tilespmem:s23+$0x0] =	vst v12  }
0x29d: {  	[tilespmem:s23+$0xFFFFFFF0] =	vst v5  }
0x29e: {  	[tilespmem:s23+$0x10] =	vst v6  }
0x29f: {  	v11 =	vld.idx.msk [tilespmem:v11+s11+$0x0], $0xffff;
	[tilespmem:s23+$0xFFFFFFD0] =	vst v1  }
0x2a0: {  	v10 =	vmul.f32 v10, v5;
	s26 =	sadd.s32 $0x40, s22;
	[tilespmem:s23+$0x30] =	vst v0;
	v3 =	vld.idx.msk [tilespmem:v3+s11+$0x0], $0xffff  }
0x2a1: {  	v45 =	vld [tilespmem:s26+$0x0];
	[tilespmem:s23+$0xFFFFFFC0] =	vst v13  }
0x2a2: {  	s29 =	sadd.s32 $0x80, s23;
	v47 =	vld [tilespmem:s26+$0xFFFFFFE0];
	v49 =	vmul.f32 v7, v0;
	[tilespmem:s23+$0xFFFFFFE0] =	vst v10  }
0x2a3: {  	v50 =	vld [tilespmem:s26+$0x10];
	[tilespmem:s29+$0x30] =	vst v2  }
0x2a4: {  	v14 =	vand.u32 $0xFFFFFFFD, v14;
	v15 =	vmov s8;
	v51 =	vld.idx.msk [tilespmem:v9+s11+$0x0], $0xffff;
	[tilespmem:s23+$0x20] =	vst v49  }
0x2a5: {  	v43 =	vbroadcast v14, $0x0;
	v44 =	vand.u32 $0xFFFFFFFE, v15;
	v48 =	vld [tilespmem:s26+$0xFFFFFFF0];
	[tilespmem:s29+$0xFFFFFFD0] =	vst v4  }
0x2a6: {  	s8 =	sadd.s32 $0x40, s26;
	v46 =	vbroadcast v44, $0x0;
	[tilespmem:s29+$0xFFFFFFF0] =	vst v8  }
0x2a7: {  	s31 =	sadd.s32 $0x80, s29;
	v57 =	vld [tilespmem:s8+$0xFFFFFFE0];
	[tilespmem:s29+$0x10] =	vst v11  }
0x2a8: {  	v60 =	vld [tilespmem:s8+$0x10];
	[tilespmem:s31+$0x30] =	vst v3;
	v52 =	vmul.f32 v45, v11  }
0x2a9: {  	v56 =	vld [tilespmem:s8+$0x0];
	v54 =	vmul.f32 v47, v4;
	[tilespmem:s31+$0xFFFFFFD0] =	vst v51  }
0x2aa: {  	v58 =	vld [tilespmem:s8+$0xFFFFFFF0];
	v10 =	vmul.f32 v48, v8;
	[tilespmem:s29+$0x0] =	vst v52  }
0x2ab: {  	v6 =	vmul.f32 v50, v2;
	v53 =	vld.idx.msk [tilespmem:v43+s11+$0x0], $0xffff;
	[tilespmem:s29+$0xFFFFFFC0] =	vst v54  }
0x2ac: {  	v61 =	vmul.f32 v57, v51;
	v55 =	vld.idx.msk [tilespmem:v46+s11+$0x0], $0xffff;
	[tilespmem:s29+$0xFFFFFFE0] =	vst v10  }
0x2ad: {  	v63 =	vmul.f32 v60, v3;
	[tilespmem:s29+$0x20] =	vst v6  }
0x2ae: {  	s30 =	sadd.s32 $0x1, s30;
	[tilespmem:s31+$0xFFFFFFC0] =	vst v61  }
0x2af: {  	p0 =	sne.s32 s30, $0x19;
	[tilespmem:s31+$0x20] =	vst v63  }
.Ltmp5:
0x2b0: {  	v62 =	vmul.f32 v58, v53;
	[tilespmem:s31+$0xFFFFFFF0] =	vst v53;
	(pc) =	sbr.rel @p0 .LBB2_2-.Ltmp5, $4  }
0x2b1: {  	v59 =	vmul.f32 v56, v55;
	[tilespmem:s31+$0x10] =	vst v55  }
0x2b2: {  	[tilespmem:s31+$0xFFFFFFE0] =	vst v62  }
0x2b3: {  	[tilespmem:s31+$0x0] =	vst v59  }
0x2b4: {  	[spmem:s3] =	stream.indirect.scatter.add.f32 [tilespmem:s21], [sflag:$0xA], $0x20, s2, s7, $0xb8;
	[tilespmem:$0x13790] =	vst v63  }
0x2b5: {  	s2 =	simm.s32 $0x6  }
0x2b6: {  	_ =	swait.ge [sflag:s2], $0xA00  }
0x2b7: {  	[sflag:s2] =	ssyncset.done $0x0  }
0x2b8: {  	s24 =	simm.s32 $0x7;
	[sflag:s2] =	ssyncadd.s32 $0xFFFFF600  }
0x2b9: {  	_ =	swait.ge [sflag:s24], $0xA00  }
0x2ba: {  	[sflag:s24] =	ssyncset.done $0x0  }
0x2bb: {  	s25 =	simm.s32 $0x8;
	[sflag:s24] =	ssyncadd.s32 $0xFFFFF600  }
0x2bc: {  	_ =	swait.ge [sflag:s25], $0xA00  }
0x2bd: {  	[sflag:s25] =	ssyncset.done $0x0  }
0x2be: {  	s26 =	simm.s32 $0x9;
	[sflag:s25] =	ssyncadd.s32 $0xFFFFF600  }
0x2bf: {  	_ =	swait.ge [sflag:s26], $0xA00  }
0x2c0: {  	[sflag:s26] =	ssyncset.done $0x0  }
0x2c1: {  	s29 =	simm.s32 $0xA;
	[sflag:s26] =	ssyncadd.s32 $0xFFFFF600  }
0x2c2: {  	_ =	swait.ge [sflag:s29], $0xA00  }
0x2c3: {  	[sflag:s29] =	ssyncset.done $0x0  }
0x2c4: {  	[sflag:s29] =	ssyncadd.s32 $0xFFFFF600  }
0x2c5: {  	[bflag:$0x0] =	sbarrier.arrive $0xFFFF  }
0x2c6: {  	s8 =	rddreg [dreg:$0x7]  }
0x2c7: {  	s30 =	rddreg [dreg:$0x1d]  }
0x2c8: {  	s22 =	rddreg [dreg:$0x1f]  }
0x2c9: {  	[hbm:s30], [sflag:s8] =	dma.local [spmem:s22], $0xA00  }
0x2ca: {  	_ =	swait.ge [sflag:s0], $0xA00  }
0x2cb: {  	s28 =	sadd.s32 $0x1, s28;
	s31 =	rddreg [dreg:$0x1e]  }
0x2cc: {  	p0 =	sne.s32 s28, s31  }
.Ltmp6:
0x2cd: {  	_ = 	snop;
	(pc) =	sbr.rel @p0 .LBB2_1-.Ltmp6, $3  }
0x2ce: {  	_ =	sdelay $0x1  }
0x2cf: {  	[sflag:s0] =	ssyncset.done $0x0  }
0x2d0: {  	[sflag:s0] =	ssyncadd.s32 $0xFFFFF600  }
0x2d1: {  	_ =	sfence.sel $0x180000  }
0x2d2: {  	[bflag:$0x0] =	sbarrier.arrive $0xFFFF  }
0x2d3: {  	_ =	strace $0x9000004A  }
0x2d4: {  	s0 =	stileid.u32;
	[bflag:$0x2] =	sbarrier.arrive $0xFFFF  }
0x2d5: {  	p0 =	sne.s32 s0, $0x0;
	s0 =	rddreg [dreg:$0x3]  }
0x2d6: {  	s0 =	sadd.s32 @!p0 $0x100000, s0  }
0x2d7: {  	[sflag:s0] =	ssyncadd.tile.s32 @!p0 $0x1;
	_ =	shalt  }
.Lfunc_end2:
_tile_overlayer_lowered:
.L_overlay_start_2:
0x2d8: {  	(tag) =	ssettag $0x2  }
0x2d9: {  	s0 =	rddreg [dreg:$0x0];
	s2 =	stileid.u32  }
0x2da: {  	s1 =	rddreg [dreg:$0x1];
	p0 =	sne.s32 s2, $0x0  }
0x2db: {  	s3 =	rddreg [dreg:$0x2];
	[bflag:$0x3] =	sbarrier.arrive $0xFFFF;
	s2 =	simm.s32 @!p0 $0x1C0B  }
0x2dc: {  	[timem:s3], [sflag:s2] =	dma.local @!p0 [hbm:s0], s1  }
0x2dd: {  	s0 =	simm.s32 @!p0 $0xB  }
0x2de: {  	_ =	swait.ge @!p0 [sflag:s0], s1  }
0x2df: {  	s1 =	ssub.s32 @!p0 $0x0, s1;
	[sflag:s0] =	ssyncset.done @!p0 $0x0  }
0x2e0: {  	[sflag:s0] =	ssyncadd.s32 @!p0 s1  }
0x2e1: {  	[bflag:$0x3] =	sbarrier.arrive $0xFFFF  }
0x2e2: {  	_ =	shalt  }

// kernel: kernel.7.cloned.1.call-start
scs
__scs_entry_jumppad:
0x0: {  	(pc) =	sbr.rel $0x88, $3  }
0x1: {  	(tag) =	ssettag $0x0;
	lr =	simm.s32 $0x1  }
0x2: {  	[smem:$0x3F97] =	sst lr;
	_ =	strace $0xD0000000  }
0x3: {  	_ = 	snop  }
0x4: {  	_ = 	snop  }
0x5: {  	_ = 	snop  }
0x6: {  	_ = 	snop  }
0x7: {  	_ = 	snop  }
__scs_overlays_trampoline_lowered:
0x8: {  	[smem:$0x3FA6] =	sst s0  }
0x9: {  	[smem:$0x3FA7] =	sst s1  }
0xa: {  	[smem:$0x3FA8] =	sst s2  }
0xb: {  	[smem:$0x3FA9] =	sst s3  }
0xc: {  	[smem:$0x3FAA] =	sst s4  }
0xd: {  	[smem:$0x3FAB] =	sst s5  }
0xe: {  	[smem:$0x3FAC] =	sst s6  }
0xf: {  	[smem:$0x3FAD] =	sst s7  }
0x10: {  	[smem:$0x3FAE] =	sst s8  }
0x11: {  	[smem:$0x3FAF] =	sst s9;
	s0 =	simm.s32 @!p0 $0x0  }
0x12: {  	s1 =	sld [smem:$0x3F95];
	s0 =	simm.s32 @p0 $0x1  }
0x13: {  	[smem:$0x3FB0] =	sst s0;
	s0 =	simm.s32 @!p1 $0x0  }
0x14: {  	s2 =	sld [smem:$0x3F94];
	s0 =	simm.s32 @p1 $0x1  }
0x15: {  	[smem:$0x3FB1] =	sst s0;
	s0 =	simm.s32 @!p2 $0x0  }
0x16: {  	s3 =	sld [smem:$0x3FDB];
	s0 =	simm.s32 @p2 $0x1  }
0x17: {  	s4 =	simm.s32 $0x1BF5;
	[smem:$0x3FB3] =	sst s0  }
0x18: {  	s0 =	sld [smem:$0x3F96];
	_ =	swait.ge [sflag:s4], $0x0  }
0x19: {  	s7 =	sld [smem:$0x3F97]  }
0x1a: {  	s8 =	sadd.s32 $0xFFFFE003, lr  }
0x1b: {  	s9 =	sadd.s32 $0xFFFFFEF7, lr;
	s5 =	simm.s32 $0xFFFFFFFF;
	p2 =	slt.u32 s8, $0xFFFFF086  }
0x1c: {  	p1 =	slt.u32 s9, $0xF7A;
	s5 =	simm.s32 @!p2 $0x0  }
0x1d: {  	s5 =	simm.s32 @p1 $0x1;
	p0 =	seq.s32 s7, s2  }
0x1e: {  	s7 =	smul.u32 @!p0 $0xF7A, s2;
	p2 =	seq.s32 @!p0 s5, $0x0  }
0x1f: {  	s9 =	smul.u32 $0xF7A, s1;
	s8 =	simm.s32 @!p0 $0x1BF5;
	p2 =	por !p2, p0  }
0x20: {  	[sflag:s8] =	ssyncset.s32 @!p0 $0xFFFFF086;
	s6 =	sadd.s32 @!p0 s3, s7;
	s7 =	simm.s32 @!p0 $0x108  }
0x21: {  	s3 =	sadd.s32 s3, s9;
	s6 =	sadd.s32 @!p0 $0x88, s6;
	s7 =	simm.s32 @p2 $0x1082  }
0x22: {  	[simem:s7], [sflag:s8] =	dma.local @!p0 [hbm:s6], $0xF7A  }
0x23: {  	s9 =	sor.u32 $0xD0000000, s2;
	s6 =	simm.s32 $0x108;
	_ =	swait.ge @!p0 [sflag:s8], $0x0  }
0x24: {  	s3 =	sadd.s32 $0x88, s3;
	s6 =	simm.s32 @!p1 $0x1082;
	[sflag:s4] =	ssyncset.s32 $0xFFFFF086  }
0x25: {  	[simem:s6], [sflag:s4] =	dma.local [hbm:s3], $0xF7A  }
0x26: {  	[smem:$0x3F97] =	sst s1;
	(tag) =	ssettag s2;
	_ =	strace s9  }
0x27: {  	s1 =	sld [smem:$0x3FA7]  }
0x28: {  	s2 =	sld [smem:$0x3FA8]  }
0x29: {  	s4 =	sld [smem:$0x3FAA]  }
0x2a: {  	p0 =	seq.s32 s5, $0x0;
	s5 =	sld [smem:$0x3FAB]  }
0x2b: {  	s6 =	sld [smem:$0x3FAC]  }
0x2c: {  	s7 =	sld [smem:$0x3FAD]  }
0x2d: {  	s3 =	simm.s32 $0x108;
	s8 =	sld [smem:$0x3FAE]  }
0x2e: {  	s3 =	simm.s32 @!p0 $0x1082;
	s9 =	sld [smem:$0x3FAF]  }
0x2f: {  	lr =	sadd.s32 s0, s3;
	s0 =	sld [smem:$0x3FA6]  }
0x30: {  	s3 =	sld [smem:$0x3FA9]  }
0x31: {  	[smem:$0x3FB2] =	sst s10  }
0x32: {  	s10 =	sld [smem:$0x3FB0];
	_ =	sdelay $0x3  }
0x33: {  	p0 =	seq.s32 s10, $0x1;
	s10 =	sld [smem:$0x3FB2];
	_ =	sdelay $0x3  }
0x34: {  	[smem:$0x3FB2] =	sst s10  }
0x35: {  	s10 =	sld [smem:$0x3FB1];
	_ =	sdelay $0x3  }
0x36: {  	p1 =	seq.s32 s10, $0x1;
	s10 =	sld [smem:$0x3FB2];
	_ =	sdelay $0x3  }
0x37: {  	[smem:$0x3FB2] =	sst s10  }
0x38: {  	s10 =	sld [smem:$0x3FB3]  }
0x39: {  	_ = 	snop;
	(pc) =	sbr.ind lr, $3  }
0x3a: {  	_ = 	snop  }
0x3b: {  	_ = 	snop  }
0x3c: {  	p2 =	seq.s32 s10, $0x1;
	s10 =	sld [smem:$0x3FB2]  }
0x3d: {  	_ =	shalt  }
0x3e: {  	_ =	shalt  }
0x3f: {  	_ =	shalt  }
0x40: {  	_ =	shalt  }
0x41: {  	_ =	shalt  }
0x42: {  	_ =	shalt  }
0x43: {  	_ =	shalt  }
0x44: {  	_ =	shalt  }
0x45: {  	_ =	shalt  }
0x46: {  	_ =	shalt  }
0x47: {  	_ =	shalt  }
0x48: {  	_ =	shalt  }
0x49: {  	_ =	shalt  }
0x4a: {  	_ =	shalt  }
0x4b: {  	_ =	shalt  }
0x4c: {  	_ =	shalt  }
0x4d: {  	_ =	shalt  }
0x4e: {  	_ =	shalt  }
0x4f: {  	_ =	shalt  }
0x50: {  	_ =	shalt  }
0x51: {  	_ =	shalt  }
0x52: {  	_ =	shalt  }
0x53: {  	_ =	shalt  }
0x54: {  	_ =	shalt  }
0x55: {  	_ =	shalt  }
0x56: {  	_ =	shalt  }
0x57: {  	_ =	shalt  }
0x58: {  	_ =	shalt  }
0x59: {  	_ =	shalt  }
0x5a: {  	_ =	shalt  }
0x5b: {  	_ =	shalt  }
0x5c: {  	_ =	shalt  }
0x5d: {  	_ =	shalt  }
0x5e: {  	_ =	shalt  }
0x5f: {  	_ =	shalt  }
0x60: {  	_ =	shalt  }
0x61: {  	_ =	shalt  }
0x62: {  	_ =	shalt  }
0x63: {  	_ =	shalt  }
0x64: {  	_ =	shalt  }
0x65: {  	_ =	shalt  }
0x66: {  	_ =	shalt  }
0x67: {  	_ =	shalt  }
0x68: {  	_ =	shalt  }
0x69: {  	_ =	shalt  }
0x6a: {  	_ =	shalt  }
0x6b: {  	_ =	shalt  }
0x6c: {  	_ =	shalt  }
0x6d: {  	_ =	shalt  }
0x6e: {  	_ =	shalt  }
0x6f: {  	_ =	shalt  }
0x70: {  	_ =	shalt  }
0x71: {  	_ =	shalt  }
0x72: {  	_ =	shalt  }
0x73: {  	_ =	shalt  }
0x74: {  	_ =	shalt  }
0x75: {  	_ =	shalt  }
0x76: {  	_ =	shalt  }
0x77: {  	_ =	shalt  }
0x78: {  	_ =	shalt  }
0x79: {  	_ =	shalt  }
0x7a: {  	_ =	shalt  }
0x7b: {  	_ =	shalt  }
0x7c: {  	_ =	shalt  }
0x7d: {  	_ =	shalt  }
0x7e: {  	_ =	shalt  }
0x7f: {  	_ =	shalt  }
0x80: {  	_ =	shalt  }
0x81: {  	_ =	shalt  }
0x82: {  	_ =	shalt  }
0x83: {  	_ =	shalt  }
0x84: {  	_ =	shalt  }
0x85: {  	_ =	shalt  }
0x86: {  	_ =	shalt  }
0x87: {  	_ =	shalt  }
.Lfunc_end0:
.L_simem_size_0:
called_computation_lowered:
.L_overlay_start_0:
0x88: {  	s2 =	sld [smem:$0x3FD9]  }
0x89: {  	s3 =	sld [smem:$0x3FFE];
	_ =	sdelay $0x1  }
0x8a: {  	s1 =	srdreg.scid  }
0x8b: {  	s0 =	sand.u32 $0x1, s1  }
0x8c: {  	s17 =	sshll.u32 s0, $0xA;
	s2 =	sadd.s32 s3, s2  }
0x8d: {  	s2 =	sadd.s32 s2, s17  }
0x8e: {  	[smem:$0x3FBE] =	sst s2  }
0x8f: {  	_ = 	snop  }
0x90: {  	s2 =	sld [smem:$0x3FD0];
	(tm) =	ssettm $0x1  }
0x91: {  	s18 =	sld [smem:$0x3FFB];
	_ =	sdelay $0x3  }
0x92: {  	_ =	strace s18  }
0x93: {  	s3 =	sld [smem:$0x3FFC];
	_ =	sdelay $0x3  }
0x94: {  	_ =	strace s3  }
0x95: {  	s3 =	sld [smem:$0x3FFD];
	_ =	sdelay $0x3  }
0x96: {  	_ =	strace s3  }
0x97: {  	_ =	strace $0x8FFFFFFF  }
0x98: {  	s19 =	sld [smem:$0x3FDB];
	_ =	sdelay $0x1  }
0x99: {  	s4 =	simm.s32 $_scs_section_size  }
0x9a: {  	s5 =	simm.s32 $_size__tile_overlayer_lowered;
	s6 =	simm.s32 $_tile_overlayer_lowered  }
0x9b: {  	s22 =	simm.s32 $0x1BFF;
	s21 =	sshll.u32 s6, $0x1;
	s3 =	sadd.s32 s4, s19  }
0x9c: {  	s7 =	simm.s32 $0x0;
	s20 =	sshll.u32 s5, $0x1;
	s5 =	sadd.s32 s21, s3  }
0x9d: {  	[timem:s7], [sflag:s22] =	dma.local [hbm:s5], s20  }
0x9e: {  	_ =	swait.ge [sflag:s22], s20  }
0x9f: {  	s4 =	ssub.s32 $0x0, s20;
	[sflag:s22] =	ssyncset.done $0x0  }
0xa0: {  	[sflag:s22] =	ssyncadd.s32 s4;
	_ =	sdelay $0x1  }
0xa1: {  	s23 =	simm.s32 $0x1B8B  }
0xa2: {  	_ =	swait.ge [sflag:s23], $0x1  }
0xa3: {  	[sflag:s23] =	ssyncset.done $0x0  }
0xa4: {  	s25 =	simm.s32 $0x1B8E;
	s24 =	sld [smem:$0x3FFE];
	[sflag:s23] =	ssyncadd.s32 $0xFFFFFFFF  }
0xa5: {  	s26 =	simm.s32 $execute0_lowered;
	[smem:$0x3FD2] =	sst s25  }
0xa6: {  	s5 =	sshll.u32 s26, $0x1;
	_ =	strace $0x80000046;
	[dreg:$0x1] =	wrdreg $0xFFFFFFFF  }
0xa7: {  	s28 =	simm.s32 $_size_execute0_lowered;
	s3 =	sadd.s32 s3, s5;
	[dreg:$0x0] =	wrdreg $0x0  }
0xa8: {  	s5 =	sshll.u32 s28, $0x1;
	[dreg:$0x2] =	wrdreg s3  }
0xa9: {  	[dreg:$0x3] =	wrdreg s5  }
0xaa: {  	[dreg:$0x4] =	wrdreg $0xC0  }
0xab: {  	_ =	task [dreg:s7], $0x5FFFF  }
0xac: {  	[dreg:$0x1] =	wrdreg $0xFFFFFFFF  }
0xad: {  	[dreg:$0x0] =	wrdreg $0x60  }
0xae: {  	[dreg:$0x2] =	wrdreg s24  }
0xaf: {  	[dreg:$0x3] =	wrdreg s2  }
0xb0: {  	[dreg:$0x4] =	wrdreg $0xE9200  }
0xb1: {  	[dreg:$0x5] =	wrdreg $0x9  }
0xb2: {  	_ =	task.clear_ibuf [dreg:s7], $0x6FFFF;
	_ =	strace $0x90000046  }
0xb3: {  	s29 =	simm.s32 $0x9;
	_ =	strace $0x80000048  }
0xb4: {  	_ =	swait.ge [sflag:s29], $0x1  }
0xb5: {  	[sflag:s29] =	ssyncadd.s32 $0xFFFFFFFF  }
0xb6: {  	_ =	strace $0x90000048  }
0xb7: {  	_ =	sfence  }
0xb8: {  	s30 =	sld [smem:$0x0];
	_ =	sdelay $0x2  }
0xb9: {  	s31 =	sshll.u32 s1, $0xD;
	s1 =	sshrl.u32 s1, $0x2  }
0xba: {  	s3 =	sand.u32 $0x4000, s31;
	s1 =	sadd.s32 s1, s30  }
0xbb: {  	s0 =	sor.u32 s3, s0;
	s1 =	sshll.u32 s1, $0x11  }
0xbc: {  	s0 =	sor.u32 s1, s0  }
0xbd: {  	s0 =	sadd.s32 $0x8F2B, s0  }
0xbe: {  	[sflag:s0] =	ssyncadd.remote.s32 $0x1  }
0xbf: {  	_ =	sfence.sel $0xFFFF  }
0xc0: {  	[dreg:$0x0] =	wrdreg $0xFFFFFFFF;
	(pc) =	sbr.abs _section_cstart, $3  }
0xc1: {  	[dreg:$0x1] =	wrdreg $0xFFFFFFFF  }
0xc2: {  	_ =	task.clear_ibuf [dreg:s7], $0x2FFFF;
	_ =	strace $0x9FFFFFFF  }
0xc3: {  	(tm) =	ssettm $0x7FFFFFFF  }
tec
execute0_lowered:
.L_overlay_start_1:
0x0: {  	(tag) =	ssettag $0x1  }
0x1: {  	s0 =	rddreg [dreg:$0x0]  }
0x2: {  	s2 =	rddreg [dreg:$0x1]  }
0x3: {  	s3 =	rddreg [dreg:$0x2]  }
0x4: {  	s1 =	srdreg.scid;
	s8 =	stileid.u32;
	s5 =	simm.s32 $0x0  }
0x5: {  	s15 =	simm.s32 $0x50;
	s28 =	simm.s32 $0x1;
	s29 =	simm.s32 $0x6  }
0x6: {  	s30 =	simm.s32 $0xE420;
	s17 =	simm.s32 $0x7;
	s19 =	simm.s32 $0x3  }
0x7: {  	s20 =	simm.s32 $0x8;
	s21 =	simm.s32 $0x4;
	s23 =	simm.s32 $0x9  }
0x8: {  	s14 =	simm.s32 $0xA;
	s1 =	sand.u32 $0x1, s1;
	s4 =	sshll.u32 s8, $0x1  }
0x9: {  	s6 =	smul.u32 $0xC800, s8;
	[smem:$0x7FF] =	sst s5;
	s5 =	sadd.s32 $0x15600, s0  }
0xa: {  	s9 =	sadd.s32 $0x2DE00, s0;
	s25 =	sshll.u32 s8, $0x6;
	s8 =	simm.s32 $0x0  }
0xb: {  	s4 =	sor.u32 s1, s4;
	s7 =	smul.u32 $0xC8000, s1;
	s1 =	ssub.s32 $0x2, s1  }
0xc: {  	_ =	strace $0x80000047;
	s4 =	smul.u32 $0x4E2, s4;
	s24 =	sshrl.u32 s1, $0x1  }
0xd: {  	[dreg:$0x4] =	wrdreg s9;
	s7 =	sadd.s32 s6, s7;
	s1 =	ssub.s32 s1, s24  }
0xe: {  	s6 =	sadd.s32 s6, s3;
	s4 =	sadd.s32 s4, s0;
	s31 =	smax.u32 s1, $0x1  }
0xf: {  	s24 =	simm.s32 $0x5;
	s26 =	sadd.s32 $0xB800, s4;
	[dreg:$0x9] =	wrdreg s31  }
0x10: {  	s7 =	sshrl.u32 s7, $0x3;
	s4 =	sadd.s32 $0x1A00, s4;
	[dreg:$0x6] =	wrdreg s26  }
0x11: {  	s0 =	sadd.s32 s7, s0;
	s7 =	sor.u32 $0x1C10, s25;
	[dreg:$0x7] =	wrdreg s4  }
0x12: {  	v0 =	vlaneseq.u32;
	s1 =	simm.s32 $0x2;
	s0 =	sadd.s32 $0x2F800, s0;
	[dreg:$0x5] =	wrdreg s7  }
0x13: {  	v0 =	vshrl.u32 v0, $0x3;
	s25 =	simm.s32 $0x9920;
	s4 =	sshrl.u32 s6, $0x3;
	[dreg:$0x8] =	wrdreg s0  }
0x14: {  	v1 =	vor.u32 $0x2, v0;
	v2 =	vor.u32 $0x4, v0;
	v3 =	vor.u32 $0x6, v0;
	s6 =	simm.s32 $0x10;
	s26 =	simm.s32 $0xB220;
	[dreg:$0xa] =	wrdreg s4  }
.LBB2_1:
0x15: {  	[dreg:$0xb] =	wrdreg s8  }
0x16: {  	s0 =	rddreg [dreg:$0x4]  }
0x17: {  	[spmem:s4], [sflag:s7] =	dma.local [hbm:s0], $0x1900  }
0x18: {  	_ =	swait.ge [sflag:s6], $0x1900  }
0x19: {  	[sflag:s6] =	ssyncset.done $0x0  }
0x1a: {  	s22 =	simm.s32 $0x0;
	s31 =	rddreg [dreg:$0x6];
	[sflag:s6] =	ssyncadd.s32 $0xFFFFE700  }
0x1b: {  	[tilespmem:s22], [sflag:$0x10] =	stream.linear.gather [hbm4b:s31+s22], $0x2710, $0x38;
	[tilespmem:$0x1B120] =	vst v63  }
0x1c: {  	_ =	swait.ge [sflag:s6], $0x2710  }
0x1d: {  	[sflag:s6] =	ssyncset.done $0x0  }
0x1e: {  	s8 =	simm.s32 $0x2710;
	s7 =	rddreg [dreg:$0x7];
	[sflag:s6] =	ssyncadd.s32 $0xFFFFD8F0  }
0x1f: {  	[tilespmem:s8], [sflag:$0x10] =	stream.linear.gather [hbm4b:s7+s22], $0x2710, $0x38;
	[tilespmem:$0x1B120] =	vst v63  }
0x20: {  	_ =	swait.ge [sflag:s6], $0x2710  }
0x21: {  	[sflag:s6] =	ssyncset.done $0x0  }
0x22: {  	[sflag:s6] =	ssyncadd.s32 $0xFFFFD8F0  }
0x23: {  	s9 =	simm.s32 $0x4E20;
	[bflag:$0x0] =	sbarrier.arrive $0xFFFF  }
0x24: {  	[tilespmem:s9], [sflag:$0x1] =	stream.indirect.gather [hbm4b:s5+s15], $0x50, s22, s15, $0xb8;
	[tilespmem:$0x1B120] =	vst v63  }
0x25: {  	s10 =	simm.s32 $0xCB20  }
0x26: {  	[tilespmem:s10], [sflag:$0x6] =	stream.indirect.gather [hbm4b:s2+s15], $0x10, s8, s15, $0xb8;
	[tilespmem:$0x1B120] =	vst v63  }
0x27: {  	s11 =	simm.s32 $0x6720  }
0x28: {  	[tilespmem:s11], [sflag:$0x2] =	stream.indirect.gather [hbm4b:s5+s15], $0x50, s15, s15, $0xb8;
	[tilespmem:$0x1B120] =	vst v63  }
0x29: {  	s12 =	simm.s32 $0x2760;
	s13 =	simm.s32 $0xD020  }
0x2a: {  	[tilespmem:s13], [sflag:$0x7] =	stream.indirect.gather [hbm4b:s2+s15], $0x10, s12, s15, $0xb8;
	[tilespmem:$0x1B120] =	vst v63  }
0x2b: {  	s16 =	simm.s32 $0xA0;
	s18 =	simm.s32 $0x8020  }
0x2c: {  	[tilespmem:s18], [sflag:$0x3] =	stream.indirect.gather [hbm4b:s5+s15], $0x50, s16, s15, $0xb8;
	[tilespmem:$0x1B120] =	vst v63  }
0x2d: {  	s31 =	simm.s32 $0xD520;
	s6 =	simm.s32 $0x0;
	s22 =	simm.s32 $0x27B0  }
0x2e: {  	[tilespmem:s31], [sflag:$0x8] =	stream.indirect.gather [hbm4b:s2+s15], $0x10, s22, s15, $0xb8;
	[tilespmem:$0x1B120] =	vst v63  }
.LBB2_2:
0x2f: {  	s8 =	smul.u32 $0x5, s6;
	p0 =	seq.s32 s6, $0x0  }
0x30: {  	s0 =	simm.s32 @!p0 $0xE  }
0x31: {  	s9 =	sadd.s32 $0x3, s8;
	_ =	swait.ge @!p0 [sflag:s0], $0x1900  }
0x32: {  	[sflag:s0] =	ssyncset.done @!p0 $0x0;
	s4 =	smul.u32 $0x50, s9  }
0x33: {  	[sflag:s0] =	ssyncadd.s32 @!p0 $0xFFFFE700  }
0x34: {  	[tilespmem:s25], [sflag:$0x4] =	stream.indirect.gather [hbm4b:s5+s15], $0x50, s4, s15, $0xb8;
	[tilespmem:$0x1B120] =	vst v63  }
0x35: {  	s18 =	simm.s32 $0xDA20;
	s16 =	sadd.s32 $0x2710, s4  }
0x36: {  	[tilespmem:s18], [sflag:$0x9] =	stream.indirect.gather [hbm4b:s2+s15], $0x10, s16, s15, $0xb8;
	[tilespmem:$0x1B120] =	vst v63  }
0x37: {  	_ =	swait.ge [sflag:s28], $0x1900  }
0x38: {  	[sflag:s28] =	ssyncset.done $0x0  }
0x39: {  	[sflag:s28] =	ssyncadd.s32 $0xFFFFE700  }
0x3a: {  	_ =	swait.ge [sflag:s29], $0x500  }
0x3b: {  	[sflag:s29] =	ssyncset.done $0x0  }
0x3c: {  	s10 =	simm.s32 $0x4EC0;
	[sflag:s29] =	ssyncadd.s32 $0xFFFFFB00  }
0x3d: {  	s22 =	simm.s32 $0xCB40;
	v4 =	vld [tilespmem:s10+$0x90]  }
0x3e: {  	v5 =	vld [tilespmem:s22+$0x10];
	_ =	sdelay $0x4  }
0x3f: {  	v4 =	vadd.f32 v5, v4  }
0x40: {  	v7 =	vld [tilespmem:s22+$0x0]  }
0x41: {  	v8 =	vld [tilespmem:s22+$0xFFFFFFF0];
	v6 =	vmul.f32 $2.000000030e-01, v4  }
0x42: {  	v5 =	vld [tilespmem:s10+$0xFFFFFFF0]  }
0x43: {  	v4 =	vmax.f32 v4, v6;
	v6 =	vld [tilespmem:s10+$0x40];
	_ =	sdelay $0x1  }
0x44: {  	v4 =	vmul.f32 $1.442695020e+00, v4  }
0x45: {  	v9 =	vld [tilespmem:s10+$0xFFFFFFA0]  }
0x46: {  	v5 =	vadd.f32 v8, v5;
	(erf) = vpow2.f32 v4;
	v4 =	vld [tilespmem:s22+$0xFFFFFFE0]  }
0x47: {  	v6 =	vadd.f32 v7, v6  }
0x48: {  	v7 =	vmul.f32 $2.000000030e-01, v5  }
0x49: {  	v8 =	vmul.f32 $2.000000030e-01, v6  }
0x4a: {  	v5 =	vmax.f32 v5, v7  }
0x4b: {  	v4 =	vadd.f32 v4, v9;
	v5 =	vmul.f32 $1.442695020e+00, v5;
	v6 =	vmax.f32 v6, v8  }
0x4c: {  	v6 =	vmul.f32 $1.442695020e+00, v6  }
0x4d: {  	v7 =	vmul.f32 $2.000000030e-01, v4;
	(erf) = vpow2.f32 v5;
	_ =	sdelay $0x1  }
0x4e: {  	v5 =	vpop (erf);
	(erf) = vpow2.f32 v6;
	v4 =	vmax.f32 v4, v7  }
0x4f: {  	s25 =	simm.s32 $0x30;
	v4 =	vmul.f32 $1.442695020e+00, v4  }
0x50: {  	s7 =	simm.s32 $0x5000;
	v6 =	vor.u32 s25, v0  }
0x51: {  	s11 =	simm.s32 $0xCB80;
	v10 =	vld [tilespmem:s7+$0x90];
	(erf) = vpow2.f32 v4  }
0x52: {  	s16 =	simm.s32 $0xE440;
	v12 =	vld [tilespmem:s11+$0x10];
	[tilespmem:s10+$0x90] =	vst v5  }
0x53: {  	v16 =	vld [tilespmem:s11+$0xFFFFFFE0];
	[tilespmem:s16+$0x10] =	vst v5  }
0x54: {  	s13 =	simm.s32 $0x10;
	v5 =	vld [tilespmem:s10+$0x50]  }
0x55: {  	s12 =	simm.s32 $0x20;
	v13 =	vor.u32 s13, v0;
	v6 =	vld.idx.msk [tilespmem:v6+s30+$0x0], $0xffff;
	v9 =	vpop (erf)  }
0x56: {  	v17 =	vld [tilespmem:s7+$0xFFFFFFF0];
	v8 =	vor.u32 s12, v0;
	[tilespmem:s10+$0xFFFFFFF0] =	vst v9  }
0x57: {  	v21 =	vld [tilespmem:s11+$0x0];
	v11 =	vpop (erf);
	[tilespmem:s16+$0xFFFFFFF0] =	vst v9  }
0x58: {  	s31 =	simm.s32 $0x0;
	v54 =	vld [tilespmem:s7+$0x40];
	[tilespmem:s10+$0x40] =	vst v11  }
0x59: {  	v19 =	vld [tilespmem:s10+$0xFFFFFFB0];
	[tilespmem:s16+$0x0] =	vst v11;
	v11 =	vor.u32 s31, v0  }
0x5a: {  	v5 =	vmul.f32 v5, v6;
	v6 =	vld.idx.msk [tilespmem:v13+s30+$0x0], $0xffff;
	v9 =	vpop (erf)  }
0x5b: {  	v10 =	vadd.f32 v12, v10;
	v8 =	vld.idx.msk [tilespmem:v8+s30+$0x0], $0xffff;
	[tilespmem:s10+$0xFFFFFFA0] =	vst v9  }
0x5c: {  	v18 =	vor.u32 s25, v1;
	v53 =	vld [tilespmem:s10+$0x0];
	[tilespmem:s16+$0xFFFFFFE0] =	vst v9  }
0x5d: {  	v12 =	vmul.f32 $2.000000030e-01, v10;
	v13 =	vor.u32 s13, v1;
	v9 =	vld [tilespmem:s10+$0xFFFFFF60]  }
0x5e: {  	[tilespmem:s10+$0x50] =	vst v5;
	v5 =	vld.idx.msk [tilespmem:v11+s30+$0x0], $0xffff  }
0x5f: {  	v22 =	vor.u32 s12, v1;
	v10 =	vmax.f32 v10, v12;
	v4 =	vld [tilespmem:s10+$0x60];
	v6 =	vmul.f32 v19, v6  }
0x60: {  	v10 =	vmul.f32 $1.442695020e+00, v10;
	v20 =	vld [tilespmem:s10+$0xFFFFFFC0]  }
0x61: {  	v12 =	vor.u32 s31, v1;
	v11 =	vld.idx.msk [tilespmem:v18+s30+$0x0], $0xffff;
	[tilespmem:s10+$0xFFFFFFB0] =	vst v6;
	v8 =	vmul.f32 v53, v8  }
0x62: {  	(erf) = vpow2.f32 v10;
	v6 =	vld.idx.msk [tilespmem:v13+s30+$0x0], $0xffff  }
0x63: {  	v13 =	vld [tilespmem:s10+$0x10];
	[tilespmem:s10+$0x0] =	vst v8;
	v5 =	vmul.f32 v9, v5  }
0x64: {  	v8 =	vld.idx.msk [tilespmem:v22+s30+$0x0], $0xffff  }
0x65: {  	v10 =	vor.u32 s25, v2;
	[tilespmem:s10+$0xFFFFFF60] =	vst v5;
	v5 =	vld [tilespmem:s10+$0xFFFFFF70]  }
0x66: {  	v4 =	vmul.f32 v4, v11;
	v11 =	vld.idx.msk [tilespmem:v12+s30+$0x0], $0xffff  }
0x67: {  	v9 =	vld [tilespmem:s11+$0xFFFFFFF0]  }
0x68: {  	v7 =	vld [tilespmem:s7+$0xFFFFFFA0];
	v12 =	vor.u32 s13, v2  }
0x69: {  	v55 =	vor.u32 s31, v2;
	v14 =	vld [tilespmem:s10+$0x70];
	[tilespmem:s10+$0x60] =	vst v4;
	v6 =	vmul.f32 v20, v6  }
0x6a: {  	v10 =	vld.idx.msk [tilespmem:v10+s30+$0x0], $0xffff  }
0x6b: {  	[tilespmem:s10+$0xFFFFFFC0] =	vst v6;
	v6 =	vld [tilespmem:s10+$0xFFFFFFD0];
	v5 =	vmul.f32 v5, v11;
	v11 =	vpop (erf)  }
0x6c: {  	v8 =	vmul.f32 v13, v8;
	v13 =	vld [tilespmem:s10+$0xFFFFFF80];
	v9 =	vadd.f32 v9, v17;
	[tilespmem:s7+$0x90] =	vst v11  }
0x6d: {  	v56 =	vor.u32 s12, v2;
	s0 =	simm.s32 $0xE480;
	v12 =	vld.idx.msk [tilespmem:v12+s30+$0x0], $0xffff;
	[tilespmem:s10+$0xFFFFFF70] =	vst v5;
	v5 =	vadd.f32 v21, v54  }
0x6e: {  	v23 =	vor.u32 s25, v3;
	[tilespmem:s0+$0x10] =	vst v11;
	v11 =	vmul.f32 $2.000000030e-01, v9;
	v58 =	vld.idx.msk [tilespmem:v55+s30+$0x0], $0xffff  }
0x6f: {  	v15 =	vld [tilespmem:s10+$0x80];
	v7 =	vadd.f32 v16, v7;
	[tilespmem:s10+$0x10] =	vst v8;
	v8 =	vmul.f32 v14, v10;
	v14 =	vmul.f32 $2.000000030e-01, v5  }
0x70: {  	v57 =	vld [tilespmem:s10+$0x20];
	v9 =	vmax.f32 v9, v11  }
0x71: {  	v4 =	vld [tilespmem:s10+$0xFFFFFF90];
	[tilespmem:s10+$0x70] =	vst v8;
	v11 =	vmul.f32 $1.442695020e+00, v9;
	v8 =	vmax.f32 v5, v14;
	v14 =	vmul.f32 $2.000000030e-01, v7  }
0x72: {  	v60 =	vor.u32 s13, v3;
	v59 =	vld.idx.msk [tilespmem:v56+s30+$0x0], $0xffff;
	v6 =	vmul.f32 v6, v12;
	v12 =	vmul.f32 $1.442695020e+00, v8  }
0x73: {  	v10 =	vld [tilespmem:s7+$0x50];
	(erf) = vpow2.f32 v11;
	v7 =	vmax.f32 v7, v14;
	v13 =	vmul.f32 v13, v58  }
0x74: {  	v61 =	vld.idx.msk [tilespmem:v23+s30+$0x0], $0xffff;
	v63 =	vmul.f32 $1.442695020e+00, v7;
	(erf) = vpow2.f32 v12  }
0x75: {  	v62 =	vor.u32 s31, v3;
	v9 =	vld [tilespmem:s7+$0x80]  }
0x76: {  	s4 =	simm.s32 $0x70;
	v5 =	vld [tilespmem:s10+$0x30];
	[tilespmem:s10+$0xFFFFFF80] =	vst v13;
	v13 =	vor.u32 s12, v3;
	(erf) = vpow2.f32 v63  }
0x77: {  	v8 =	vld [tilespmem:s10+$0xFFFFFFE0];
	[tilespmem:s10+$0xFFFFFFD0] =	vst v6;
	v14 =	vor.u32 s4, v0  }
0x78: {  	v6 =	vmul.f32 v57, v59;
	v11 =	vld.idx.msk [tilespmem:v60+s30+$0x0], $0xffff  }
0x79: {  	s18 =	simm.s32 $0x4;
	v7 =	vld [tilespmem:s7+$0x60]  }
0x7a: {  	s16 =	simm.s32 $0x40;
	s13 =	simm.s32 $0x40;
	[tilespmem:s10+$0x20] =	vst v6;
	v6 =	vmul.f32 v15, v61;
	s12 =	simm.s32 $0x5000;
	v12 =	vld.idx.msk [tilespmem:v62+s30+$0x0], $0xffff  }
.LBB2_3:
0x7b: {  	s18 =	sadd.s32 $0x4, s18;
	v13 =	vld.idx.msk [tilespmem:v13+s30+$0x0], $0xffff  }
0x7c: {  	s22 =	sadd.s32 $0x20, s16;
	s7 =	sadd.s32 $0x140, s7;
	p1 =	slt.u32 s18, $0x4C;
	v14 =	vld.idx.msk [tilespmem:v14+s30+$0x0], $0xffff;
	v15 =	vpop (erf);
	[tilespmem:s10+$0x80] =	vst v6;
	v6 =	vmov v9  }
0x7d: {  	v16 =	vor.u32 s22, v0;
	v9 =	vld [tilespmem:s7+$0xFFFFFFA0];
	[tilespmem:s12+$0xFFFFFFF0] =	vst v15;
	v17 =	vpop (erf)  }
0x7e: {  	s11 =	sadd.s32 $0x40, s11;
	v8 =	vmul.f32 v8, v11;
	v18 =	vld [tilespmem:s7+$0x90];
	[tilespmem:s12+$0x40] =	vst v17  }
0x7f: {  	s25 =	sadd.s32 $0x10, s16;
	v11 =	vld [tilespmem:s11+$0x10];
	[tilespmem:s0+$0xFFFFFFF0] =	vst v15;
	v15 =	vpop (erf)  }
0x80: {  	v19 =	vor.u32 s25, v0;
	v4 =	vmul.f32 v4, v12;
	[tilespmem:s12+$0xFFFFFFA0] =	vst v15;
	v20 =	vld [tilespmem:s12+$0x70]  }
0x81: {  	v21 =	vor.u32 s16, v0;
	v5 =	vmul.f32 v5, v13;
	v12 =	vld [tilespmem:s11+$0xFFFFFFE0];
	[tilespmem:s0+$0x0] =	vst v17  }
0x82: {  	v10 =	vmul.f32 v10, v14;
	v13 =	vld.idx.msk [tilespmem:v16+s30+$0x0], $0xffff;
	[tilespmem:s10+$0xFFFFFFE0] =	vst v8  }
0x83: {  	v14 =	vor.u32 s4, v1;
	v8 =	vld [tilespmem:s7+$0xFFFFFFF0];
	[tilespmem:s10+$0x30] =	vst v5  }
0x84: {  	v5 =	vadd.f32 v11, v18;
	v11 =	vld [tilespmem:s12+$0xFFFFFFB0];
	[tilespmem:s10+$0xFFFFFF90] =	vst v4;
	s10 =	smov.u32 s12;
	s12 =	smov.u32 s7  }
0x85: {  	[tilespmem:s0+$0xFFFFFFE0] =	vst v15;
	v4 =	vld.idx.msk [tilespmem:v19+s30+$0x0], $0xffff  }
0x86: {  	v15 =	vmul.f32 $2.000000030e-01, v5;
	v16 =	vld [tilespmem:s10+$0xFFFFFF60];
	[tilespmem:s10+$0x50] =	vst v10  }
0x87: {  	v10 =	vld.idx.msk [tilespmem:v21+s30+$0x0], $0xffff  }
0x88: {  	v5 =	vmax.f32 v5, v15;
	v14 =	vld.idx.msk [tilespmem:v14+s30+$0x0], $0xffff  }
0x89: {  	v15 =	vor.u32 s25, v1;
	v5 =	vmul.f32 $1.442695020e+00, v5;
	v17 =	vld [tilespmem:s10+$0x0]  }
0x8a: {  	v18 =	vor.u32 s16, v1;
	v19 =	vld [tilespmem:s10+$0xFFFFFFC0]  }
0x8b: {  	v4 =	vmul.f32 v11, v4;
	v21 =	vld [tilespmem:s11+$0x0];
	(erf) = vpow2.f32 v5  }
0x8c: {  	v11 =	vor.u32 s22, v1;
	v5 =	vld [tilespmem:s7+$0x40]  }
0x8d: {  	v10 =	vmul.f32 v16, v10;
	v22 =	vld [tilespmem:s11+$0xFFFFFFF0];
	[tilespmem:s10+$0xFFFFFFB0] =	vst v4  }
0x8e: {  	v7 =	vmul.f32 v7, v14;
	v15 =	vld.idx.msk [tilespmem:v15+s30+$0x0], $0xffff;
	v4 =	vmul.f32 v17, v13;
	v13 =	vor.u32 s4, v2  }
0x8f: {  	[tilespmem:s10+$0xFFFFFF60] =	vst v10;
	v10 =	vld [tilespmem:s10+$0xFFFFFF70]  }
0x90: {  	s16 =	sadd.s32 $0x40, s16;
	v14 =	vld.idx.msk [tilespmem:v18+s30+$0x0], $0xffff;
	[tilespmem:s10+$0x0] =	vst v4  }
0x91: {  	v11 =	vld.idx.msk [tilespmem:v11+s30+$0x0], $0xffff;
	[tilespmem:s10+$0x60] =	vst v7  }
0x92: {  	v5 =	vadd.f32 v21, v5;
	v7 =	vor.u32 s25, v2;
	v16 =	vld [tilespmem:s10+$0x10]  }
0x93: {  	v17 =	vor.u32 s13, v2;
	v13 =	vld.idx.msk [tilespmem:v13+s30+$0x0], $0xffff  }
0x94: {  	v8 =	vadd.f32 v22, v8;
	v18 =	vmul.f32 $2.000000030e-01, v5;
	v15 =	vmul.f32 v19, v15;
	v21 =	vpop (erf);
	v4 =	vld [tilespmem:s10+$0xFFFFFF90]  }
0x95: {  	s0 =	sadd.s32 $0x40, s0;
	v9 =	vadd.f32 v12, v9;
	v12 =	vor.u32 s22, v2;
	v22 =	vor.u32 s4, v3;
	s4 =	sadd.s32 $0x30, s16;
	v19 =	vld [tilespmem:s10+$0x20]  }
0x96: {  	v23 =	vmul.f32 $2.000000030e-01, v8;
	v5 =	vmax.f32 v5, v18;
	v10 =	vmul.f32 v10, v14;
	[tilespmem:s10+$0xFFFFFFC0] =	vst v15;
	v15 =	vld [tilespmem:s10+$0xFFFFFFD0]  }
0x97: {  	v18 =	vmul.f32 $2.000000030e-01, v9;
	v14 =	vor.u32 s4, v0;
	[tilespmem:s7+$0x90] =	vst v21;
	v7 =	vld.idx.msk [tilespmem:v7+s30+$0x0], $0xffff;
	v11 =	vmul.f32 v16, v11  }
0x98: {  	v8 =	vmax.f32 v8, v23;
	v5 =	vmul.f32 $1.442695020e+00, v5;
	[tilespmem:s10+$0xFFFFFF70] =	vst v10;
	v16 =	vld [tilespmem:s10+$0xFFFFFF80]  }
0x99: {  	v9 =	vmax.f32 v9, v18;
	v8 =	vmul.f32 $1.442695020e+00, v8;
	v17 =	vld.idx.msk [tilespmem:v17+s30+$0x0], $0xffff;
	[tilespmem:s10+$0x10] =	vst v11;
	v11 =	vmul.f32 v20, v13  }
0x9a: {  	v9 =	vmul.f32 $1.442695020e+00, v9;
	[tilespmem:s0+$0x10] =	vst v21;
	v12 =	vld.idx.msk [tilespmem:v12+s30+$0x0], $0xffff  }
0x9b: {  	v18 =	vor.u32 s25, v3;
	v10 =	vld [tilespmem:s7+$0x50];
	(erf) = vpow2.f32 v8;
	[tilespmem:s10+$0x70] =	vst v11  }
0x9c: {  	v20 =	vor.u32 s13, v3;
	s13 =	smov.u32 s16;
	(erf) = vpow2.f32 v5;
	v21 =	vld.idx.msk [tilespmem:v22+s30+$0x0], $0xffff  }
0x9d: {  	v7 =	vmul.f32 v15, v7;
	v5 =	vld [tilespmem:s10+$0x30]  }
.Ltmp0:
0x9e: {  	v13 =	vor.u32 s22, v3;
	(erf) = vpow2.f32 v9;
	v8 =	vld [tilespmem:s10+$0xFFFFFFE0];
	(pc) =	sbr.rel @p1 .LBB2_3-.Ltmp0, $4  }
0x9f: {  	v15 =	vmul.f32 v16, v17;
	v9 =	vld [tilespmem:s7+$0x80];
	[tilespmem:s10+$0xFFFFFFD0] =	vst v7  }
0xa0: {  	v16 =	vmul.f32 v19, v12;
	v11 =	vld.idx.msk [tilespmem:v18+s30+$0x0], $0xffff  }
0xa1: {  	v7 =	vld [tilespmem:s7+$0x60];
	[tilespmem:s10+$0xFFFFFF80] =	vst v15  }
0xa2: {  	v6 =	vmul.f32 v6, v21;
	v12 =	vld.idx.msk [tilespmem:v20+s30+$0x0], $0xffff;
	[tilespmem:s10+$0x20] =	vst v16  }
0xa3: {  	s11 =	sadd.s32 $0x10, s16  }
0xa4: {  	v15 =	vor.u32 s11, v0  }
0xa5: {  	v16 =	vpop (erf)  }
0xa6: {  	v18 =	vor.u32 s16, v0;
	[tilespmem:s12+$0xFFFFFFF0] =	vst v16;
	v17 =	vpop (erf)  }
0xa7: {  	s7 =	sadd.s32 $0x20, s16;
	v14 =	vld.idx.msk [tilespmem:v14+s30+$0x0], $0xffff;
	[tilespmem:s0+$0xFFFFFFF0] =	vst v16;
	v26 =	vpop (erf)  }
0xa8: {  	v19 =	vor.u32 s7, v0;
	v21 =	vld [tilespmem:s12+$0xFFFFFFB0];
	[tilespmem:s12+$0xFFFFFFA0] =	vst v26  }
0xa9: {  	[tilespmem:s0+$0xFFFFFFE0] =	vst v26;
	v15 =	vld.idx.msk [tilespmem:v15+s30+$0x0], $0xffff  }
0xaa: {  	v27 =	vor.u32 s4, v1;
	[tilespmem:s12+$0x40] =	vst v17;
	v22 =	vld [tilespmem:s12+$0xFFFFFF60]  }
0xab: {  	[tilespmem:s0+$0x0] =	vst v17;
	v28 =	vld.idx.msk [tilespmem:v18+s30+$0x0], $0xffff  }
0xac: {  	v10 =	vmul.f32 v10, v14;
	v30 =	vld [tilespmem:s12+$0x0]  }
0xad: {  	v14 =	vor.u32 s11, v1;
	v29 =	vld.idx.msk [tilespmem:v19+s30+$0x0], $0xffff  }
0xae: {  	v31 =	vor.u32 s16, v1;
	[tilespmem:s12+$0x50] =	vst v10  }
0xaf: {  	v10 =	vld.idx.msk [tilespmem:v27+s30+$0x0], $0xffff;
	v15 =	vmul.f32 v21, v15  }
0xb0: {  	v23 =	vor.u32 s7, v1;
	v32 =	vld [tilespmem:s12+$0xFFFFFFC0];
	v17 =	vmul.f32 v22, v28  }
0xb1: {  	v34 =	vld [tilespmem:s12+$0xFFFFFF70];
	[tilespmem:s12+$0xFFFFFFB0] =	vst v15  }
0xb2: {  	v15 =	vmul.f32 v30, v29;
	v14 =	vld.idx.msk [tilespmem:v14+s30+$0x0], $0xffff;
	[tilespmem:s12+$0xFFFFFF60] =	vst v17  }
0xb3: {  	v16 =	vld.idx.msk [tilespmem:v31+s30+$0x0], $0xffff  }
0xb4: {  	v33 =	vor.u32 s4, v2;
	v7 =	vmul.f32 v7, v10;
	[tilespmem:s12+$0x0] =	vst v15;
	v15 =	vld [tilespmem:s12+$0x10]  }
0xb5: {  	v10 =	vld.idx.msk [tilespmem:v23+s30+$0x0], $0xffff  }
0xb6: {  	v20 =	vld [tilespmem:s12+$0x70];
	[tilespmem:s12+$0x60] =	vst v7;
	v7 =	vor.u32 s11, v2  }
0xb7: {  	v37 =	vor.u32 s13, v2;
	v38 =	vld [tilespmem:s12+$0x20]  }
0xb8: {  	v36 =	vor.u32 s7, v2;
	v39 =	vld [tilespmem:s12+$0xFFFFFF80];
	v14 =	vmul.f32 v32, v14  }
0xb9: {  	v17 =	vld.idx.msk [tilespmem:v33+s30+$0x0], $0xffff;
	v16 =	vmul.f32 v34, v16  }
0xba: {  	[tilespmem:s12+$0xFFFFFFC0] =	vst v14;
	v14 =	vld [tilespmem:s12+$0xFFFFFFD0];
	v10 =	vmul.f32 v15, v10  }
0xbb: {  	v7 =	vld.idx.msk [tilespmem:v7+s30+$0x0], $0xffff;
	[tilespmem:s12+$0xFFFFFF70] =	vst v16  }
0xbc: {  	v15 =	vor.u32 s4, v3;
	[tilespmem:s12+$0x10] =	vst v10;
	v40 =	vld.idx.msk [tilespmem:v37+s30+$0x0], $0xffff  }
0xbd: {  	v10 =	vld.idx.msk [tilespmem:v36+s30+$0x0], $0xffff  }
0xbe: {  	v13 =	vld.idx.msk [tilespmem:v13+s30+$0x0], $0xffff;
	v41 =	vor.u32 s11, v3;
	v17 =	vmul.f32 v20, v17  }
0xbf: {  	v43 =	vor.u32 s13, v3;
	v44 =	vld [tilespmem:s12+$0x30]  }
0xc0: {  	v42 =	vor.u32 s7, v3;
	v35 =	vld [tilespmem:s12+$0xFFFFFF90];
	[tilespmem:s12+$0x70] =	vst v17;
	v7 =	vmul.f32 v14, v7  }
0xc1: {  	[tilespmem:s10+$0x80] =	vst v6;
	v15 =	vld.idx.msk [tilespmem:v15+s30+$0x0], $0xffff;
	v16 =	vmul.f32 v39, v40  }
0xc2: {  	v14 =	vld [tilespmem:s12+$0xFFFFFFE0];
	v10 =	vmul.f32 v38, v10;
	[tilespmem:s12+$0xFFFFFFD0] =	vst v7  }
0xc3: {  	v7 =	vld.idx.msk [tilespmem:v41+s30+$0x0], $0xffff;
	[tilespmem:s12+$0xFFFFFF80] =	vst v16  }
0xc4: {  	v8 =	vmul.f32 v8, v11;
	[tilespmem:s12+$0x20] =	vst v10;
	v6 =	vld.idx.msk [tilespmem:v43+s30+$0x0], $0xffff  }
0xc5: {  	v5 =	vmul.f32 v5, v13;
	v10 =	vld.idx.msk [tilespmem:v42+s30+$0x0], $0xffff  }
0xc6: {  	v4 =	vmul.f32 v4, v12;
	[tilespmem:s10+$0xFFFFFFE0] =	vst v8  }
0xc7: {  	[tilespmem:s10+$0x30] =	vst v5;
	v5 =	vmul.f32 v9, v15  }
0xc8: {  	[tilespmem:s10+$0xFFFFFF90] =	vst v4;
	v4 =	vmul.f32 v14, v7  }
0xc9: {  	s7 =	smul.u32 $0x640, s6;
	[tilespmem:s12+$0x80] =	vst v5;
	v6 =	vmul.f32 v35, v6  }
0xca: {  	v5 =	vmul.f32 v44, v10;
	[tilespmem:s12+$0xFFFFFFE0] =	vst v4  }
0xcb: {  	s11 =	sshra.s32 s7, $0x2;
	[tilespmem:s12+$0xFFFFFF90] =	vst v6  }
0xcc: {  	s10 =	simm.s32 $0x4E20;
	s0 =	sadd.s32 $0x2710, s11;
	[tilespmem:s12+$0x30] =	vst v5  }
0xcd: {  	[spmem:s3] =	stream.indirect.scatter.add.f32 [tilespmem:s10], [sflag:$0xB], $0x50, s0, s15, $0xb8;
	[tilespmem:$0x1B120] =	vst v63  }
0xce: {  	s0 =	simm.s32 @!p0 $0xF  }
0xcf: {  	s8 =	sadd.s32 $0x4, s8;
	_ =	swait.ge @!p0 [sflag:s0], $0x1900  }
0xd0: {  	s12 =	smul.u32 $0x50, s8;
	[sflag:s0] =	ssyncset.done @!p0 $0x0  }
0xd1: {  	[sflag:s0] =	ssyncadd.s32 @!p0 $0xFFFFE700  }
0xd2: {  	[tilespmem:s26], [sflag:$0x5] =	stream.indirect.gather [hbm4b:s5+s15], $0x50, s12, s15, $0xb8;
	[tilespmem:$0x1B120] =	vst v63  }
0xd3: {  	s16 =	simm.s32 $0xDF20;
	s13 =	sadd.s32 $0x2710, s12  }
0xd4: {  	[tilespmem:s16], [sflag:$0xA] =	stream.indirect.gather [hbm4b:s2+s15], $0x10, s13, s15, $0xb8;
	[tilespmem:$0x1B120] =	vst v63  }
0xd5: {  	_ =	swait.ge [sflag:s1], $0x1900  }
0xd6: {  	[sflag:s1] =	ssyncset.done $0x0  }
0xd7: {  	[sflag:s1] =	ssyncadd.s32 $0xFFFFE700  }
0xd8: {  	_ =	swait.ge [sflag:s17], $0x500  }
0xd9: {  	[sflag:s17] =	ssyncset.done $0x0  }
0xda: {  	s10 =	simm.s32 $0x67C0;
	[sflag:s17] =	ssyncadd.s32 $0xFFFFFB00  }
0xdb: {  	s18 =	simm.s32 $0xD040;
	v4 =	vld [tilespmem:s10+$0x90]  }
0xdc: {  	v5 =	vld [tilespmem:s18+$0x10];
	_ =	sdelay $0x4  }
0xdd: {  	v4 =	vadd.f32 v5, v4  }
0xde: {  	v7 =	vld [tilespmem:s18+$0x0]  }
0xdf: {  	v8 =	vld [tilespmem:s18+$0xFFFFFFF0];
	v6 =	vmul.f32 $2.000000030e-01, v4  }
0xe0: {  	v5 =	vld [tilespmem:s10+$0xFFFFFFF0]  }
0xe1: {  	v4 =	vmax.f32 v4, v6;
	v6 =	vld [tilespmem:s10+$0x40];
	_ =	sdelay $0x1  }
0xe2: {  	v4 =	vmul.f32 $1.442695020e+00, v4  }
0xe3: {  	v9 =	vld [tilespmem:s10+$0xFFFFFFA0]  }
0xe4: {  	v5 =	vadd.f32 v8, v5;
	(erf) = vpow2.f32 v4;
	v4 =	vld [tilespmem:s18+$0xFFFFFFE0]  }
0xe5: {  	v6 =	vadd.f32 v7, v6  }
0xe6: {  	v7 =	vmul.f32 $2.000000030e-01, v5  }
0xe7: {  	v8 =	vmul.f32 $2.000000030e-01, v6  }
0xe8: {  	v5 =	vmax.f32 v5, v7  }
0xe9: {  	v4 =	vadd.f32 v4, v9;
	v5 =	vmul.f32 $1.442695020e+00, v5;
	v6 =	vmax.f32 v6, v8  }
0xea: {  	v6 =	vmul.f32 $1.442695020e+00, v6  }
0xeb: {  	v7 =	vmul.f32 $2.000000030e-01, v4;
	(erf) = vpow2.f32 v5;
	_ =	sdelay $0x1  }
0xec: {  	(erf) = vpow2.f32 v6;
	v4 =	vmax.f32 v4, v7  }
0xed: {  	s22 =	simm.s32 $0x30;
	v4 =	vmul.f32 $1.442695020e+00, v4  }
0xee: {  	s7 =	simm.s32 $0x6900;
	v6 =	vor.u32 s22, v0  }
0xef: {  	s12 =	simm.s32 $0xD080;
	v10 =	vld [tilespmem:s7+$0x90];
	v5 =	vpop (erf);
	(erf) = vpow2.f32 v4  }
0xf0: {  	v12 =	vld [tilespmem:s12+$0x10];
	s18 =	simm.s32 $0xE440;
	[tilespmem:s10+$0x90] =	vst v5  }
0xf1: {  	v45 =	vld [tilespmem:s12+$0xFFFFFFE0];
	[tilespmem:s18+$0x10] =	vst v5  }
0xf2: {  	s26 =	simm.s32 $0x10;
	v5 =	vld [tilespmem:s10+$0x50]  }
0xf3: {  	s25 =	simm.s32 $0x20;
	v13 =	vor.u32 s26, v0;
	v6 =	vld.idx.msk [tilespmem:v6+s30+$0x0], $0xffff;
	v9 =	vpop (erf)  }
0xf4: {  	v46 =	vld [tilespmem:s7+$0xFFFFFFF0];
	v8 =	vor.u32 s25, v0;
	[tilespmem:s10+$0xFFFFFFF0] =	vst v9  }
0xf5: {  	v51 =	vld [tilespmem:s12+$0x0];
	v11 =	vpop (erf);
	[tilespmem:s18+$0xFFFFFFF0] =	vst v9  }
0xf6: {  	s31 =	simm.s32 $0x0;
	v52 =	vld [tilespmem:s7+$0x40];
	[tilespmem:s10+$0x40] =	vst v11  }
0xf7: {  	v48 =	vld [tilespmem:s10+$0xFFFFFFB0];
	[tilespmem:s18+$0x0] =	vst v11;
	v11 =	vor.u32 s31, v0  }
0xf8: {  	v5 =	vmul.f32 v5, v6;
	v6 =	vld.idx.msk [tilespmem:v13+s30+$0x0], $0xffff;
	v9 =	vpop (erf)  }
0xf9: {  	v10 =	vadd.f32 v12, v10;
	v8 =	vld.idx.msk [tilespmem:v8+s30+$0x0], $0xffff;
	[tilespmem:s10+$0xFFFFFFA0] =	vst v9  }
0xfa: {  	v47 =	vor.u32 s22, v1;
	v49 =	vld [tilespmem:s10+$0x0];
	[tilespmem:s18+$0xFFFFFFE0] =	vst v9  }
0xfb: {  	v12 =	vmul.f32 $2.000000030e-01, v10;
	v13 =	vor.u32 s26, v1;
	v9 =	vld [tilespmem:s10+$0xFFFFFF60]  }
0xfc: {  	[tilespmem:s10+$0x50] =	vst v5;
	v5 =	vld.idx.msk [tilespmem:v11+s30+$0x0], $0xffff  }
0xfd: {  	v53 =	vor.u32 s25, v1;
	v10 =	vmax.f32 v10, v12;
	v4 =	vld [tilespmem:s10+$0x60];
	v6 =	vmul.f32 v48, v6  }
0xfe: {  	v10 =	vmul.f32 $1.442695020e+00, v10;
	v50 =	vld [tilespmem:s10+$0xFFFFFFC0]  }
0xff: {  	v12 =	vor.u32 s31, v1;
	v11 =	vld.idx.msk [tilespmem:v47+s30+$0x0], $0xffff;
	[tilespmem:s10+$0xFFFFFFB0] =	vst v6;
	v8 =	vmul.f32 v49, v8  }
0x100: {  	(erf) = vpow2.f32 v10;
	v6 =	vld.idx.msk [tilespmem:v13+s30+$0x0], $0xffff  }
0x101: {  	v13 =	vld [tilespmem:s10+$0x10];
	[tilespmem:s10+$0x0] =	vst v8;
	v5 =	vmul.f32 v9, v5  }
0x102: {  	v8 =	vld.idx.msk [tilespmem:v53+s30+$0x0], $0xffff  }
0x103: {  	v10 =	vor.u32 s22, v2;
	[tilespmem:s10+$0xFFFFFF60] =	vst v5;
	v5 =	vld [tilespmem:s10+$0xFFFFFF70]  }
0x104: {  	v4 =	vmul.f32 v4, v11;
	v11 =	vld.idx.msk [tilespmem:v12+s30+$0x0], $0xffff  }
0x105: {  	v9 =	vld [tilespmem:s12+$0xFFFFFFF0]  }
0x106: {  	v7 =	vld [tilespmem:s7+$0xFFFFFFA0];
	v12 =	vor.u32 s26, v2  }
0x107: {  	v54 =	vor.u32 s31, v2;
	v14 =	vld [tilespmem:s10+$0x70];
	[tilespmem:s10+$0x60] =	vst v4;
	v6 =	vmul.f32 v50, v6  }
0x108: {  	v10 =	vld.idx.msk [tilespmem:v10+s30+$0x0], $0xffff  }
0x109: {  	[tilespmem:s10+$0xFFFFFFC0] =	vst v6;
	v6 =	vld [tilespmem:s10+$0xFFFFFFD0];
	v5 =	vmul.f32 v5, v11;
	v11 =	vpop (erf)  }
0x10a: {  	v8 =	vmul.f32 v13, v8;
	v13 =	vld [tilespmem:s10+$0xFFFFFF80];
	v9 =	vadd.f32 v9, v46;
	[tilespmem:s7+$0x90] =	vst v11  }
0x10b: {  	v55 =	vor.u32 s25, v2;
	s0 =	simm.s32 $0xE480;
	v12 =	vld.idx.msk [tilespmem:v12+s30+$0x0], $0xffff;
	[tilespmem:s10+$0xFFFFFF70] =	vst v5;
	v5 =	vadd.f32 v51, v52  }
0x10c: {  	v57 =	vor.u32 s22, v3;
	[tilespmem:s0+$0x10] =	vst v11;
	v11 =	vmul.f32 $2.000000030e-01, v9;
	v58 =	vld.idx.msk [tilespmem:v54+s30+$0x0], $0xffff  }
0x10d: {  	v15 =	vld [tilespmem:s10+$0x80];
	v7 =	vadd.f32 v45, v7;
	[tilespmem:s10+$0x10] =	vst v8;
	v8 =	vmul.f32 v14, v10;
	v14 =	vmul.f32 $2.000000030e-01, v5  }
0x10e: {  	v56 =	vld [tilespmem:s10+$0x20];
	v9 =	vmax.f32 v9, v11  }
0x10f: {  	v4 =	vld [tilespmem:s10+$0xFFFFFF90];
	[tilespmem:s10+$0x70] =	vst v8;
	v11 =	vmul.f32 $1.442695020e+00, v9;
	v8 =	vmax.f32 v5, v14;
	v14 =	vmul.f32 $2.000000030e-01, v7  }
0x110: {  	v60 =	vor.u32 s26, v3;
	v59 =	vld.idx.msk [tilespmem:v55+s30+$0x0], $0xffff;
	v6 =	vmul.f32 v6, v12;
	v12 =	vmul.f32 $1.442695020e+00, v8  }
0x111: {  	v10 =	vld [tilespmem:s7+$0x50];
	(erf) = vpow2.f32 v11;
	v7 =	vmax.f32 v7, v14;
	v13 =	vmul.f32 v13, v58  }
0x112: {  	v61 =	vld.idx.msk [tilespmem:v57+s30+$0x0], $0xffff;
	v63 =	vmul.f32 $1.442695020e+00, v7;
	(erf) = vpow2.f32 v12  }
0x113: {  	v62 =	vor.u32 s31, v3;
	v9 =	vld [tilespmem:s7+$0x80]  }
0x114: {  	s4 =	simm.s32 $0x70;
	v5 =	vld [tilespmem:s10+$0x30];
	[tilespmem:s10+$0xFFFFFF80] =	vst v13;
	v13 =	vor.u32 s25, v3;
	(erf) = vpow2.f32 v63  }
0x115: {  	v8 =	vld [tilespmem:s10+$0xFFFFFFE0];
	[tilespmem:s10+$0xFFFFFFD0] =	vst v6;
	v14 =	vor.u32 s4, v0  }
0x116: {  	v6 =	vmul.f32 v56, v59;
	v11 =	vld.idx.msk [tilespmem:v60+s30+$0x0], $0xffff  }
0x117: {  	s16 =	simm.s32 $0x40;
	v7 =	vld [tilespmem:s7+$0x60]  }
0x118: {  	s13 =	simm.s32 $0x6900;
	s18 =	simm.s32 $0x4;
	s26 =	simm.s32 $0x40;
	[tilespmem:s10+$0x20] =	vst v6;
	v6 =	vmul.f32 v15, v61;
	v12 =	vld.idx.msk [tilespmem:v62+s30+$0x0], $0xffff  }
.LBB2_5:
0x119: {  	s18 =	sadd.s32 $0x4, s18;
	v13 =	vld.idx.msk [tilespmem:v13+s30+$0x0], $0xffff  }
0x11a: {  	s22 =	sadd.s32 $0x20, s16;
	s7 =	sadd.s32 $0x140, s7;
	p0 =	slt.u32 s18, $0x4C;
	v14 =	vld.idx.msk [tilespmem:v14+s30+$0x0], $0xffff;
	v15 =	vpop (erf);
	[tilespmem:s10+$0x80] =	vst v6;
	v6 =	vmov v9  }
0x11b: {  	v16 =	vor.u32 s22, v0;
	v9 =	vld [tilespmem:s7+$0xFFFFFFA0];
	[tilespmem:s13+$0xFFFFFFF0] =	vst v15;
	v17 =	vpop (erf)  }
0x11c: {  	s12 =	sadd.s32 $0x40, s12;
	v8 =	vmul.f32 v8, v11;
	v18 =	vld [tilespmem:s7+$0x90];
	[tilespmem:s13+$0x40] =	vst v17  }
0x11d: {  	s25 =	sadd.s32 $0x10, s16;
	v11 =	vld [tilespmem:s12+$0x10];
	[tilespmem:s0+$0xFFFFFFF0] =	vst v15;
	v15 =	vpop (erf)  }
0x11e: {  	v19 =	vor.u32 s25, v0;
	v4 =	vmul.f32 v4, v12;
	[tilespmem:s13+$0xFFFFFFA0] =	vst v15;
	v20 =	vld [tilespmem:s13+$0x70]  }
0x11f: {  	v21 =	vor.u32 s16, v0;
	v5 =	vmul.f32 v5, v13;
	v12 =	vld [tilespmem:s12+$0xFFFFFFE0];
	[tilespmem:s0+$0x0] =	vst v17  }
0x120: {  	v10 =	vmul.f32 v10, v14;
	v13 =	vld.idx.msk [tilespmem:v16+s30+$0x0], $0xffff;
	[tilespmem:s10+$0xFFFFFFE0] =	vst v8  }
0x121: {  	v14 =	vor.u32 s4, v1;
	v8 =	vld [tilespmem:s7+$0xFFFFFFF0];
	[tilespmem:s10+$0x30] =	vst v5  }
0x122: {  	v5 =	vadd.f32 v11, v18;
	v11 =	vld [tilespmem:s13+$0xFFFFFFB0];
	[tilespmem:s10+$0xFFFFFF90] =	vst v4;
	s10 =	smov.u32 s13;
	s13 =	smov.u32 s7  }
0x123: {  	[tilespmem:s0+$0xFFFFFFE0] =	vst v15;
	v4 =	vld.idx.msk [tilespmem:v19+s30+$0x0], $0xffff  }
0x124: {  	v15 =	vmul.f32 $2.000000030e-01, v5;
	v16 =	vld [tilespmem:s10+$0xFFFFFF60];
	[tilespmem:s10+$0x50] =	vst v10  }
0x125: {  	v10 =	vld.idx.msk [tilespmem:v21+s30+$0x0], $0xffff  }
0x126: {  	v5 =	vmax.f32 v5, v15;
	v14 =	vld.idx.msk [tilespmem:v14+s30+$0x0], $0xffff  }
0x127: {  	v15 =	vor.u32 s25, v1;
	v5 =	vmul.f32 $1.442695020e+00, v5;
	v17 =	vld [tilespmem:s10+$0x0]  }
0x128: {  	v18 =	vor.u32 s16, v1;
	v19 =	vld [tilespmem:s10+$0xFFFFFFC0]  }
0x129: {  	v4 =	vmul.f32 v11, v4;
	v21 =	vld [tilespmem:s12+$0x0];
	(erf) = vpow2.f32 v5  }
0x12a: {  	v11 =	vor.u32 s22, v1;
	v5 =	vld [tilespmem:s7+$0x40]  }
0x12b: {  	v10 =	vmul.f32 v16, v10;
	v22 =	vld [tilespmem:s12+$0xFFFFFFF0];
	[tilespmem:s10+$0xFFFFFFB0] =	vst v4  }
0x12c: {  	v7 =	vmul.f32 v7, v14;
	v15 =	vld.idx.msk [tilespmem:v15+s30+$0x0], $0xffff;
	v4 =	vmul.f32 v17, v13;
	v13 =	vor.u32 s4, v2  }
0x12d: {  	[tilespmem:s10+$0xFFFFFF60] =	vst v10;
	v10 =	vld [tilespmem:s10+$0xFFFFFF70]  }
0x12e: {  	s16 =	sadd.s32 $0x40, s16;
	v14 =	vld.idx.msk [tilespmem:v18+s30+$0x0], $0xffff;
	[tilespmem:s10+$0x0] =	vst v4  }
0x12f: {  	v11 =	vld.idx.msk [tilespmem:v11+s30+$0x0], $0xffff;
	[tilespmem:s10+$0x60] =	vst v7  }
0x130: {  	v5 =	vadd.f32 v21, v5;
	v7 =	vor.u32 s25, v2;
	v16 =	vld [tilespmem:s10+$0x10]  }
0x131: {  	v17 =	vor.u32 s26, v2;
	v13 =	vld.idx.msk [tilespmem:v13+s30+$0x0], $0xffff  }
0x132: {  	v8 =	vadd.f32 v22, v8;
	v18 =	vmul.f32 $2.000000030e-01, v5;
	v15 =	vmul.f32 v19, v15;
	v21 =	vpop (erf);
	v4 =	vld [tilespmem:s10+$0xFFFFFF90]  }
0x133: {  	s0 =	sadd.s32 $0x40, s0;
	v9 =	vadd.f32 v12, v9;
	v12 =	vor.u32 s22, v2;
	v22 =	vor.u32 s4, v3;
	s4 =	sadd.s32 $0x30, s16;
	v19 =	vld [tilespmem:s10+$0x20]  }
0x134: {  	v23 =	vmul.f32 $2.000000030e-01, v8;
	v5 =	vmax.f32 v5, v18;
	v10 =	vmul.f32 v10, v14;
	[tilespmem:s10+$0xFFFFFFC0] =	vst v15;
	v15 =	vld [tilespmem:s10+$0xFFFFFFD0]  }
0x135: {  	v18 =	vmul.f32 $2.000000030e-01, v9;
	v14 =	vor.u32 s4, v0;
	[tilespmem:s7+$0x90] =	vst v21;
	v7 =	vld.idx.msk [tilespmem:v7+s30+$0x0], $0xffff;
	v11 =	vmul.f32 v16, v11  }
0x136: {  	v8 =	vmax.f32 v8, v23;
	v5 =	vmul.f32 $1.442695020e+00, v5;
	[tilespmem:s10+$0xFFFFFF70] =	vst v10;
	v16 =	vld [tilespmem:s10+$0xFFFFFF80]  }
0x137: {  	v9 =	vmax.f32 v9, v18;
	v8 =	vmul.f32 $1.442695020e+00, v8;
	v17 =	vld.idx.msk [tilespmem:v17+s30+$0x0], $0xffff;
	[tilespmem:s10+$0x10] =	vst v11;
	v11 =	vmul.f32 v20, v13  }
0x138: {  	v9 =	vmul.f32 $1.442695020e+00, v9;
	[tilespmem:s0+$0x10] =	vst v21;
	v12 =	vld.idx.msk [tilespmem:v12+s30+$0x0], $0xffff  }
0x139: {  	v18 =	vor.u32 s25, v3;
	v10 =	vld [tilespmem:s7+$0x50];
	(erf) = vpow2.f32 v8;
	[tilespmem:s10+$0x70] =	vst v11  }
0x13a: {  	v20 =	vor.u32 s26, v3;
	s26 =	smov.u32 s16;
	(erf) = vpow2.f32 v5;
	v21 =	vld.idx.msk [tilespmem:v22+s30+$0x0], $0xffff  }
0x13b: {  	v7 =	vmul.f32 v15, v7;
	v5 =	vld [tilespmem:s10+$0x30]  }
.Ltmp1:
0x13c: {  	v13 =	vor.u32 s22, v3;
	(erf) = vpow2.f32 v9;
	v8 =	vld [tilespmem:s10+$0xFFFFFFE0];
	(pc) =	sbr.rel @p0 .LBB2_5-.Ltmp1, $4  }
0x13d: {  	v15 =	vmul.f32 v16, v17;
	v9 =	vld [tilespmem:s7+$0x80];
	[tilespmem:s10+$0xFFFFFFD0] =	vst v7  }
0x13e: {  	v16 =	vmul.f32 v19, v12;
	v11 =	vld.idx.msk [tilespmem:v18+s30+$0x0], $0xffff  }
0x13f: {  	v7 =	vld [tilespmem:s7+$0x60];
	[tilespmem:s10+$0xFFFFFF80] =	vst v15  }
0x140: {  	v6 =	vmul.f32 v6, v21;
	v12 =	vld.idx.msk [tilespmem:v20+s30+$0x0], $0xffff;
	[tilespmem:s10+$0x20] =	vst v16  }
0x141: {  	s12 =	sadd.s32 $0x10, s16  }
0x142: {  	v15 =	vor.u32 s12, v0  }
0x143: {  	v16 =	vpop (erf)  }
0x144: {  	v18 =	vor.u32 s16, v0;
	[tilespmem:s13+$0xFFFFFFF0] =	vst v16;
	v17 =	vpop (erf)  }
0x145: {  	s7 =	sadd.s32 $0x20, s16;
	v14 =	vld.idx.msk [tilespmem:v14+s30+$0x0], $0xffff;
	[tilespmem:s0+$0xFFFFFFF0] =	vst v16;
	v26 =	vpop (erf)  }
0x146: {  	v19 =	vor.u32 s7, v0;
	v21 =	vld [tilespmem:s13+$0xFFFFFFB0];
	[tilespmem:s13+$0xFFFFFFA0] =	vst v26  }
0x147: {  	[tilespmem:s0+$0xFFFFFFE0] =	vst v26;
	v15 =	vld.idx.msk [tilespmem:v15+s30+$0x0], $0xffff  }
0x148: {  	v27 =	vor.u32 s4, v1;
	[tilespmem:s13+$0x40] =	vst v17;
	v22 =	vld [tilespmem:s13+$0xFFFFFF60]  }
0x149: {  	[tilespmem:s0+$0x0] =	vst v17;
	v28 =	vld.idx.msk [tilespmem:v18+s30+$0x0], $0xffff  }
0x14a: {  	v10 =	vmul.f32 v10, v14;
	v30 =	vld [tilespmem:s13+$0x0]  }
0x14b: {  	v14 =	vor.u32 s12, v1;
	v29 =	vld.idx.msk [tilespmem:v19+s30+$0x0], $0xffff  }
0x14c: {  	v31 =	vor.u32 s16, v1;
	[tilespmem:s13+$0x50] =	vst v10  }
0x14d: {  	v10 =	vld.idx.msk [tilespmem:v27+s30+$0x0], $0xffff;
	v15 =	vmul.f32 v21, v15  }
0x14e: {  	v23 =	vor.u32 s7, v1;
	v32 =	vld [tilespmem:s13+$0xFFFFFFC0];
	v17 =	vmul.f32 v22, v28  }
0x14f: {  	v34 =	vld [tilespmem:s13+$0xFFFFFF70];
	[tilespmem:s13+$0xFFFFFFB0] =	vst v15  }
0x150: {  	v15 =	vmul.f32 v30, v29;
	v14 =	vld.idx.msk [tilespmem:v14+s30+$0x0], $0xffff;
	[tilespmem:s13+$0xFFFFFF60] =	vst v17  }
0x151: {  	v16 =	vld.idx.msk [tilespmem:v31+s30+$0x0], $0xffff  }
0x152: {  	v33 =	vor.u32 s4, v2;
	v7 =	vmul.f32 v7, v10;
	[tilespmem:s13+$0x0] =	vst v15;
	v15 =	vld [tilespmem:s13+$0x10]  }
0x153: {  	v10 =	vld.idx.msk [tilespmem:v23+s30+$0x0], $0xffff  }
0x154: {  	v20 =	vld [tilespmem:s13+$0x70];
	[tilespmem:s13+$0x60] =	vst v7;
	v7 =	vor.u32 s12, v2  }
0x155: {  	v37 =	vor.u32 s26, v2;
	v38 =	vld [tilespmem:s13+$0x20]  }
0x156: {  	v36 =	vor.u32 s7, v2;
	v39 =	vld [tilespmem:s13+$0xFFFFFF80];
	v14 =	vmul.f32 v32, v14  }
0x157: {  	v17 =	vld.idx.msk [tilespmem:v33+s30+$0x0], $0xffff;
	v16 =	vmul.f32 v34, v16  }
0x158: {  	[tilespmem:s13+$0xFFFFFFC0] =	vst v14;
	v14 =	vld [tilespmem:s13+$0xFFFFFFD0];
	v10 =	vmul.f32 v15, v10  }
0x159: {  	v7 =	vld.idx.msk [tilespmem:v7+s30+$0x0], $0xffff;
	[tilespmem:s13+$0xFFFFFF70] =	vst v16  }
0x15a: {  	v15 =	vor.u32 s4, v3;
	[tilespmem:s13+$0x10] =	vst v10;
	v40 =	vld.idx.msk [tilespmem:v37+s30+$0x0], $0xffff  }
0x15b: {  	v10 =	vld.idx.msk [tilespmem:v36+s30+$0x0], $0xffff  }
0x15c: {  	v13 =	vld.idx.msk [tilespmem:v13+s30+$0x0], $0xffff;
	v41 =	vor.u32 s12, v3;
	v17 =	vmul.f32 v20, v17  }
0x15d: {  	v43 =	vor.u32 s26, v3;
	v44 =	vld [tilespmem:s13+$0x30]  }
0x15e: {  	v42 =	vor.u32 s7, v3;
	v35 =	vld [tilespmem:s13+$0xFFFFFF90];
	[tilespmem:s13+$0x70] =	vst v17;
	v7 =	vmul.f32 v14, v7  }
0x15f: {  	[tilespmem:s10+$0x80] =	vst v6;
	v15 =	vld.idx.msk [tilespmem:v15+s30+$0x0], $0xffff;
	v16 =	vmul.f32 v39, v40  }
0x160: {  	v14 =	vld [tilespmem:s13+$0xFFFFFFE0];
	v10 =	vmul.f32 v38, v10;
	[tilespmem:s13+$0xFFFFFFD0] =	vst v7  }
0x161: {  	v7 =	vld.idx.msk [tilespmem:v41+s30+$0x0], $0xffff;
	[tilespmem:s13+$0xFFFFFF80] =	vst v16  }
0x162: {  	v8 =	vmul.f32 v8, v11;
	[tilespmem:s13+$0x20] =	vst v10;
	v6 =	vld.idx.msk [tilespmem:v43+s30+$0x0], $0xffff  }
0x163: {  	v5 =	vmul.f32 v5, v13;
	v10 =	vld.idx.msk [tilespmem:v42+s30+$0x0], $0xffff  }
0x164: {  	v4 =	vmul.f32 v4, v12;
	[tilespmem:s10+$0xFFFFFFE0] =	vst v8  }
0x165: {  	[tilespmem:s10+$0x30] =	vst v5;
	v5 =	vmul.f32 v9, v15  }
0x166: {  	[tilespmem:s10+$0xFFFFFF90] =	vst v4;
	v4 =	vmul.f32 v14, v7  }
0x167: {  	[tilespmem:s13+$0x80] =	vst v5;
	v6 =	vmul.f32 v35, v6  }
0x168: {  	v5 =	vmul.f32 v44, v10;
	[tilespmem:s13+$0xFFFFFFE0] =	vst v4  }
0x169: {  	p0 =	seq.s32 s6, $0x18;
	[tilespmem:s13+$0xFFFFFF90] =	vst v6  }
0x16a: {  	s16 =	sadd.s32 $0x2760, s11;
	s18 =	simm.s32 $0x6720;
	s0 =	simm.s32 @!p0 $0xB;
	[tilespmem:s13+$0x30] =	vst v5  }
0x16b: {  	[spmem:s3] =	stream.indirect.scatter.add.f32 [tilespmem:s18], [sflag:$0xC], $0x50, s16, s15, $0xb8;
	[tilespmem:$0x1B120] =	vst v63  }
0x16c: {  	s10 =	smul.u32 @!p0 $0x190, s6;
	_ =	swait.ge @!p0 [sflag:s0], $0x1900  }
0x16d: {  	s7 =	simm.s32 @!p0 $0x4E20;
	[sflag:s0] =	ssyncset.done @!p0 $0x0  }
0x16e: {  	s4 =	simm.s32 @!p0 $0x50;
	[sflag:s0] =	ssyncadd.s32 @!p0 $0xFFFFE700;
	s0 =	sadd.s32 @!p0 $0x190, s10  }
0x16f: {  	[tilespmem:s7], [sflag:$0x1] =	stream.indirect.gather @!p0 [hbm4b:s5+s4], $0x50, s0, s4, $0xb8;
	[tilespmem:$0x1B120] =	vst v63  }
0x170: {  	s0 =	sadd.s32 @!p0 $0x28A0, s10;
	s7 =	simm.s32 @!p0 $0xCB20  }
0x171: {  	[tilespmem:s7], [sflag:$0x6] =	stream.indirect.gather @!p0 [hbm4b:s2+s4], $0x10, s0, s4, $0xb8;
	[tilespmem:$0x1B120] =	vst v63  }
0x172: {  	_ =	swait.ge [sflag:s19], $0x1900  }
0x173: {  	[sflag:s19] =	ssyncset.done $0x0  }
0x174: {  	[sflag:s19] =	ssyncadd.s32 $0xFFFFE700  }
0x175: {  	_ =	swait.ge [sflag:s20], $0x500  }
0x176: {  	[sflag:s20] =	ssyncset.done $0x0  }
0x177: {  	s7 =	simm.s32 $0x80C0;
	[sflag:s20] =	ssyncadd.s32 $0xFFFFFB00  }
0x178: {  	s22 =	simm.s32 $0xD540;
	v4 =	vld [tilespmem:s7+$0x90]  }
0x179: {  	v5 =	vld [tilespmem:s22+$0x10];
	_ =	sdelay $0x4  }
0x17a: {  	v4 =	vadd.f32 v5, v4  }
0x17b: {  	v7 =	vld [tilespmem:s22+$0x0]  }
0x17c: {  	v8 =	vld [tilespmem:s22+$0xFFFFFFF0];
	v6 =	vmul.f32 $2.000000030e-01, v4  }
0x17d: {  	v5 =	vld [tilespmem:s7+$0xFFFFFFF0]  }
0x17e: {  	v4 =	vmax.f32 v4, v6;
	v6 =	vld [tilespmem:s7+$0x40];
	_ =	sdelay $0x1  }
0x17f: {  	v4 =	vmul.f32 $1.442695020e+00, v4  }
0x180: {  	v9 =	vld [tilespmem:s7+$0xFFFFFFA0]  }
0x181: {  	v5 =	vadd.f32 v8, v5;
	(erf) = vpow2.f32 v4;
	v4 =	vld [tilespmem:s22+$0xFFFFFFE0]  }
0x182: {  	v6 =	vadd.f32 v7, v6  }
0x183: {  	v7 =	vmul.f32 $2.000000030e-01, v5  }
0x184: {  	v8 =	vmul.f32 $2.000000030e-01, v6  }
0x185: {  	v5 =	vmax.f32 v5, v7  }
0x186: {  	v4 =	vadd.f32 v4, v9;
	v5 =	vmul.f32 $1.442695020e+00, v5;
	v6 =	vmax.f32 v6, v8  }
0x187: {  	v6 =	vmul.f32 $1.442695020e+00, v6  }
0x188: {  	v7 =	vmul.f32 $2.000000030e-01, v4;
	(erf) = vpow2.f32 v5;
	_ =	sdelay $0x1  }
0x189: {  	(erf) = vpow2.f32 v6;
	v4 =	vmax.f32 v4, v7  }
0x18a: {  	s25 =	simm.s32 $0x30;
	v4 =	vmul.f32 $1.442695020e+00, v4  }
0x18b: {  	s12 =	simm.s32 $0x8200;
	v6 =	vor.u32 s25, v0  }
0x18c: {  	s13 =	simm.s32 $0xD580;
	v10 =	vld [tilespmem:s12+$0x90];
	v5 =	vpop (erf);
	(erf) = vpow2.f32 v4  }
0x18d: {  	s26 =	simm.s32 $0xE440;
	v12 =	vld [tilespmem:s13+$0x10];
	[tilespmem:s7+$0x90] =	vst v5  }
0x18e: {  	v45 =	vld [tilespmem:s13+$0xFFFFFFE0];
	[tilespmem:s26+$0x10] =	vst v5  }
0x18f: {  	s22 =	simm.s32 $0x10;
	v5 =	vld [tilespmem:s7+$0x50]  }
0x190: {  	s31 =	simm.s32 $0x20;
	v13 =	vor.u32 s22, v0;
	v6 =	vld.idx.msk [tilespmem:v6+s30+$0x0], $0xffff;
	v9 =	vpop (erf)  }
0x191: {  	v46 =	vld [tilespmem:s12+$0xFFFFFFF0];
	v8 =	vor.u32 s31, v0;
	[tilespmem:s7+$0xFFFFFFF0] =	vst v9  }
0x192: {  	v51 =	vld [tilespmem:s13+$0x0];
	v11 =	vpop (erf);
	[tilespmem:s26+$0xFFFFFFF0] =	vst v9  }
0x193: {  	s18 =	simm.s32 $0x0;
	v52 =	vld [tilespmem:s12+$0x40];
	[tilespmem:s7+$0x40] =	vst v11  }
0x194: {  	v48 =	vld [tilespmem:s7+$0xFFFFFFB0];
	[tilespmem:s26+$0x0] =	vst v11;
	v11 =	vor.u32 s18, v0  }
0x195: {  	v5 =	vmul.f32 v5, v6;
	v6 =	vld.idx.msk [tilespmem:v13+s30+$0x0], $0xffff;
	v9 =	vpop (erf)  }
0x196: {  	v10 =	vadd.f32 v12, v10;
	v8 =	vld.idx.msk [tilespmem:v8+s30+$0x0], $0xffff;
	[tilespmem:s7+$0xFFFFFFA0] =	vst v9  }
0x197: {  	v47 =	vor.u32 s25, v1;
	v49 =	vld [tilespmem:s7+$0x0];
	[tilespmem:s26+$0xFFFFFFE0] =	vst v9  }
0x198: {  	v12 =	vmul.f32 $2.000000030e-01, v10;
	v13 =	vor.u32 s22, v1;
	v9 =	vld [tilespmem:s7+$0xFFFFFF60]  }
0x199: {  	[tilespmem:s7+$0x50] =	vst v5;
	v5 =	vld.idx.msk [tilespmem:v11+s30+$0x0], $0xffff  }
0x19a: {  	v53 =	vor.u32 s31, v1;
	v10 =	vmax.f32 v10, v12;
	v4 =	vld [tilespmem:s7+$0x60];
	v6 =	vmul.f32 v48, v6  }
0x19b: {  	v10 =	vmul.f32 $1.442695020e+00, v10;
	v50 =	vld [tilespmem:s7+$0xFFFFFFC0]  }
0x19c: {  	v12 =	vor.u32 s18, v1;
	v11 =	vld.idx.msk [tilespmem:v47+s30+$0x0], $0xffff;
	[tilespmem:s7+$0xFFFFFFB0] =	vst v6;
	v8 =	vmul.f32 v49, v8  }
0x19d: {  	(erf) = vpow2.f32 v10;
	v6 =	vld.idx.msk [tilespmem:v13+s30+$0x0], $0xffff  }
0x19e: {  	v13 =	vld [tilespmem:s7+$0x10];
	[tilespmem:s7+$0x0] =	vst v8;
	v5 =	vmul.f32 v9, v5  }
0x19f: {  	v8 =	vld.idx.msk [tilespmem:v53+s30+$0x0], $0xffff  }
0x1a0: {  	v10 =	vor.u32 s25, v2;
	[tilespmem:s7+$0xFFFFFF60] =	vst v5;
	v5 =	vld [tilespmem:s7+$0xFFFFFF70]  }
0x1a1: {  	v4 =	vmul.f32 v4, v11;
	v11 =	vld.idx.msk [tilespmem:v12+s30+$0x0], $0xffff  }
0x1a2: {  	v9 =	vld [tilespmem:s13+$0xFFFFFFF0]  }
0x1a3: {  	v7 =	vld [tilespmem:s12+$0xFFFFFFA0];
	v12 =	vor.u32 s22, v2  }
0x1a4: {  	v54 =	vor.u32 s18, v2;
	v14 =	vld [tilespmem:s7+$0x70];
	[tilespmem:s7+$0x60] =	vst v4;
	v6 =	vmul.f32 v50, v6  }
0x1a5: {  	v10 =	vld.idx.msk [tilespmem:v10+s30+$0x0], $0xffff  }
0x1a6: {  	[tilespmem:s7+$0xFFFFFFC0] =	vst v6;
	v6 =	vld [tilespmem:s7+$0xFFFFFFD0];
	v5 =	vmul.f32 v5, v11;
	v11 =	vpop (erf)  }
0x1a7: {  	v8 =	vmul.f32 v13, v8;
	v13 =	vld [tilespmem:s7+$0xFFFFFF80];
	v9 =	vadd.f32 v9, v46;
	[tilespmem:s12+$0x90] =	vst v11  }
0x1a8: {  	v55 =	vor.u32 s31, v2;
	s16 =	simm.s32 $0xE480;
	v12 =	vld.idx.msk [tilespmem:v12+s30+$0x0], $0xffff;
	[tilespmem:s7+$0xFFFFFF70] =	vst v5;
	v5 =	vadd.f32 v51, v52  }
0x1a9: {  	v57 =	vor.u32 s25, v3;
	[tilespmem:s16+$0x10] =	vst v11;
	v11 =	vmul.f32 $2.000000030e-01, v9;
	v58 =	vld.idx.msk [tilespmem:v54+s30+$0x0], $0xffff  }
0x1aa: {  	v15 =	vld [tilespmem:s7+$0x80];
	v7 =	vadd.f32 v45, v7;
	[tilespmem:s7+$0x10] =	vst v8;
	v8 =	vmul.f32 v14, v10;
	v14 =	vmul.f32 $2.000000030e-01, v5  }
0x1ab: {  	v56 =	vld [tilespmem:s7+$0x20];
	v9 =	vmax.f32 v9, v11  }
0x1ac: {  	v4 =	vld [tilespmem:s7+$0xFFFFFF90];
	[tilespmem:s7+$0x70] =	vst v8;
	v11 =	vmul.f32 $1.442695020e+00, v9;
	v8 =	vmax.f32 v5, v14;
	v14 =	vmul.f32 $2.000000030e-01, v7  }
0x1ad: {  	v60 =	vor.u32 s22, v3;
	v59 =	vld.idx.msk [tilespmem:v55+s30+$0x0], $0xffff;
	v6 =	vmul.f32 v6, v12;
	v12 =	vmul.f32 $1.442695020e+00, v8  }
0x1ae: {  	v10 =	vld [tilespmem:s12+$0x50];
	(erf) = vpow2.f32 v11;
	v7 =	vmax.f32 v7, v14;
	v13 =	vmul.f32 v13, v58  }
0x1af: {  	v61 =	vld.idx.msk [tilespmem:v57+s30+$0x0], $0xffff;
	v63 =	vmul.f32 $1.442695020e+00, v7;
	(erf) = vpow2.f32 v12  }
0x1b0: {  	v62 =	vor.u32 s18, v3;
	v9 =	vld [tilespmem:s12+$0x80]  }
0x1b1: {  	s26 =	simm.s32 $0x70;
	v5 =	vld [tilespmem:s7+$0x30];
	[tilespmem:s7+$0xFFFFFF80] =	vst v13;
	v13 =	vor.u32 s31, v3;
	(erf) = vpow2.f32 v63  }
0x1b2: {  	v8 =	vld [tilespmem:s7+$0xFFFFFFE0];
	[tilespmem:s7+$0xFFFFFFD0] =	vst v6;
	v14 =	vor.u32 s26, v0  }
0x1b3: {  	v6 =	vmul.f32 v56, v59;
	v11 =	vld.idx.msk [tilespmem:v60+s30+$0x0], $0xffff  }
0x1b4: {  	s4 =	simm.s32 $0x8200;
	v7 =	vld [tilespmem:s12+$0x60]  }
0x1b5: {  	s0 =	simm.s32 $0x40;
	s18 =	simm.s32 $0x40;
	s22 =	simm.s32 $0x4;
	[tilespmem:s7+$0x20] =	vst v6;
	v6 =	vmul.f32 v15, v61;
	v12 =	vld.idx.msk [tilespmem:v62+s30+$0x0], $0xffff  }
.LBB2_7:
0x1b6: {  	s22 =	sadd.s32 $0x4, s22;
	v13 =	vld.idx.msk [tilespmem:v13+s30+$0x0], $0xffff  }
0x1b7: {  	s25 =	sadd.s32 $0x20, s18;
	s12 =	sadd.s32 $0x140, s12;
	p1 =	slt.u32 s22, $0x4C;
	v14 =	vld.idx.msk [tilespmem:v14+s30+$0x0], $0xffff;
	v15 =	vpop (erf);
	[tilespmem:s7+$0x80] =	vst v6;
	v6 =	vmov v9  }
0x1b8: {  	v16 =	vor.u32 s25, v0;
	v9 =	vld [tilespmem:s12+$0xFFFFFFA0];
	[tilespmem:s4+$0xFFFFFFF0] =	vst v15;
	v17 =	vpop (erf)  }
0x1b9: {  	s13 =	sadd.s32 $0x40, s13;
	v8 =	vmul.f32 v8, v11;
	v18 =	vld [tilespmem:s12+$0x90];
	[tilespmem:s4+$0x40] =	vst v17  }
0x1ba: {  	s31 =	sadd.s32 $0x10, s18;
	v11 =	vld [tilespmem:s13+$0x10];
	[tilespmem:s16+$0xFFFFFFF0] =	vst v15;
	v15 =	vpop (erf)  }
0x1bb: {  	v19 =	vor.u32 s31, v0;
	v4 =	vmul.f32 v4, v12;
	[tilespmem:s4+$0xFFFFFFA0] =	vst v15;
	v20 =	vld [tilespmem:s4+$0x70]  }
0x1bc: {  	v21 =	vor.u32 s18, v0;
	v5 =	vmul.f32 v5, v13;
	v12 =	vld [tilespmem:s13+$0xFFFFFFE0];
	[tilespmem:s16+$0x0] =	vst v17  }
0x1bd: {  	v10 =	vmul.f32 v10, v14;
	v13 =	vld.idx.msk [tilespmem:v16+s30+$0x0], $0xffff;
	[tilespmem:s7+$0xFFFFFFE0] =	vst v8  }
0x1be: {  	v14 =	vor.u32 s26, v1;
	v8 =	vld [tilespmem:s12+$0xFFFFFFF0];
	[tilespmem:s7+$0x30] =	vst v5  }
0x1bf: {  	v5 =	vadd.f32 v11, v18;
	v11 =	vld [tilespmem:s4+$0xFFFFFFB0];
	[tilespmem:s7+$0xFFFFFF90] =	vst v4;
	s7 =	smov.u32 s4;
	s4 =	smov.u32 s12  }
0x1c0: {  	[tilespmem:s16+$0xFFFFFFE0] =	vst v15;
	v4 =	vld.idx.msk [tilespmem:v19+s30+$0x0], $0xffff  }
0x1c1: {  	v15 =	vmul.f32 $2.000000030e-01, v5;
	v16 =	vld [tilespmem:s7+$0xFFFFFF60];
	[tilespmem:s7+$0x50] =	vst v10  }
0x1c2: {  	v10 =	vld.idx.msk [tilespmem:v21+s30+$0x0], $0xffff  }
0x1c3: {  	v5 =	vmax.f32 v5, v15;
	v14 =	vld.idx.msk [tilespmem:v14+s30+$0x0], $0xffff  }
0x1c4: {  	v15 =	vor.u32 s31, v1;
	v5 =	vmul.f32 $1.442695020e+00, v5;
	v17 =	vld [tilespmem:s7+$0x0]  }
0x1c5: {  	v18 =	vor.u32 s18, v1;
	v19 =	vld [tilespmem:s7+$0xFFFFFFC0]  }
0x1c6: {  	v4 =	vmul.f32 v11, v4;
	v21 =	vld [tilespmem:s13+$0x0];
	(erf) = vpow2.f32 v5  }
0x1c7: {  	v11 =	vor.u32 s25, v1;
	v5 =	vld [tilespmem:s12+$0x40]  }
0x1c8: {  	v10 =	vmul.f32 v16, v10;
	v22 =	vld [tilespmem:s13+$0xFFFFFFF0];
	[tilespmem:s7+$0xFFFFFFB0] =	vst v4  }
0x1c9: {  	v7 =	vmul.f32 v7, v14;
	v15 =	vld.idx.msk [tilespmem:v15+s30+$0x0], $0xffff;
	v4 =	vmul.f32 v17, v13;
	v13 =	vor.u32 s26, v2  }
0x1ca: {  	[tilespmem:s7+$0xFFFFFF60] =	vst v10;
	v10 =	vld [tilespmem:s7+$0xFFFFFF70]  }
0x1cb: {  	s18 =	sadd.s32 $0x40, s18;
	v14 =	vld.idx.msk [tilespmem:v18+s30+$0x0], $0xffff;
	[tilespmem:s7+$0x0] =	vst v4  }
0x1cc: {  	v11 =	vld.idx.msk [tilespmem:v11+s30+$0x0], $0xffff;
	[tilespmem:s7+$0x60] =	vst v7  }
0x1cd: {  	v5 =	vadd.f32 v21, v5;
	v7 =	vor.u32 s31, v2;
	v16 =	vld [tilespmem:s7+$0x10]  }
0x1ce: {  	v17 =	vor.u32 s0, v2;
	v13 =	vld.idx.msk [tilespmem:v13+s30+$0x0], $0xffff  }
0x1cf: {  	v8 =	vadd.f32 v22, v8;
	v18 =	vmul.f32 $2.000000030e-01, v5;
	v15 =	vmul.f32 v19, v15;
	v21 =	vpop (erf);
	v4 =	vld [tilespmem:s7+$0xFFFFFF90]  }
0x1d0: {  	s16 =	sadd.s32 $0x40, s16;
	v9 =	vadd.f32 v12, v9;
	v12 =	vor.u32 s25, v2;
	v22 =	vor.u32 s26, v3;
	s26 =	sadd.s32 $0x30, s18;
	v19 =	vld [tilespmem:s7+$0x20]  }
0x1d1: {  	v23 =	vmul.f32 $2.000000030e-01, v8;
	v5 =	vmax.f32 v5, v18;
	v10 =	vmul.f32 v10, v14;
	[tilespmem:s7+$0xFFFFFFC0] =	vst v15;
	v15 =	vld [tilespmem:s7+$0xFFFFFFD0]  }
0x1d2: {  	v18 =	vmul.f32 $2.000000030e-01, v9;
	v14 =	vor.u32 s26, v0;
	[tilespmem:s12+$0x90] =	vst v21;
	v7 =	vld.idx.msk [tilespmem:v7+s30+$0x0], $0xffff;
	v11 =	vmul.f32 v16, v11  }
0x1d3: {  	v8 =	vmax.f32 v8, v23;
	v5 =	vmul.f32 $1.442695020e+00, v5;
	[tilespmem:s7+$0xFFFFFF70] =	vst v10;
	v16 =	vld [tilespmem:s7+$0xFFFFFF80]  }
0x1d4: {  	v9 =	vmax.f32 v9, v18;
	v8 =	vmul.f32 $1.442695020e+00, v8;
	v17 =	vld.idx.msk [tilespmem:v17+s30+$0x0], $0xffff;
	[tilespmem:s7+$0x10] =	vst v11;
	v11 =	vmul.f32 v20, v13  }
0x1d5: {  	v9 =	vmul.f32 $1.442695020e+00, v9;
	[tilespmem:s16+$0x10] =	vst v21;
	v12 =	vld.idx.msk [tilespmem:v12+s30+$0x0], $0xffff  }
0x1d6: {  	v18 =	vor.u32 s31, v3;
	v10 =	vld [tilespmem:s12+$0x50];
	(erf) = vpow2.f32 v8;
	[tilespmem:s7+$0x70] =	vst v11  }
0x1d7: {  	v20 =	vor.u32 s0, v3;
	s0 =	smov.u32 s18;
	(erf) = vpow2.f32 v5;
	v21 =	vld.idx.msk [tilespmem:v22+s30+$0x0], $0xffff  }
0x1d8: {  	v7 =	vmul.f32 v15, v7;
	v5 =	vld [tilespmem:s7+$0x30]  }
.Ltmp2:
0x1d9: {  	v13 =	vor.u32 s25, v3;
	(erf) = vpow2.f32 v9;
	v8 =	vld [tilespmem:s7+$0xFFFFFFE0];
	(pc) =	sbr.rel @p1 .LBB2_7-.Ltmp2, $4  }
0x1da: {  	v15 =	vmul.f32 v16, v17;
	v9 =	vld [tilespmem:s12+$0x80];
	[tilespmem:s7+$0xFFFFFFD0] =	vst v7  }
0x1db: {  	v16 =	vmul.f32 v19, v12;
	v11 =	vld.idx.msk [tilespmem:v18+s30+$0x0], $0xffff  }
0x1dc: {  	v7 =	vld [tilespmem:s12+$0x60];
	[tilespmem:s7+$0xFFFFFF80] =	vst v15  }
0x1dd: {  	v6 =	vmul.f32 v6, v21;
	v12 =	vld.idx.msk [tilespmem:v20+s30+$0x0], $0xffff;
	[tilespmem:s7+$0x20] =	vst v16  }
0x1de: {  	s13 =	sadd.s32 $0x10, s18  }
0x1df: {  	v15 =	vor.u32 s13, v0  }
0x1e0: {  	v16 =	vpop (erf)  }
0x1e1: {  	v18 =	vor.u32 s18, v0;
	[tilespmem:s4+$0xFFFFFFF0] =	vst v16;
	v17 =	vpop (erf)  }
0x1e2: {  	s12 =	sadd.s32 $0x20, s18;
	v14 =	vld.idx.msk [tilespmem:v14+s30+$0x0], $0xffff;
	[tilespmem:s16+$0xFFFFFFF0] =	vst v16;
	v26 =	vpop (erf)  }
0x1e3: {  	v19 =	vor.u32 s12, v0;
	v21 =	vld [tilespmem:s4+$0xFFFFFFB0];
	[tilespmem:s4+$0xFFFFFFA0] =	vst v26  }
0x1e4: {  	[tilespmem:s16+$0xFFFFFFE0] =	vst v26;
	v15 =	vld.idx.msk [tilespmem:v15+s30+$0x0], $0xffff  }
0x1e5: {  	v27 =	vor.u32 s26, v1;
	[tilespmem:s4+$0x40] =	vst v17;
	v22 =	vld [tilespmem:s4+$0xFFFFFF60]  }
0x1e6: {  	[tilespmem:s16+$0x0] =	vst v17;
	v28 =	vld.idx.msk [tilespmem:v18+s30+$0x0], $0xffff  }
0x1e7: {  	v10 =	vmul.f32 v10, v14;
	v30 =	vld [tilespmem:s4+$0x0]  }
0x1e8: {  	v14 =	vor.u32 s13, v1;
	v29 =	vld.idx.msk [tilespmem:v19+s30+$0x0], $0xffff  }
0x1e9: {  	v31 =	vor.u32 s18, v1;
	[tilespmem:s4+$0x50] =	vst v10  }
0x1ea: {  	v10 =	vld.idx.msk [tilespmem:v27+s30+$0x0], $0xffff;
	v15 =	vmul.f32 v21, v15  }
0x1eb: {  	v23 =	vor.u32 s12, v1;
	v32 =	vld [tilespmem:s4+$0xFFFFFFC0];
	v17 =	vmul.f32 v22, v28  }
0x1ec: {  	v34 =	vld [tilespmem:s4+$0xFFFFFF70];
	[tilespmem:s4+$0xFFFFFFB0] =	vst v15  }
0x1ed: {  	v15 =	vmul.f32 v30, v29;
	v14 =	vld.idx.msk [tilespmem:v14+s30+$0x0], $0xffff;
	[tilespmem:s4+$0xFFFFFF60] =	vst v17  }
0x1ee: {  	v16 =	vld.idx.msk [tilespmem:v31+s30+$0x0], $0xffff  }
0x1ef: {  	v33 =	vor.u32 s26, v2;
	v7 =	vmul.f32 v7, v10;
	[tilespmem:s4+$0x0] =	vst v15;
	v15 =	vld [tilespmem:s4+$0x10]  }
0x1f0: {  	v10 =	vld.idx.msk [tilespmem:v23+s30+$0x0], $0xffff  }
0x1f1: {  	v20 =	vld [tilespmem:s4+$0x70];
	[tilespmem:s4+$0x60] =	vst v7;
	v7 =	vor.u32 s13, v2  }
0x1f2: {  	v37 =	vor.u32 s0, v2;
	v38 =	vld [tilespmem:s4+$0x20]  }
0x1f3: {  	v36 =	vor.u32 s12, v2;
	v39 =	vld [tilespmem:s4+$0xFFFFFF80];
	v14 =	vmul.f32 v32, v14  }
0x1f4: {  	v17 =	vld.idx.msk [tilespmem:v33+s30+$0x0], $0xffff;
	v16 =	vmul.f32 v34, v16  }
0x1f5: {  	[tilespmem:s4+$0xFFFFFFC0] =	vst v14;
	v14 =	vld [tilespmem:s4+$0xFFFFFFD0];
	v10 =	vmul.f32 v15, v10  }
0x1f6: {  	v7 =	vld.idx.msk [tilespmem:v7+s30+$0x0], $0xffff;
	[tilespmem:s4+$0xFFFFFF70] =	vst v16  }
0x1f7: {  	v15 =	vor.u32 s26, v3;
	[tilespmem:s4+$0x10] =	vst v10;
	v40 =	vld.idx.msk [tilespmem:v37+s30+$0x0], $0xffff  }
0x1f8: {  	v10 =	vld.idx.msk [tilespmem:v36+s30+$0x0], $0xffff  }
0x1f9: {  	v13 =	vld.idx.msk [tilespmem:v13+s30+$0x0], $0xffff;
	v41 =	vor.u32 s13, v3;
	v17 =	vmul.f32 v20, v17  }
0x1fa: {  	v43 =	vor.u32 s0, v3;
	v44 =	vld [tilespmem:s4+$0x30]  }
0x1fb: {  	v42 =	vor.u32 s12, v3;
	v35 =	vld [tilespmem:s4+$0xFFFFFF90];
	[tilespmem:s4+$0x70] =	vst v17;
	v7 =	vmul.f32 v14, v7  }
0x1fc: {  	[tilespmem:s7+$0x80] =	vst v6;
	v15 =	vld.idx.msk [tilespmem:v15+s30+$0x0], $0xffff;
	v16 =	vmul.f32 v39, v40  }
0x1fd: {  	v14 =	vld [tilespmem:s4+$0xFFFFFFE0];
	v10 =	vmul.f32 v38, v10;
	[tilespmem:s4+$0xFFFFFFD0] =	vst v7  }
0x1fe: {  	v7 =	vld.idx.msk [tilespmem:v41+s30+$0x0], $0xffff;
	[tilespmem:s4+$0xFFFFFF80] =	vst v16  }
0x1ff: {  	v8 =	vmul.f32 v8, v11;
	[tilespmem:s4+$0x20] =	vst v10;
	v6 =	vld.idx.msk [tilespmem:v43+s30+$0x0], $0xffff  }
0x200: {  	v5 =	vmul.f32 v5, v13;
	v10 =	vld.idx.msk [tilespmem:v42+s30+$0x0], $0xffff  }
0x201: {  	v4 =	vmul.f32 v4, v12;
	[tilespmem:s7+$0xFFFFFFE0] =	vst v8  }
0x202: {  	[tilespmem:s7+$0x30] =	vst v5;
	v5 =	vmul.f32 v9, v15  }
0x203: {  	[tilespmem:s7+$0xFFFFFF90] =	vst v4;
	v4 =	vmul.f32 v14, v7  }
0x204: {  	[tilespmem:s4+$0x80] =	vst v5;
	v6 =	vmul.f32 v35, v6  }
0x205: {  	v5 =	vmul.f32 v44, v10;
	[tilespmem:s4+$0xFFFFFFE0] =	vst v4  }
0x206: {  	[tilespmem:s4+$0xFFFFFF90] =	vst v6  }
0x207: {  	s0 =	simm.s32 @!p0 $0xC;
	s12 =	sadd.s32 $0x27B0, s11;
	s13 =	simm.s32 $0x8020;
	[tilespmem:s4+$0x30] =	vst v5  }
0x208: {  	[spmem:s3] =	stream.indirect.scatter.add.f32 [tilespmem:s13], [sflag:$0xD], $0x50, s12, s15, $0xb8;
	[tilespmem:$0x1B120] =	vst v63  }
0x209: {  	_ =	swait.ge @!p0 [sflag:s0], $0x1900  }
0x20a: {  	s7 =	simm.s32 @!p0 $0x6720;
	[sflag:s0] =	ssyncset.done @!p0 $0x0  }
0x20b: {  	s4 =	simm.s32 @!p0 $0x50;
	[sflag:s0] =	ssyncadd.s32 @!p0 $0xFFFFE700;
	s0 =	sadd.s32 @!p0 $0x1E0, s10  }
0x20c: {  	[tilespmem:s7], [sflag:$0x2] =	stream.indirect.gather @!p0 [hbm4b:s5+s4], $0x50, s0, s4, $0xb8;
	[tilespmem:$0x1B120] =	vst v63  }
0x20d: {  	s0 =	sadd.s32 @!p0 $0x28F0, s10;
	s7 =	simm.s32 @!p0 $0xD020  }
0x20e: {  	[tilespmem:s7], [sflag:$0x7] =	stream.indirect.gather @!p0 [hbm4b:s2+s4], $0x10, s0, s4, $0xb8;
	[tilespmem:$0x1B120] =	vst v63  }
0x20f: {  	_ =	swait.ge [sflag:s21], $0x1900  }
0x210: {  	[sflag:s21] =	ssyncset.done $0x0  }
0x211: {  	[sflag:s21] =	ssyncadd.s32 $0xFFFFE700  }
0x212: {  	_ =	swait.ge [sflag:s23], $0x500  }
0x213: {  	[sflag:s23] =	ssyncset.done $0x0  }
0x214: {  	s7 =	simm.s32 $0x99C0;
	[sflag:s23] =	ssyncadd.s32 $0xFFFFFB00  }
0x215: {  	s16 =	simm.s32 $0xDA40;
	v4 =	vld [tilespmem:s7+$0x90]  }
0x216: {  	v5 =	vld [tilespmem:s16+$0x10];
	_ =	sdelay $0x4  }
0x217: {  	v4 =	vadd.f32 v5, v4  }
0x218: {  	v7 =	vld [tilespmem:s16+$0x0]  }
0x219: {  	v8 =	vld [tilespmem:s16+$0xFFFFFFF0];
	v6 =	vmul.f32 $2.000000030e-01, v4  }
0x21a: {  	v5 =	vld [tilespmem:s7+$0xFFFFFFF0]  }
0x21b: {  	v4 =	vmax.f32 v4, v6;
	v6 =	vld [tilespmem:s7+$0x40];
	_ =	sdelay $0x1  }
0x21c: {  	v4 =	vmul.f32 $1.442695020e+00, v4  }
0x21d: {  	v9 =	vld [tilespmem:s7+$0xFFFFFFA0]  }
0x21e: {  	v5 =	vadd.f32 v8, v5;
	(erf) = vpow2.f32 v4;
	v4 =	vld [tilespmem:s16+$0xFFFFFFE0]  }
0x21f: {  	v6 =	vadd.f32 v7, v6  }
0x220: {  	v7 =	vmul.f32 $2.000000030e-01, v5  }
0x221: {  	v8 =	vmul.f32 $2.000000030e-01, v6  }
0x222: {  	v5 =	vmax.f32 v5, v7  }
0x223: {  	v4 =	vadd.f32 v4, v9;
	v5 =	vmul.f32 $1.442695020e+00, v5;
	v6 =	vmax.f32 v6, v8  }
0x224: {  	v6 =	vmul.f32 $1.442695020e+00, v6  }
0x225: {  	v7 =	vmul.f32 $2.000000030e-01, v4;
	(erf) = vpow2.f32 v5;
	_ =	sdelay $0x1  }
0x226: {  	(erf) = vpow2.f32 v6;
	v4 =	vmax.f32 v4, v7  }
0x227: {  	s18 =	simm.s32 $0x30;
	v4 =	vmul.f32 $1.442695020e+00, v4  }
0x228: {  	s11 =	simm.s32 $0x9B00;
	v6 =	vor.u32 s18, v0  }
0x229: {  	s12 =	simm.s32 $0xDA80;
	v10 =	vld [tilespmem:s11+$0x90];
	v5 =	vpop (erf);
	(erf) = vpow2.f32 v4  }
0x22a: {  	s22 =	simm.s32 $0xE440;
	v12 =	vld [tilespmem:s12+$0x10];
	[tilespmem:s7+$0x90] =	vst v5  }
0x22b: {  	v45 =	vld [tilespmem:s12+$0xFFFFFFE0];
	[tilespmem:s22+$0x10] =	vst v5  }
0x22c: {  	s26 =	simm.s32 $0x10;
	v5 =	vld [tilespmem:s7+$0x50]  }
0x22d: {  	s25 =	simm.s32 $0x20;
	v13 =	vor.u32 s26, v0;
	v6 =	vld.idx.msk [tilespmem:v6+s30+$0x0], $0xffff;
	v9 =	vpop (erf)  }
0x22e: {  	v46 =	vld [tilespmem:s11+$0xFFFFFFF0];
	v8 =	vor.u32 s25, v0;
	[tilespmem:s7+$0xFFFFFFF0] =	vst v9  }
0x22f: {  	v51 =	vld [tilespmem:s12+$0x0];
	v11 =	vpop (erf);
	[tilespmem:s22+$0xFFFFFFF0] =	vst v9  }
0x230: {  	s31 =	simm.s32 $0x0;
	v52 =	vld [tilespmem:s11+$0x40];
	[tilespmem:s7+$0x40] =	vst v11  }
0x231: {  	v48 =	vld [tilespmem:s7+$0xFFFFFFB0];
	[tilespmem:s22+$0x0] =	vst v11;
	v11 =	vor.u32 s31, v0  }
0x232: {  	v5 =	vmul.f32 v5, v6;
	v6 =	vld.idx.msk [tilespmem:v13+s30+$0x0], $0xffff;
	v9 =	vpop (erf)  }
0x233: {  	v10 =	vadd.f32 v12, v10;
	v8 =	vld.idx.msk [tilespmem:v8+s30+$0x0], $0xffff;
	[tilespmem:s7+$0xFFFFFFA0] =	vst v9  }
0x234: {  	v47 =	vor.u32 s18, v1;
	v49 =	vld [tilespmem:s7+$0x0];
	[tilespmem:s22+$0xFFFFFFE0] =	vst v9  }
0x235: {  	v12 =	vmul.f32 $2.000000030e-01, v10;
	v13 =	vor.u32 s26, v1;
	v9 =	vld [tilespmem:s7+$0xFFFFFF60]  }
0x236: {  	[tilespmem:s7+$0x50] =	vst v5;
	v5 =	vld.idx.msk [tilespmem:v11+s30+$0x0], $0xffff  }
0x237: {  	v53 =	vor.u32 s25, v1;
	v10 =	vmax.f32 v10, v12;
	v4 =	vld [tilespmem:s7+$0x60];
	v6 =	vmul.f32 v48, v6  }
0x238: {  	v10 =	vmul.f32 $1.442695020e+00, v10;
	v50 =	vld [tilespmem:s7+$0xFFFFFFC0]  }
0x239: {  	v12 =	vor.u32 s31, v1;
	v11 =	vld.idx.msk [tilespmem:v47+s30+$0x0], $0xffff;
	[tilespmem:s7+$0xFFFFFFB0] =	vst v6;
	v8 =	vmul.f32 v49, v8  }
0x23a: {  	(erf) = vpow2.f32 v10;
	v6 =	vld.idx.msk [tilespmem:v13+s30+$0x0], $0xffff  }
0x23b: {  	v13 =	vld [tilespmem:s7+$0x10];
	[tilespmem:s7+$0x0] =	vst v8;
	v5 =	vmul.f32 v9, v5  }
0x23c: {  	v8 =	vld.idx.msk [tilespmem:v53+s30+$0x0], $0xffff  }
0x23d: {  	v10 =	vor.u32 s18, v2;
	[tilespmem:s7+$0xFFFFFF60] =	vst v5;
	v5 =	vld [tilespmem:s7+$0xFFFFFF70]  }
0x23e: {  	v4 =	vmul.f32 v4, v11;
	v11 =	vld.idx.msk [tilespmem:v12+s30+$0x0], $0xffff  }
0x23f: {  	v9 =	vld [tilespmem:s12+$0xFFFFFFF0]  }
0x240: {  	v7 =	vld [tilespmem:s11+$0xFFFFFFA0];
	v12 =	vor.u32 s26, v2  }
0x241: {  	v54 =	vor.u32 s31, v2;
	v14 =	vld [tilespmem:s7+$0x70];
	[tilespmem:s7+$0x60] =	vst v4;
	v6 =	vmul.f32 v50, v6  }
0x242: {  	v10 =	vld.idx.msk [tilespmem:v10+s30+$0x0], $0xffff  }
0x243: {  	[tilespmem:s7+$0xFFFFFFC0] =	vst v6;
	v6 =	vld [tilespmem:s7+$0xFFFFFFD0];
	v5 =	vmul.f32 v5, v11;
	v11 =	vpop (erf)  }
0x244: {  	v8 =	vmul.f32 v13, v8;
	v13 =	vld [tilespmem:s7+$0xFFFFFF80];
	v9 =	vadd.f32 v9, v46;
	[tilespmem:s11+$0x90] =	vst v11  }
0x245: {  	v55 =	vor.u32 s25, v2;
	s16 =	simm.s32 $0xE480;
	v12 =	vld.idx.msk [tilespmem:v12+s30+$0x0], $0xffff;
	[tilespmem:s7+$0xFFFFFF70] =	vst v5;
	v5 =	vadd.f32 v51, v52  }
0x246: {  	v57 =	vor.u32 s18, v3;
	[tilespmem:s16+$0x10] =	vst v11;
	v11 =	vmul.f32 $2.000000030e-01, v9;
	v58 =	vld.idx.msk [tilespmem:v54+s30+$0x0], $0xffff  }
0x247: {  	v15 =	vld [tilespmem:s7+$0x80];
	v7 =	vadd.f32 v45, v7;
	[tilespmem:s7+$0x10] =	vst v8;
	v8 =	vmul.f32 v14, v10;
	v14 =	vmul.f32 $2.000000030e-01, v5  }
0x248: {  	v56 =	vld [tilespmem:s7+$0x20];
	v9 =	vmax.f32 v9, v11  }
0x249: {  	v4 =	vld [tilespmem:s7+$0xFFFFFF90];
	[tilespmem:s7+$0x70] =	vst v8;
	v11 =	vmul.f32 $1.442695020e+00, v9;
	v8 =	vmax.f32 v5, v14;
	v14 =	vmul.f32 $2.000000030e-01, v7  }
0x24a: {  	v60 =	vor.u32 s26, v3;
	v59 =	vld.idx.msk [tilespmem:v55+s30+$0x0], $0xffff;
	v6 =	vmul.f32 v6, v12;
	v12 =	vmul.f32 $1.442695020e+00, v8  }
0x24b: {  	v10 =	vld [tilespmem:s11+$0x50];
	(erf) = vpow2.f32 v11;
	v7 =	vmax.f32 v7, v14;
	v13 =	vmul.f32 v13, v58  }
0x24c: {  	v61 =	vld.idx.msk [tilespmem:v57+s30+$0x0], $0xffff;
	v63 =	vmul.f32 $1.442695020e+00, v7;
	(erf) = vpow2.f32 v12  }
0x24d: {  	v62 =	vor.u32 s31, v3;
	v9 =	vld [tilespmem:s11+$0x80]  }
0x24e: {  	s4 =	simm.s32 $0x70;
	v5 =	vld [tilespmem:s7+$0x30];
	[tilespmem:s7+$0xFFFFFF80] =	vst v13;
	v13 =	vor.u32 s25, v3;
	(erf) = vpow2.f32 v63  }
0x24f: {  	v8 =	vld [tilespmem:s7+$0xFFFFFFE0];
	[tilespmem:s7+$0xFFFFFFD0] =	vst v6;
	v14 =	vor.u32 s4, v0  }
0x250: {  	v6 =	vmul.f32 v56, v59;
	v11 =	vld.idx.msk [tilespmem:v60+s30+$0x0], $0xffff  }
0x251: {  	s13 =	simm.s32 $0x9B00;
	v7 =	vld [tilespmem:s11+$0x60]  }
0x252: {  	s0 =	simm.s32 $0x40;
	s18 =	simm.s32 $0x40;
	s22 =	simm.s32 $0x4;
	[tilespmem:s7+$0x20] =	vst v6;
	v6 =	vmul.f32 v15, v61;
	v12 =	vld.idx.msk [tilespmem:v62+s30+$0x0], $0xffff  }
.LBB2_9:
0x253: {  	s22 =	sadd.s32 $0x4, s22;
	v13 =	vld.idx.msk [tilespmem:v13+s30+$0x0], $0xffff  }
0x254: {  	s25 =	sadd.s32 $0x20, s18;
	s11 =	sadd.s32 $0x140, s11;
	p1 =	slt.u32 s22, $0x4C;
	v14 =	vld.idx.msk [tilespmem:v14+s30+$0x0], $0xffff;
	v15 =	vpop (erf);
	[tilespmem:s7+$0x80] =	vst v6;
	v6 =	vmov v9  }
0x255: {  	v16 =	vor.u32 s25, v0;
	v9 =	vld [tilespmem:s11+$0xFFFFFFA0];
	[tilespmem:s13+$0xFFFFFFF0] =	vst v15;
	v17 =	vpop (erf)  }
0x256: {  	s12 =	sadd.s32 $0x40, s12;
	v8 =	vmul.f32 v8, v11;
	v18 =	vld [tilespmem:s11+$0x90];
	[tilespmem:s13+$0x40] =	vst v17  }
0x257: {  	s26 =	sadd.s32 $0x10, s18;
	v11 =	vld [tilespmem:s12+$0x10];
	[tilespmem:s16+$0xFFFFFFF0] =	vst v15;
	v15 =	vpop (erf)  }
0x258: {  	v19 =	vor.u32 s26, v0;
	v4 =	vmul.f32 v4, v12;
	[tilespmem:s13+$0xFFFFFFA0] =	vst v15;
	v20 =	vld [tilespmem:s13+$0x70]  }
0x259: {  	v21 =	vor.u32 s18, v0;
	v5 =	vmul.f32 v5, v13;
	v12 =	vld [tilespmem:s12+$0xFFFFFFE0];
	[tilespmem:s16+$0x0] =	vst v17  }
0x25a: {  	v10 =	vmul.f32 v10, v14;
	v13 =	vld.idx.msk [tilespmem:v16+s30+$0x0], $0xffff;
	[tilespmem:s7+$0xFFFFFFE0] =	vst v8  }
0x25b: {  	v14 =	vor.u32 s4, v1;
	v8 =	vld [tilespmem:s11+$0xFFFFFFF0];
	[tilespmem:s7+$0x30] =	vst v5  }
0x25c: {  	v5 =	vadd.f32 v11, v18;
	v11 =	vld [tilespmem:s13+$0xFFFFFFB0];
	[tilespmem:s7+$0xFFFFFF90] =	vst v4;
	s7 =	smov.u32 s13;
	s13 =	smov.u32 s11  }
0x25d: {  	[tilespmem:s16+$0xFFFFFFE0] =	vst v15;
	v4 =	vld.idx.msk [tilespmem:v19+s30+$0x0], $0xffff  }
0x25e: {  	v15 =	vmul.f32 $2.000000030e-01, v5;
	v16 =	vld [tilespmem:s7+$0xFFFFFF60];
	[tilespmem:s7+$0x50] =	vst v10  }
0x25f: {  	v10 =	vld.idx.msk [tilespmem:v21+s30+$0x0], $0xffff  }
0x260: {  	v5 =	vmax.f32 v5, v15;
	v14 =	vld.idx.msk [tilespmem:v14+s30+$0x0], $0xffff  }
0x261: {  	v15 =	vor.u32 s26, v1;
	v5 =	vmul.f32 $1.442695020e+00, v5;
	v17 =	vld [tilespmem:s7+$0x0]  }
0x262: {  	v18 =	vor.u32 s18, v1;
	v19 =	vld [tilespmem:s7+$0xFFFFFFC0]  }
0x263: {  	v4 =	vmul.f32 v11, v4;
	v21 =	vld [tilespmem:s12+$0x0];
	(erf) = vpow2.f32 v5  }
0x264: {  	v11 =	vor.u32 s25, v1;
	v5 =	vld [tilespmem:s11+$0x40]  }
0x265: {  	v10 =	vmul.f32 v16, v10;
	v22 =	vld [tilespmem:s12+$0xFFFFFFF0];
	[tilespmem:s7+$0xFFFFFFB0] =	vst v4  }
0x266: {  	v7 =	vmul.f32 v7, v14;
	v15 =	vld.idx.msk [tilespmem:v15+s30+$0x0], $0xffff;
	v4 =	vmul.f32 v17, v13;
	v13 =	vor.u32 s4, v2  }
0x267: {  	[tilespmem:s7+$0xFFFFFF60] =	vst v10;
	v10 =	vld [tilespmem:s7+$0xFFFFFF70]  }
0x268: {  	s18 =	sadd.s32 $0x40, s18;
	v14 =	vld.idx.msk [tilespmem:v18+s30+$0x0], $0xffff;
	[tilespmem:s7+$0x0] =	vst v4  }
0x269: {  	v11 =	vld.idx.msk [tilespmem:v11+s30+$0x0], $0xffff;
	[tilespmem:s7+$0x60] =	vst v7  }
0x26a: {  	v5 =	vadd.f32 v21, v5;
	v7 =	vor.u32 s26, v2;
	v16 =	vld [tilespmem:s7+$0x10]  }
0x26b: {  	v17 =	vor.u32 s0, v2;
	v13 =	vld.idx.msk [tilespmem:v13+s30+$0x0], $0xffff  }
0x26c: {  	v8 =	vadd.f32 v22, v8;
	v18 =	vmul.f32 $2.000000030e-01, v5;
	v15 =	vmul.f32 v19, v15;
	v21 =	vpop (erf);
	v4 =	vld [tilespmem:s7+$0xFFFFFF90]  }
0x26d: {  	s16 =	sadd.s32 $0x40, s16;
	v9 =	vadd.f32 v12, v9;
	v12 =	vor.u32 s25, v2;
	v22 =	vor.u32 s4, v3;
	s4 =	sadd.s32 $0x30, s18;
	v19 =	vld [tilespmem:s7+$0x20]  }
0x26e: {  	v23 =	vmul.f32 $2.000000030e-01, v8;
	v5 =	vmax.f32 v5, v18;
	v10 =	vmul.f32 v10, v14;
	[tilespmem:s7+$0xFFFFFFC0] =	vst v15;
	v15 =	vld [tilespmem:s7+$0xFFFFFFD0]  }
0x26f: {  	v18 =	vmul.f32 $2.000000030e-01, v9;
	v14 =	vor.u32 s4, v0;
	[tilespmem:s11+$0x90] =	vst v21;
	v7 =	vld.idx.msk [tilespmem:v7+s30+$0x0], $0xffff;
	v11 =	vmul.f32 v16, v11  }
0x270: {  	v8 =	vmax.f32 v8, v23;
	v5 =	vmul.f32 $1.442695020e+00, v5;
	[tilespmem:s7+$0xFFFFFF70] =	vst v10;
	v16 =	vld [tilespmem:s7+$0xFFFFFF80]  }
0x271: {  	v9 =	vmax.f32 v9, v18;
	v8 =	vmul.f32 $1.442695020e+00, v8;
	v17 =	vld.idx.msk [tilespmem:v17+s30+$0x0], $0xffff;
	[tilespmem:s7+$0x10] =	vst v11;
	v11 =	vmul.f32 v20, v13  }
0x272: {  	v9 =	vmul.f32 $1.442695020e+00, v9;
	[tilespmem:s16+$0x10] =	vst v21;
	v12 =	vld.idx.msk [tilespmem:v12+s30+$0x0], $0xffff  }
0x273: {  	v18 =	vor.u32 s26, v3;
	v10 =	vld [tilespmem:s11+$0x50];
	(erf) = vpow2.f32 v8;
	[tilespmem:s7+$0x70] =	vst v11  }
0x274: {  	v20 =	vor.u32 s0, v3;
	s0 =	smov.u32 s18;
	(erf) = vpow2.f32 v5;
	v21 =	vld.idx.msk [tilespmem:v22+s30+$0x0], $0xffff  }
0x275: {  	v7 =	vmul.f32 v15, v7;
	v5 =	vld [tilespmem:s7+$0x30]  }
.Ltmp3:
0x276: {  	v13 =	vor.u32 s25, v3;
	(erf) = vpow2.f32 v9;
	v8 =	vld [tilespmem:s7+$0xFFFFFFE0];
	(pc) =	sbr.rel @p1 .LBB2_9-.Ltmp3, $4  }
0x277: {  	v15 =	vmul.f32 v16, v17;
	v9 =	vld [tilespmem:s11+$0x80];
	[tilespmem:s7+$0xFFFFFFD0] =	vst v7  }
0x278: {  	v16 =	vmul.f32 v19, v12;
	v11 =	vld.idx.msk [tilespmem:v18+s30+$0x0], $0xffff  }
0x279: {  	v7 =	vld [tilespmem:s11+$0x60];
	[tilespmem:s7+$0xFFFFFF80] =	vst v15  }
0x27a: {  	v6 =	vmul.f32 v6, v21;
	v12 =	vld.idx.msk [tilespmem:v20+s30+$0x0], $0xffff;
	[tilespmem:s7+$0x20] =	vst v16  }
0x27b: {  	s12 =	sadd.s32 $0x10, s18  }
0x27c: {  	v15 =	vor.u32 s12, v0  }
0x27d: {  	v16 =	vpop (erf)  }
0x27e: {  	v18 =	vor.u32 s18, v0;
	[tilespmem:s13+$0xFFFFFFF0] =	vst v16;
	v17 =	vpop (erf)  }
0x27f: {  	s11 =	sadd.s32 $0x20, s18;
	v14 =	vld.idx.msk [tilespmem:v14+s30+$0x0], $0xffff;
	[tilespmem:s16+$0xFFFFFFF0] =	vst v16;
	v26 =	vpop (erf)  }
0x280: {  	v19 =	vor.u32 s11, v0;
	v21 =	vld [tilespmem:s13+$0xFFFFFFB0];
	[tilespmem:s13+$0xFFFFFFA0] =	vst v26  }
0x281: {  	[tilespmem:s16+$0xFFFFFFE0] =	vst v26;
	v15 =	vld.idx.msk [tilespmem:v15+s30+$0x0], $0xffff  }
0x282: {  	v27 =	vor.u32 s4, v1;
	[tilespmem:s13+$0x40] =	vst v17;
	v22 =	vld [tilespmem:s13+$0xFFFFFF60]  }
0x283: {  	[tilespmem:s16+$0x0] =	vst v17;
	v28 =	vld.idx.msk [tilespmem:v18+s30+$0x0], $0xffff  }
0x284: {  	v10 =	vmul.f32 v10, v14;
	v30 =	vld [tilespmem:s13+$0x0]  }
0x285: {  	v14 =	vor.u32 s12, v1;
	v29 =	vld.idx.msk [tilespmem:v19+s30+$0x0], $0xffff  }
0x286: {  	v31 =	vor.u32 s18, v1;
	[tilespmem:s13+$0x50] =	vst v10  }
0x287: {  	v10 =	vld.idx.msk [tilespmem:v27+s30+$0x0], $0xffff;
	v15 =	vmul.f32 v21, v15  }
0x288: {  	v23 =	vor.u32 s11, v1;
	v32 =	vld [tilespmem:s13+$0xFFFFFFC0];
	v17 =	vmul.f32 v22, v28  }
0x289: {  	v34 =	vld [tilespmem:s13+$0xFFFFFF70];
	[tilespmem:s13+$0xFFFFFFB0] =	vst v15  }
0x28a: {  	v15 =	vmul.f32 v30, v29;
	v14 =	vld.idx.msk [tilespmem:v14+s30+$0x0], $0xffff;
	[tilespmem:s13+$0xFFFFFF60] =	vst v17  }
0x28b: {  	v16 =	vld.idx.msk [tilespmem:v31+s30+$0x0], $0xffff  }
0x28c: {  	v33 =	vor.u32 s4, v2;
	v7 =	vmul.f32 v7, v10;
	[tilespmem:s13+$0x0] =	vst v15;
	v15 =	vld [tilespmem:s13+$0x10]  }
0x28d: {  	v10 =	vld.idx.msk [tilespmem:v23+s30+$0x0], $0xffff  }
0x28e: {  	v20 =	vld [tilespmem:s13+$0x70];
	[tilespmem:s13+$0x60] =	vst v7;
	v7 =	vor.u32 s12, v2  }
0x28f: {  	v37 =	vor.u32 s0, v2;
	v38 =	vld [tilespmem:s13+$0x20]  }
0x290: {  	v36 =	vor.u32 s11, v2;
	v39 =	vld [tilespmem:s13+$0xFFFFFF80];
	v14 =	vmul.f32 v32, v14  }
0x291: {  	v17 =	vld.idx.msk [tilespmem:v33+s30+$0x0], $0xffff;
	v16 =	vmul.f32 v34, v16  }
0x292: {  	[tilespmem:s13+$0xFFFFFFC0] =	vst v14;
	v14 =	vld [tilespmem:s13+$0xFFFFFFD0];
	v10 =	vmul.f32 v15, v10  }
0x293: {  	v7 =	vld.idx.msk [tilespmem:v7+s30+$0x0], $0xffff;
	[tilespmem:s13+$0xFFFFFF70] =	vst v16  }
0x294: {  	v15 =	vor.u32 s4, v3;
	[tilespmem:s13+$0x10] =	vst v10;
	v40 =	vld.idx.msk [tilespmem:v37+s30+$0x0], $0xffff  }
0x295: {  	v10 =	vld.idx.msk [tilespmem:v36+s30+$0x0], $0xffff  }
0x296: {  	v13 =	vld.idx.msk [tilespmem:v13+s30+$0x0], $0xffff;
	v41 =	vor.u32 s12, v3;
	v17 =	vmul.f32 v20, v17  }
0x297: {  	v43 =	vor.u32 s0, v3;
	v44 =	vld [tilespmem:s13+$0x30]  }
0x298: {  	v42 =	vor.u32 s11, v3;
	v35 =	vld [tilespmem:s13+$0xFFFFFF90];
	[tilespmem:s13+$0x70] =	vst v17;
	v7 =	vmul.f32 v14, v7  }
0x299: {  	[tilespmem:s7+$0x80] =	vst v6;
	v15 =	vld.idx.msk [tilespmem:v15+s30+$0x0], $0xffff;
	v16 =	vmul.f32 v39, v40  }
0x29a: {  	v14 =	vld [tilespmem:s13+$0xFFFFFFE0];
	v10 =	vmul.f32 v38, v10;
	[tilespmem:s13+$0xFFFFFFD0] =	vst v7  }
0x29b: {  	v7 =	vld.idx.msk [tilespmem:v41+s30+$0x0], $0xffff;
	[tilespmem:s13+$0xFFFFFF80] =	vst v16  }
0x29c: {  	v8 =	vmul.f32 v8, v11;
	[tilespmem:s13+$0x20] =	vst v10;
	v6 =	vld.idx.msk [tilespmem:v43+s30+$0x0], $0xffff  }
0x29d: {  	v5 =	vmul.f32 v5, v13;
	v10 =	vld.idx.msk [tilespmem:v42+s30+$0x0], $0xffff  }
0x29e: {  	v4 =	vmul.f32 v4, v12;
	[tilespmem:s7+$0xFFFFFFE0] =	vst v8  }
0x29f: {  	[tilespmem:s7+$0x30] =	vst v5;
	v5 =	vmul.f32 v9, v15  }
0x2a0: {  	[tilespmem:s7+$0xFFFFFF90] =	vst v4;
	v4 =	vmul.f32 v14, v7  }
0x2a1: {  	s12 =	smul.u32 $0x140, s9;
	[tilespmem:s13+$0x80] =	vst v5;
	v6 =	vmul.f32 v35, v6  }
0x2a2: {  	v5 =	vmul.f32 v44, v10;
	[tilespmem:s13+$0xFFFFFFE0] =	vst v4  }
0x2a3: {  	s0 =	sshra.s32 s12, $0x2;
	[tilespmem:s13+$0xFFFFFF90] =	vst v6  }
0x2a4: {  	s25 =	simm.s32 $0x9920;
	s0 =	sadd.s32 $0x2710, s0;
	[tilespmem:s13+$0x30] =	vst v5  }
0x2a5: {  	[spmem:s3] =	stream.indirect.scatter.add.f32 [tilespmem:s25], [sflag:$0xE], $0x50, s0, s15, $0xb8;
	[tilespmem:$0x1B120] =	vst v63  }
0x2a6: {  	s0 =	simm.s32 @!p0 $0xD  }
0x2a7: {  	_ =	swait.ge @!p0 [sflag:s0], $0x1900  }
0x2a8: {  	s7 =	simm.s32 @!p0 $0x8020;
	[sflag:s0] =	ssyncset.done @!p0 $0x0  }
0x2a9: {  	s4 =	simm.s32 @!p0 $0x50;
	[sflag:s0] =	ssyncadd.s32 @!p0 $0xFFFFE700;
	s0 =	sadd.s32 @!p0 $0x230, s10  }
0x2aa: {  	[tilespmem:s7], [sflag:$0x3] =	stream.indirect.gather @!p0 [hbm4b:s5+s4], $0x50, s0, s4, $0xb8;
	[tilespmem:$0x1B120] =	vst v63  }
0x2ab: {  	s0 =	sadd.s32 @!p0 $0x2940, s10;
	s7 =	simm.s32 @!p0 $0xD520  }
0x2ac: {  	[tilespmem:s7], [sflag:$0x8] =	stream.indirect.gather @!p0 [hbm4b:s2+s4], $0x10, s0, s4, $0xb8;
	[tilespmem:$0x1B120] =	vst v63  }
0x2ad: {  	_ =	swait.ge [sflag:s24], $0x1900  }
0x2ae: {  	[sflag:s24] =	ssyncset.done $0x0  }
0x2af: {  	[sflag:s24] =	ssyncadd.s32 $0xFFFFE700  }
0x2b0: {  	_ =	swait.ge [sflag:s14], $0x500  }
0x2b1: {  	[sflag:s14] =	ssyncset.done $0x0  }
0x2b2: {  	s7 =	simm.s32 $0xB2C0;
	[sflag:s14] =	ssyncadd.s32 $0xFFFFFB00  }
0x2b3: {  	s13 =	simm.s32 $0xDF40;
	v4 =	vld [tilespmem:s7+$0x90]  }
0x2b4: {  	v5 =	vld [tilespmem:s13+$0x10];
	_ =	sdelay $0x4  }
0x2b5: {  	v4 =	vadd.f32 v5, v4  }
0x2b6: {  	v7 =	vld [tilespmem:s13+$0x0]  }
0x2b7: {  	v8 =	vld [tilespmem:s13+$0xFFFFFFF0];
	v6 =	vmul.f32 $2.000000030e-01, v4  }
0x2b8: {  	v5 =	vld [tilespmem:s7+$0xFFFFFFF0]  }
0x2b9: {  	v4 =	vmax.f32 v4, v6;
	v6 =	vld [tilespmem:s7+$0x40];
	_ =	sdelay $0x1  }
0x2ba: {  	v4 =	vmul.f32 $1.442695020e+00, v4  }
0x2bb: {  	v9 =	vld [tilespmem:s7+$0xFFFFFFA0]  }
0x2bc: {  	v5 =	vadd.f32 v8, v5;
	(erf) = vpow2.f32 v4;
	v4 =	vld [tilespmem:s13+$0xFFFFFFE0]  }
0x2bd: {  	v6 =	vadd.f32 v7, v6  }
0x2be: {  	v7 =	vmul.f32 $2.000000030e-01, v5  }
0x2bf: {  	v8 =	vmul.f32 $2.000000030e-01, v6  }
0x2c0: {  	v5 =	vmax.f32 v5, v7  }
0x2c1: {  	v4 =	vadd.f32 v4, v9;
	v5 =	vmul.f32 $1.442695020e+00, v5;
	v6 =	vmax.f32 v6, v8  }
0x2c2: {  	v6 =	vmul.f32 $1.442695020e+00, v6  }
0x2c3: {  	v7 =	vmul.f32 $2.000000030e-01, v4;
	(erf) = vpow2.f32 v5;
	_ =	sdelay $0x1  }
0x2c4: {  	(erf) = vpow2.f32 v6;
	v4 =	vmax.f32 v4, v7  }
0x2c5: {  	s16 =	simm.s32 $0x30;
	v4 =	vmul.f32 $1.442695020e+00, v4  }
0x2c6: {  	s9 =	simm.s32 $0xB400;
	v6 =	vor.u32 s16, v0  }
0x2c7: {  	s10 =	simm.s32 $0xDF80;
	v10 =	vld [tilespmem:s9+$0x90];
	v5 =	vpop (erf);
	(erf) = vpow2.f32 v4  }
0x2c8: {  	s18 =	simm.s32 $0xE440;
	v12 =	vld [tilespmem:s10+$0x10];
	[tilespmem:s7+$0x90] =	vst v5  }
0x2c9: {  	v45 =	vld [tilespmem:s10+$0xFFFFFFE0];
	[tilespmem:s18+$0x10] =	vst v5  }
0x2ca: {  	s26 =	simm.s32 $0x10;
	v5 =	vld [tilespmem:s7+$0x50]  }
0x2cb: {  	s22 =	simm.s32 $0x20;
	v13 =	vor.u32 s26, v0;
	v6 =	vld.idx.msk [tilespmem:v6+s30+$0x0], $0xffff;
	v9 =	vpop (erf)  }
0x2cc: {  	v46 =	vld [tilespmem:s9+$0xFFFFFFF0];
	v8 =	vor.u32 s22, v0;
	[tilespmem:s7+$0xFFFFFFF0] =	vst v9  }
0x2cd: {  	v51 =	vld [tilespmem:s10+$0x0];
	v11 =	vpop (erf);
	[tilespmem:s18+$0xFFFFFFF0] =	vst v9  }
0x2ce: {  	s31 =	simm.s32 $0x0;
	v52 =	vld [tilespmem:s9+$0x40];
	[tilespmem:s7+$0x40] =	vst v11  }
0x2cf: {  	v48 =	vld [tilespmem:s7+$0xFFFFFFB0];
	[tilespmem:s18+$0x0] =	vst v11;
	v11 =	vor.u32 s31, v0  }
0x2d0: {  	v5 =	vmul.f32 v5, v6;
	v6 =	vld.idx.msk [tilespmem:v13+s30+$0x0], $0xffff;
	v9 =	vpop (erf)  }
0x2d1: {  	v10 =	vadd.f32 v12, v10;
	v8 =	vld.idx.msk [tilespmem:v8+s30+$0x0], $0xffff;
	[tilespmem:s7+$0xFFFFFFA0] =	vst v9  }
0x2d2: {  	v47 =	vor.u32 s16, v1;
	v49 =	vld [tilespmem:s7+$0x0];
	[tilespmem:s18+$0xFFFFFFE0] =	vst v9  }
0x2d3: {  	v12 =	vmul.f32 $2.000000030e-01, v10;
	v13 =	vor.u32 s26, v1;
	v9 =	vld [tilespmem:s7+$0xFFFFFF60]  }
0x2d4: {  	[tilespmem:s7+$0x50] =	vst v5;
	v5 =	vld.idx.msk [tilespmem:v11+s30+$0x0], $0xffff  }
0x2d5: {  	v53 =	vor.u32 s22, v1;
	v10 =	vmax.f32 v10, v12;
	v4 =	vld [tilespmem:s7+$0x60];
	v6 =	vmul.f32 v48, v6  }
0x2d6: {  	v10 =	vmul.f32 $1.442695020e+00, v10;
	v50 =	vld [tilespmem:s7+$0xFFFFFFC0]  }
0x2d7: {  	v12 =	vor.u32 s31, v1;
	v11 =	vld.idx.msk [tilespmem:v47+s30+$0x0], $0xffff;
	[tilespmem:s7+$0xFFFFFFB0] =	vst v6;
	v8 =	vmul.f32 v49, v8  }
0x2d8: {  	(erf) = vpow2.f32 v10;
	v6 =	vld.idx.msk [tilespmem:v13+s30+$0x0], $0xffff  }
0x2d9: {  	v13 =	vld [tilespmem:s7+$0x10];
	[tilespmem:s7+$0x0] =	vst v8;
	v5 =	vmul.f32 v9, v5  }
0x2da: {  	v8 =	vld.idx.msk [tilespmem:v53+s30+$0x0], $0xffff  }
0x2db: {  	v10 =	vor.u32 s16, v2;
	[tilespmem:s7+$0xFFFFFF60] =	vst v5;
	v5 =	vld [tilespmem:s7+$0xFFFFFF70]  }
0x2dc: {  	v4 =	vmul.f32 v4, v11;
	v11 =	vld.idx.msk [tilespmem:v12+s30+$0x0], $0xffff  }
0x2dd: {  	v9 =	vld [tilespmem:s10+$0xFFFFFFF0]  }
0x2de: {  	v7 =	vld [tilespmem:s9+$0xFFFFFFA0];
	v12 =	vor.u32 s26, v2  }
0x2df: {  	v54 =	vor.u32 s31, v2;
	v14 =	vld [tilespmem:s7+$0x70];
	[tilespmem:s7+$0x60] =	vst v4;
	v6 =	vmul.f32 v50, v6  }
0x2e0: {  	v10 =	vld.idx.msk [tilespmem:v10+s30+$0x0], $0xffff  }
0x2e1: {  	[tilespmem:s7+$0xFFFFFFC0] =	vst v6;
	v6 =	vld [tilespmem:s7+$0xFFFFFFD0];
	v5 =	vmul.f32 v5, v11;
	v11 =	vpop (erf)  }
0x2e2: {  	v8 =	vmul.f32 v13, v8;
	v13 =	vld [tilespmem:s7+$0xFFFFFF80];
	v9 =	vadd.f32 v9, v46;
	[tilespmem:s9+$0x90] =	vst v11  }
0x2e3: {  	v55 =	vor.u32 s22, v2;
	s0 =	simm.s32 $0xE480;
	v12 =	vld.idx.msk [tilespmem:v12+s30+$0x0], $0xffff;
	[tilespmem:s7+$0xFFFFFF70] =	vst v5;
	v5 =	vadd.f32 v51, v52  }
0x2e4: {  	v57 =	vor.u32 s16, v3;
	[tilespmem:s0+$0x10] =	vst v11;
	v11 =	vmul.f32 $2.000000030e-01, v9;
	v58 =	vld.idx.msk [tilespmem:v54+s30+$0x0], $0xffff  }
0x2e5: {  	v15 =	vld [tilespmem:s7+$0x80];
	v7 =	vadd.f32 v45, v7;
	[tilespmem:s7+$0x10] =	vst v8;
	v8 =	vmul.f32 v14, v10;
	v14 =	vmul.f32 $2.000000030e-01, v5  }
0x2e6: {  	v56 =	vld [tilespmem:s7+$0x20];
	v9 =	vmax.f32 v9, v11  }
0x2e7: {  	v4 =	vld [tilespmem:s7+$0xFFFFFF90];
	[tilespmem:s7+$0x70] =	vst v8;
	v11 =	vmul.f32 $1.442695020e+00, v9;
	v8 =	vmax.f32 v5, v14;
	v14 =	vmul.f32 $2.000000030e-01, v7  }
0x2e8: {  	v60 =	vor.u32 s26, v3;
	v59 =	vld.idx.msk [tilespmem:v55+s30+$0x0], $0xffff;
	v6 =	vmul.f32 v6, v12;
	v12 =	vmul.f32 $1.442695020e+00, v8  }
0x2e9: {  	v10 =	vld [tilespmem:s9+$0x50];
	(erf) = vpow2.f32 v11;
	v7 =	vmax.f32 v7, v14;
	v13 =	vmul.f32 v13, v58  }
0x2ea: {  	v61 =	vld.idx.msk [tilespmem:v57+s30+$0x0], $0xffff;
	v63 =	vmul.f32 $1.442695020e+00, v7;
	(erf) = vpow2.f32 v12  }
0x2eb: {  	v62 =	vor.u32 s31, v3;
	v9 =	vld [tilespmem:s9+$0x80]  }
0x2ec: {  	s4 =	simm.s32 $0x70;
	v5 =	vld [tilespmem:s7+$0x30];
	[tilespmem:s7+$0xFFFFFF80] =	vst v13;
	v13 =	vor.u32 s22, v3;
	(erf) = vpow2.f32 v63  }
0x2ed: {  	v8 =	vld [tilespmem:s7+$0xFFFFFFE0];
	[tilespmem:s7+$0xFFFFFFD0] =	vst v6;
	v14 =	vor.u32 s4, v0  }
0x2ee: {  	v6 =	vmul.f32 v56, v59;
	v11 =	vld.idx.msk [tilespmem:v60+s30+$0x0], $0xffff  }
0x2ef: {  	s11 =	simm.s32 $0xB400;
	v7 =	vld [tilespmem:s9+$0x60]  }
0x2f0: {  	s12 =	simm.s32 $0x40;
	s13 =	simm.s32 $0x40;
	s16 =	simm.s32 $0x4;
	[tilespmem:s7+$0x20] =	vst v6;
	v6 =	vmul.f32 v15, v61;
	v12 =	vld.idx.msk [tilespmem:v62+s30+$0x0], $0xffff  }
.LBB2_11:
0x2f1: {  	s16 =	sadd.s32 $0x4, s16;
	v13 =	vld.idx.msk [tilespmem:v13+s30+$0x0], $0xffff  }
0x2f2: {  	s18 =	sadd.s32 $0x20, s13;
	s9 =	sadd.s32 $0x140, s9;
	p0 =	slt.u32 s16, $0x4C;
	v14 =	vld.idx.msk [tilespmem:v14+s30+$0x0], $0xffff;
	v15 =	vpop (erf);
	[tilespmem:s7+$0x80] =	vst v6;
	v6 =	vmov v9  }
0x2f3: {  	v16 =	vor.u32 s18, v0;
	v9 =	vld [tilespmem:s9+$0xFFFFFFA0];
	[tilespmem:s11+$0xFFFFFFF0] =	vst v15;
	v17 =	vpop (erf)  }
0x2f4: {  	s10 =	sadd.s32 $0x40, s10;
	v8 =	vmul.f32 v8, v11;
	v18 =	vld [tilespmem:s9+$0x90];
	[tilespmem:s11+$0x40] =	vst v17  }
0x2f5: {  	s22 =	sadd.s32 $0x10, s13;
	v11 =	vld [tilespmem:s10+$0x10];
	[tilespmem:s0+$0xFFFFFFF0] =	vst v15;
	v15 =	vpop (erf)  }
0x2f6: {  	v19 =	vor.u32 s22, v0;
	v4 =	vmul.f32 v4, v12;
	[tilespmem:s11+$0xFFFFFFA0] =	vst v15;
	v20 =	vld [tilespmem:s11+$0x70]  }
0x2f7: {  	v21 =	vor.u32 s13, v0;
	v5 =	vmul.f32 v5, v13;
	v12 =	vld [tilespmem:s10+$0xFFFFFFE0];
	[tilespmem:s0+$0x0] =	vst v17  }
0x2f8: {  	v10 =	vmul.f32 v10, v14;
	v13 =	vld.idx.msk [tilespmem:v16+s30+$0x0], $0xffff;
	[tilespmem:s7+$0xFFFFFFE0] =	vst v8  }
0x2f9: {  	v14 =	vor.u32 s4, v1;
	v8 =	vld [tilespmem:s9+$0xFFFFFFF0];
	[tilespmem:s7+$0x30] =	vst v5  }
0x2fa: {  	v5 =	vadd.f32 v11, v18;
	v11 =	vld [tilespmem:s11+$0xFFFFFFB0];
	[tilespmem:s7+$0xFFFFFF90] =	vst v4;
	s7 =	smov.u32 s11;
	s11 =	smov.u32 s9  }
0x2fb: {  	[tilespmem:s0+$0xFFFFFFE0] =	vst v15;
	v4 =	vld.idx.msk [tilespmem:v19+s30+$0x0], $0xffff  }
0x2fc: {  	v15 =	vmul.f32 $2.000000030e-01, v5;
	v16 =	vld [tilespmem:s7+$0xFFFFFF60];
	[tilespmem:s7+$0x50] =	vst v10  }
0x2fd: {  	v10 =	vld.idx.msk [tilespmem:v21+s30+$0x0], $0xffff  }
0x2fe: {  	v5 =	vmax.f32 v5, v15;
	v14 =	vld.idx.msk [tilespmem:v14+s30+$0x0], $0xffff  }
0x2ff: {  	v15 =	vor.u32 s22, v1;
	v5 =	vmul.f32 $1.442695020e+00, v5;
	v17 =	vld [tilespmem:s7+$0x0]  }
0x300: {  	v18 =	vor.u32 s13, v1;
	v19 =	vld [tilespmem:s7+$0xFFFFFFC0]  }
0x301: {  	v4 =	vmul.f32 v11, v4;
	v21 =	vld [tilespmem:s10+$0x0];
	(erf) = vpow2.f32 v5  }
0x302: {  	v11 =	vor.u32 s18, v1;
	v5 =	vld [tilespmem:s9+$0x40]  }
0x303: {  	v10 =	vmul.f32 v16, v10;
	v22 =	vld [tilespmem:s10+$0xFFFFFFF0];
	[tilespmem:s7+$0xFFFFFFB0] =	vst v4  }
0x304: {  	v7 =	vmul.f32 v7, v14;
	v15 =	vld.idx.msk [tilespmem:v15+s30+$0x0], $0xffff;
	v4 =	vmul.f32 v17, v13;
	v13 =	vor.u32 s4, v2  }
0x305: {  	[tilespmem:s7+$0xFFFFFF60] =	vst v10;
	v10 =	vld [tilespmem:s7+$0xFFFFFF70]  }
0x306: {  	s13 =	sadd.s32 $0x40, s13;
	v14 =	vld.idx.msk [tilespmem:v18+s30+$0x0], $0xffff;
	[tilespmem:s7+$0x0] =	vst v4  }
0x307: {  	v11 =	vld.idx.msk [tilespmem:v11+s30+$0x0], $0xffff;
	[tilespmem:s7+$0x60] =	vst v7  }
0x308: {  	v5 =	vadd.f32 v21, v5;
	v7 =	vor.u32 s22, v2;
	v16 =	vld [tilespmem:s7+$0x10]  }
0x309: {  	v17 =	vor.u32 s12, v2;
	v13 =	vld.idx.msk [tilespmem:v13+s30+$0x0], $0xffff  }
0x30a: {  	v8 =	vadd.f32 v22, v8;
	v18 =	vmul.f32 $2.000000030e-01, v5;
	v15 =	vmul.f32 v19, v15;
	v21 =	vpop (erf);
	v4 =	vld [tilespmem:s7+$0xFFFFFF90]  }
0x30b: {  	s0 =	sadd.s32 $0x40, s0;
	v9 =	vadd.f32 v12, v9;
	v12 =	vor.u32 s18, v2;
	v22 =	vor.u32 s4, v3;
	s4 =	sadd.s32 $0x30, s13;
	v19 =	vld [tilespmem:s7+$0x20]  }
0x30c: {  	v23 =	vmul.f32 $2.000000030e-01, v8;
	v5 =	vmax.f32 v5, v18;
	v10 =	vmul.f32 v10, v14;
	[tilespmem:s7+$0xFFFFFFC0] =	vst v15;
	v15 =	vld [tilespmem:s7+$0xFFFFFFD0]  }
0x30d: {  	v18 =	vmul.f32 $2.000000030e-01, v9;
	v14 =	vor.u32 s4, v0;
	[tilespmem:s9+$0x90] =	vst v21;
	v7 =	vld.idx.msk [tilespmem:v7+s30+$0x0], $0xffff;
	v11 =	vmul.f32 v16, v11  }
0x30e: {  	v8 =	vmax.f32 v8, v23;
	v5 =	vmul.f32 $1.442695020e+00, v5;
	[tilespmem:s7+$0xFFFFFF70] =	vst v10;
	v16 =	vld [tilespmem:s7+$0xFFFFFF80]  }
0x30f: {  	v9 =	vmax.f32 v9, v18;
	v8 =	vmul.f32 $1.442695020e+00, v8;
	v17 =	vld.idx.msk [tilespmem:v17+s30+$0x0], $0xffff;
	[tilespmem:s7+$0x10] =	vst v11;
	v11 =	vmul.f32 v20, v13  }
0x310: {  	v9 =	vmul.f32 $1.442695020e+00, v9;
	[tilespmem:s0+$0x10] =	vst v21;
	v12 =	vld.idx.msk [tilespmem:v12+s30+$0x0], $0xffff  }
0x311: {  	v18 =	vor.u32 s22, v3;
	v10 =	vld [tilespmem:s9+$0x50];
	(erf) = vpow2.f32 v8;
	[tilespmem:s7+$0x70] =	vst v11  }
0x312: {  	v20 =	vor.u32 s12, v3;
	s12 =	smov.u32 s13;
	(erf) = vpow2.f32 v5;
	v21 =	vld.idx.msk [tilespmem:v22+s30+$0x0], $0xffff  }
0x313: {  	v7 =	vmul.f32 v15, v7;
	v5 =	vld [tilespmem:s7+$0x30]  }
.Ltmp4:
0x314: {  	v13 =	vor.u32 s18, v3;
	(erf) = vpow2.f32 v9;
	v8 =	vld [tilespmem:s7+$0xFFFFFFE0];
	(pc) =	sbr.rel @p0 .LBB2_11-.Ltmp4, $4  }
0x315: {  	v15 =	vmul.f32 v16, v17;
	v9 =	vld [tilespmem:s9+$0x80];
	[tilespmem:s7+$0xFFFFFFD0] =	vst v7  }
0x316: {  	v16 =	vmul.f32 v19, v12;
	v11 =	vld.idx.msk [tilespmem:v18+s30+$0x0], $0xffff  }
0x317: {  	v7 =	vld [tilespmem:s9+$0x60];
	[tilespmem:s7+$0xFFFFFF80] =	vst v15  }
0x318: {  	v6 =	vmul.f32 v6, v21;
	v12 =	vld.idx.msk [tilespmem:v20+s30+$0x0], $0xffff;
	[tilespmem:s7+$0x20] =	vst v16  }
0x319: {  	_ = 	snop  }
0x31a: {  	s10 =	sadd.s32 $0x10, s13;
	v16 =	vpop (erf)  }
0x31b: {  	s9 =	sadd.s32 $0x20, s13;
	v15 =	vor.u32 s10, v0;
	[tilespmem:s11+$0xFFFFFFF0] =	vst v16  }
0x31c: {  	v19 =	vor.u32 s9, v0;
	v17 =	vpop (erf);
	[tilespmem:s0+$0xFFFFFFF0] =	vst v16  }
0x31d: {  	v14 =	vld.idx.msk [tilespmem:v14+s30+$0x0], $0xffff;
	[tilespmem:s11+$0x40] =	vst v17  }
0x31e: {  	v18 =	vor.u32 s13, v0;
	v21 =	vld [tilespmem:s11+$0xFFFFFFB0];
	[tilespmem:s0+$0x0] =	vst v17  }
0x31f: {  	v34 =	vpop (erf);
	v39 =	vld [tilespmem:s11+$0x0]  }
0x320: {  	[tilespmem:s11+$0xFFFFFFA0] =	vst v34;
	v15 =	vld.idx.msk [tilespmem:v15+s30+$0x0], $0xffff  }
0x321: {  	[tilespmem:s0+$0xFFFFFFE0] =	vst v34;
	v37 =	vld.idx.msk [tilespmem:v19+s30+$0x0], $0xffff  }
0x322: {  	v22 =	vld [tilespmem:s11+$0xFFFFFF60]  }
0x323: {  	v35 =	vor.u32 s4, v1;
	v36 =	vld.idx.msk [tilespmem:v18+s30+$0x0], $0xffff  }
0x324: {  	v38 =	vor.u32 s10, v1  }
0x325: {  	v42 =	vor.u32 s9, v1;
	v41 =	vld [tilespmem:s11+$0xFFFFFFC0];
	v10 =	vmul.f32 v10, v14  }
0x326: {  	v40 =	vor.u32 s13, v1;
	v47 =	vld [tilespmem:s11+$0x10];
	v15 =	vmul.f32 v21, v15  }
0x327: {  	[tilespmem:s11+$0x50] =	vst v10;
	v45 =	vld [tilespmem:s11+$0xFFFFFF70];
	v43 =	vmul.f32 v39, v37  }
0x328: {  	v10 =	vld.idx.msk [tilespmem:v35+s30+$0x0], $0xffff;
	v17 =	vmul.f32 v22, v36;
	[tilespmem:s11+$0xFFFFFFB0] =	vst v15  }
0x329: {  	[tilespmem:s11+$0x0] =	vst v43;
	v14 =	vld.idx.msk [tilespmem:v38+s30+$0x0], $0xffff  }
0x32a: {  	[tilespmem:s11+$0xFFFFFF60] =	vst v17;
	v46 =	vld.idx.msk [tilespmem:v42+s30+$0x0], $0xffff  }
0x32b: {  	v44 =	vor.u32 s4, v2;
	v16 =	vld.idx.msk [tilespmem:v40+s30+$0x0], $0xffff  }
0x32c: {  	v20 =	vld [tilespmem:s11+$0x70];
	v48 =	vor.u32 s10, v2  }
0x32d: {  	v50 =	vor.u32 s9, v2;
	v53 =	vld [tilespmem:s11+$0xFFFFFFD0];
	v7 =	vmul.f32 v7, v10  }
0x32e: {  	v51 =	vor.u32 s12, v2;
	v52 =	vld [tilespmem:s11+$0x20];
	v14 =	vmul.f32 v41, v14  }
0x32f: {  	v55 =	vld [tilespmem:s11+$0xFFFFFF80];
	[tilespmem:s11+$0x60] =	vst v7;
	v10 =	vmul.f32 v47, v46  }
0x330: {  	v17 =	vld.idx.msk [tilespmem:v44+s30+$0x0], $0xffff;
	v16 =	vmul.f32 v45, v16;
	[tilespmem:s11+$0xFFFFFFC0] =	vst v14  }
0x331: {  	[tilespmem:s11+$0x10] =	vst v10;
	v7 =	vld.idx.msk [tilespmem:v48+s30+$0x0], $0xffff  }
0x332: {  	[tilespmem:s11+$0xFFFFFF70] =	vst v16;
	v21 =	vld.idx.msk [tilespmem:v50+s30+$0x0], $0xffff  }
0x333: {  	v54 =	vor.u32 s4, v3;
	v18 =	vld.idx.msk [tilespmem:v51+s30+$0x0], $0xffff  }
0x334: {  	v13 =	vld.idx.msk [tilespmem:v13+s30+$0x0], $0xffff;
	v56 =	vor.u32 s10, v3  }
0x335: {  	v57 =	vor.u32 s9, v3;
	v59 =	vld [tilespmem:s11+$0xFFFFFFE0];
	v17 =	vmul.f32 v20, v17  }
0x336: {  	v58 =	vor.u32 s12, v3;
	v60 =	vld [tilespmem:s11+$0x30];
	v7 =	vmul.f32 v53, v7  }
0x337: {  	v49 =	vld [tilespmem:s11+$0xFFFFFF90];
	[tilespmem:s11+$0x70] =	vst v17;
	v14 =	vmul.f32 v52, v21  }
0x338: {  	v16 =	vld.idx.msk [tilespmem:v54+s30+$0x0], $0xffff;
	v10 =	vmul.f32 v55, v18;
	[tilespmem:s11+$0xFFFFFFD0] =	vst v7  }
0x339: {  	[tilespmem:s11+$0x20] =	vst v14;
	v61 =	vld.idx.msk [tilespmem:v56+s30+$0x0], $0xffff  }
0x33a: {  	v8 =	vmul.f32 v8, v11;
	[tilespmem:s11+$0xFFFFFF80] =	vst v10;
	v62 =	vld.idx.msk [tilespmem:v57+s30+$0x0], $0xffff  }
0x33b: {  	[tilespmem:s7+$0x80] =	vst v6;
	v5 =	vmul.f32 v5, v13;
	v63 =	vld.idx.msk [tilespmem:v58+s30+$0x0], $0xffff  }
0x33c: {  	v4 =	vmul.f32 v4, v12;
	[tilespmem:s7+$0xFFFFFFE0] =	vst v8  }
0x33d: {  	s6 =	sadd.s32 $0x1, s6;
	[tilespmem:s7+$0x30] =	vst v5;
	v5 =	vmul.f32 v9, v16  }
0x33e: {  	s31 =	smul.u32 $0x140, s8;
	p0 =	sne.s32 s6, $0x19;
	[tilespmem:s7+$0xFFFFFF90] =	vst v4;
	v4 =	vmul.f32 v59, v61  }
.Ltmp5:
0x33f: {  	[tilespmem:s11+$0x80] =	vst v5;
	v5 =	vmul.f32 v60, v62;
	(pc) =	sbr.rel @p0 .LBB2_2-.Ltmp5, $4  }
0x340: {  	v6 =	vmul.f32 v49, v63;
	[tilespmem:s11+$0xFFFFFFE0] =	vst v4  }
0x341: {  	s0 =	sshra.s32 s31, $0x2;
	[tilespmem:s11+$0x30] =	vst v5  }
0x342: {  	s26 =	simm.s32 $0xB220;
	s0 =	sadd.s32 $0x2710, s0;
	[tilespmem:s11+$0xFFFFFF90] =	vst v6  }
0x343: {  	[spmem:s3] =	stream.indirect.scatter.add.f32 [tilespmem:s26], [sflag:$0xF], $0x50, s0, s15, $0xb8;
	[tilespmem:$0x1B120] =	vst v63  }
0x344: {  	s0 =	simm.s32 $0xB  }
0x345: {  	_ =	swait.ge [sflag:s0], $0x1900  }
0x346: {  	[sflag:s0] =	ssyncset.done $0x0  }
0x347: {  	s12 =	simm.s32 $0xC;
	[sflag:s0] =	ssyncadd.s32 $0xFFFFE700  }
0x348: {  	_ =	swait.ge [sflag:s12], $0x1900  }
0x349: {  	[sflag:s12] =	ssyncset.done $0x0  }
0x34a: {  	s13 =	simm.s32 $0xD;
	[sflag:s12] =	ssyncadd.s32 $0xFFFFE700  }
0x34b: {  	_ =	swait.ge [sflag:s13], $0x1900  }
0x34c: {  	[sflag:s13] =	ssyncset.done $0x0  }
0x34d: {  	s16 =	simm.s32 $0xE;
	[sflag:s13] =	ssyncadd.s32 $0xFFFFE700  }
0x34e: {  	_ =	swait.ge [sflag:s16], $0x1900  }
0x34f: {  	[sflag:s16] =	ssyncset.done $0x0  }
0x350: {  	s18 =	simm.s32 $0xF;
	[sflag:s16] =	ssyncadd.s32 $0xFFFFE700  }
0x351: {  	_ =	swait.ge [sflag:s18], $0x1900  }
0x352: {  	[sflag:s18] =	ssyncset.done $0x0  }
0x353: {  	[sflag:s18] =	ssyncadd.s32 $0xFFFFE700  }
0x354: {  	[bflag:$0x0] =	sbarrier.arrive $0xFFFF  }
0x355: {  	s7 =	rddreg [dreg:$0x5]  }
0x356: {  	s22 =	rddreg [dreg:$0x8]  }
0x357: {  	s6 =	simm.s32 $0x10;
	s4 =	rddreg [dreg:$0xa]  }
0x358: {  	[hbm:s22], [sflag:s7] =	dma.local [spmem:s4], $0x1900  }
0x359: {  	_ =	swait.ge [sflag:s6], $0x1900  }
0x35a: {  	s8 =	rddreg [dreg:$0xb]  }
0x35b: {  	s31 =	rddreg [dreg:$0x9];
	s8 =	sadd.s32 $0x1, s8  }
0x35c: {  	p0 =	sne.s32 s8, s31  }
.Ltmp6:
0x35d: {  	_ = 	snop;
	(pc) =	sbr.rel @p0 .LBB2_1-.Ltmp6, $3  }
0x35e: {  	_ =	sdelay $0x1  }
0x35f: {  	[sflag:s6] =	ssyncset.done $0x0  }
0x360: {  	[sflag:s6] =	ssyncadd.s32 $0xFFFFE700  }
0x361: {  	_ =	sfence.sel $0x180000  }
0x362: {  	[bflag:$0x0] =	sbarrier.arrive $0xFFFF  }
0x363: {  	_ =	strace $0x90000047  }
0x364: {  	s0 =	stileid.u32;
	[bflag:$0x2] =	sbarrier.arrive $0xFFFF  }
0x365: {  	p0 =	sne.s32 s0, $0x0;
	s0 =	rddreg [dreg:$0x3]  }
0x366: {  	s0 =	sadd.s32 @!p0 $0x100000, s0  }
0x367: {  	[sflag:s0] =	ssyncadd.tile.s32 @!p0 $0x1;
	_ =	shalt  }
.Lfunc_end2:
_tile_overlayer_lowered:
.L_overlay_start_2:
0x368: {  	(tag) =	ssettag $0x2  }
0x369: {  	s0 =	rddreg [dreg:$0x0];
	s2 =	stileid.u32  }
0x36a: {  	s1 =	rddreg [dreg:$0x1];
	p0 =	sne.s32 s2, $0x0  }
0x36b: {  	s3 =	rddreg [dreg:$0x2];
	[bflag:$0x3] =	sbarrier.arrive $0xFFFF;
	s2 =	simm.s32 @!p0 $0x1C10  }
0x36c: {  	[timem:s3], [sflag:s2] =	dma.local @!p0 [hbm:s0], s1  }
0x36d: {  	s0 =	simm.s32 @!p0 $0x10  }
0x36e: {  	_ =	swait.ge @!p0 [sflag:s0], s1  }
0x36f: {  	s1 =	ssub.s32 @!p0 $0x0, s1;
	[sflag:s0] =	ssyncset.done @!p0 $0x0  }
0x370: {  	[sflag:s0] =	ssyncadd.s32 @!p0 s1  }
0x371: {  	[bflag:$0x3] =	sbarrier.arrive $0xFFFF  }
0x372: {  	_ =	shalt  }

</sc_bundles>
